<compile_context>
chip_gen: v7x
topology: tpu7x:2x2x1
jax: 0.10.2.dev20260603
libtpu: 0.0.44.dev20260713+nightly
codegen_flags: <defaults>
</compile_context>

<pallas_src>
import functools

import jax
import jax.numpy as jnp
from jax import lax
from jax.experimental import pallas as pl
from jax.experimental.pallas import tpu as pltpu
from jax.experimental.pallas import tpu_sc as plsc

_MIN_VAL = 0
_MAX_VAL = 999999
_D = 64
_B = 16384
_L = 16

_TR_TOTAL = (_MAX_VAL + 128) // 128
_TR_PER_W = 248
_KC = 4
_N_CHUNKS = _TR_PER_W // _KC
_TR_CLAMP = _TR_TOTAL - _KC
_WL_CAP = 1024
_STAGE = 128
_MQ_REAL = 64
_MQ_CAP = _MQ_REAL + _L
_OUT_ROWS = _B + _STAGE


def _build_gather():
    info = plsc.get_sparse_core_info()
    NC, NS = info.num_cores, info.num_subcores
    NW = NC * NS
    mesh = plsc.VectorSubcoreMesh(core_axis_name="c", subcore_axis_name="s")

    @functools.partial(
        pl.kernel,
        mesh=mesh,
        out_type=jax.ShapeDtypeStruct((_OUT_ROWS, 128), jnp.float32),
        scratch_types=[
            pltpu.VMEM((_B,), jnp.int32),
            pltpu.VMEM((_WL_CAP,), jnp.int32),
            pltpu.VMEM((_WL_CAP,), jnp.int32),
            pltpu.VMEM((_D, 128 * _KC), jnp.float32),
            pltpu.VMEM((_D, 128 * _KC), jnp.float32),
            pltpu.VMEM((_STAGE, 128), jnp.float32),
            pltpu.VMEM((_STAGE,), jnp.int32),
            pltpu.VMEM((_MQ_CAP,), jnp.int32),
            pltpu.VMEM((_MQ_CAP,), jnp.int32),
            pltpu.VMEM((_TR_PER_W + _L,), jnp.int32),
            pltpu.SemaphoreType.DMA,
            pltpu.SemaphoreType.DMA,
        ],
        compiler_params=pltpu.CompilerParams(needs_layout_passes=False),
    )
    def gather_kernel(
        tab_hbm, idx_hbm, out_hbm,
        ids_v, wl_r, wl_p, cb0, cb1, st_rows, st_pos, mq_r, mq_p, hits,
        sem_in, sem_out,
    ):
        wid = lax.axis_index("s") * NC + lax.axis_index("c")
        lo_tr = wid * _TR_PER_W
        lanes = lax.iota(jnp.int32, _L)
        dump0 = _B + 4 * wid

        def fire_full(k, cb):
            tr0 = jnp.minimum(lo_tr + k * _KC, _TR_CLAMP)
            off = pl.multiple_of(tr0 * 128, 128)
            pltpu.async_copy(tab_hbm.at[:, pl.ds(off, 128 * _KC)], cb, sem_in)

        def drain_full():
            pltpu.make_async_copy(
                tab_hbm.at[:, pl.ds(0, 128 * _KC)], cb0, sem_in
            ).wait()

        def hit_lanes(k):
            tr0 = jnp.minimum(lo_tr + k * _KC, _TR_CLAMP)
            local0 = tr0 - lo_tr
            hv = plsc.load_gather(
                hits, [jnp.broadcast_to(local0, (_L,)) + lanes]
            )
            return tr0, hv

        def fire(k, cb):
            tr0, hv = hit_lanes(k)
            for t in range(_KC):
                @pl.when(hv[t] != 0)
                def _():
                    off = pl.multiple_of((tr0 + t) * 128, 128)
                    pltpu.async_copy(
                        tab_hbm.at[:, pl.ds(off, 128)],
                        cb.at[:, pl.ds(128 * t, 128)],
                        sem_in,
                    )

        def drain_in(k):
            _, hv = hit_lanes(k)
            for t in range(_KC):
                @pl.when(hv[t] != 0)
                def _():
                    pltpu.make_async_copy(
                        tab_hbm.at[:, pl.ds(0, 128)],
                        cb0.at[:, pl.ds(0, 128)],
                        sem_in,
                    ).wait()

        fire_full(0, cb0)
        fire_full(1, cb1)

        pltpu.sync_copy(idx_hbm, ids_v)

        def bcast(x):
            return jnp.broadcast_to(jnp.int32(x), (_L,))

        for off in list(range(0, _TR_PER_W, _L)) + [_TR_PER_W]:
            hits[pl.ds(off, _L)] = jnp.broadcast_to(jnp.int32(0), (_L,))

        def scan_ids(t, count):
            v = jnp.clip(
                ids_v[pl.ds(t * _L, _L)], bcast(_MIN_VAL), bcast(_MAX_VAL)
            )
            tr = lax.shift_right_logical(v, bcast(7))
            m = (tr >= bcast(lo_tr)) & (tr < bcast(lo_tr + _TR_PER_W))
            mi = jnp.where(m, bcast(1), bcast(0))
            rank = plsc.cumsum(mi) - bcast(1)
            tgt = jnp.where(m, bcast(count) + rank, bcast(_WL_CAP - _L) + lanes)
            plsc.store_scatter(wl_r, [tgt], jnp.where(m, v, bcast(-1)))
            plsc.store_scatter(wl_p, [tgt], bcast(t * _L) + lanes)
            tgt_h = jnp.where(m, tr - bcast(lo_tr), bcast(_TR_PER_W) + lanes)
            plsc.store_scatter(hits, [tgt_h], bcast(1))
            npop = plsc.all_reduce_population_count(m)
            return count + npop[0]

        n_wl = lax.fori_loop(0, _B // _L, scan_ids, jnp.int32(0))
        pad_tgt = jnp.broadcast_to(jnp.int32(n_wl), (_L,)) + lanes
        plsc.store_scatter(wl_r, [pad_tgt], jnp.broadcast_to(jnp.int32(-1), (_L,)))
        plsc.store_scatter(wl_p, [pad_tgt], jnp.broadcast_to(jnp.int32(dump0), (_L,)))
        n_wl_vec = (n_wl + _L - 1) // _L

        def reset_pos():
            dump = jnp.broadcast_to(jnp.int32(dump0), (_L,)) + (
                lanes & jnp.broadcast_to(jnp.int32(3), (_L,))
            )
            for a in range(_STAGE // _L):
                st_pos[pl.ds(a * _L, _L)] = dump

        reset_pos()

        def flush():
            pltpu.async_copy(st_rows, out_hbm.at[st_pos], sem_out).wait()
            reset_pos()

        def process_chunk(k, cb, fill):
            tr0 = jnp.minimum(lo_tr + k * _KC, _TR_CLAMP)

            def scan_wl(t, nq):
                rv = wl_r[pl.ds(t * _L, _L)]
                pv = wl_p[pl.ds(t * _L, _L)]
                trv = lax.shift_right_logical(rv, bcast(7))
                m = (trv >= bcast(tr0)) & (trv < bcast(tr0 + _KC))
                mi = jnp.where(m, bcast(1), bcast(0))
                rank = plsc.cumsum(mi) - bcast(1)
                tgt = jnp.where(
                    m, bcast(nq) + rank, bcast(_MQ_REAL) + lanes
                )
                tgt = jnp.minimum(tgt, bcast(_MQ_CAP - 1))
                plsc.store_scatter(mq_r, [tgt], rv)
                plsc.store_scatter(mq_p, [tgt], pv)
                return nq + plsc.all_reduce_population_count(m)[0]

            nq = lax.fori_loop(0, n_wl_vec, scan_wl, jnp.int32(0))
            nq = jnp.minimum(nq, _MQ_REAL)

            def ext(i, fill):
                iv = jnp.broadcast_to(i, (_L,))
                r = plsc.load_gather(mq_r, [iv])[0]
                pos = plsc.load_gather(mq_p, [iv])[0]
                r_local = r - tr0 * 128
                cols = jnp.broadcast_to(fill, (_L,))
                for a in range(_D // _L):
                    cidx = jnp.broadcast_to(jnp.int32(a * _L), (_L,)) + lanes
                    piece = plsc.load_gather(
                        cb, [cidx, jnp.broadcast_to(r_local, (_L,))]
                    )
                    plsc.store_scatter(st_rows, [cols, cidx], piece)
                plsc.store_scatter(st_pos, [cols], jnp.broadcast_to(pos, (_L,)))
                return fill + 1

            fill = lax.fori_loop(0, nq, ext, fill)

            @pl.when(fill >= _STAGE - _MQ_REAL)
            def _():
                flush()

            return jnp.where(fill >= _STAGE - _MQ_REAL, jnp.int32(0), fill)

        drain_full()
        s = process_chunk(0, cb0, jnp.int32(0))
        fire(2, cb0)
        drain_full()
        s = process_chunk(1, cb1, s)
        fire(3, cb1)

        def body(h, s):
            k = 2 * h + 2
            drain_in(k)
            s = process_chunk(k, cb0, s)
            fire(k + 2, cb0)
            drain_in(k + 1)
            s = process_chunk(k + 1, cb1, s)
            fire(k + 3, cb1)
            return s

        s = lax.fori_loop(0, (_N_CHUNKS - 4) // 2, body, s)
        drain_in(_N_CHUNKS - 2)
        s = process_chunk(_N_CHUNKS - 2, cb0, s)
        drain_in(_N_CHUNKS - 1)
        s = process_chunk(_N_CHUNKS - 1, cb1, s)

        flush()

    return gather_kernel


def kernel(ints, table):
    tab_t = jnp.swapaxes(table, 0, 1)
    raw = _build_gather()(tab_t, ints.astype(jnp.int32))
    out = raw[:_B, :_D][:, None, :]
    mask = jnp.ones((_B, 1), dtype=jnp.float32)
    return (out, mask)

# --- scband reference (transcript-rebuilt; emitter-appended) ---
"""Pipeline reference for scband-int-conditioner-36704790511924 (READ-ONLY COPY).

The authoritative reference and input builder live on the scoring server;
editing this copy changes nothing except your own understanding.
"""

import jax, jax.numpy as jnp
import numpy as np

MIN_VAL = 0
MAX_VAL = 999999
OUTPUT_DIM = 64
BATCH = 16384
VOCAB = MAX_VAL - MIN_VAL + 1


def setup_inputs(seed: int = 0) -> dict:
    key = jax.random.key(seed)
    k1, k2 = jax.random.split(key)
    ints = jax.random.randint(k1, (BATCH,), 0, VOCAB, dtype=jnp.int64) if jax.config.jax_enable_x64 else jax.random.randint(k1, (BATCH,), 0, VOCAB, dtype=jnp.int32)
    table = jax.random.normal(k2, (VOCAB, OUTPUT_DIM), dtype=jnp.float32)
    return {"ints": ints, "table": table}


def reference(ints, table):
    # IntConditioner.forward: clamp -> embedding lookup -> unsqueeze(1); also returns ones mask
    ints_c = jnp.clip(ints, MIN_VAL, MAX_VAL)
    int_embeds = jnp.take(table, ints_c, axis=0)[:, None, :]  # [B, 1, D]
    mask = jnp.ones((int_embeds.shape[0], 1), dtype=jnp.float32)
    return (int_embeds, mask)

if __name__ == "__main__":
    import jax
    _d = setup_inputs()
    print(jax.jit(kernel)(*tuple(_d.values())))

</pallas_src>

<mosaic_0001>
#map = affine_map<(d0, d1) -> (0, 0)>
#map1 = affine_map<(d0, d1) -> (0)>
module attributes {stable_mosaic.version = 14 : i64} {
  func.func @gather_kernel(%arg0: i32, %arg1: i32, %arg2: memref<64x1000000xf32, #tpu.memory_space<hbm>>, %arg3: memref<16384xi32, #tpu.memory_space<hbm>>, %arg4: memref<16512x128xf32, #tpu.memory_space<hbm>>, %arg5: memref<16384xi32, #tpu.memory_space<vmem>>, %arg6: memref<1024xi32, #tpu.memory_space<vmem>>, %arg7: memref<1024xi32, #tpu.memory_space<vmem>>, %arg8: memref<64x512xf32, #tpu.memory_space<vmem>>, %arg9: memref<64x512xf32, #tpu.memory_space<vmem>>, %arg10: memref<128x128xf32, #tpu.memory_space<vmem>>, %arg11: memref<128xi32, #tpu.memory_space<vmem>>, %arg12: memref<80xi32, #tpu.memory_space<vmem>>, %arg13: memref<80xi32, #tpu.memory_space<vmem>>, %arg14: memref<264xi32, #tpu.memory_space<vmem>>, %arg15: memref<!tpu.dma_semaphore, #tpu.memory_space<semaphore_mem>>, %arg16: memref<!tpu.dma_semaphore, #tpu.memory_space<semaphore_mem>>) attributes {dimension_semantics = [#tpu.dimension_semantics<core_parallel>, #tpu.dimension_semantics<subcore_parallel>], iteration_bounds = array<i64: 2, 16>, scalar_prefetch = 0 : i64, scratch_operands = 12 : i64, tpu.core_type = #tpu.core_type<sc_vector_subcore>, window_params = [{transform_indices = #map}, {transform_indices = #map1}, {transform_indices = #map}]} {
    %mul3A = arith.constant 2 : i32
    %mul3A_0 = arith.muli %arg1, %mul3A : i32
    %add3A = arith.addi %mul3A_0, %arg0 : i32
    %mul3A_1 = arith.constant 248 : i32
    %mul3A_2 = arith.muli %add3A, %mul3A_1 : i32
    %iota3A = tpu.iota {dimensions = array<i32: 0>} : vector<16xi32>
    %mul3A_3 = arith.constant 4 : i32
    %mul3A_4 = arith.muli %mul3A_3, %add3A : i32
    %add3A_5 = arith.constant 16384 : i32
    %add3A_6 = arith.addi %add3A_5, %mul3A_4 : i32
    %add3A_7 = arith.constant 0 : i32
    %add3A_8 = arith.addi %mul3A_2, %add3A_7 : i32
    %min3A = arith.constant 7809 : i32
    %min3A_9 = arith.minsi %add3A_8, %min3A : i32
    %mul3A_10 = arith.constant 128 : i32
    %mul3A_11 = arith.muli %min3A_9, %mul3A_10 : i32
    %multiple_of3A = tpu.assume_multiple %mul3A_11, 128 : i32
    %dma_start3A = arith.constant 0 : i32
    %dma_start3A_12 = tpu.memref_slice %arg2[%dma_start3A, %multiple_of3A] : memref<64x1000000xf32, #tpu.memory_space<hbm>> -> memref<64x512xf32, #tpu.memory_space<hbm>>
    %dma_start3A_13 = arith.constant 0 : i32
    %dma_start3A_14 = tpu.memref_slice %arg2[%dma_start3A_13, %multiple_of3A] : memref<64x1000000xf32, #tpu.memory_space<hbm>> -> memref<64x512xf32, #tpu.memory_space<hbm>>
    tpu.enqueue_dma source(%dma_start3A_14 : memref<64x512xf32, #tpu.memory_space<hbm>>) target(%arg8 : memref<64x512xf32, #tpu.memory_space<vmem>>) target_semaphore(%arg15 : memref<!tpu.dma_semaphore, #tpu.memory_space<semaphore_mem>>)
    %add3A_15 = arith.constant 4 : i32
    %add3A_16 = arith.addi %mul3A_2, %add3A_15 : i32
    %min3A_17 = arith.constant 7809 : i32
    %min3A_18 = arith.minsi %add3A_16, %min3A_17 : i32
    %mul3A_19 = arith.constant 128 : i32
    %mul3A_20 = arith.muli %min3A_18, %mul3A_19 : i32
    %multiple_of3A_21 = tpu.assume_multiple %mul3A_20, 128 : i32
    %dma_start3A_22 = arith.constant 0 : i32
    %dma_start3A_23 = tpu.memref_slice %arg2[%dma_start3A_22, %multiple_of3A_21] : memref<64x1000000xf32, #tpu.memory_space<hbm>> -> memref<64x512xf32, #tpu.memory_space<hbm>>
    %dma_start3A_24 = arith.constant 0 : i32
    %dma_start3A_25 = tpu.memref_slice %arg2[%dma_start3A_24, %multiple_of3A_21] : memref<64x1000000xf32, #tpu.memory_space<hbm>> -> memref<64x512xf32, #tpu.memory_space<hbm>>
    tpu.enqueue_dma source(%dma_start3A_25 : memref<64x512xf32, #tpu.memory_space<hbm>>) target(%arg9 : memref<64x512xf32, #tpu.memory_space<vmem>>) target_semaphore(%arg15 : memref<!tpu.dma_semaphore, #tpu.memory_space<semaphore_mem>>)
    "tpu.region"() ({
      %run_scoped3A = tpu.sem_alloc : memref<!tpu.dma_semaphore, #tpu.memory_space<semaphore_mem>>
      tpu.enqueue_dma source(%arg3 : memref<16384xi32, #tpu.memory_space<hbm>>) target(%arg5 : memref<16384xi32, #tpu.memory_space<vmem>>) target_semaphore(%run_scoped3A : memref<!tpu.dma_semaphore, #tpu.memory_space<semaphore_mem>>)
      tpu.wait_dma2 semaphore(%run_scoped3A : memref<!tpu.dma_semaphore, #tpu.memory_space<semaphore_mem>>) src(%arg3 : memref<16384xi32, #tpu.memory_space<hbm>>) dst(%arg5 : memref<16384xi32, #tpu.memory_space<vmem>>)
      tpu.yield
    }) : () -> ()
    %broadcast_in_dim3A = arith.constant 0 : i32
    %broadcast_in_dim3A_26 = vector.broadcast %broadcast_in_dim3A : i32 to vector<16xi32>
    %swap3A = arith.constant 0 : index
    %swap3A_27 = tpu.vector_load %arg14[%swap3A] {strides = array<i32>} : memref<264xi32, #tpu.memory_space<vmem>>, vector<16xi32>,
    tpu.vector_store %arg14[%swap3A], %broadcast_in_dim3A_26 {strides = array<i32>} : memref<264xi32, #tpu.memory_space<vmem>>, vector<16xi32>,
    %broadcast_in_dim3A_28 = arith.constant 0 : i32
    %broadcast_in_dim3A_29 = vector.broadcast %broadcast_in_dim3A_28 : i32 to vector<16xi32>
    %swap3A_30 = arith.constant 16 : index
    %swap3A_31 = tpu.vector_load %arg14[%swap3A_30] {strides = array<i32>} : memref<264xi32, #tpu.memory_space<vmem>>, vector<16xi32>,
    tpu.vector_store %arg14[%swap3A_30], %broadcast_in_dim3A_29 {strides = array<i32>} : memref<264xi32, #tpu.memory_space<vmem>>, vector<16xi32>,
    %broadcast_in_dim3A_32 = arith.constant 0 : i32
    %broadcast_in_dim3A_33 = vector.broadcast %broadcast_in_dim3A_32 : i32 to vector<16xi32>
    %swap3A_34 = arith.constant 32 : index
    %swap3A_35 = tpu.vector_load %arg14[%swap3A_34] {strides = array<i32>} : memref<264xi32, #tpu.memory_space<vmem>>, vector<16xi32>,
    tpu.vector_store %arg14[%swap3A_34], %broadcast_in_dim3A_33 {strides = array<i32>} : memref<264xi32, #tpu.memory_space<vmem>>, vector<16xi32>,
    %broadcast_in_dim3A_36 = arith.constant 0 : i32
    %broadcast_in_dim3A_37 = vector.broadcast %broadcast_in_dim3A_36 : i32 to vector<16xi32>
    %swap3A_38 = arith.constant 48 : index
    %swap3A_39 = tpu.vector_load %arg14[%swap3A_38] {strides = array<i32>} : memref<264xi32, #tpu.memory_space<vmem>>, vector<16xi32>,
    tpu.vector_store %arg14[%swap3A_38], %broadcast_in_dim3A_37 {strides = array<i32>} : memref<264xi32, #tpu.memory_space<vmem>>, vector<16xi32>,
    %broadcast_in_dim3A_40 = arith.constant 0 : i32
    %broadcast_in_dim3A_41 = vector.broadcast %broadcast_in_dim3A_40 : i32 to vector<16xi32>
    %swap3A_42 = arith.constant 64 : index
    %swap3A_43 = tpu.vector_load %arg14[%swap3A_42] {strides = array<i32>} : memref<264xi32, #tpu.memory_space<vmem>>, vector<16xi32>,
    tpu.vector_store %arg14[%swap3A_42], %broadcast_in_dim3A_41 {strides = array<i32>} : memref<264xi32, #tpu.memory_space<vmem>>, vector<16xi32>,
    %broadcast_in_dim3A_44 = arith.constant 0 : i32
    %broadcast_in_dim3A_45 = vector.broadcast %broadcast_in_dim3A_44 : i32 to vector<16xi32>
    %swap3A_46 = arith.constant 80 : index
    %swap3A_47 = tpu.vector_load %arg14[%swap3A_46] {strides = array<i32>} : memref<264xi32, #tpu.memory_space<vmem>>, vector<16xi32>,
    tpu.vector_store %arg14[%swap3A_46], %broadcast_in_dim3A_45 {strides = array<i32>} : memref<264xi32, #tpu.memory_space<vmem>>, vector<16xi32>,
    %broadcast_in_dim3A_48 = arith.constant 0 : i32
    %broadcast_in_dim3A_49 = vector.broadcast %broadcast_in_dim3A_48 : i32 to vector<16xi32>
    %swap3A_50 = arith.constant 96 : index
    %swap3A_51 = tpu.vector_load %arg14[%swap3A_50] {strides = array<i32>} : memref<264xi32, #tpu.memory_space<vmem>>, vector<16xi32>,
    tpu.vector_store %arg14[%swap3A_50], %broadcast_in_dim3A_49 {strides = array<i32>} : memref<264xi32, #tpu.memory_space<vmem>>, vector<16xi32>,
    %broadcast_in_dim3A_52 = arith.constant 0 : i32
    %broadcast_in_dim3A_53 = vector.broadcast %broadcast_in_dim3A_52 : i32 to vector<16xi32>
    %swap3A_54 = arith.constant 112 : index
    %swap3A_55 = tpu.vector_load %arg14[%swap3A_54] {strides = array<i32>} : memref<264xi32, #tpu.memory_space<vmem>>, vector<16xi32>,
    tpu.vector_store %arg14[%swap3A_54], %broadcast_in_dim3A_53 {strides = array<i32>} : memref<264xi32, #tpu.memory_space<vmem>>, vector<16xi32>,
    %broadcast_in_dim3A_56 = arith.constant 0 : i32
    %broadcast_in_dim3A_57 = vector.broadcast %broadcast_in_dim3A_56 : i32 to vector<16xi32>
    %swap3A_58 = arith.constant 128 : index
    %swap3A_59 = tpu.vector_load %arg14[%swap3A_58] {strides = array<i32>} : memref<264xi32, #tpu.memory_space<vmem>>, vector<16xi32>,
    tpu.vector_store %arg14[%swap3A_58], %broadcast_in_dim3A_57 {strides = array<i32>} : memref<264xi32, #tpu.memory_space<vmem>>, vector<16xi32>,
    %broadcast_in_dim3A_60 = arith.constant 0 : i32
    %broadcast_in_dim3A_61 = vector.broadcast %broadcast_in_dim3A_60 : i32 to vector<16xi32>
    %swap3A_62 = arith.constant 144 : index
    %swap3A_63 = tpu.vector_load %arg14[%swap3A_62] {strides = array<i32>} : memref<264xi32, #tpu.memory_space<vmem>>, vector<16xi32>,
    tpu.vector_store %arg14[%swap3A_62], %broadcast_in_dim3A_61 {strides = array<i32>} : memref<264xi32, #tpu.memory_space<vmem>>, vector<16xi32>,
    %broadcast_in_dim3A_64 = arith.constant 0 : i32
    %broadcast_in_dim3A_65 = vector.broadcast %broadcast_in_dim3A_64 : i32 to vector<16xi32>
    %swap3A_66 = arith.constant 160 : index
    %swap3A_67 = tpu.vector_load %arg14[%swap3A_66] {strides = array<i32>} : memref<264xi32, #tpu.memory_space<vmem>>, vector<16xi32>,
    tpu.vector_store %arg14[%swap3A_66], %broadcast_in_dim3A_65 {strides = array<i32>} : memref<264xi32, #tpu.memory_space<vmem>>, vector<16xi32>,
    %broadcast_in_dim3A_68 = arith.constant 0 : i32
    %broadcast_in_dim3A_69 = vector.broadcast %broadcast_in_dim3A_68 : i32 to vector<16xi32>
    %swap3A_70 = arith.constant 176 : index
    %swap3A_71 = tpu.vector_load %arg14[%swap3A_70] {strides = array<i32>} : memref<264xi32, #tpu.memory_space<vmem>>, vector<16xi32>,
    tpu.vector_store %arg14[%swap3A_70], %broadcast_in_dim3A_69 {strides = array<i32>} : memref<264xi32, #tpu.memory_space<vmem>>, vector<16xi32>,
    %broadcast_in_dim3A_72 = arith.constant 0 : i32
    %broadcast_in_dim3A_73 = vector.broadcast %broadcast_in_dim3A_72 : i32 to vector<16xi32>
    %swap3A_74 = arith.constant 192 : index
    %swap3A_75 = tpu.vector_load %arg14[%swap3A_74] {strides = array<i32>} : memref<264xi32, #tpu.memory_space<vmem>>, vector<16xi32>,
    tpu.vector_store %arg14[%swap3A_74], %broadcast_in_dim3A_73 {strides = array<i32>} : memref<264xi32, #tpu.memory_space<vmem>>, vector<16xi32>,
    %broadcast_in_dim3A_76 = arith.constant 0 : i32
    %broadcast_in_dim3A_77 = vector.broadcast %broadcast_in_dim3A_76 : i32 to vector<16xi32>
    %swap3A_78 = arith.constant 208 : index
    %swap3A_79 = tpu.vector_load %arg14[%swap3A_78] {strides = array<i32>} : memref<264xi32, #tpu.memory_space<vmem>>, vector<16xi32>,
    tpu.vector_store %arg14[%swap3A_78], %broadcast_in_dim3A_77 {strides = array<i32>} : memref<264xi32, #tpu.memory_space<vmem>>, vector<16xi32>,
    %broadcast_in_dim3A_80 = arith.constant 0 : i32
    %broadcast_in_dim3A_81 = vector.broadcast %broadcast_in_dim3A_80 : i32 to vector<16xi32>
    %swap3A_82 = arith.constant 224 : index
    %swap3A_83 = tpu.vector_load %arg14[%swap3A_82] {strides = array<i32>} : memref<264xi32, #tpu.memory_space<vmem>>, vector<16xi32>,
    tpu.vector_store %arg14[%swap3A_82], %broadcast_in_dim3A_81 {strides = array<i32>} : memref<264xi32, #tpu.memory_space<vmem>>, vector<16xi32>,
    %broadcast_in_dim3A_84 = arith.constant 0 : i32
    %broadcast_in_dim3A_85 = vector.broadcast %broadcast_in_dim3A_84 : i32 to vector<16xi32>
    %swap3A_86 = arith.constant 240 : index
    %swap3A_87 = tpu.vector_load %arg14[%swap3A_86] {strides = array<i32>} : memref<264xi32, #tpu.memory_space<vmem>>, vector<16xi32>,
    tpu.vector_store %arg14[%swap3A_86], %broadcast_in_dim3A_85 {strides = array<i32>} : memref<264xi32, #tpu.memory_space<vmem>>, vector<16xi32>,
    %broadcast_in_dim3A_88 = arith.constant 0 : i32
    %broadcast_in_dim3A_89 = vector.broadcast %broadcast_in_dim3A_88 : i32 to vector<16xi32>
    %swap3A_90 = arith.constant 248 : index
    %swap3A_91 = tpu.vector_load %arg14[%swap3A_90] {strides = array<i32>} : memref<264xi32, #tpu.memory_space<vmem>>, vector<16xi32>,
    tpu.vector_store %arg14[%swap3A_90], %broadcast_in_dim3A_89 {strides = array<i32>} : memref<264xi32, #tpu.memory_space<vmem>>, vector<16xi32>,
    %scan3A = arith.constant 0 : i32
    %scan3A_92 = arith.constant 0 : i32
    %scan3A_93 = arith.constant 1024 : i32
    %scan3A_94 = arith.addi %scan3A_92, %scan3A_93 : i32
    %scan3A_95 = arith.constant 1 : i32
    %scan3A_96 = scf.for %scan3A_478 = %scan3A_92 to %scan3A_94 step %scan3A_95 iter_args(%scan3A_479 = %scan3A) -> (i32)  : i32 {
      %mul3A_480 = arith.constant 16 : i32
      %mul3A_481 = arith.muli %scan3A_478, %mul3A_480 : i32
      %get3A = arith.index_cast %mul3A_481 : i32 to index
      %get3A_482 = tpu.vector_load %arg5[%get3A] {strides = array<i32>} : memref<16384xi32, #tpu.memory_space<vmem>>, vector<16xi32>,
      %broadcast_in_dim3A_483 = arith.constant 0 : i32
      %broadcast_in_dim3A_484 = vector.broadcast %broadcast_in_dim3A_483 : i32 to vector<16xi32>
      %broadcast_in_dim3A_485 = arith.constant 999999 : i32
      %broadcast_in_dim3A_486 = vector.broadcast %broadcast_in_dim3A_485 : i32 to vector<16xi32>
      %max3A = arith.maxsi %broadcast_in_dim3A_484, %get3A_482 : vector<16xi32>
      %min3A_487 = arith.minsi %broadcast_in_dim3A_486, %max3A : vector<16xi32>
      %broadcast_in_dim3A_488 = arith.constant 7 : i32
      %broadcast_in_dim3A_489 = vector.broadcast %broadcast_in_dim3A_488 : i32 to vector<16xi32>
      %shift_right_logical3A = arith.shrui %min3A_487, %broadcast_in_dim3A_489 : vector<16xi32>
      %broadcast_in_dim3A_490 = vector.broadcast %mul3A_2 : i32 to vector<16xi32>
      %ge3A_491 = arith.cmpi sge, %shift_right_logical3A, %broadcast_in_dim3A_490 : vector<16xi32>
      %add3A_492 = arith.constant 248 : i32
      %add3A_493 = arith.addi %mul3A_2, %add3A_492 : i32
      %broadcast_in_dim3A_494 = vector.broadcast %add3A_493 : i32 to vector<16xi32>
      %lt3A = arith.cmpi slt, %shift_right_logical3A, %broadcast_in_dim3A_494 : vector<16xi32>
      %and3A_495 = arith.andi %ge3A_491, %lt3A : vector<16xi1>
      %broadcast_in_dim3A_496 = arith.constant 1 : i32
      %broadcast_in_dim3A_497 = vector.broadcast %broadcast_in_dim3A_496 : i32 to vector<16xi32>
      %broadcast_in_dim3A_498 = arith.constant 0 : i32
      %broadcast_in_dim3A_499 = vector.broadcast %broadcast_in_dim3A_498 : i32 to vector<16xi32>
      %select_n3A_500 = arith.select %and3A_495, %broadcast_in_dim3A_497, %broadcast_in_dim3A_499 : vector<16xi1>, vector<16xi32>
      %broadcast_in_dim3A_501 = arith.constant true
      %broadcast_in_dim3A_502 = vector.broadcast %broadcast_in_dim3A_501 : i1 to vector<16xi1>
      %masked_cumsum3A = tpu.scan <sum>, %select_n3A_500 masked %broadcast_in_dim3A_502 : vector<16xi32>, vector<16xi1> -> vector<16xi32>
      %broadcast_in_dim3A_503 = arith.constant 1 : i32
      %broadcast_in_dim3A_504 = vector.broadcast %broadcast_in_dim3A_503 : i32 to vector<16xi32>
      %sub3A_505 = arith.subi %masked_cumsum3A, %broadcast_in_dim3A_504 : vector<16xi32>
      %broadcast_in_dim3A_506 = vector.broadcast %scan3A_479 : i32 to vector<16xi32>
      %add3A_507 = arith.addi %broadcast_in_dim3A_506, %sub3A_505 : vector<16xi32>
      %broadcast_in_dim3A_508 = arith.constant 1008 : i32
      %broadcast_in_dim3A_509 = vector.broadcast %broadcast_in_dim3A_508 : i32 to vector<16xi32>
      %add3A_510 = arith.addi %broadcast_in_dim3A_509, %iota3A : vector<16xi32>
      %select_n3A_511 = arith.select %and3A_495, %add3A_507, %add3A_510 : vector<16xi1>, vector<16xi32>
      %broadcast_in_dim3A_512 = arith.constant -1 : i32
      %broadcast_in_dim3A_513 = vector.broadcast %broadcast_in_dim3A_512 : i32 to vector<16xi32>
      %select_n3A_514 = arith.select %and3A_495, %min3A_487, %broadcast_in_dim3A_513 : vector<16xi1>, vector<16xi32>
      tpu.vector_store_idx %arg6[%select_n3A_511], %select_n3A_514 : memref<1024xi32, #tpu.memory_space<vmem>>[vector<16xi32>], vector<16xi32>,
      %mul3A_515 = arith.constant 16 : i32
      %mul3A_516 = arith.muli %scan3A_478, %mul3A_515 : i32
      %broadcast_in_dim3A_517 = vector.broadcast %mul3A_516 : i32 to vector<16xi32>
      %add3A_518 = arith.addi %broadcast_in_dim3A_517, %iota3A : vector<16xi32>
      tpu.vector_store_idx %arg7[%select_n3A_511], %add3A_518 : memref<1024xi32, #tpu.memory_space<vmem>>[vector<16xi32>], vector<16xi32>,
      %broadcast_in_dim3A_519 = vector.broadcast %mul3A_2 : i32 to vector<16xi32>
      %sub3A_520 = arith.subi %shift_right_logical3A, %broadcast_in_dim3A_519 : vector<16xi32>
      %broadcast_in_dim3A_521 = arith.constant 248 : i32
      %broadcast_in_dim3A_522 = vector.broadcast %broadcast_in_dim3A_521 : i32 to vector<16xi32>
      %add3A_523 = arith.addi %broadcast_in_dim3A_522, %iota3A : vector<16xi32>
      %select_n3A_524 = arith.select %and3A_495, %sub3A_520, %add3A_523 : vector<16xi1>, vector<16xi32>
      %broadcast_in_dim3A_525 = arith.constant 1 : i32
      %broadcast_in_dim3A_526 = vector.broadcast %broadcast_in_dim3A_525 : i32 to vector<16xi32>
      tpu.vector_store_idx %arg14[%select_n3A_524], %broadcast_in_dim3A_526 : memref<264xi32, #tpu.memory_space<vmem>>[vector<16xi32>], vector<16xi32>,
      %all_reduce_population_count3A = tpu.all_reduce %and3A_495 {dim = 0 : i64, kind = #tpu.reduction_kind<sum>} : vector<16xi1> -> vector<16xi32>
      %slice3A_527 = vector.extract_strided_slice %all_reduce_population_count3A {offsets = [0], sizes = [1], strides = [1]} : vector<16xi32> to vector<1xi32>
      %squeeze3A_528 = vector.extract %slice3A_527[0] : i32 from vector<1xi32>
      %add3A_529 = arith.addi %scan3A_479, %squeeze3A_528 : i32
      scf.yield %add3A_529 : i32
    }
    %scan3A_97 = arith.constant 1024 : i32
    %broadcast_in_dim3A_98 = vector.broadcast %scan3A_96 : i32 to vector<16xi32>
    %add3A_99 = arith.addi %broadcast_in_dim3A_98, %iota3A : vector<16xi32>
    %broadcast_in_dim3A_100 = arith.constant -1 : i32
    %broadcast_in_dim3A_101 = vector.broadcast %broadcast_in_dim3A_100 : i32 to vector<16xi32>
    tpu.vector_store_idx %arg6[%add3A_99], %broadcast_in_dim3A_101 : memref<1024xi32, #tpu.memory_space<vmem>>[vector<16xi32>], vector<16xi32>,
    %broadcast_in_dim3A_102 = vector.broadcast %add3A_6 : i32 to vector<16xi32>
    tpu.vector_store_idx %arg7[%add3A_99], %broadcast_in_dim3A_102 : memref<1024xi32, #tpu.memory_space<vmem>>[vector<16xi32>], vector<16xi32>,
    %add3A_103 = arith.constant 16 : i32
    %add3A_104 = arith.addi %scan3A_96, %add3A_103 : i32
    %sub3A = arith.constant 1 : i32
    %sub3A_105 = arith.subi %add3A_104, %sub3A : i32
    %jit3A = arith.constant 16 : i32
    %div3A = arith.divsi %sub3A_105, %jit3A : i32
    %sign3A = arith.constant 0 : i32
    %sign3A_106 = arith.cmpi sgt, %sub3A_105, %sign3A : i32
    %sign3A_107 = arith.extui %sign3A_106 : i1 to i32
    %sign3A_108 = arith.constant 0 : i32
    %sign3A_109 = arith.cmpi slt, %sub3A_105, %sign3A_108 : i32
    %sign3A_110 = arith.extui %sign3A_109 : i1 to i32
    %sign3A_111 = arith.subi %sign3A_107, %sign3A_110 : i32
    %sign3A_112 = arith.constant 0 : i32
    %sign3A_113 = arith.cmpi sgt, %jit3A, %sign3A_112 : i32
    %sign3A_114 = arith.extui %sign3A_113 : i1 to i32
    %sign3A_115 = arith.constant 0 : i32
    %sign3A_116 = arith.cmpi slt, %jit3A, %sign3A_115 : i32
    %sign3A_117 = arith.extui %sign3A_116 : i1 to i32
    %sign3A_118 = arith.subi %sign3A_114, %sign3A_117 : i32
    %ne3A = arith.cmpi ne, %sign3A_111, %sign3A_118 : i32
    %rem3A = arith.remsi %sub3A_105, %jit3A : i32
    %ne3A_119 = arith.constant 0 : i32
    %ne3A_120 = arith.cmpi ne, %rem3A, %ne3A_119 : i32
    %and3A = arith.andi %ne3A, %ne3A_120 : i1
    %sub3A_121 = arith.constant 1 : i32
    %sub3A_122 = arith.subi %div3A, %sub3A_121 : i32
    %select_n3A = arith.select %and3A, %sub3A_122, %div3A : i32
    %broadcast_in_dim3A_123 = vector.broadcast %add3A_6 : i32 to vector<16xi32>
    %broadcast_in_dim3A_124 = arith.constant 3 : i32
    %broadcast_in_dim3A_125 = vector.broadcast %broadcast_in_dim3A_124 : i32 to vector<16xi32>
    %and3A_126 = arith.andi %iota3A, %broadcast_in_dim3A_125 : vector<16xi32>
    %add3A_127 = arith.addi %broadcast_in_dim3A_123, %and3A_126 : vector<16xi32>
    %swap3A_128 = arith.constant 0 : index
    %swap3A_129 = tpu.vector_load %arg11[%swap3A_128] {strides = array<i32>} : memref<128xi32, #tpu.memory_space<vmem>>, vector<16xi32>,
    tpu.vector_store %arg11[%swap3A_128], %add3A_127 {strides = array<i32>} : memref<128xi32, #tpu.memory_space<vmem>>, vector<16xi32>,
    %swap3A_130 = arith.constant 16 : index
    %swap3A_131 = tpu.vector_load %arg11[%swap3A_130] {strides = array<i32>} : memref<128xi32, #tpu.memory_space<vmem>>, vector<16xi32>,
    tpu.vector_store %arg11[%swap3A_130], %add3A_127 {strides = array<i32>} : memref<128xi32, #tpu.memory_space<vmem>>, vector<16xi32>,
    %swap3A_132 = arith.constant 32 : index
    %swap3A_133 = tpu.vector_load %arg11[%swap3A_132] {strides = array<i32>} : memref<128xi32, #tpu.memory_space<vmem>>, vector<16xi32>,
    tpu.vector_store %arg11[%swap3A_132], %add3A_127 {strides = array<i32>} : memref<128xi32, #tpu.memory_space<vmem>>, vector<16xi32>,
    %swap3A_134 = arith.constant 48 : index
    %swap3A_135 = tpu.vector_load %arg11[%swap3A_134] {strides = array<i32>} : memref<128xi32, #tpu.memory_space<vmem>>, vector<16xi32>,
    tpu.vector_store %arg11[%swap3A_134], %add3A_127 {strides = array<i32>} : memref<128xi32, #tpu.memory_space<vmem>>, vector<16xi32>,
    %swap3A_136 = arith.constant 64 : index
    %swap3A_137 = tpu.vector_load %arg11[%swap3A_136] {strides = array<i32>} : memref<128xi32, #tpu.memory_space<vmem>>, vector<16xi32>,
    tpu.vector_store %arg11[%swap3A_136], %add3A_127 {strides = array<i32>} : memref<128xi32, #tpu.memory_space<vmem>>, vector<16xi32>,
    %swap3A_138 = arith.constant 80 : index
    %swap3A_139 = tpu.vector_load %arg11[%swap3A_138] {strides = array<i32>} : memref<128xi32, #tpu.memory_space<vmem>>, vector<16xi32>,
    tpu.vector_store %arg11[%swap3A_138], %add3A_127 {strides = array<i32>} : memref<128xi32, #tpu.memory_space<vmem>>, vector<16xi32>,
    %swap3A_140 = arith.constant 96 : index
    %swap3A_141 = tpu.vector_load %arg11[%swap3A_140] {strides = array<i32>} : memref<128xi32, #tpu.memory_space<vmem>>, vector<16xi32>,
    tpu.vector_store %arg11[%swap3A_140], %add3A_127 {strides = array<i32>} : memref<128xi32, #tpu.memory_space<vmem>>, vector<16xi32>,
    %swap3A_142 = arith.constant 112 : index
    %swap3A_143 = tpu.vector_load %arg11[%swap3A_142] {strides = array<i32>} : memref<128xi32, #tpu.memory_space<vmem>>, vector<16xi32>,
    tpu.vector_store %arg11[%swap3A_142], %add3A_127 {strides = array<i32>} : memref<128xi32, #tpu.memory_space<vmem>>, vector<16xi32>,
    %dma_wait3A = arith.constant 0 : i32
    %dma_wait3A_144 = arith.constant 0 : i32
    %dma_wait3A_145 = tpu.memref_slice %arg2[%dma_wait3A, %dma_wait3A_144] : memref<64x1000000xf32, #tpu.memory_space<hbm>> -> memref<64x512xf32, #tpu.memory_space<hbm>>
    %dma_wait3A_146 = arith.constant 0 : i32
    %dma_wait3A_147 = arith.constant 0 : i32
    %dma_wait3A_148 = tpu.memref_slice %arg2[%dma_wait3A_146, %dma_wait3A_147] : memref<64x1000000xf32, #tpu.memory_space<hbm>> -> memref<64x512xf32, #tpu.memory_space<hbm>>
    tpu.wait_dma2 semaphore(%arg15 : memref<!tpu.dma_semaphore, #tpu.memory_space<semaphore_mem>>) src(%dma_wait3A_148 : memref<64x512xf32, #tpu.memory_space<hbm>>) dst(%arg8 : memref<64x512xf32, #tpu.memory_space<vmem>>)
    %add3A_149 = arith.constant 0 : i32
    %add3A_150 = arith.addi %mul3A_2, %add3A_149 : i32
    %min3A_151 = arith.constant 7809 : i32
    %min3A_152 = arith.minsi %add3A_150, %min3A_151 : i32
    %while3A = arith.constant 0 : i32
    %while3A_153 = arith.constant 0 : i32
    %while3A_154 = arith.subi %select_n3A, %while3A : i32
    %while3A_155 = arith.addi %while3A, %while3A_154 : i32
    %while3A_156 = arith.constant 1 : i32
    %while3A_157 = arith.divsi %while3A_154, %while3A_156 : i32
    %while3A_158 = arith.muli %while3A_157, %while3A_156 : i32
    %while3A_159 = arith.addi %while3A, %while3A_158 : i32
    %while3A_160 = arith.constant 1 : i32
    %while3A_161 = scf.for %while3A_478 = %while3A to %while3A_159 step %while3A_160 iter_args(%while3A_479 = %while3A_153) -> (i32)  : i32 {
      %mul3A_480 = arith.constant 16 : i32
      %mul3A_481 = arith.muli %while3A_478, %mul3A_480 : i32
      %get3A = arith.index_cast %mul3A_481 : i32 to index
      %get3A_482 = tpu.vector_load %arg6[%get3A] {strides = array<i32>} : memref<1024xi32, #tpu.memory_space<vmem>>, vector<16xi32>,
      %mul3A_483 = arith.constant 16 : i32
      %mul3A_484 = arith.muli %while3A_478, %mul3A_483 : i32
      %get3A_485 = arith.index_cast %mul3A_484 : i32 to index
      %get3A_486 = tpu.vector_load %arg7[%get3A_485] {strides = array<i32>} : memref<1024xi32, #tpu.memory_space<vmem>>, vector<16xi32>,
      %broadcast_in_dim3A_487 = arith.constant 7 : i32
      %broadcast_in_dim3A_488 = vector.broadcast %broadcast_in_dim3A_487 : i32 to vector<16xi32>
      %shift_right_logical3A = arith.shrui %get3A_482, %broadcast_in_dim3A_488 : vector<16xi32>
      %broadcast_in_dim3A_489 = vector.broadcast %min3A_152 : i32 to vector<16xi32>
      %ge3A_490 = arith.cmpi sge, %shift_right_logical3A, %broadcast_in_dim3A_489 : vector<16xi32>
      %add3A_491 = arith.constant 4 : i32
      %add3A_492 = arith.addi %min3A_152, %add3A_491 : i32
      %broadcast_in_dim3A_493 = vector.broadcast %add3A_492 : i32 to vector<16xi32>
      %lt3A = arith.cmpi slt, %shift_right_logical3A, %broadcast_in_dim3A_493 : vector<16xi32>
      %and3A_494 = arith.andi %ge3A_490, %lt3A : vector<16xi1>
      %broadcast_in_dim3A_495 = arith.constant 1 : i32
      %broadcast_in_dim3A_496 = vector.broadcast %broadcast_in_dim3A_495 : i32 to vector<16xi32>
      %broadcast_in_dim3A_497 = arith.constant 0 : i32
      %broadcast_in_dim3A_498 = vector.broadcast %broadcast_in_dim3A_497 : i32 to vector<16xi32>
      %select_n3A_499 = arith.select %and3A_494, %broadcast_in_dim3A_496, %broadcast_in_dim3A_498 : vector<16xi1>, vector<16xi32>
      %broadcast_in_dim3A_500 = arith.constant true
      %broadcast_in_dim3A_501 = vector.broadcast %broadcast_in_dim3A_500 : i1 to vector<16xi1>
      %masked_cumsum3A = tpu.scan <sum>, %select_n3A_499 masked %broadcast_in_dim3A_501 : vector<16xi32>, vector<16xi1> -> vector<16xi32>
      %broadcast_in_dim3A_502 = arith.constant 1 : i32
      %broadcast_in_dim3A_503 = vector.broadcast %broadcast_in_dim3A_502 : i32 to vector<16xi32>
      %sub3A_504 = arith.subi %masked_cumsum3A, %broadcast_in_dim3A_503 : vector<16xi32>
      %broadcast_in_dim3A_505 = vector.broadcast %while3A_479 : i32 to vector<16xi32>
      %add3A_506 = arith.addi %broadcast_in_dim3A_505, %sub3A_504 : vector<16xi32>
      %broadcast_in_dim3A_507 = arith.constant 64 : i32
      %broadcast_in_dim3A_508 = vector.broadcast %broadcast_in_dim3A_507 : i32 to vector<16xi32>
      %add3A_509 = arith.addi %broadcast_in_dim3A_508, %iota3A : vector<16xi32>
      %select_n3A_510 = arith.select %and3A_494, %add3A_506, %add3A_509 : vector<16xi1>, vector<16xi32>
      %broadcast_in_dim3A_511 = arith.constant 79 : i32
      %broadcast_in_dim3A_512 = vector.broadcast %broadcast_in_dim3A_511 : i32 to vector<16xi32>
      %min3A_513 = arith.minsi %select_n3A_510, %broadcast_in_dim3A_512 : vector<16xi32>
      tpu.vector_store_idx %arg12[%min3A_513], %get3A_482 : memref<80xi32, #tpu.memory_space<vmem>>[vector<16xi32>], vector<16xi32>,
      tpu.vector_store_idx %arg13[%min3A_513], %get3A_486 : memref<80xi32, #tpu.memory_space<vmem>>[vector<16xi32>], vector<16xi32>,
      %all_reduce_population_count3A = tpu.all_reduce %and3A_494 {dim = 0 : i64, kind = #tpu.reduction_kind<sum>} : vector<16xi1> -> vector<16xi32>
      %slice3A_514 = vector.extract_strided_slice %all_reduce_population_count3A {offsets = [0], sizes = [1], strides = [1]} : vector<16xi32> to vector<1xi32>
      %squeeze3A_515 = vector.extract %slice3A_514[0] : i32 from vector<1xi32>
      %add3A_516 = arith.addi %while3A_479, %squeeze3A_515 : i32
      scf.yield %add3A_516 : i32
    }
    %while3A_162 = arith.constant 1 : i32
    %while3A_163 = scf.for %while3A_478 = %while3A_159 to %while3A_155 step %while3A_162 iter_args(%while3A_479 = %while3A_161) -> (i32)  : i32 {
      %mul3A_480 = arith.constant 16 : i32
      %mul3A_481 = arith.muli %while3A_478, %mul3A_480 : i32
      %get3A = arith.index_cast %mul3A_481 : i32 to index
      %get3A_482 = tpu.vector_load %arg6[%get3A] {strides = array<i32>} : memref<1024xi32, #tpu.memory_space<vmem>>, vector<16xi32>,
      %mul3A_483 = arith.constant 16 : i32
      %mul3A_484 = arith.muli %while3A_478, %mul3A_483 : i32
      %get3A_485 = arith.index_cast %mul3A_484 : i32 to index
      %get3A_486 = tpu.vector_load %arg7[%get3A_485] {strides = array<i32>} : memref<1024xi32, #tpu.memory_space<vmem>>, vector<16xi32>,
      %broadcast_in_dim3A_487 = arith.constant 7 : i32
      %broadcast_in_dim3A_488 = vector.broadcast %broadcast_in_dim3A_487 : i32 to vector<16xi32>
      %shift_right_logical3A = arith.shrui %get3A_482, %broadcast_in_dim3A_488 : vector<16xi32>
      %broadcast_in_dim3A_489 = vector.broadcast %min3A_152 : i32 to vector<16xi32>
      %ge3A_490 = arith.cmpi sge, %shift_right_logical3A, %broadcast_in_dim3A_489 : vector<16xi32>
      %add3A_491 = arith.constant 4 : i32
      %add3A_492 = arith.addi %min3A_152, %add3A_491 : i32
      %broadcast_in_dim3A_493 = vector.broadcast %add3A_492 : i32 to vector<16xi32>
      %lt3A = arith.cmpi slt, %shift_right_logical3A, %broadcast_in_dim3A_493 : vector<16xi32>
      %and3A_494 = arith.andi %ge3A_490, %lt3A : vector<16xi1>
      %broadcast_in_dim3A_495 = arith.constant 1 : i32
      %broadcast_in_dim3A_496 = vector.broadcast %broadcast_in_dim3A_495 : i32 to vector<16xi32>
      %broadcast_in_dim3A_497 = arith.constant 0 : i32
      %broadcast_in_dim3A_498 = vector.broadcast %broadcast_in_dim3A_497 : i32 to vector<16xi32>
      %select_n3A_499 = arith.select %and3A_494, %broadcast_in_dim3A_496, %broadcast_in_dim3A_498 : vector<16xi1>, vector<16xi32>
      %broadcast_in_dim3A_500 = arith.constant true
      %broadcast_in_dim3A_501 = vector.broadcast %broadcast_in_dim3A_500 : i1 to vector<16xi1>
      %masked_cumsum3A = tpu.scan <sum>, %select_n3A_499 masked %broadcast_in_dim3A_501 : vector<16xi32>, vector<16xi1> -> vector<16xi32>
      %broadcast_in_dim3A_502 = arith.constant 1 : i32
      %broadcast_in_dim3A_503 = vector.broadcast %broadcast_in_dim3A_502 : i32 to vector<16xi32>
      %sub3A_504 = arith.subi %masked_cumsum3A, %broadcast_in_dim3A_503 : vector<16xi32>
      %broadcast_in_dim3A_505 = vector.broadcast %while3A_479 : i32 to vector<16xi32>
      %add3A_506 = arith.addi %broadcast_in_dim3A_505, %sub3A_504 : vector<16xi32>
      %broadcast_in_dim3A_507 = arith.constant 64 : i32
      %broadcast_in_dim3A_508 = vector.broadcast %broadcast_in_dim3A_507 : i32 to vector<16xi32>
      %add3A_509 = arith.addi %broadcast_in_dim3A_508, %iota3A : vector<16xi32>
      %select_n3A_510 = arith.select %and3A_494, %add3A_506, %add3A_509 : vector<16xi1>, vector<16xi32>
      %broadcast_in_dim3A_511 = arith.constant 79 : i32
      %broadcast_in_dim3A_512 = vector.broadcast %broadcast_in_dim3A_511 : i32 to vector<16xi32>
      %min3A_513 = arith.minsi %select_n3A_510, %broadcast_in_dim3A_512 : vector<16xi32>
      tpu.vector_store_idx %arg12[%min3A_513], %get3A_482 : memref<80xi32, #tpu.memory_space<vmem>>[vector<16xi32>], vector<16xi32>,
      tpu.vector_store_idx %arg13[%min3A_513], %get3A_486 : memref<80xi32, #tpu.memory_space<vmem>>[vector<16xi32>], vector<16xi32>,
      %all_reduce_population_count3A = tpu.all_reduce %and3A_494 {dim = 0 : i64, kind = #tpu.reduction_kind<sum>} : vector<16xi1> -> vector<16xi32>
      %slice3A_514 = vector.extract_strided_slice %all_reduce_population_count3A {offsets = [0], sizes = [1], strides = [1]} : vector<16xi32> to vector<1xi32>
      %squeeze3A_515 = vector.extract %slice3A_514[0] : i32 from vector<1xi32>
      %add3A_516 = arith.addi %while3A_479, %squeeze3A_515 : i32
      scf.yield %add3A_516 : i32
    }
    %min3A_164 = arith.constant 64 : i32
    %min3A_165 = arith.minsi %while3A_163, %min3A_164 : i32
    %while3A_166 = arith.constant 0 : i32
    %while3A_167 = arith.constant 0 : i32
    %while3A_168 = arith.subi %min3A_165, %while3A_166 : i32
    %while3A_169 = arith.addi %while3A_166, %while3A_168 : i32
    %while3A_170 = arith.constant 1 : i32
    %while3A_171 = arith.divsi %while3A_168, %while3A_170 : i32
    %while3A_172 = arith.muli %while3A_171, %while3A_170 : i32
    %while3A_173 = arith.addi %while3A_166, %while3A_172 : i32
    %while3A_174 = arith.constant 1 : i32
    %while3A_175 = scf.for %while3A_478 = %while3A_166 to %while3A_173 step %while3A_174 iter_args(%while3A_479 = %while3A_167) -> (i32)  : i32 {
      %broadcast_in_dim3A_480 = vector.broadcast %while3A_478 : i32 to vector<16xi32>
      %gather3A_481 = tpu.vector_load_idx %arg12[%broadcast_in_dim3A_480] : memref<80xi32, #tpu.memory_space<vmem>>[vector<16xi32>], vector<16xi32>,
      %slice3A_482 = vector.extract_strided_slice %gather3A_481 {offsets = [0], sizes = [1], strides = [1]} : vector<16xi32> to vector<1xi32>
      %squeeze3A_483 = vector.extract %slice3A_482[0] : i32 from vector<1xi32>
      %gather3A_484 = tpu.vector_load_idx %arg13[%broadcast_in_dim3A_480] : memref<80xi32, #tpu.memory_space<vmem>>[vector<16xi32>], vector<16xi32>,
      %slice3A_485 = vector.extract_strided_slice %gather3A_484 {offsets = [0], sizes = [1], strides = [1]} : vector<16xi32> to vector<1xi32>
      %squeeze3A_486 = vector.extract %slice3A_485[0] : i32 from vector<1xi32>
      %mul3A_487 = arith.constant 128 : i32
      %mul3A_488 = arith.muli %min3A_152, %mul3A_487 : i32
      %sub3A_489 = arith.subi %squeeze3A_483, %mul3A_488 : i32
      %broadcast_in_dim3A_490 = vector.broadcast %while3A_479 : i32 to vector<16xi32>
      %broadcast_in_dim3A_491 = arith.constant 0 : i32
      %broadcast_in_dim3A_492 = vector.broadcast %broadcast_in_dim3A_491 : i32 to vector<16xi32>
      %add3A_493 = arith.addi %broadcast_in_dim3A_492, %iota3A : vector<16xi32>
      %broadcast_in_dim3A_494 = vector.broadcast %sub3A_489 : i32 to vector<16xi32>
      %gather3A_495 = tpu.vector_load_idx %arg8[%add3A_493, %broadcast_in_dim3A_494] : memref<64x512xf32, #tpu.memory_space<vmem>>[vector<16xi32>, vector<16xi32>], vector<16xf32>,
      tpu.vector_store_idx %arg10[%broadcast_in_dim3A_490, %add3A_493], %gather3A_495 : memref<128x128xf32, #tpu.memory_space<vmem>>[vector<16xi32>, vector<16xi32>], vector<16xf32>,
      %broadcast_in_dim3A_496 = arith.constant 16 : i32
      %broadcast_in_dim3A_497 = vector.broadcast %broadcast_in_dim3A_496 : i32 to vector<16xi32>
      %add3A_498 = arith.addi %broadcast_in_dim3A_497, %iota3A : vector<16xi32>
      %broadcast_in_dim3A_499 = vector.broadcast %sub3A_489 : i32 to vector<16xi32>
      %gather3A_500 = tpu.vector_load_idx %arg8[%add3A_498, %broadcast_in_dim3A_499] : memref<64x512xf32, #tpu.memory_space<vmem>>[vector<16xi32>, vector<16xi32>], vector<16xf32>,
      tpu.vector_store_idx %arg10[%broadcast_in_dim3A_490, %add3A_498], %gather3A_500 : memref<128x128xf32, #tpu.memory_space<vmem>>[vector<16xi32>, vector<16xi32>], vector<16xf32>,
      %broadcast_in_dim3A_501 = arith.constant 32 : i32
      %broadcast_in_dim3A_502 = vector.broadcast %broadcast_in_dim3A_501 : i32 to vector<16xi32>
      %add3A_503 = arith.addi %broadcast_in_dim3A_502, %iota3A : vector<16xi32>
      %broadcast_in_dim3A_504 = vector.broadcast %sub3A_489 : i32 to vector<16xi32>
      %gather3A_505 = tpu.vector_load_idx %arg8[%add3A_503, %broadcast_in_dim3A_504] : memref<64x512xf32, #tpu.memory_space<vmem>>[vector<16xi32>, vector<16xi32>], vector<16xf32>,
      tpu.vector_store_idx %arg10[%broadcast_in_dim3A_490, %add3A_503], %gather3A_505 : memref<128x128xf32, #tpu.memory_space<vmem>>[vector<16xi32>, vector<16xi32>], vector<16xf32>,
      %broadcast_in_dim3A_506 = arith.constant 48 : i32
      %broadcast_in_dim3A_507 = vector.broadcast %broadcast_in_dim3A_506 : i32 to vector<16xi32>
      %add3A_508 = arith.addi %broadcast_in_dim3A_507, %iota3A : vector<16xi32>
      %broadcast_in_dim3A_509 = vector.broadcast %sub3A_489 : i32 to vector<16xi32>
      %gather3A_510 = tpu.vector_load_idx %arg8[%add3A_508, %broadcast_in_dim3A_509] : memref<64x512xf32, #tpu.memory_space<vmem>>[vector<16xi32>, vector<16xi32>], vector<16xf32>,
      tpu.vector_store_idx %arg10[%broadcast_in_dim3A_490, %add3A_508], %gather3A_510 : memref<128x128xf32, #tpu.memory_space<vmem>>[vector<16xi32>, vector<16xi32>], vector<16xf32>,
      %broadcast_in_dim3A_511 = vector.broadcast %squeeze3A_486 : i32 to vector<16xi32>
      tpu.vector_store_idx %arg11[%broadcast_in_dim3A_490], %broadcast_in_dim3A_511 : memref<128xi32, #tpu.memory_space<vmem>>[vector<16xi32>], vector<16xi32>,
      %add3A_512 = arith.constant 1 : i32
      %add3A_513 = arith.addi %while3A_479, %add3A_512 : i32
      scf.yield %add3A_513 : i32
    }
    %while3A_176 = arith.constant 1 : i32
    %while3A_177 = scf.for %while3A_478 = %while3A_173 to %while3A_169 step %while3A_176 iter_args(%while3A_479 = %while3A_175) -> (i32)  : i32 {
      %broadcast_in_dim3A_480 = vector.broadcast %while3A_478 : i32 to vector<16xi32>
      %gather3A_481 = tpu.vector_load_idx %arg12[%broadcast_in_dim3A_480] : memref<80xi32, #tpu.memory_space<vmem>>[vector<16xi32>], vector<16xi32>,
      %slice3A_482 = vector.extract_strided_slice %gather3A_481 {offsets = [0], sizes = [1], strides = [1]} : vector<16xi32> to vector<1xi32>
      %squeeze3A_483 = vector.extract %slice3A_482[0] : i32 from vector<1xi32>
      %gather3A_484 = tpu.vector_load_idx %arg13[%broadcast_in_dim3A_480] : memref<80xi32, #tpu.memory_space<vmem>>[vector<16xi32>], vector<16xi32>,
      %slice3A_485 = vector.extract_strided_slice %gather3A_484 {offsets = [0], sizes = [1], strides = [1]} : vector<16xi32> to vector<1xi32>
      %squeeze3A_486 = vector.extract %slice3A_485[0] : i32 from vector<1xi32>
      %mul3A_487 = arith.constant 128 : i32
      %mul3A_488 = arith.muli %min3A_152, %mul3A_487 : i32
      %sub3A_489 = arith.subi %squeeze3A_483, %mul3A_488 : i32
      %broadcast_in_dim3A_490 = vector.broadcast %while3A_479 : i32 to vector<16xi32>
      %broadcast_in_dim3A_491 = arith.constant 0 : i32
      %broadcast_in_dim3A_492 = vector.broadcast %broadcast_in_dim3A_491 : i32 to vector<16xi32>
      %add3A_493 = arith.addi %broadcast_in_dim3A_492, %iota3A : vector<16xi32>
      %broadcast_in_dim3A_494 = vector.broadcast %sub3A_489 : i32 to vector<16xi32>
      %gather3A_495 = tpu.vector_load_idx %arg8[%add3A_493, %broadcast_in_dim3A_494] : memref<64x512xf32, #tpu.memory_space<vmem>>[vector<16xi32>, vector<16xi32>], vector<16xf32>,
      tpu.vector_store_idx %arg10[%broadcast_in_dim3A_490, %add3A_493], %gather3A_495 : memref<128x128xf32, #tpu.memory_space<vmem>>[vector<16xi32>, vector<16xi32>], vector<16xf32>,
      %broadcast_in_dim3A_496 = arith.constant 16 : i32
      %broadcast_in_dim3A_497 = vector.broadcast %broadcast_in_dim3A_496 : i32 to vector<16xi32>
      %add3A_498 = arith.addi %broadcast_in_dim3A_497, %iota3A : vector<16xi32>
      %broadcast_in_dim3A_499 = vector.broadcast %sub3A_489 : i32 to vector<16xi32>
      %gather3A_500 = tpu.vector_load_idx %arg8[%add3A_498, %broadcast_in_dim3A_499] : memref<64x512xf32, #tpu.memory_space<vmem>>[vector<16xi32>, vector<16xi32>], vector<16xf32>,
      tpu.vector_store_idx %arg10[%broadcast_in_dim3A_490, %add3A_498], %gather3A_500 : memref<128x128xf32, #tpu.memory_space<vmem>>[vector<16xi32>, vector<16xi32>], vector<16xf32>,
      %broadcast_in_dim3A_501 = arith.constant 32 : i32
      %broadcast_in_dim3A_502 = vector.broadcast %broadcast_in_dim3A_501 : i32 to vector<16xi32>
      %add3A_503 = arith.addi %broadcast_in_dim3A_502, %iota3A : vector<16xi32>
      %broadcast_in_dim3A_504 = vector.broadcast %sub3A_489 : i32 to vector<16xi32>
      %gather3A_505 = tpu.vector_load_idx %arg8[%add3A_503, %broadcast_in_dim3A_504] : memref<64x512xf32, #tpu.memory_space<vmem>>[vector<16xi32>, vector<16xi32>], vector<16xf32>,
      tpu.vector_store_idx %arg10[%broadcast_in_dim3A_490, %add3A_503], %gather3A_505 : memref<128x128xf32, #tpu.memory_space<vmem>>[vector<16xi32>, vector<16xi32>], vector<16xf32>,
      %broadcast_in_dim3A_506 = arith.constant 48 : i32
      %broadcast_in_dim3A_507 = vector.broadcast %broadcast_in_dim3A_506 : i32 to vector<16xi32>
      %add3A_508 = arith.addi %broadcast_in_dim3A_507, %iota3A : vector<16xi32>
      %broadcast_in_dim3A_509 = vector.broadcast %sub3A_489 : i32 to vector<16xi32>
      %gather3A_510 = tpu.vector_load_idx %arg8[%add3A_508, %broadcast_in_dim3A_509] : memref<64x512xf32, #tpu.memory_space<vmem>>[vector<16xi32>, vector<16xi32>], vector<16xf32>,
      tpu.vector_store_idx %arg10[%broadcast_in_dim3A_490, %add3A_508], %gather3A_510 : memref<128x128xf32, #tpu.memory_space<vmem>>[vector<16xi32>, vector<16xi32>], vector<16xf32>,
      %broadcast_in_dim3A_511 = vector.broadcast %squeeze3A_486 : i32 to vector<16xi32>
      tpu.vector_store_idx %arg11[%broadcast_in_dim3A_490], %broadcast_in_dim3A_511 : memref<128xi32, #tpu.memory_space<vmem>>[vector<16xi32>], vector<16xi32>,
      %add3A_512 = arith.constant 1 : i32
      %add3A_513 = arith.addi %while3A_479, %add3A_512 : i32
      scf.yield %add3A_513 : i32
    }
    %ge3A = arith.constant 64 : i32
    %ge3A_178 = arith.cmpi sge, %while3A_177, %ge3A : i32
    %convert_element_type3A = arith.extui %ge3A_178 : i1 to i32
    %cond3A = arith.constant 0 : i32
    %cond3A_179 = arith.cmpi ne, %convert_element_type3A, %cond3A : i32
    scf.if %cond3A_179 {
      %dma_start3A_478 = arith.constant 0 : i32
      %dma_start3A_479 = arith.constant 0 : i32
      %dma_start3A_480 = tpu.memref_slice %arg4[%dma_start3A_478, %dma_start3A_479] : memref<16512x128xf32, #tpu.memory_space<hbm>> -> memref<16512x128xf32, #tpu.memory_space<hbm>>
      tpu.enqueue_indirect_dma source(%arg10 : memref<128x128xf32, #tpu.memory_space<vmem>>) target(%dma_start3A_480 : memref<16512x128xf32, #tpu.memory_space<hbm>>) offsets(%arg11 : memref<128xi32, #tpu.memory_space<vmem>>) semaphore(%arg16 : memref<!tpu.dma_semaphore, #tpu.memory_space<semaphore_mem>>)
      %dma_wait3A_481 = arith.constant 0 : i32
      %dma_wait3A_482 = arith.constant 0 : i32
      %dma_wait3A_483 = tpu.memref_slice %arg4[%dma_wait3A_481, %dma_wait3A_482] : memref<16512x128xf32, #tpu.memory_space<hbm>> -> memref<16512x128xf32, #tpu.memory_space<hbm>>
      tpu.wait_indirect_dma semaphore(%arg16 : memref<!tpu.dma_semaphore, #tpu.memory_space<semaphore_mem>>) src(%arg10 : memref<128x128xf32, #tpu.memory_space<vmem>>) dst(%dma_wait3A_483 : memref<16512x128xf32, #tpu.memory_space<hbm>>)
      %broadcast_in_dim3A_484 = vector.broadcast %add3A_6 : i32 to vector<16xi32>
      %broadcast_in_dim3A_485 = arith.constant 3 : i32
      %broadcast_in_dim3A_486 = vector.broadcast %broadcast_in_dim3A_485 : i32 to vector<16xi32>
      %and3A_487 = arith.andi %iota3A, %broadcast_in_dim3A_486 : vector<16xi32>
      %add3A_488 = arith.addi %broadcast_in_dim3A_484, %and3A_487 : vector<16xi32>
      %swap3A_489 = arith.constant 0 : index
      %swap3A_490 = tpu.vector_load %arg11[%swap3A_489] {strides = array<i32>} : memref<128xi32, #tpu.memory_space<vmem>>, vector<16xi32>,
      tpu.vector_store %arg11[%swap3A_489], %add3A_488 {strides = array<i32>} : memref<128xi32, #tpu.memory_space<vmem>>, vector<16xi32>,
      %swap3A_491 = arith.constant 16 : index
      %swap3A_492 = tpu.vector_load %arg11[%swap3A_491] {strides = array<i32>} : memref<128xi32, #tpu.memory_space<vmem>>, vector<16xi32>,
      tpu.vector_store %arg11[%swap3A_491], %add3A_488 {strides = array<i32>} : memref<128xi32, #tpu.memory_space<vmem>>, vector<16xi32>,
      %swap3A_493 = arith.constant 32 : index
      %swap3A_494 = tpu.vector_load %arg11[%swap3A_493] {strides = array<i32>} : memref<128xi32, #tpu.memory_space<vmem>>, vector<16xi32>,
      tpu.vector_store %arg11[%swap3A_493], %add3A_488 {strides = array<i32>} : memref<128xi32, #tpu.memory_space<vmem>>, vector<16xi32>,
      %swap3A_495 = arith.constant 48 : index
      %swap3A_496 = tpu.vector_load %arg11[%swap3A_495] {strides = array<i32>} : memref<128xi32, #tpu.memory_space<vmem>>, vector<16xi32>,
      tpu.vector_store %arg11[%swap3A_495], %add3A_488 {strides = array<i32>} : memref<128xi32, #tpu.memory_space<vmem>>, vector<16xi32>,
      %swap3A_497 = arith.constant 64 : index
      %swap3A_498 = tpu.vector_load %arg11[%swap3A_497] {strides = array<i32>} : memref<128xi32, #tpu.memory_space<vmem>>, vector<16xi32>,
      tpu.vector_store %arg11[%swap3A_497], %add3A_488 {strides = array<i32>} : memref<128xi32, #tpu.memory_space<vmem>>, vector<16xi32>,
      %swap3A_499 = arith.constant 80 : index
      %swap3A_500 = tpu.vector_load %arg11[%swap3A_499] {strides = array<i32>} : memref<128xi32, #tpu.memory_space<vmem>>, vector<16xi32>,
      tpu.vector_store %arg11[%swap3A_499], %add3A_488 {strides = array<i32>} : memref<128xi32, #tpu.memory_space<vmem>>, vector<16xi32>,
      %swap3A_501 = arith.constant 96 : index
      %swap3A_502 = tpu.vector_load %arg11[%swap3A_501] {strides = array<i32>} : memref<128xi32, #tpu.memory_space<vmem>>, vector<16xi32>,
      tpu.vector_store %arg11[%swap3A_501], %add3A_488 {strides = array<i32>} : memref<128xi32, #tpu.memory_space<vmem>>, vector<16xi32>,
      %swap3A_503 = arith.constant 112 : index
      %swap3A_504 = tpu.vector_load %arg11[%swap3A_503] {strides = array<i32>} : memref<128xi32, #tpu.memory_space<vmem>>, vector<16xi32>,
      tpu.vector_store %arg11[%swap3A_503], %add3A_488 {strides = array<i32>} : memref<128xi32, #tpu.memory_space<vmem>>, vector<16xi32>,
    } else {
    }
    %ge3A_180 = arith.constant 64 : i32
    %ge3A_181 = arith.cmpi sge, %while3A_177, %ge3A_180 : i32
    %jit3A_182 = arith.constant 0 : i32
    %select_n3A_183 = arith.select %ge3A_181, %jit3A_182, %while3A_177 : i32
    %add3A_184 = arith.constant 8 : i32
    %add3A_185 = arith.addi %mul3A_2, %add3A_184 : i32
    %min3A_186 = arith.constant 7809 : i32
    %min3A_187 = arith.minsi %add3A_185, %min3A_186 : i32
    %sub3A_188 = arith.subi %min3A_187, %mul3A_2 : i32
    %broadcast_in_dim3A_189 = vector.broadcast %sub3A_188 : i32 to vector<16xi32>
    %add3A_190 = arith.addi %broadcast_in_dim3A_189, %iota3A : vector<16xi32>
    %gather3A = tpu.vector_load_idx %arg14[%add3A_190] : memref<264xi32, #tpu.memory_space<vmem>>[vector<16xi32>], vector<16xi32>,
    %slice3A = vector.extract_strided_slice %gather3A {offsets = [0], sizes = [1], strides = [1]} : vector<16xi32> to vector<1xi32>
    %squeeze3A = vector.extract %slice3A[0] : i32 from vector<1xi32>
    %ne3A_191 = arith.constant 0 : i32
    %ne3A_192 = arith.cmpi ne, %squeeze3A, %ne3A_191 : i32
    %convert_element_type3A_193 = arith.extui %ne3A_192 : i1 to i32
    %cond3A_194 = arith.constant 0 : i32
    %cond3A_195 = arith.cmpi ne, %convert_element_type3A_193, %cond3A_194 : i32
    scf.if %cond3A_195 {
      %add3A_478 = arith.constant 0 : i32
      %add3A_479 = arith.addi %min3A_187, %add3A_478 : i32
      %mul3A_480 = arith.constant 128 : i32
      %mul3A_481 = arith.muli %add3A_479, %mul3A_480 : i32
      %multiple_of3A_482 = tpu.assume_multiple %mul3A_481, 128 : i32
      %dma_start3A_483 = arith.constant 0 : i32
      %dma_start3A_484 = arith.constant 0 : i32
      %dma_start3A_485 = tpu.memref_slice %arg8[%dma_start3A_483, %dma_start3A_484] : memref<64x512xf32, #tpu.memory_space<vmem>> -> memref<64x128xf32, #tpu.memory_space<vmem>>
      %dma_start3A_486 = arith.constant 0 : i32
      %dma_start3A_487 = tpu.memref_slice %arg2[%dma_start3A_486, %multiple_of3A_482] : memref<64x1000000xf32, #tpu.memory_space<hbm>> -> memref<64x128xf32, #tpu.memory_space<hbm>>
      %dma_start3A_488 = arith.constant 0 : i32
      %dma_start3A_489 = arith.constant 0 : i32
      %dma_start3A_490 = tpu.memref_slice %arg8[%dma_start3A_488, %dma_start3A_489] : memref<64x512xf32, #tpu.memory_space<vmem>> -> memref<64x128xf32, #tpu.memory_space<vmem>>
      %dma_start3A_491 = arith.constant 0 : i32
      %dma_start3A_492 = tpu.memref_slice %arg2[%dma_start3A_491, %multiple_of3A_482] : memref<64x1000000xf32, #tpu.memory_space<hbm>> -> memref<64x128xf32, #tpu.memory_space<hbm>>
      tpu.enqueue_dma source(%dma_start3A_492 : memref<64x128xf32, #tpu.memory_space<hbm>>) target(%dma_start3A_490 : memref<64x128xf32, #tpu.memory_space<vmem>>) target_semaphore(%arg15 : memref<!tpu.dma_semaphore, #tpu.memory_space<semaphore_mem>>)
    } else {
    }
    %slice3A_196 = vector.extract_strided_slice %gather3A {offsets = [1], sizes = [1], strides = [1]} : vector<16xi32> to vector<1xi32>
    %squeeze3A_197 = vector.extract %slice3A_196[0] : i32 from vector<1xi32>
    %ne3A_198 = arith.constant 0 : i32
    %ne3A_199 = arith.cmpi ne, %squeeze3A_197, %ne3A_198 : i32
    %convert_element_type3A_200 = arith.extui %ne3A_199 : i1 to i32
    %cond3A_201 = arith.constant 0 : i32
    %cond3A_202 = arith.cmpi ne, %convert_element_type3A_200, %cond3A_201 : i32
    scf.if %cond3A_202 {
      %add3A_478 = arith.constant 1 : i32
      %add3A_479 = arith.addi %min3A_187, %add3A_478 : i32
      %mul3A_480 = arith.constant 128 : i32
      %mul3A_481 = arith.muli %add3A_479, %mul3A_480 : i32
      %multiple_of3A_482 = tpu.assume_multiple %mul3A_481, 128 : i32
      %dma_start3A_483 = arith.constant 0 : i32
      %dma_start3A_484 = arith.constant 128 : i32
      %dma_start3A_485 = tpu.memref_slice %arg8[%dma_start3A_483, %dma_start3A_484] : memref<64x512xf32, #tpu.memory_space<vmem>> -> memref<64x128xf32, #tpu.memory_space<vmem>>
      %dma_start3A_486 = arith.constant 0 : i32
      %dma_start3A_487 = tpu.memref_slice %arg2[%dma_start3A_486, %multiple_of3A_482] : memref<64x1000000xf32, #tpu.memory_space<hbm>> -> memref<64x128xf32, #tpu.memory_space<hbm>>
      %dma_start3A_488 = arith.constant 0 : i32
      %dma_start3A_489 = arith.constant 128 : i32
      %dma_start3A_490 = tpu.memref_slice %arg8[%dma_start3A_488, %dma_start3A_489] : memref<64x512xf32, #tpu.memory_space<vmem>> -> memref<64x128xf32, #tpu.memory_space<vmem>>
      %dma_start3A_491 = arith.constant 0 : i32
      %dma_start3A_492 = tpu.memref_slice %arg2[%dma_start3A_491, %multiple_of3A_482] : memref<64x1000000xf32, #tpu.memory_space<hbm>> -> memref<64x128xf32, #tpu.memory_space<hbm>>
      tpu.enqueue_dma source(%dma_start3A_492 : memref<64x128xf32, #tpu.memory_space<hbm>>) target(%dma_start3A_490 : memref<64x128xf32, #tpu.memory_space<vmem>>) target_semaphore(%arg15 : memref<!tpu.dma_semaphore, #tpu.memory_space<semaphore_mem>>)
    } else {
    }
    %slice3A_203 = vector.extract_strided_slice %gather3A {offsets = [2], sizes = [1], strides = [1]} : vector<16xi32> to vector<1xi32>
    %squeeze3A_204 = vector.extract %slice3A_203[0] : i32 from vector<1xi32>
    %ne3A_205 = arith.constant 0 : i32
    %ne3A_206 = arith.cmpi ne, %squeeze3A_204, %ne3A_205 : i32
    %convert_element_type3A_207 = arith.extui %ne3A_206 : i1 to i32
    %cond3A_208 = arith.constant 0 : i32
    %cond3A_209 = arith.cmpi ne, %convert_element_type3A_207, %cond3A_208 : i32
    scf.if %cond3A_209 {
      %add3A_478 = arith.constant 2 : i32
      %add3A_479 = arith.addi %min3A_187, %add3A_478 : i32
      %mul3A_480 = arith.constant 128 : i32
      %mul3A_481 = arith.muli %add3A_479, %mul3A_480 : i32
      %multiple_of3A_482 = tpu.assume_multiple %mul3A_481, 128 : i32
      %dma_start3A_483 = arith.constant 0 : i32
      %dma_start3A_484 = arith.constant 256 : i32
      %dma_start3A_485 = tpu.memref_slice %arg8[%dma_start3A_483, %dma_start3A_484] : memref<64x512xf32, #tpu.memory_space<vmem>> -> memref<64x128xf32, #tpu.memory_space<vmem>>
      %dma_start3A_486 = arith.constant 0 : i32
      %dma_start3A_487 = tpu.memref_slice %arg2[%dma_start3A_486, %multiple_of3A_482] : memref<64x1000000xf32, #tpu.memory_space<hbm>> -> memref<64x128xf32, #tpu.memory_space<hbm>>
      %dma_start3A_488 = arith.constant 0 : i32
      %dma_start3A_489 = arith.constant 256 : i32
      %dma_start3A_490 = tpu.memref_slice %arg8[%dma_start3A_488, %dma_start3A_489] : memref<64x512xf32, #tpu.memory_space<vmem>> -> memref<64x128xf32, #tpu.memory_space<vmem>>
      %dma_start3A_491 = arith.constant 0 : i32
      %dma_start3A_492 = tpu.memref_slice %arg2[%dma_start3A_491, %multiple_of3A_482] : memref<64x1000000xf32, #tpu.memory_space<hbm>> -> memref<64x128xf32, #tpu.memory_space<hbm>>
      tpu.enqueue_dma source(%dma_start3A_492 : memref<64x128xf32, #tpu.memory_space<hbm>>) target(%dma_start3A_490 : memref<64x128xf32, #tpu.memory_space<vmem>>) target_semaphore(%arg15 : memref<!tpu.dma_semaphore, #tpu.memory_space<semaphore_mem>>)
    } else {
    }
    %slice3A_210 = vector.extract_strided_slice %gather3A {offsets = [3], sizes = [1], strides = [1]} : vector<16xi32> to vector<1xi32>
    %squeeze3A_211 = vector.extract %slice3A_210[0] : i32 from vector<1xi32>
    %ne3A_212 = arith.constant 0 : i32
    %ne3A_213 = arith.cmpi ne, %squeeze3A_211, %ne3A_212 : i32
    %convert_element_type3A_214 = arith.extui %ne3A_213 : i1 to i32
    %cond3A_215 = arith.constant 0 : i32
    %cond3A_216 = arith.cmpi ne, %convert_element_type3A_214, %cond3A_215 : i32
    scf.if %cond3A_216 {
      %add3A_478 = arith.constant 3 : i32
      %add3A_479 = arith.addi %min3A_187, %add3A_478 : i32
      %mul3A_480 = arith.constant 128 : i32
      %mul3A_481 = arith.muli %add3A_479, %mul3A_480 : i32
      %multiple_of3A_482 = tpu.assume_multiple %mul3A_481, 128 : i32
      %dma_start3A_483 = arith.constant 0 : i32
      %dma_start3A_484 = arith.constant 384 : i32
      %dma_start3A_485 = tpu.memref_slice %arg8[%dma_start3A_483, %dma_start3A_484] : memref<64x512xf32, #tpu.memory_space<vmem>> -> memref<64x128xf32, #tpu.memory_space<vmem>>
      %dma_start3A_486 = arith.constant 0 : i32
      %dma_start3A_487 = tpu.memref_slice %arg2[%dma_start3A_486, %multiple_of3A_482] : memref<64x1000000xf32, #tpu.memory_space<hbm>> -> memref<64x128xf32, #tpu.memory_space<hbm>>
      %dma_start3A_488 = arith.constant 0 : i32
      %dma_start3A_489 = arith.constant 384 : i32
      %dma_start3A_490 = tpu.memref_slice %arg8[%dma_start3A_488, %dma_start3A_489] : memref<64x512xf32, #tpu.memory_space<vmem>> -> memref<64x128xf32, #tpu.memory_space<vmem>>
      %dma_start3A_491 = arith.constant 0 : i32
      %dma_start3A_492 = tpu.memref_slice %arg2[%dma_start3A_491, %multiple_of3A_482] : memref<64x1000000xf32, #tpu.memory_space<hbm>> -> memref<64x128xf32, #tpu.memory_space<hbm>>
      tpu.enqueue_dma source(%dma_start3A_492 : memref<64x128xf32, #tpu.memory_space<hbm>>) target(%dma_start3A_490 : memref<64x128xf32, #tpu.memory_space<vmem>>) target_semaphore(%arg15 : memref<!tpu.dma_semaphore, #tpu.memory_space<semaphore_mem>>)
    } else {
    }
    %dma_wait3A_217 = arith.constant 0 : i32
    %dma_wait3A_218 = arith.constant 0 : i32
    %dma_wait3A_219 = tpu.memref_slice %arg2[%dma_wait3A_217, %dma_wait3A_218] : memref<64x1000000xf32, #tpu.memory_space<hbm>> -> memref<64x512xf32, #tpu.memory_space<hbm>>
    %dma_wait3A_220 = arith.constant 0 : i32
    %dma_wait3A_221 = arith.constant 0 : i32
    %dma_wait3A_222 = tpu.memref_slice %arg2[%dma_wait3A_220, %dma_wait3A_221] : memref<64x1000000xf32, #tpu.memory_space<hbm>> -> memref<64x512xf32, #tpu.memory_space<hbm>>
    tpu.wait_dma2 semaphore(%arg15 : memref<!tpu.dma_semaphore, #tpu.memory_space<semaphore_mem>>) src(%dma_wait3A_222 : memref<64x512xf32, #tpu.memory_space<hbm>>) dst(%arg8 : memref<64x512xf32, #tpu.memory_space<vmem>>)
    %add3A_223 = arith.constant 4 : i32
    %add3A_224 = arith.addi %mul3A_2, %add3A_223 : i32
    %min3A_225 = arith.constant 7809 : i32
    %min3A_226 = arith.minsi %add3A_224, %min3A_225 : i32
    %while3A_227 = arith.constant 0 : i32
    %while3A_228 = arith.constant 0 : i32
    %while3A_229 = arith.subi %select_n3A, %while3A_227 : i32
    %while3A_230 = arith.addi %while3A_227, %while3A_229 : i32
    %while3A_231 = arith.constant 1 : i32
    %while3A_232 = arith.divsi %while3A_229, %while3A_231 : i32
    %while3A_233 = arith.muli %while3A_232, %while3A_231 : i32
    %while3A_234 = arith.addi %while3A_227, %while3A_233 : i32
    %while3A_235 = arith.constant 1 : i32
    %while3A_236 = scf.for %while3A_478 = %while3A_227 to %while3A_234 step %while3A_235 iter_args(%while3A_479 = %while3A_228) -> (i32)  : i32 {
      %mul3A_480 = arith.constant 16 : i32
      %mul3A_481 = arith.muli %while3A_478, %mul3A_480 : i32
      %get3A = arith.index_cast %mul3A_481 : i32 to index
      %get3A_482 = tpu.vector_load %arg6[%get3A] {strides = array<i32>} : memref<1024xi32, #tpu.memory_space<vmem>>, vector<16xi32>,
      %mul3A_483 = arith.constant 16 : i32
      %mul3A_484 = arith.muli %while3A_478, %mul3A_483 : i32
      %get3A_485 = arith.index_cast %mul3A_484 : i32 to index
      %get3A_486 = tpu.vector_load %arg7[%get3A_485] {strides = array<i32>} : memref<1024xi32, #tpu.memory_space<vmem>>, vector<16xi32>,
      %broadcast_in_dim3A_487 = arith.constant 7 : i32
      %broadcast_in_dim3A_488 = vector.broadcast %broadcast_in_dim3A_487 : i32 to vector<16xi32>
      %shift_right_logical3A = arith.shrui %get3A_482, %broadcast_in_dim3A_488 : vector<16xi32>
      %broadcast_in_dim3A_489 = vector.broadcast %min3A_226 : i32 to vector<16xi32>
      %ge3A_490 = arith.cmpi sge, %shift_right_logical3A, %broadcast_in_dim3A_489 : vector<16xi32>
      %add3A_491 = arith.constant 4 : i32
      %add3A_492 = arith.addi %min3A_226, %add3A_491 : i32
      %broadcast_in_dim3A_493 = vector.broadcast %add3A_492 : i32 to vector<16xi32>
      %lt3A = arith.cmpi slt, %shift_right_logical3A, %broadcast_in_dim3A_493 : vector<16xi32>
      %and3A_494 = arith.andi %ge3A_490, %lt3A : vector<16xi1>
      %broadcast_in_dim3A_495 = arith.constant 1 : i32
      %broadcast_in_dim3A_496 = vector.broadcast %broadcast_in_dim3A_495 : i32 to vector<16xi32>
      %broadcast_in_dim3A_497 = arith.constant 0 : i32
      %broadcast_in_dim3A_498 = vector.broadcast %broadcast_in_dim3A_497 : i32 to vector<16xi32>
      %select_n3A_499 = arith.select %and3A_494, %broadcast_in_dim3A_496, %broadcast_in_dim3A_498 : vector<16xi1>, vector<16xi32>
      %broadcast_in_dim3A_500 = arith.constant true
      %broadcast_in_dim3A_501 = vector.broadcast %broadcast_in_dim3A_500 : i1 to vector<16xi1>
      %masked_cumsum3A = tpu.scan <sum>, %select_n3A_499 masked %broadcast_in_dim3A_501 : vector<16xi32>, vector<16xi1> -> vector<16xi32>
      %broadcast_in_dim3A_502 = arith.constant 1 : i32
      %broadcast_in_dim3A_503 = vector.broadcast %broadcast_in_dim3A_502 : i32 to vector<16xi32>
      %sub3A_504 = arith.subi %masked_cumsum3A, %broadcast_in_dim3A_503 : vector<16xi32>
      %broadcast_in_dim3A_505 = vector.broadcast %while3A_479 : i32 to vector<16xi32>
      %add3A_506 = arith.addi %broadcast_in_dim3A_505, %sub3A_504 : vector<16xi32>
      %broadcast_in_dim3A_507 = arith.constant 64 : i32
      %broadcast_in_dim3A_508 = vector.broadcast %broadcast_in_dim3A_507 : i32 to vector<16xi32>
      %add3A_509 = arith.addi %broadcast_in_dim3A_508, %iota3A : vector<16xi32>
      %select_n3A_510 = arith.select %and3A_494, %add3A_506, %add3A_509 : vector<16xi1>, vector<16xi32>
      %broadcast_in_dim3A_511 = arith.constant 79 : i32
      %broadcast_in_dim3A_512 = vector.broadcast %broadcast_in_dim3A_511 : i32 to vector<16xi32>
      %min3A_513 = arith.minsi %select_n3A_510, %broadcast_in_dim3A_512 : vector<16xi32>
      tpu.vector_store_idx %arg12[%min3A_513], %get3A_482 : memref<80xi32, #tpu.memory_space<vmem>>[vector<16xi32>], vector<16xi32>,
      tpu.vector_store_idx %arg13[%min3A_513], %get3A_486 : memref<80xi32, #tpu.memory_space<vmem>>[vector<16xi32>], vector<16xi32>,
      %all_reduce_population_count3A = tpu.all_reduce %and3A_494 {dim = 0 : i64, kind = #tpu.reduction_kind<sum>} : vector<16xi1> -> vector<16xi32>
      %slice3A_514 = vector.extract_strided_slice %all_reduce_population_count3A {offsets = [0], sizes = [1], strides = [1]} : vector<16xi32> to vector<1xi32>
      %squeeze3A_515 = vector.extract %slice3A_514[0] : i32 from vector<1xi32>
      %add3A_516 = arith.addi %while3A_479, %squeeze3A_515 : i32
      scf.yield %add3A_516 : i32
    }
    %while3A_237 = arith.constant 1 : i32
    %while3A_238 = scf.for %while3A_478 = %while3A_234 to %while3A_230 step %while3A_237 iter_args(%while3A_479 = %while3A_236) -> (i32)  : i32 {
      %mul3A_480 = arith.constant 16 : i32
      %mul3A_481 = arith.muli %while3A_478, %mul3A_480 : i32
      %get3A = arith.index_cast %mul3A_481 : i32 to index
      %get3A_482 = tpu.vector_load %arg6[%get3A] {strides = array<i32>} : memref<1024xi32, #tpu.memory_space<vmem>>, vector<16xi32>,
      %mul3A_483 = arith.constant 16 : i32
      %mul3A_484 = arith.muli %while3A_478, %mul3A_483 : i32
      %get3A_485 = arith.index_cast %mul3A_484 : i32 to index
      %get3A_486 = tpu.vector_load %arg7[%get3A_485] {strides = array<i32>} : memref<1024xi32, #tpu.memory_space<vmem>>, vector<16xi32>,
      %broadcast_in_dim3A_487 = arith.constant 7 : i32
      %broadcast_in_dim3A_488 = vector.broadcast %broadcast_in_dim3A_487 : i32 to vector<16xi32>
      %shift_right_logical3A = arith.shrui %get3A_482, %broadcast_in_dim3A_488 : vector<16xi32>
      %broadcast_in_dim3A_489 = vector.broadcast %min3A_226 : i32 to vector<16xi32>
      %ge3A_490 = arith.cmpi sge, %shift_right_logical3A, %broadcast_in_dim3A_489 : vector<16xi32>
      %add3A_491 = arith.constant 4 : i32
      %add3A_492 = arith.addi %min3A_226, %add3A_491 : i32
      %broadcast_in_dim3A_493 = vector.broadcast %add3A_492 : i32 to vector<16xi32>
      %lt3A = arith.cmpi slt, %shift_right_logical3A, %broadcast_in_dim3A_493 : vector<16xi32>
      %and3A_494 = arith.andi %ge3A_490, %lt3A : vector<16xi1>
      %broadcast_in_dim3A_495 = arith.constant 1 : i32
      %broadcast_in_dim3A_496 = vector.broadcast %broadcast_in_dim3A_495 : i32 to vector<16xi32>
      %broadcast_in_dim3A_497 = arith.constant 0 : i32
      %broadcast_in_dim3A_498 = vector.broadcast %broadcast_in_dim3A_497 : i32 to vector<16xi32>
      %select_n3A_499 = arith.select %and3A_494, %broadcast_in_dim3A_496, %broadcast_in_dim3A_498 : vector<16xi1>, vector<16xi32>
      %broadcast_in_dim3A_500 = arith.constant true
      %broadcast_in_dim3A_501 = vector.broadcast %broadcast_in_dim3A_500 : i1 to vector<16xi1>
      %masked_cumsum3A = tpu.scan <sum>, %select_n3A_499 masked %broadcast_in_dim3A_501 : vector<16xi32>, vector<16xi1> -> vector<16xi32>
      %broadcast_in_dim3A_502 = arith.constant 1 : i32
      %broadcast_in_dim3A_503 = vector.broadcast %broadcast_in_dim3A_502 : i32 to vector<16xi32>
      %sub3A_504 = arith.subi %masked_cumsum3A, %broadcast_in_dim3A_503 : vector<16xi32>
      %broadcast_in_dim3A_505 = vector.broadcast %while3A_479 : i32 to vector<16xi32>
      %add3A_506 = arith.addi %broadcast_in_dim3A_505, %sub3A_504 : vector<16xi32>
      %broadcast_in_dim3A_507 = arith.constant 64 : i32
      %broadcast_in_dim3A_508 = vector.broadcast %broadcast_in_dim3A_507 : i32 to vector<16xi32>
      %add3A_509 = arith.addi %broadcast_in_dim3A_508, %iota3A : vector<16xi32>
      %select_n3A_510 = arith.select %and3A_494, %add3A_506, %add3A_509 : vector<16xi1>, vector<16xi32>
      %broadcast_in_dim3A_511 = arith.constant 79 : i32
      %broadcast_in_dim3A_512 = vector.broadcast %broadcast_in_dim3A_511 : i32 to vector<16xi32>
      %min3A_513 = arith.minsi %select_n3A_510, %broadcast_in_dim3A_512 : vector<16xi32>
      tpu.vector_store_idx %arg12[%min3A_513], %get3A_482 : memref<80xi32, #tpu.memory_space<vmem>>[vector<16xi32>], vector<16xi32>,
      tpu.vector_store_idx %arg13[%min3A_513], %get3A_486 : memref<80xi32, #tpu.memory_space<vmem>>[vector<16xi32>], vector<16xi32>,
      %all_reduce_population_count3A = tpu.all_reduce %and3A_494 {dim = 0 : i64, kind = #tpu.reduction_kind<sum>} : vector<16xi1> -> vector<16xi32>
      %slice3A_514 = vector.extract_strided_slice %all_reduce_population_count3A {offsets = [0], sizes = [1], strides = [1]} : vector<16xi32> to vector<1xi32>
      %squeeze3A_515 = vector.extract %slice3A_514[0] : i32 from vector<1xi32>
      %add3A_516 = arith.addi %while3A_479, %squeeze3A_515 : i32
      scf.yield %add3A_516 : i32
    }
    %min3A_239 = arith.constant 64 : i32
    %min3A_240 = arith.minsi %while3A_238, %min3A_239 : i32
    %while3A_241 = arith.constant 0 : i32
    %while3A_242 = arith.subi %min3A_240, %while3A_241 : i32
    %while3A_243 = arith.addi %while3A_241, %while3A_242 : i32
    %while3A_244 = arith.constant 1 : i32
    %while3A_245 = arith.divsi %while3A_242, %while3A_244 : i32
    %while3A_246 = arith.muli %while3A_245, %while3A_244 : i32
    %while3A_247 = arith.addi %while3A_241, %while3A_246 : i32
    %while3A_248 = arith.constant 1 : i32
    %while3A_249 = scf.for %while3A_478 = %while3A_241 to %while3A_247 step %while3A_248 iter_args(%while3A_479 = %select_n3A_183) -> (i32)  : i32 {
      %broadcast_in_dim3A_480 = vector.broadcast %while3A_478 : i32 to vector<16xi32>
      %gather3A_481 = tpu.vector_load_idx %arg12[%broadcast_in_dim3A_480] : memref<80xi32, #tpu.memory_space<vmem>>[vector<16xi32>], vector<16xi32>,
      %slice3A_482 = vector.extract_strided_slice %gather3A_481 {offsets = [0], sizes = [1], strides = [1]} : vector<16xi32> to vector<1xi32>
      %squeeze3A_483 = vector.extract %slice3A_482[0] : i32 from vector<1xi32>
      %gather3A_484 = tpu.vector_load_idx %arg13[%broadcast_in_dim3A_480] : memref<80xi32, #tpu.memory_space<vmem>>[vector<16xi32>], vector<16xi32>,
      %slice3A_485 = vector.extract_strided_slice %gather3A_484 {offsets = [0], sizes = [1], strides = [1]} : vector<16xi32> to vector<1xi32>
      %squeeze3A_486 = vector.extract %slice3A_485[0] : i32 from vector<1xi32>
      %mul3A_487 = arith.constant 128 : i32
      %mul3A_488 = arith.muli %min3A_226, %mul3A_487 : i32
      %sub3A_489 = arith.subi %squeeze3A_483, %mul3A_488 : i32
      %broadcast_in_dim3A_490 = vector.broadcast %while3A_479 : i32 to vector<16xi32>
      %broadcast_in_dim3A_491 = arith.constant 0 : i32
      %broadcast_in_dim3A_492 = vector.broadcast %broadcast_in_dim3A_491 : i32 to vector<16xi32>
      %add3A_493 = arith.addi %broadcast_in_dim3A_492, %iota3A : vector<16xi32>
      %broadcast_in_dim3A_494 = vector.broadcast %sub3A_489 : i32 to vector<16xi32>
      %gather3A_495 = tpu.vector_load_idx %arg9[%add3A_493, %broadcast_in_dim3A_494] : memref<64x512xf32, #tpu.memory_space<vmem>>[vector<16xi32>, vector<16xi32>], vector<16xf32>,
      tpu.vector_store_idx %arg10[%broadcast_in_dim3A_490, %add3A_493], %gather3A_495 : memref<128x128xf32, #tpu.memory_space<vmem>>[vector<16xi32>, vector<16xi32>], vector<16xf32>,
      %broadcast_in_dim3A_496 = arith.constant 16 : i32
      %broadcast_in_dim3A_497 = vector.broadcast %broadcast_in_dim3A_496 : i32 to vector<16xi32>
      %add3A_498 = arith.addi %broadcast_in_dim3A_497, %iota3A : vector<16xi32>
      %broadcast_in_dim3A_499 = vector.broadcast %sub3A_489 : i32 to vector<16xi32>
      %gather3A_500 = tpu.vector_load_idx %arg9[%add3A_498, %broadcast_in_dim3A_499] : memref<64x512xf32, #tpu.memory_space<vmem>>[vector<16xi32>, vector<16xi32>], vector<16xf32>,
      tpu.vector_store_idx %arg10[%broadcast_in_dim3A_490, %add3A_498], %gather3A_500 : memref<128x128xf32, #tpu.memory_space<vmem>>[vector<16xi32>, vector<16xi32>], vector<16xf32>,
      %broadcast_in_dim3A_501 = arith.constant 32 : i32
      %broadcast_in_dim3A_502 = vector.broadcast %broadcast_in_dim3A_501 : i32 to vector<16xi32>
      %add3A_503 = arith.addi %broadcast_in_dim3A_502, %iota3A : vector<16xi32>
      %broadcast_in_dim3A_504 = vector.broadcast %sub3A_489 : i32 to vector<16xi32>
      %gather3A_505 = tpu.vector_load_idx %arg9[%add3A_503, %broadcast_in_dim3A_504] : memref<64x512xf32, #tpu.memory_space<vmem>>[vector<16xi32>, vector<16xi32>], vector<16xf32>,
      tpu.vector_store_idx %arg10[%broadcast_in_dim3A_490, %add3A_503], %gather3A_505 : memref<128x128xf32, #tpu.memory_space<vmem>>[vector<16xi32>, vector<16xi32>], vector<16xf32>,
      %broadcast_in_dim3A_506 = arith.constant 48 : i32
      %broadcast_in_dim3A_507 = vector.broadcast %broadcast_in_dim3A_506 : i32 to vector<16xi32>
      %add3A_508 = arith.addi %broadcast_in_dim3A_507, %iota3A : vector<16xi32>
      %broadcast_in_dim3A_509 = vector.broadcast %sub3A_489 : i32 to vector<16xi32>
      %gather3A_510 = tpu.vector_load_idx %arg9[%add3A_508, %broadcast_in_dim3A_509] : memref<64x512xf32, #tpu.memory_space<vmem>>[vector<16xi32>, vector<16xi32>], vector<16xf32>,
      tpu.vector_store_idx %arg10[%broadcast_in_dim3A_490, %add3A_508], %gather3A_510 : memref<128x128xf32, #tpu.memory_space<vmem>>[vector<16xi32>, vector<16xi32>], vector<16xf32>,
      %broadcast_in_dim3A_511 = vector.broadcast %squeeze3A_486 : i32 to vector<16xi32>
      tpu.vector_store_idx %arg11[%broadcast_in_dim3A_490], %broadcast_in_dim3A_511 : memref<128xi32, #tpu.memory_space<vmem>>[vector<16xi32>], vector<16xi32>,
      %add3A_512 = arith.constant 1 : i32
      %add3A_513 = arith.addi %while3A_479, %add3A_512 : i32
      scf.yield %add3A_513 : i32
    }
    %while3A_250 = arith.constant 1 : i32
    %while3A_251 = scf.for %while3A_478 = %while3A_247 to %while3A_243 step %while3A_250 iter_args(%while3A_479 = %while3A_249) -> (i32)  : i32 {
      %broadcast_in_dim3A_480 = vector.broadcast %while3A_478 : i32 to vector<16xi32>
      %gather3A_481 = tpu.vector_load_idx %arg12[%broadcast_in_dim3A_480] : memref<80xi32, #tpu.memory_space<vmem>>[vector<16xi32>], vector<16xi32>,
      %slice3A_482 = vector.extract_strided_slice %gather3A_481 {offsets = [0], sizes = [1], strides = [1]} : vector<16xi32> to vector<1xi32>
      %squeeze3A_483 = vector.extract %slice3A_482[0] : i32 from vector<1xi32>
      %gather3A_484 = tpu.vector_load_idx %arg13[%broadcast_in_dim3A_480] : memref<80xi32, #tpu.memory_space<vmem>>[vector<16xi32>], vector<16xi32>,
      %slice3A_485 = vector.extract_strided_slice %gather3A_484 {offsets = [0], sizes = [1], strides = [1]} : vector<16xi32> to vector<1xi32>
      %squeeze3A_486 = vector.extract %slice3A_485[0] : i32 from vector<1xi32>
      %mul3A_487 = arith.constant 128 : i32
      %mul3A_488 = arith.muli %min3A_226, %mul3A_487 : i32
      %sub3A_489 = arith.subi %squeeze3A_483, %mul3A_488 : i32
      %broadcast_in_dim3A_490 = vector.broadcast %while3A_479 : i32 to vector<16xi32>
      %broadcast_in_dim3A_491 = arith.constant 0 : i32
      %broadcast_in_dim3A_492 = vector.broadcast %broadcast_in_dim3A_491 : i32 to vector<16xi32>
      %add3A_493 = arith.addi %broadcast_in_dim3A_492, %iota3A : vector<16xi32>
      %broadcast_in_dim3A_494 = vector.broadcast %sub3A_489 : i32 to vector<16xi32>
      %gather3A_495 = tpu.vector_load_idx %arg9[%add3A_493, %broadcast_in_dim3A_494] : memref<64x512xf32, #tpu.memory_space<vmem>>[vector<16xi32>, vector<16xi32>], vector<16xf32>,
      tpu.vector_store_idx %arg10[%broadcast_in_dim3A_490, %add3A_493], %gather3A_495 : memref<128x128xf32, #tpu.memory_space<vmem>>[vector<16xi32>, vector<16xi32>], vector<16xf32>,
      %broadcast_in_dim3A_496 = arith.constant 16 : i32
      %broadcast_in_dim3A_497 = vector.broadcast %broadcast_in_dim3A_496 : i32 to vector<16xi32>
      %add3A_498 = arith.addi %broadcast_in_dim3A_497, %iota3A : vector<16xi32>
      %broadcast_in_dim3A_499 = vector.broadcast %sub3A_489 : i32 to vector<16xi32>
      %gather3A_500 = tpu.vector_load_idx %arg9[%add3A_498, %broadcast_in_dim3A_499] : memref<64x512xf32, #tpu.memory_space<vmem>>[vector<16xi32>, vector<16xi32>], vector<16xf32>,
      tpu.vector_store_idx %arg10[%broadcast_in_dim3A_490, %add3A_498], %gather3A_500 : memref<128x128xf32, #tpu.memory_space<vmem>>[vector<16xi32>, vector<16xi32>], vector<16xf32>,
      %broadcast_in_dim3A_501 = arith.constant 32 : i32
      %broadcast_in_dim3A_502 = vector.broadcast %broadcast_in_dim3A_501 : i32 to vector<16xi32>
      %add3A_503 = arith.addi %broadcast_in_dim3A_502, %iota3A : vector<16xi32>
      %broadcast_in_dim3A_504 = vector.broadcast %sub3A_489 : i32 to vector<16xi32>
      %gather3A_505 = tpu.vector_load_idx %arg9[%add3A_503, %broadcast_in_dim3A_504] : memref<64x512xf32, #tpu.memory_space<vmem>>[vector<16xi32>, vector<16xi32>], vector<16xf32>,
      tpu.vector_store_idx %arg10[%broadcast_in_dim3A_490, %add3A_503], %gather3A_505 : memref<128x128xf32, #tpu.memory_space<vmem>>[vector<16xi32>, vector<16xi32>], vector<16xf32>,
      %broadcast_in_dim3A_506 = arith.constant 48 : i32
      %broadcast_in_dim3A_507 = vector.broadcast %broadcast_in_dim3A_506 : i32 to vector<16xi32>
      %add3A_508 = arith.addi %broadcast_in_dim3A_507, %iota3A : vector<16xi32>
      %broadcast_in_dim3A_509 = vector.broadcast %sub3A_489 : i32 to vector<16xi32>
      %gather3A_510 = tpu.vector_load_idx %arg9[%add3A_508, %broadcast_in_dim3A_509] : memref<64x512xf32, #tpu.memory_space<vmem>>[vector<16xi32>, vector<16xi32>], vector<16xf32>,
      tpu.vector_store_idx %arg10[%broadcast_in_dim3A_490, %add3A_508], %gather3A_510 : memref<128x128xf32, #tpu.memory_space<vmem>>[vector<16xi32>, vector<16xi32>], vector<16xf32>,
      %broadcast_in_dim3A_511 = vector.broadcast %squeeze3A_486 : i32 to vector<16xi32>
      tpu.vector_store_idx %arg11[%broadcast_in_dim3A_490], %broadcast_in_dim3A_511 : memref<128xi32, #tpu.memory_space<vmem>>[vector<16xi32>], vector<16xi32>,
      %add3A_512 = arith.constant 1 : i32
      %add3A_513 = arith.addi %while3A_479, %add3A_512 : i32
      scf.yield %add3A_513 : i32
    }
    %ge3A_252 = arith.constant 64 : i32
    %ge3A_253 = arith.cmpi sge, %while3A_251, %ge3A_252 : i32
    %convert_element_type3A_254 = arith.extui %ge3A_253 : i1 to i32
    %cond3A_255 = arith.constant 0 : i32
    %cond3A_256 = arith.cmpi ne, %convert_element_type3A_254, %cond3A_255 : i32
    scf.if %cond3A_256 {
      %dma_start3A_478 = arith.constant 0 : i32
      %dma_start3A_479 = arith.constant 0 : i32
      %dma_start3A_480 = tpu.memref_slice %arg4[%dma_start3A_478, %dma_start3A_479] : memref<16512x128xf32, #tpu.memory_space<hbm>> -> memref<16512x128xf32, #tpu.memory_space<hbm>>
      tpu.enqueue_indirect_dma source(%arg10 : memref<128x128xf32, #tpu.memory_space<vmem>>) target(%dma_start3A_480 : memref<16512x128xf32, #tpu.memory_space<hbm>>) offsets(%arg11 : memref<128xi32, #tpu.memory_space<vmem>>) semaphore(%arg16 : memref<!tpu.dma_semaphore, #tpu.memory_space<semaphore_mem>>)
      %dma_wait3A_481 = arith.constant 0 : i32
      %dma_wait3A_482 = arith.constant 0 : i32
      %dma_wait3A_483 = tpu.memref_slice %arg4[%dma_wait3A_481, %dma_wait3A_482] : memref<16512x128xf32, #tpu.memory_space<hbm>> -> memref<16512x128xf32, #tpu.memory_space<hbm>>
      tpu.wait_indirect_dma semaphore(%arg16 : memref<!tpu.dma_semaphore, #tpu.memory_space<semaphore_mem>>) src(%arg10 : memref<128x128xf32, #tpu.memory_space<vmem>>) dst(%dma_wait3A_483 : memref<16512x128xf32, #tpu.memory_space<hbm>>)
      %broadcast_in_dim3A_484 = vector.broadcast %add3A_6 : i32 to vector<16xi32>
      %broadcast_in_dim3A_485 = arith.constant 3 : i32
      %broadcast_in_dim3A_486 = vector.broadcast %broadcast_in_dim3A_485 : i32 to vector<16xi32>
      %and3A_487 = arith.andi %iota3A, %broadcast_in_dim3A_486 : vector<16xi32>
      %add3A_488 = arith.addi %broadcast_in_dim3A_484, %and3A_487 : vector<16xi32>
      %swap3A_489 = arith.constant 0 : index
      %swap3A_490 = tpu.vector_load %arg11[%swap3A_489] {strides = array<i32>} : memref<128xi32, #tpu.memory_space<vmem>>, vector<16xi32>,
      tpu.vector_store %arg11[%swap3A_489], %add3A_488 {strides = array<i32>} : memref<128xi32, #tpu.memory_space<vmem>>, vector<16xi32>,
      %swap3A_491 = arith.constant 16 : index
      %swap3A_492 = tpu.vector_load %arg11[%swap3A_491] {strides = array<i32>} : memref<128xi32, #tpu.memory_space<vmem>>, vector<16xi32>,
      tpu.vector_store %arg11[%swap3A_491], %add3A_488 {strides = array<i32>} : memref<128xi32, #tpu.memory_space<vmem>>, vector<16xi32>,
      %swap3A_493 = arith.constant 32 : index
      %swap3A_494 = tpu.vector_load %arg11[%swap3A_493] {strides = array<i32>} : memref<128xi32, #tpu.memory_space<vmem>>, vector<16xi32>,
      tpu.vector_store %arg11[%swap3A_493], %add3A_488 {strides = array<i32>} : memref<128xi32, #tpu.memory_space<vmem>>, vector<16xi32>,
      %swap3A_495 = arith.constant 48 : index
      %swap3A_496 = tpu.vector_load %arg11[%swap3A_495] {strides = array<i32>} : memref<128xi32, #tpu.memory_space<vmem>>, vector<16xi32>,
      tpu.vector_store %arg11[%swap3A_495], %add3A_488 {strides = array<i32>} : memref<128xi32, #tpu.memory_space<vmem>>, vector<16xi32>,
      %swap3A_497 = arith.constant 64 : index
      %swap3A_498 = tpu.vector_load %arg11[%swap3A_497] {strides = array<i32>} : memref<128xi32, #tpu.memory_space<vmem>>, vector<16xi32>,
      tpu.vector_store %arg11[%swap3A_497], %add3A_488 {strides = array<i32>} : memref<128xi32, #tpu.memory_space<vmem>>, vector<16xi32>,
      %swap3A_499 = arith.constant 80 : index
      %swap3A_500 = tpu.vector_load %arg11[%swap3A_499] {strides = array<i32>} : memref<128xi32, #tpu.memory_space<vmem>>, vector<16xi32>,
      tpu.vector_store %arg11[%swap3A_499], %add3A_488 {strides = array<i32>} : memref<128xi32, #tpu.memory_space<vmem>>, vector<16xi32>,
      %swap3A_501 = arith.constant 96 : index
      %swap3A_502 = tpu.vector_load %arg11[%swap3A_501] {strides = array<i32>} : memref<128xi32, #tpu.memory_space<vmem>>, vector<16xi32>,
      tpu.vector_store %arg11[%swap3A_501], %add3A_488 {strides = array<i32>} : memref<128xi32, #tpu.memory_space<vmem>>, vector<16xi32>,
      %swap3A_503 = arith.constant 112 : index
      %swap3A_504 = tpu.vector_load %arg11[%swap3A_503] {strides = array<i32>} : memref<128xi32, #tpu.memory_space<vmem>>, vector<16xi32>,
      tpu.vector_store %arg11[%swap3A_503], %add3A_488 {strides = array<i32>} : memref<128xi32, #tpu.memory_space<vmem>>, vector<16xi32>,
    } else {
    }
    %ge3A_257 = arith.constant 64 : i32
    %ge3A_258 = arith.cmpi sge, %while3A_251, %ge3A_257 : i32
    %jit3A_259 = arith.constant 0 : i32
    %select_n3A_260 = arith.select %ge3A_258, %jit3A_259, %while3A_251 : i32
    %add3A_261 = arith.constant 12 : i32
    %add3A_262 = arith.addi %mul3A_2, %add3A_261 : i32
    %min3A_263 = arith.constant 7809 : i32
    %min3A_264 = arith.minsi %add3A_262, %min3A_263 : i32
    %sub3A_265 = arith.subi %min3A_264, %mul3A_2 : i32
    %broadcast_in_dim3A_266 = vector.broadcast %sub3A_265 : i32 to vector<16xi32>
    %add3A_267 = arith.addi %broadcast_in_dim3A_266, %iota3A : vector<16xi32>
    %gather3A_268 = tpu.vector_load_idx %arg14[%add3A_267] : memref<264xi32, #tpu.memory_space<vmem>>[vector<16xi32>], vector<16xi32>,
    %slice3A_269 = vector.extract_strided_slice %gather3A_268 {offsets = [0], sizes = [1], strides = [1]} : vector<16xi32> to vector<1xi32>
    %squeeze3A_270 = vector.extract %slice3A_269[0] : i32 from vector<1xi32>
    %ne3A_271 = arith.constant 0 : i32
    %ne3A_272 = arith.cmpi ne, %squeeze3A_270, %ne3A_271 : i32
    %convert_element_type3A_273 = arith.extui %ne3A_272 : i1 to i32
    %cond3A_274 = arith.constant 0 : i32
    %cond3A_275 = arith.cmpi ne, %convert_element_type3A_273, %cond3A_274 : i32
    scf.if %cond3A_275 {
      %add3A_478 = arith.constant 0 : i32
      %add3A_479 = arith.addi %min3A_264, %add3A_478 : i32
      %mul3A_480 = arith.constant 128 : i32
      %mul3A_481 = arith.muli %add3A_479, %mul3A_480 : i32
      %multiple_of3A_482 = tpu.assume_multiple %mul3A_481, 128 : i32
      %dma_start3A_483 = arith.constant 0 : i32
      %dma_start3A_484 = arith.constant 0 : i32
      %dma_start3A_485 = tpu.memref_slice %arg9[%dma_start3A_483, %dma_start3A_484] : memref<64x512xf32, #tpu.memory_space<vmem>> -> memref<64x128xf32, #tpu.memory_space<vmem>>
      %dma_start3A_486 = arith.constant 0 : i32
      %dma_start3A_487 = tpu.memref_slice %arg2[%dma_start3A_486, %multiple_of3A_482] : memref<64x1000000xf32, #tpu.memory_space<hbm>> -> memref<64x128xf32, #tpu.memory_space<hbm>>
      %dma_start3A_488 = arith.constant 0 : i32
      %dma_start3A_489 = arith.constant 0 : i32
      %dma_start3A_490 = tpu.memref_slice %arg9[%dma_start3A_488, %dma_start3A_489] : memref<64x512xf32, #tpu.memory_space<vmem>> -> memref<64x128xf32, #tpu.memory_space<vmem>>
      %dma_start3A_491 = arith.constant 0 : i32
      %dma_start3A_492 = tpu.memref_slice %arg2[%dma_start3A_491, %multiple_of3A_482] : memref<64x1000000xf32, #tpu.memory_space<hbm>> -> memref<64x128xf32, #tpu.memory_space<hbm>>
      tpu.enqueue_dma source(%dma_start3A_492 : memref<64x128xf32, #tpu.memory_space<hbm>>) target(%dma_start3A_490 : memref<64x128xf32, #tpu.memory_space<vmem>>) target_semaphore(%arg15 : memref<!tpu.dma_semaphore, #tpu.memory_space<semaphore_mem>>)
    } else {
    }
    %slice3A_276 = vector.extract_strided_slice %gather3A_268 {offsets = [1], sizes = [1], strides = [1]} : vector<16xi32> to vector<1xi32>
    %squeeze3A_277 = vector.extract %slice3A_276[0] : i32 from vector<1xi32>
    %ne3A_278 = arith.constant 0 : i32
    %ne3A_279 = arith.cmpi ne, %squeeze3A_277, %ne3A_278 : i32
    %convert_element_type3A_280 = arith.extui %ne3A_279 : i1 to i32
    %cond3A_281 = arith.constant 0 : i32
    %cond3A_282 = arith.cmpi ne, %convert_element_type3A_280, %cond3A_281 : i32
    scf.if %cond3A_282 {
      %add3A_478 = arith.constant 1 : i32
      %add3A_479 = arith.addi %min3A_264, %add3A_478 : i32
      %mul3A_480 = arith.constant 128 : i32
      %mul3A_481 = arith.muli %add3A_479, %mul3A_480 : i32
      %multiple_of3A_482 = tpu.assume_multiple %mul3A_481, 128 : i32
      %dma_start3A_483 = arith.constant 0 : i32
      %dma_start3A_484 = arith.constant 128 : i32
      %dma_start3A_485 = tpu.memref_slice %arg9[%dma_start3A_483, %dma_start3A_484] : memref<64x512xf32, #tpu.memory_space<vmem>> -> memref<64x128xf32, #tpu.memory_space<vmem>>
      %dma_start3A_486 = arith.constant 0 : i32
      %dma_start3A_487 = tpu.memref_slice %arg2[%dma_start3A_486, %multiple_of3A_482] : memref<64x1000000xf32, #tpu.memory_space<hbm>> -> memref<64x128xf32, #tpu.memory_space<hbm>>
      %dma_start3A_488 = arith.constant 0 : i32
      %dma_start3A_489 = arith.constant 128 : i32
      %dma_start3A_490 = tpu.memref_slice %arg9[%dma_start3A_488, %dma_start3A_489] : memref<64x512xf32, #tpu.memory_space<vmem>> -> memref<64x128xf32, #tpu.memory_space<vmem>>
      %dma_start3A_491 = arith.constant 0 : i32
      %dma_start3A_492 = tpu.memref_slice %arg2[%dma_start3A_491, %multiple_of3A_482] : memref<64x1000000xf32, #tpu.memory_space<hbm>> -> memref<64x128xf32, #tpu.memory_space<hbm>>
      tpu.enqueue_dma source(%dma_start3A_492 : memref<64x128xf32, #tpu.memory_space<hbm>>) target(%dma_start3A_490 : memref<64x128xf32, #tpu.memory_space<vmem>>) target_semaphore(%arg15 : memref<!tpu.dma_semaphore, #tpu.memory_space<semaphore_mem>>)
    } else {
    }
    %slice3A_283 = vector.extract_strided_slice %gather3A_268 {offsets = [2], sizes = [1], strides = [1]} : vector<16xi32> to vector<1xi32>
    %squeeze3A_284 = vector.extract %slice3A_283[0] : i32 from vector<1xi32>
    %ne3A_285 = arith.constant 0 : i32
    %ne3A_286 = arith.cmpi ne, %squeeze3A_284, %ne3A_285 : i32
    %convert_element_type3A_287 = arith.extui %ne3A_286 : i1 to i32
    %cond3A_288 = arith.constant 0 : i32
    %cond3A_289 = arith.cmpi ne, %convert_element_type3A_287, %cond3A_288 : i32
    scf.if %cond3A_289 {
      %add3A_478 = arith.constant 2 : i32
      %add3A_479 = arith.addi %min3A_264, %add3A_478 : i32
      %mul3A_480 = arith.constant 128 : i32
      %mul3A_481 = arith.muli %add3A_479, %mul3A_480 : i32
      %multiple_of3A_482 = tpu.assume_multiple %mul3A_481, 128 : i32
      %dma_start3A_483 = arith.constant 0 : i32
      %dma_start3A_484 = arith.constant 256 : i32
      %dma_start3A_485 = tpu.memref_slice %arg9[%dma_start3A_483, %dma_start3A_484] : memref<64x512xf32, #tpu.memory_space<vmem>> -> memref<64x128xf32, #tpu.memory_space<vmem>>
      %dma_start3A_486 = arith.constant 0 : i32
      %dma_start3A_487 = tpu.memref_slice %arg2[%dma_start3A_486, %multiple_of3A_482] : memref<64x1000000xf32, #tpu.memory_space<hbm>> -> memref<64x128xf32, #tpu.memory_space<hbm>>
      %dma_start3A_488 = arith.constant 0 : i32
      %dma_start3A_489 = arith.constant 256 : i32
      %dma_start3A_490 = tpu.memref_slice %arg9[%dma_start3A_488, %dma_start3A_489] : memref<64x512xf32, #tpu.memory_space<vmem>> -> memref<64x128xf32, #tpu.memory_space<vmem>>
      %dma_start3A_491 = arith.constant 0 : i32
      %dma_start3A_492 = tpu.memref_slice %arg2[%dma_start3A_491, %multiple_of3A_482] : memref<64x1000000xf32, #tpu.memory_space<hbm>> -> memref<64x128xf32, #tpu.memory_space<hbm>>
      tpu.enqueue_dma source(%dma_start3A_492 : memref<64x128xf32, #tpu.memory_space<hbm>>) target(%dma_start3A_490 : memref<64x128xf32, #tpu.memory_space<vmem>>) target_semaphore(%arg15 : memref<!tpu.dma_semaphore, #tpu.memory_space<semaphore_mem>>)
    } else {
    }
    %slice3A_290 = vector.extract_strided_slice %gather3A_268 {offsets = [3], sizes = [1], strides = [1]} : vector<16xi32> to vector<1xi32>
    %squeeze3A_291 = vector.extract %slice3A_290[0] : i32 from vector<1xi32>
    %ne3A_292 = arith.constant 0 : i32
    %ne3A_293 = arith.cmpi ne, %squeeze3A_291, %ne3A_292 : i32
    %convert_element_type3A_294 = arith.extui %ne3A_293 : i1 to i32
    %cond3A_295 = arith.constant 0 : i32
    %cond3A_296 = arith.cmpi ne, %convert_element_type3A_294, %cond3A_295 : i32
    scf.if %cond3A_296 {
      %add3A_478 = arith.constant 3 : i32
      %add3A_479 = arith.addi %min3A_264, %add3A_478 : i32
      %mul3A_480 = arith.constant 128 : i32
      %mul3A_481 = arith.muli %add3A_479, %mul3A_480 : i32
      %multiple_of3A_482 = tpu.assume_multiple %mul3A_481, 128 : i32
      %dma_start3A_483 = arith.constant 0 : i32
      %dma_start3A_484 = arith.constant 384 : i32
      %dma_start3A_485 = tpu.memref_slice %arg9[%dma_start3A_483, %dma_start3A_484] : memref<64x512xf32, #tpu.memory_space<vmem>> -> memref<64x128xf32, #tpu.memory_space<vmem>>
      %dma_start3A_486 = arith.constant 0 : i32
      %dma_start3A_487 = tpu.memref_slice %arg2[%dma_start3A_486, %multiple_of3A_482] : memref<64x1000000xf32, #tpu.memory_space<hbm>> -> memref<64x128xf32, #tpu.memory_space<hbm>>
      %dma_start3A_488 = arith.constant 0 : i32
      %dma_start3A_489 = arith.constant 384 : i32
      %dma_start3A_490 = tpu.memref_slice %arg9[%dma_start3A_488, %dma_start3A_489] : memref<64x512xf32, #tpu.memory_space<vmem>> -> memref<64x128xf32, #tpu.memory_space<vmem>>
      %dma_start3A_491 = arith.constant 0 : i32
      %dma_start3A_492 = tpu.memref_slice %arg2[%dma_start3A_491, %multiple_of3A_482] : memref<64x1000000xf32, #tpu.memory_space<hbm>> -> memref<64x128xf32, #tpu.memory_space<hbm>>
      tpu.enqueue_dma source(%dma_start3A_492 : memref<64x128xf32, #tpu.memory_space<hbm>>) target(%dma_start3A_490 : memref<64x128xf32, #tpu.memory_space<vmem>>) target_semaphore(%arg15 : memref<!tpu.dma_semaphore, #tpu.memory_space<semaphore_mem>>)
    } else {
    }
    %scan3A_297 = arith.constant 0 : i32
    %scan3A_298 = arith.constant 29 : i32
    %scan3A_299 = arith.addi %scan3A_297, %scan3A_298 : i32
    %scan3A_300 = arith.constant 1 : i32
    %scan3A_301 = scf.for %scan3A_478 = %scan3A_297 to %scan3A_299 step %scan3A_300 iter_args(%scan3A_479 = %select_n3A_260) -> (i32)  : i32 {
      %mul3A_480 = arith.constant 2 : i32
      %mul3A_481 = arith.muli %mul3A_480, %scan3A_478 : i32
      %add3A_482 = arith.constant 2 : i32
      %add3A_483 = arith.addi %mul3A_481, %add3A_482 : i32
      %mul3A_484 = arith.constant 4 : i32
      %mul3A_485 = arith.muli %add3A_483, %mul3A_484 : i32
      %add3A_486 = arith.addi %mul3A_2, %mul3A_485 : i32
      %min3A_487 = arith.constant 7809 : i32
      %min3A_488 = arith.minsi %add3A_486, %min3A_487 : i32
      %sub3A_489 = arith.subi %min3A_488, %mul3A_2 : i32
      %broadcast_in_dim3A_490 = vector.broadcast %sub3A_489 : i32 to vector<16xi32>
      %add3A_491 = arith.addi %broadcast_in_dim3A_490, %iota3A : vector<16xi32>
      %gather3A_492 = tpu.vector_load_idx %arg14[%add3A_491] : memref<264xi32, #tpu.memory_space<vmem>>[vector<16xi32>], vector<16xi32>,
      %slice3A_493 = vector.extract_strided_slice %gather3A_492 {offsets = [0], sizes = [1], strides = [1]} : vector<16xi32> to vector<1xi32>
      %squeeze3A_494 = vector.extract %slice3A_493[0] : i32 from vector<1xi32>
      %ne3A_495 = arith.constant 0 : i32
      %ne3A_496 = arith.cmpi ne, %squeeze3A_494, %ne3A_495 : i32
      %convert_element_type3A_497 = arith.extui %ne3A_496 : i1 to i32
      %cond3A_498 = arith.constant 0 : i32
      %cond3A_499 = arith.cmpi ne, %convert_element_type3A_497, %cond3A_498 : i32
      scf.if %cond3A_499 {
        %dma_wait3A_718 = arith.constant 0 : i32
        %dma_wait3A_719 = arith.constant 0 : i32
        %dma_wait3A_720 = tpu.memref_slice %arg8[%dma_wait3A_718, %dma_wait3A_719] : memref<64x512xf32, #tpu.memory_space<vmem>> -> memref<64x128xf32, #tpu.memory_space<vmem>>
        %dma_wait3A_721 = arith.constant 0 : i32
        %dma_wait3A_722 = arith.constant 0 : i32
        %dma_wait3A_723 = tpu.memref_slice %arg2[%dma_wait3A_721, %dma_wait3A_722] : memref<64x1000000xf32, #tpu.memory_space<hbm>> -> memref<64x128xf32, #tpu.memory_space<hbm>>
        %dma_wait3A_724 = arith.constant 0 : i32
        %dma_wait3A_725 = arith.constant 0 : i32
        %dma_wait3A_726 = tpu.memref_slice %arg8[%dma_wait3A_724, %dma_wait3A_725] : memref<64x512xf32, #tpu.memory_space<vmem>> -> memref<64x128xf32, #tpu.memory_space<vmem>>
        %dma_wait3A_727 = arith.constant 0 : i32
        %dma_wait3A_728 = arith.constant 0 : i32
        %dma_wait3A_729 = tpu.memref_slice %arg2[%dma_wait3A_727, %dma_wait3A_728] : memref<64x1000000xf32, #tpu.memory_space<hbm>> -> memref<64x128xf32, #tpu.memory_space<hbm>>
        tpu.wait_dma2 semaphore(%arg15 : memref<!tpu.dma_semaphore, #tpu.memory_space<semaphore_mem>>) src(%dma_wait3A_729 : memref<64x128xf32, #tpu.memory_space<hbm>>) dst(%dma_wait3A_726 : memref<64x128xf32, #tpu.memory_space<vmem>>)
      } else {
      }
      %slice3A_500 = vector.extract_strided_slice %gather3A_492 {offsets = [1], sizes = [1], strides = [1]} : vector<16xi32> to vector<1xi32>
      %squeeze3A_501 = vector.extract %slice3A_500[0] : i32 from vector<1xi32>
      %ne3A_502 = arith.constant 0 : i32
      %ne3A_503 = arith.cmpi ne, %squeeze3A_501, %ne3A_502 : i32
      %convert_element_type3A_504 = arith.extui %ne3A_503 : i1 to i32
      %cond3A_505 = arith.constant 0 : i32
      %cond3A_506 = arith.cmpi ne, %convert_element_type3A_504, %cond3A_505 : i32
      scf.if %cond3A_506 {
        %dma_wait3A_718 = arith.constant 0 : i32
        %dma_wait3A_719 = arith.constant 0 : i32
        %dma_wait3A_720 = tpu.memref_slice %arg8[%dma_wait3A_718, %dma_wait3A_719] : memref<64x512xf32, #tpu.memory_space<vmem>> -> memref<64x128xf32, #tpu.memory_space<vmem>>
        %dma_wait3A_721 = arith.constant 0 : i32
        %dma_wait3A_722 = arith.constant 0 : i32
        %dma_wait3A_723 = tpu.memref_slice %arg2[%dma_wait3A_721, %dma_wait3A_722] : memref<64x1000000xf32, #tpu.memory_space<hbm>> -> memref<64x128xf32, #tpu.memory_space<hbm>>
        %dma_wait3A_724 = arith.constant 0 : i32
        %dma_wait3A_725 = arith.constant 0 : i32
        %dma_wait3A_726 = tpu.memref_slice %arg8[%dma_wait3A_724, %dma_wait3A_725] : memref<64x512xf32, #tpu.memory_space<vmem>> -> memref<64x128xf32, #tpu.memory_space<vmem>>
        %dma_wait3A_727 = arith.constant 0 : i32
        %dma_wait3A_728 = arith.constant 0 : i32
        %dma_wait3A_729 = tpu.memref_slice %arg2[%dma_wait3A_727, %dma_wait3A_728] : memref<64x1000000xf32, #tpu.memory_space<hbm>> -> memref<64x128xf32, #tpu.memory_space<hbm>>
        tpu.wait_dma2 semaphore(%arg15 : memref<!tpu.dma_semaphore, #tpu.memory_space<semaphore_mem>>) src(%dma_wait3A_729 : memref<64x128xf32, #tpu.memory_space<hbm>>) dst(%dma_wait3A_726 : memref<64x128xf32, #tpu.memory_space<vmem>>)
      } else {
      }
      %slice3A_507 = vector.extract_strided_slice %gather3A_492 {offsets = [2], sizes = [1], strides = [1]} : vector<16xi32> to vector<1xi32>
      %squeeze3A_508 = vector.extract %slice3A_507[0] : i32 from vector<1xi32>
      %ne3A_509 = arith.constant 0 : i32
      %ne3A_510 = arith.cmpi ne, %squeeze3A_508, %ne3A_509 : i32
      %convert_element_type3A_511 = arith.extui %ne3A_510 : i1 to i32
      %cond3A_512 = arith.constant 0 : i32
      %cond3A_513 = arith.cmpi ne, %convert_element_type3A_511, %cond3A_512 : i32
      scf.if %cond3A_513 {
        %dma_wait3A_718 = arith.constant 0 : i32
        %dma_wait3A_719 = arith.constant 0 : i32
        %dma_wait3A_720 = tpu.memref_slice %arg8[%dma_wait3A_718, %dma_wait3A_719] : memref<64x512xf32, #tpu.memory_space<vmem>> -> memref<64x128xf32, #tpu.memory_space<vmem>>
        %dma_wait3A_721 = arith.constant 0 : i32
        %dma_wait3A_722 = arith.constant 0 : i32
        %dma_wait3A_723 = tpu.memref_slice %arg2[%dma_wait3A_721, %dma_wait3A_722] : memref<64x1000000xf32, #tpu.memory_space<hbm>> -> memref<64x128xf32, #tpu.memory_space<hbm>>
        %dma_wait3A_724 = arith.constant 0 : i32
        %dma_wait3A_725 = arith.constant 0 : i32
        %dma_wait3A_726 = tpu.memref_slice %arg8[%dma_wait3A_724, %dma_wait3A_725] : memref<64x512xf32, #tpu.memory_space<vmem>> -> memref<64x128xf32, #tpu.memory_space<vmem>>
        %dma_wait3A_727 = arith.constant 0 : i32
        %dma_wait3A_728 = arith.constant 0 : i32
        %dma_wait3A_729 = tpu.memref_slice %arg2[%dma_wait3A_727, %dma_wait3A_728] : memref<64x1000000xf32, #tpu.memory_space<hbm>> -> memref<64x128xf32, #tpu.memory_space<hbm>>
        tpu.wait_dma2 semaphore(%arg15 : memref<!tpu.dma_semaphore, #tpu.memory_space<semaphore_mem>>) src(%dma_wait3A_729 : memref<64x128xf32, #tpu.memory_space<hbm>>) dst(%dma_wait3A_726 : memref<64x128xf32, #tpu.memory_space<vmem>>)
      } else {
      }
      %slice3A_514 = vector.extract_strided_slice %gather3A_492 {offsets = [3], sizes = [1], strides = [1]} : vector<16xi32> to vector<1xi32>
      %squeeze3A_515 = vector.extract %slice3A_514[0] : i32 from vector<1xi32>
      %ne3A_516 = arith.constant 0 : i32
      %ne3A_517 = arith.cmpi ne, %squeeze3A_515, %ne3A_516 : i32
      %convert_element_type3A_518 = arith.extui %ne3A_517 : i1 to i32
      %cond3A_519 = arith.constant 0 : i32
      %cond3A_520 = arith.cmpi ne, %convert_element_type3A_518, %cond3A_519 : i32
      scf.if %cond3A_520 {
        %dma_wait3A_718 = arith.constant 0 : i32
        %dma_wait3A_719 = arith.constant 0 : i32
        %dma_wait3A_720 = tpu.memref_slice %arg8[%dma_wait3A_718, %dma_wait3A_719] : memref<64x512xf32, #tpu.memory_space<vmem>> -> memref<64x128xf32, #tpu.memory_space<vmem>>
        %dma_wait3A_721 = arith.constant 0 : i32
        %dma_wait3A_722 = arith.constant 0 : i32
        %dma_wait3A_723 = tpu.memref_slice %arg2[%dma_wait3A_721, %dma_wait3A_722] : memref<64x1000000xf32, #tpu.memory_space<hbm>> -> memref<64x128xf32, #tpu.memory_space<hbm>>
        %dma_wait3A_724 = arith.constant 0 : i32
        %dma_wait3A_725 = arith.constant 0 : i32
        %dma_wait3A_726 = tpu.memref_slice %arg8[%dma_wait3A_724, %dma_wait3A_725] : memref<64x512xf32, #tpu.memory_space<vmem>> -> memref<64x128xf32, #tpu.memory_space<vmem>>
        %dma_wait3A_727 = arith.constant 0 : i32
        %dma_wait3A_728 = arith.constant 0 : i32
        %dma_wait3A_729 = tpu.memref_slice %arg2[%dma_wait3A_727, %dma_wait3A_728] : memref<64x1000000xf32, #tpu.memory_space<hbm>> -> memref<64x128xf32, #tpu.memory_space<hbm>>
        tpu.wait_dma2 semaphore(%arg15 : memref<!tpu.dma_semaphore, #tpu.memory_space<semaphore_mem>>) src(%dma_wait3A_729 : memref<64x128xf32, #tpu.memory_space<hbm>>) dst(%dma_wait3A_726 : memref<64x128xf32, #tpu.memory_space<vmem>>)
      } else {
      }
      %mul3A_521 = arith.constant 4 : i32
      %mul3A_522 = arith.muli %add3A_483, %mul3A_521 : i32
      %add3A_523 = arith.addi %mul3A_2, %mul3A_522 : i32
      %min3A_524 = arith.constant 7809 : i32
      %min3A_525 = arith.minsi %add3A_523, %min3A_524 : i32
      %while3A_526 = arith.constant 0 : i32
      %while3A_527 = arith.constant 0 : i32
      %while3A_528 = arith.subi %select_n3A, %while3A_526 : i32
      %while3A_529 = arith.addi %while3A_526, %while3A_528 : i32
      %while3A_530 = arith.constant 1 : i32
      %while3A_531 = arith.divsi %while3A_528, %while3A_530 : i32
      %while3A_532 = arith.muli %while3A_531, %while3A_530 : i32
      %while3A_533 = arith.addi %while3A_526, %while3A_532 : i32
      %while3A_534 = arith.constant 1 : i32
      %while3A_535 = scf.for %while3A_718 = %while3A_526 to %while3A_533 step %while3A_534 iter_args(%while3A_719 = %while3A_527) -> (i32)  : i32 {
        %mul3A_720 = arith.constant 16 : i32
        %mul3A_721 = arith.muli %while3A_718, %mul3A_720 : i32
        %get3A = arith.index_cast %mul3A_721 : i32 to index
        %get3A_722 = tpu.vector_load %arg6[%get3A] {strides = array<i32>} : memref<1024xi32, #tpu.memory_space<vmem>>, vector<16xi32>,
        %mul3A_723 = arith.constant 16 : i32
        %mul3A_724 = arith.muli %while3A_718, %mul3A_723 : i32
        %get3A_725 = arith.index_cast %mul3A_724 : i32 to index
        %get3A_726 = tpu.vector_load %arg7[%get3A_725] {strides = array<i32>} : memref<1024xi32, #tpu.memory_space<vmem>>, vector<16xi32>,
        %broadcast_in_dim3A_727 = arith.constant 7 : i32
        %broadcast_in_dim3A_728 = vector.broadcast %broadcast_in_dim3A_727 : i32 to vector<16xi32>
        %shift_right_logical3A = arith.shrui %get3A_722, %broadcast_in_dim3A_728 : vector<16xi32>
        %broadcast_in_dim3A_729 = vector.broadcast %min3A_525 : i32 to vector<16xi32>
        %ge3A_730 = arith.cmpi sge, %shift_right_logical3A, %broadcast_in_dim3A_729 : vector<16xi32>
        %add3A_731 = arith.constant 4 : i32
        %add3A_732 = arith.addi %min3A_525, %add3A_731 : i32
        %broadcast_in_dim3A_733 = vector.broadcast %add3A_732 : i32 to vector<16xi32>
        %lt3A = arith.cmpi slt, %shift_right_logical3A, %broadcast_in_dim3A_733 : vector<16xi32>
        %and3A_734 = arith.andi %ge3A_730, %lt3A : vector<16xi1>
        %broadcast_in_dim3A_735 = arith.constant 1 : i32
        %broadcast_in_dim3A_736 = vector.broadcast %broadcast_in_dim3A_735 : i32 to vector<16xi32>
        %broadcast_in_dim3A_737 = arith.constant 0 : i32
        %broadcast_in_dim3A_738 = vector.broadcast %broadcast_in_dim3A_737 : i32 to vector<16xi32>
        %select_n3A_739 = arith.select %and3A_734, %broadcast_in_dim3A_736, %broadcast_in_dim3A_738 : vector<16xi1>, vector<16xi32>
        %broadcast_in_dim3A_740 = arith.constant true
        %broadcast_in_dim3A_741 = vector.broadcast %broadcast_in_dim3A_740 : i1 to vector<16xi1>
        %masked_cumsum3A = tpu.scan <sum>, %select_n3A_739 masked %broadcast_in_dim3A_741 : vector<16xi32>, vector<16xi1> -> vector<16xi32>
        %broadcast_in_dim3A_742 = arith.constant 1 : i32
        %broadcast_in_dim3A_743 = vector.broadcast %broadcast_in_dim3A_742 : i32 to vector<16xi32>
        %sub3A_744 = arith.subi %masked_cumsum3A, %broadcast_in_dim3A_743 : vector<16xi32>
        %broadcast_in_dim3A_745 = vector.broadcast %while3A_719 : i32 to vector<16xi32>
        %add3A_746 = arith.addi %broadcast_in_dim3A_745, %sub3A_744 : vector<16xi32>
        %broadcast_in_dim3A_747 = arith.constant 64 : i32
        %broadcast_in_dim3A_748 = vector.broadcast %broadcast_in_dim3A_747 : i32 to vector<16xi32>
        %add3A_749 = arith.addi %broadcast_in_dim3A_748, %iota3A : vector<16xi32>
        %select_n3A_750 = arith.select %and3A_734, %add3A_746, %add3A_749 : vector<16xi1>, vector<16xi32>
        %broadcast_in_dim3A_751 = arith.constant 79 : i32
        %broadcast_in_dim3A_752 = vector.broadcast %broadcast_in_dim3A_751 : i32 to vector<16xi32>
        %min3A_753 = arith.minsi %select_n3A_750, %broadcast_in_dim3A_752 : vector<16xi32>
        tpu.vector_store_idx %arg12[%min3A_753], %get3A_722 : memref<80xi32, #tpu.memory_space<vmem>>[vector<16xi32>], vector<16xi32>,
        tpu.vector_store_idx %arg13[%min3A_753], %get3A_726 : memref<80xi32, #tpu.memory_space<vmem>>[vector<16xi32>], vector<16xi32>,
        %all_reduce_population_count3A = tpu.all_reduce %and3A_734 {dim = 0 : i64, kind = #tpu.reduction_kind<sum>} : vector<16xi1> -> vector<16xi32>
        %slice3A_754 = vector.extract_strided_slice %all_reduce_population_count3A {offsets = [0], sizes = [1], strides = [1]} : vector<16xi32> to vector<1xi32>
        %squeeze3A_755 = vector.extract %slice3A_754[0] : i32 from vector<1xi32>
        %add3A_756 = arith.addi %while3A_719, %squeeze3A_755 : i32
        scf.yield %add3A_756 : i32
      }
      %while3A_536 = arith.constant 1 : i32
      %while3A_537 = scf.for %while3A_718 = %while3A_533 to %while3A_529 step %while3A_536 iter_args(%while3A_719 = %while3A_535) -> (i32)  : i32 {
        %mul3A_720 = arith.constant 16 : i32
        %mul3A_721 = arith.muli %while3A_718, %mul3A_720 : i32
        %get3A = arith.index_cast %mul3A_721 : i32 to index
        %get3A_722 = tpu.vector_load %arg6[%get3A] {strides = array<i32>} : memref<1024xi32, #tpu.memory_space<vmem>>, vector<16xi32>,
        %mul3A_723 = arith.constant 16 : i32
        %mul3A_724 = arith.muli %while3A_718, %mul3A_723 : i32
        %get3A_725 = arith.index_cast %mul3A_724 : i32 to index
        %get3A_726 = tpu.vector_load %arg7[%get3A_725] {strides = array<i32>} : memref<1024xi32, #tpu.memory_space<vmem>>, vector<16xi32>,
        %broadcast_in_dim3A_727 = arith.constant 7 : i32
        %broadcast_in_dim3A_728 = vector.broadcast %broadcast_in_dim3A_727 : i32 to vector<16xi32>
        %shift_right_logical3A = arith.shrui %get3A_722, %broadcast_in_dim3A_728 : vector<16xi32>
        %broadcast_in_dim3A_729 = vector.broadcast %min3A_525 : i32 to vector<16xi32>
        %ge3A_730 = arith.cmpi sge, %shift_right_logical3A, %broadcast_in_dim3A_729 : vector<16xi32>
        %add3A_731 = arith.constant 4 : i32
        %add3A_732 = arith.addi %min3A_525, %add3A_731 : i32
        %broadcast_in_dim3A_733 = vector.broadcast %add3A_732 : i32 to vector<16xi32>
        %lt3A = arith.cmpi slt, %shift_right_logical3A, %broadcast_in_dim3A_733 : vector<16xi32>
        %and3A_734 = arith.andi %ge3A_730, %lt3A : vector<16xi1>
        %broadcast_in_dim3A_735 = arith.constant 1 : i32
        %broadcast_in_dim3A_736 = vector.broadcast %broadcast_in_dim3A_735 : i32 to vector<16xi32>
        %broadcast_in_dim3A_737 = arith.constant 0 : i32
        %broadcast_in_dim3A_738 = vector.broadcast %broadcast_in_dim3A_737 : i32 to vector<16xi32>
        %select_n3A_739 = arith.select %and3A_734, %broadcast_in_dim3A_736, %broadcast_in_dim3A_738 : vector<16xi1>, vector<16xi32>
        %broadcast_in_dim3A_740 = arith.constant true
        %broadcast_in_dim3A_741 = vector.broadcast %broadcast_in_dim3A_740 : i1 to vector<16xi1>
        %masked_cumsum3A = tpu.scan <sum>, %select_n3A_739 masked %broadcast_in_dim3A_741 : vector<16xi32>, vector<16xi1> -> vector<16xi32>
        %broadcast_in_dim3A_742 = arith.constant 1 : i32
        %broadcast_in_dim3A_743 = vector.broadcast %broadcast_in_dim3A_742 : i32 to vector<16xi32>
        %sub3A_744 = arith.subi %masked_cumsum3A, %broadcast_in_dim3A_743 : vector<16xi32>
        %broadcast_in_dim3A_745 = vector.broadcast %while3A_719 : i32 to vector<16xi32>
        %add3A_746 = arith.addi %broadcast_in_dim3A_745, %sub3A_744 : vector<16xi32>
        %broadcast_in_dim3A_747 = arith.constant 64 : i32
        %broadcast_in_dim3A_748 = vector.broadcast %broadcast_in_dim3A_747 : i32 to vector<16xi32>
        %add3A_749 = arith.addi %broadcast_in_dim3A_748, %iota3A : vector<16xi32>
        %select_n3A_750 = arith.select %and3A_734, %add3A_746, %add3A_749 : vector<16xi1>, vector<16xi32>
        %broadcast_in_dim3A_751 = arith.constant 79 : i32
        %broadcast_in_dim3A_752 = vector.broadcast %broadcast_in_dim3A_751 : i32 to vector<16xi32>
        %min3A_753 = arith.minsi %select_n3A_750, %broadcast_in_dim3A_752 : vector<16xi32>
        tpu.vector_store_idx %arg12[%min3A_753], %get3A_722 : memref<80xi32, #tpu.memory_space<vmem>>[vector<16xi32>], vector<16xi32>,
        tpu.vector_store_idx %arg13[%min3A_753], %get3A_726 : memref<80xi32, #tpu.memory_space<vmem>>[vector<16xi32>], vector<16xi32>,
        %all_reduce_population_count3A = tpu.all_reduce %and3A_734 {dim = 0 : i64, kind = #tpu.reduction_kind<sum>} : vector<16xi1> -> vector<16xi32>
        %slice3A_754 = vector.extract_strided_slice %all_reduce_population_count3A {offsets = [0], sizes = [1], strides = [1]} : vector<16xi32> to vector<1xi32>
        %squeeze3A_755 = vector.extract %slice3A_754[0] : i32 from vector<1xi32>
        %add3A_756 = arith.addi %while3A_719, %squeeze3A_755 : i32
        scf.yield %add3A_756 : i32
      }
      %min3A_538 = arith.constant 64 : i32
      %min3A_539 = arith.minsi %while3A_537, %min3A_538 : i32
      %while3A_540 = arith.constant 0 : i32
      %while3A_541 = arith.subi %min3A_539, %while3A_540 : i32
      %while3A_542 = arith.addi %while3A_540, %while3A_541 : i32
      %while3A_543 = arith.constant 1 : i32
      %while3A_544 = arith.divsi %while3A_541, %while3A_543 : i32
      %while3A_545 = arith.muli %while3A_544, %while3A_543 : i32
      %while3A_546 = arith.addi %while3A_540, %while3A_545 : i32
      %while3A_547 = arith.constant 1 : i32
      %while3A_548 = scf.for %while3A_718 = %while3A_540 to %while3A_546 step %while3A_547 iter_args(%while3A_719 = %scan3A_479) -> (i32)  : i32 {
        %broadcast_in_dim3A_720 = vector.broadcast %while3A_718 : i32 to vector<16xi32>
        %gather3A_721 = tpu.vector_load_idx %arg12[%broadcast_in_dim3A_720] : memref<80xi32, #tpu.memory_space<vmem>>[vector<16xi32>], vector<16xi32>,
        %slice3A_722 = vector.extract_strided_slice %gather3A_721 {offsets = [0], sizes = [1], strides = [1]} : vector<16xi32> to vector<1xi32>
        %squeeze3A_723 = vector.extract %slice3A_722[0] : i32 from vector<1xi32>
        %gather3A_724 = tpu.vector_load_idx %arg13[%broadcast_in_dim3A_720] : memref<80xi32, #tpu.memory_space<vmem>>[vector<16xi32>], vector<16xi32>,
        %slice3A_725 = vector.extract_strided_slice %gather3A_724 {offsets = [0], sizes = [1], strides = [1]} : vector<16xi32> to vector<1xi32>
        %squeeze3A_726 = vector.extract %slice3A_725[0] : i32 from vector<1xi32>
        %mul3A_727 = arith.constant 128 : i32
        %mul3A_728 = arith.muli %min3A_525, %mul3A_727 : i32
        %sub3A_729 = arith.subi %squeeze3A_723, %mul3A_728 : i32
        %broadcast_in_dim3A_730 = vector.broadcast %while3A_719 : i32 to vector<16xi32>
        %broadcast_in_dim3A_731 = arith.constant 0 : i32
        %broadcast_in_dim3A_732 = vector.broadcast %broadcast_in_dim3A_731 : i32 to vector<16xi32>
        %add3A_733 = arith.addi %broadcast_in_dim3A_732, %iota3A : vector<16xi32>
        %broadcast_in_dim3A_734 = vector.broadcast %sub3A_729 : i32 to vector<16xi32>
        %gather3A_735 = tpu.vector_load_idx %arg8[%add3A_733, %broadcast_in_dim3A_734] : memref<64x512xf32, #tpu.memory_space<vmem>>[vector<16xi32>, vector<16xi32>], vector<16xf32>,
        tpu.vector_store_idx %arg10[%broadcast_in_dim3A_730, %add3A_733], %gather3A_735 : memref<128x128xf32, #tpu.memory_space<vmem>>[vector<16xi32>, vector<16xi32>], vector<16xf32>,
        %broadcast_in_dim3A_736 = arith.constant 16 : i32
        %broadcast_in_dim3A_737 = vector.broadcast %broadcast_in_dim3A_736 : i32 to vector<16xi32>
        %add3A_738 = arith.addi %broadcast_in_dim3A_737, %iota3A : vector<16xi32>
        %broadcast_in_dim3A_739 = vector.broadcast %sub3A_729 : i32 to vector<16xi32>
        %gather3A_740 = tpu.vector_load_idx %arg8[%add3A_738, %broadcast_in_dim3A_739] : memref<64x512xf32, #tpu.memory_space<vmem>>[vector<16xi32>, vector<16xi32>], vector<16xf32>,
        tpu.vector_store_idx %arg10[%broadcast_in_dim3A_730, %add3A_738], %gather3A_740 : memref<128x128xf32, #tpu.memory_space<vmem>>[vector<16xi32>, vector<16xi32>], vector<16xf32>,
        %broadcast_in_dim3A_741 = arith.constant 32 : i32
        %broadcast_in_dim3A_742 = vector.broadcast %broadcast_in_dim3A_741 : i32 to vector<16xi32>
        %add3A_743 = arith.addi %broadcast_in_dim3A_742, %iota3A : vector<16xi32>
        %broadcast_in_dim3A_744 = vector.broadcast %sub3A_729 : i32 to vector<16xi32>
        %gather3A_745 = tpu.vector_load_idx %arg8[%add3A_743, %broadcast_in_dim3A_744] : memref<64x512xf32, #tpu.memory_space<vmem>>[vector<16xi32>, vector<16xi32>], vector<16xf32>,
        tpu.vector_store_idx %arg10[%broadcast_in_dim3A_730, %add3A_743], %gather3A_745 : memref<128x128xf32, #tpu.memory_space<vmem>>[vector<16xi32>, vector<16xi32>], vector<16xf32>,
        %broadcast_in_dim3A_746 = arith.constant 48 : i32
        %broadcast_in_dim3A_747 = vector.broadcast %broadcast_in_dim3A_746 : i32 to vector<16xi32>
        %add3A_748 = arith.addi %broadcast_in_dim3A_747, %iota3A : vector<16xi32>
        %broadcast_in_dim3A_749 = vector.broadcast %sub3A_729 : i32 to vector<16xi32>
        %gather3A_750 = tpu.vector_load_idx %arg8[%add3A_748, %broadcast_in_dim3A_749] : memref<64x512xf32, #tpu.memory_space<vmem>>[vector<16xi32>, vector<16xi32>], vector<16xf32>,
        tpu.vector_store_idx %arg10[%broadcast_in_dim3A_730, %add3A_748], %gather3A_750 : memref<128x128xf32, #tpu.memory_space<vmem>>[vector<16xi32>, vector<16xi32>], vector<16xf32>,
        %broadcast_in_dim3A_751 = vector.broadcast %squeeze3A_726 : i32 to vector<16xi32>
        tpu.vector_store_idx %arg11[%broadcast_in_dim3A_730], %broadcast_in_dim3A_751 : memref<128xi32, #tpu.memory_space<vmem>>[vector<16xi32>], vector<16xi32>,
        %add3A_752 = arith.constant 1 : i32
        %add3A_753 = arith.addi %while3A_719, %add3A_752 : i32
        scf.yield %add3A_753 : i32
      }
      %while3A_549 = arith.constant 1 : i32
      %while3A_550 = scf.for %while3A_718 = %while3A_546 to %while3A_542 step %while3A_549 iter_args(%while3A_719 = %while3A_548) -> (i32)  : i32 {
        %broadcast_in_dim3A_720 = vector.broadcast %while3A_718 : i32 to vector<16xi32>
        %gather3A_721 = tpu.vector_load_idx %arg12[%broadcast_in_dim3A_720] : memref<80xi32, #tpu.memory_space<vmem>>[vector<16xi32>], vector<16xi32>,
        %slice3A_722 = vector.extract_strided_slice %gather3A_721 {offsets = [0], sizes = [1], strides = [1]} : vector<16xi32> to vector<1xi32>
        %squeeze3A_723 = vector.extract %slice3A_722[0] : i32 from vector<1xi32>
        %gather3A_724 = tpu.vector_load_idx %arg13[%broadcast_in_dim3A_720] : memref<80xi32, #tpu.memory_space<vmem>>[vector<16xi32>], vector<16xi32>,
        %slice3A_725 = vector.extract_strided_slice %gather3A_724 {offsets = [0], sizes = [1], strides = [1]} : vector<16xi32> to vector<1xi32>
        %squeeze3A_726 = vector.extract %slice3A_725[0] : i32 from vector<1xi32>
        %mul3A_727 = arith.constant 128 : i32
        %mul3A_728 = arith.muli %min3A_525, %mul3A_727 : i32
        %sub3A_729 = arith.subi %squeeze3A_723, %mul3A_728 : i32
        %broadcast_in_dim3A_730 = vector.broadcast %while3A_719 : i32 to vector<16xi32>
        %broadcast_in_dim3A_731 = arith.constant 0 : i32
        %broadcast_in_dim3A_732 = vector.broadcast %broadcast_in_dim3A_731 : i32 to vector<16xi32>
        %add3A_733 = arith.addi %broadcast_in_dim3A_732, %iota3A : vector<16xi32>
        %broadcast_in_dim3A_734 = vector.broadcast %sub3A_729 : i32 to vector<16xi32>
        %gather3A_735 = tpu.vector_load_idx %arg8[%add3A_733, %broadcast_in_dim3A_734] : memref<64x512xf32, #tpu.memory_space<vmem>>[vector<16xi32>, vector<16xi32>], vector<16xf32>,
        tpu.vector_store_idx %arg10[%broadcast_in_dim3A_730, %add3A_733], %gather3A_735 : memref<128x128xf32, #tpu.memory_space<vmem>>[vector<16xi32>, vector<16xi32>], vector<16xf32>,
        %broadcast_in_dim3A_736 = arith.constant 16 : i32
        %broadcast_in_dim3A_737 = vector.broadcast %broadcast_in_dim3A_736 : i32 to vector<16xi32>
        %add3A_738 = arith.addi %broadcast_in_dim3A_737, %iota3A : vector<16xi32>
        %broadcast_in_dim3A_739 = vector.broadcast %sub3A_729 : i32 to vector<16xi32>
        %gather3A_740 = tpu.vector_load_idx %arg8[%add3A_738, %broadcast_in_dim3A_739] : memref<64x512xf32, #tpu.memory_space<vmem>>[vector<16xi32>, vector<16xi32>], vector<16xf32>,
        tpu.vector_store_idx %arg10[%broadcast_in_dim3A_730, %add3A_738], %gather3A_740 : memref<128x128xf32, #tpu.memory_space<vmem>>[vector<16xi32>, vector<16xi32>], vector<16xf32>,
        %broadcast_in_dim3A_741 = arith.constant 32 : i32
        %broadcast_in_dim3A_742 = vector.broadcast %broadcast_in_dim3A_741 : i32 to vector<16xi32>
        %add3A_743 = arith.addi %broadcast_in_dim3A_742, %iota3A : vector<16xi32>
        %broadcast_in_dim3A_744 = vector.broadcast %sub3A_729 : i32 to vector<16xi32>
        %gather3A_745 = tpu.vector_load_idx %arg8[%add3A_743, %broadcast_in_dim3A_744] : memref<64x512xf32, #tpu.memory_space<vmem>>[vector<16xi32>, vector<16xi32>], vector<16xf32>,
        tpu.vector_store_idx %arg10[%broadcast_in_dim3A_730, %add3A_743], %gather3A_745 : memref<128x128xf32, #tpu.memory_space<vmem>>[vector<16xi32>, vector<16xi32>], vector<16xf32>,
        %broadcast_in_dim3A_746 = arith.constant 48 : i32
        %broadcast_in_dim3A_747 = vector.broadcast %broadcast_in_dim3A_746 : i32 to vector<16xi32>
        %add3A_748 = arith.addi %broadcast_in_dim3A_747, %iota3A : vector<16xi32>
        %broadcast_in_dim3A_749 = vector.broadcast %sub3A_729 : i32 to vector<16xi32>
        %gather3A_750 = tpu.vector_load_idx %arg8[%add3A_748, %broadcast_in_dim3A_749] : memref<64x512xf32, #tpu.memory_space<vmem>>[vector<16xi32>, vector<16xi32>], vector<16xf32>,
        tpu.vector_store_idx %arg10[%broadcast_in_dim3A_730, %add3A_748], %gather3A_750 : memref<128x128xf32, #tpu.memory_space<vmem>>[vector<16xi32>, vector<16xi32>], vector<16xf32>,
        %broadcast_in_dim3A_751 = vector.broadcast %squeeze3A_726 : i32 to vector<16xi32>
        tpu.vector_store_idx %arg11[%broadcast_in_dim3A_730], %broadcast_in_dim3A_751 : memref<128xi32, #tpu.memory_space<vmem>>[vector<16xi32>], vector<16xi32>,
        %add3A_752 = arith.constant 1 : i32
        %add3A_753 = arith.addi %while3A_719, %add3A_752 : i32
        scf.yield %add3A_753 : i32
      }
      %ge3A_551 = arith.constant 64 : i32
      %ge3A_552 = arith.cmpi sge, %while3A_550, %ge3A_551 : i32
      %convert_element_type3A_553 = arith.extui %ge3A_552 : i1 to i32
      %cond3A_554 = arith.constant 0 : i32
      %cond3A_555 = arith.cmpi ne, %convert_element_type3A_553, %cond3A_554 : i32
      scf.if %cond3A_555 {
        %dma_start3A_718 = arith.constant 0 : i32
        %dma_start3A_719 = arith.constant 0 : i32
        %dma_start3A_720 = tpu.memref_slice %arg4[%dma_start3A_718, %dma_start3A_719] : memref<16512x128xf32, #tpu.memory_space<hbm>> -> memref<16512x128xf32, #tpu.memory_space<hbm>>
        tpu.enqueue_indirect_dma source(%arg10 : memref<128x128xf32, #tpu.memory_space<vmem>>) target(%dma_start3A_720 : memref<16512x128xf32, #tpu.memory_space<hbm>>) offsets(%arg11 : memref<128xi32, #tpu.memory_space<vmem>>) semaphore(%arg16 : memref<!tpu.dma_semaphore, #tpu.memory_space<semaphore_mem>>)
        %dma_wait3A_721 = arith.constant 0 : i32
        %dma_wait3A_722 = arith.constant 0 : i32
        %dma_wait3A_723 = tpu.memref_slice %arg4[%dma_wait3A_721, %dma_wait3A_722] : memref<16512x128xf32, #tpu.memory_space<hbm>> -> memref<16512x128xf32, #tpu.memory_space<hbm>>
        tpu.wait_indirect_dma semaphore(%arg16 : memref<!tpu.dma_semaphore, #tpu.memory_space<semaphore_mem>>) src(%arg10 : memref<128x128xf32, #tpu.memory_space<vmem>>) dst(%dma_wait3A_723 : memref<16512x128xf32, #tpu.memory_space<hbm>>)
        %broadcast_in_dim3A_724 = vector.broadcast %add3A_6 : i32 to vector<16xi32>
        %broadcast_in_dim3A_725 = arith.constant 3 : i32
        %broadcast_in_dim3A_726 = vector.broadcast %broadcast_in_dim3A_725 : i32 to vector<16xi32>
        %and3A_727 = arith.andi %iota3A, %broadcast_in_dim3A_726 : vector<16xi32>
        %add3A_728 = arith.addi %broadcast_in_dim3A_724, %and3A_727 : vector<16xi32>
        %swap3A_729 = arith.constant 0 : index
        %swap3A_730 = tpu.vector_load %arg11[%swap3A_729] {strides = array<i32>} : memref<128xi32, #tpu.memory_space<vmem>>, vector<16xi32>,
        tpu.vector_store %arg11[%swap3A_729], %add3A_728 {strides = array<i32>} : memref<128xi32, #tpu.memory_space<vmem>>, vector<16xi32>,
        %swap3A_731 = arith.constant 16 : index
        %swap3A_732 = tpu.vector_load %arg11[%swap3A_731] {strides = array<i32>} : memref<128xi32, #tpu.memory_space<vmem>>, vector<16xi32>,
        tpu.vector_store %arg11[%swap3A_731], %add3A_728 {strides = array<i32>} : memref<128xi32, #tpu.memory_space<vmem>>, vector<16xi32>,
        %swap3A_733 = arith.constant 32 : index
        %swap3A_734 = tpu.vector_load %arg11[%swap3A_733] {strides = array<i32>} : memref<128xi32, #tpu.memory_space<vmem>>, vector<16xi32>,
        tpu.vector_store %arg11[%swap3A_733], %add3A_728 {strides = array<i32>} : memref<128xi32, #tpu.memory_space<vmem>>, vector<16xi32>,
        %swap3A_735 = arith.constant 48 : index
        %swap3A_736 = tpu.vector_load %arg11[%swap3A_735] {strides = array<i32>} : memref<128xi32, #tpu.memory_space<vmem>>, vector<16xi32>,
        tpu.vector_store %arg11[%swap3A_735], %add3A_728 {strides = array<i32>} : memref<128xi32, #tpu.memory_space<vmem>>, vector<16xi32>,
        %swap3A_737 = arith.constant 64 : index
        %swap3A_738 = tpu.vector_load %arg11[%swap3A_737] {strides = array<i32>} : memref<128xi32, #tpu.memory_space<vmem>>, vector<16xi32>,
        tpu.vector_store %arg11[%swap3A_737], %add3A_728 {strides = array<i32>} : memref<128xi32, #tpu.memory_space<vmem>>, vector<16xi32>,
        %swap3A_739 = arith.constant 80 : index
        %swap3A_740 = tpu.vector_load %arg11[%swap3A_739] {strides = array<i32>} : memref<128xi32, #tpu.memory_space<vmem>>, vector<16xi32>,
        tpu.vector_store %arg11[%swap3A_739], %add3A_728 {strides = array<i32>} : memref<128xi32, #tpu.memory_space<vmem>>, vector<16xi32>,
        %swap3A_741 = arith.constant 96 : index
        %swap3A_742 = tpu.vector_load %arg11[%swap3A_741] {strides = array<i32>} : memref<128xi32, #tpu.memory_space<vmem>>, vector<16xi32>,
        tpu.vector_store %arg11[%swap3A_741], %add3A_728 {strides = array<i32>} : memref<128xi32, #tpu.memory_space<vmem>>, vector<16xi32>,
        %swap3A_743 = arith.constant 112 : index
        %swap3A_744 = tpu.vector_load %arg11[%swap3A_743] {strides = array<i32>} : memref<128xi32, #tpu.memory_space<vmem>>, vector<16xi32>,
        tpu.vector_store %arg11[%swap3A_743], %add3A_728 {strides = array<i32>} : memref<128xi32, #tpu.memory_space<vmem>>, vector<16xi32>,
      } else {
      }
      %ge3A_556 = arith.constant 64 : i32
      %ge3A_557 = arith.cmpi sge, %while3A_550, %ge3A_556 : i32
      %jit3A_558 = arith.constant 0 : i32
      %select_n3A_559 = arith.select %ge3A_557, %jit3A_558, %while3A_550 : i32
      %add3A_560 = arith.constant 2 : i32
      %add3A_561 = arith.addi %add3A_483, %add3A_560 : i32
      %mul3A_562 = arith.constant 4 : i32
      %mul3A_563 = arith.muli %add3A_561, %mul3A_562 : i32
      %add3A_564 = arith.addi %mul3A_2, %mul3A_563 : i32
      %min3A_565 = arith.constant 7809 : i32
      %min3A_566 = arith.minsi %add3A_564, %min3A_565 : i32
      %sub3A_567 = arith.subi %min3A_566, %mul3A_2 : i32
      %broadcast_in_dim3A_568 = vector.broadcast %sub3A_567 : i32 to vector<16xi32>
      %add3A_569 = arith.addi %broadcast_in_dim3A_568, %iota3A : vector<16xi32>
      %gather3A_570 = tpu.vector_load_idx %arg14[%add3A_569] : memref<264xi32, #tpu.memory_space<vmem>>[vector<16xi32>], vector<16xi32>,
      %slice3A_571 = vector.extract_strided_slice %gather3A_570 {offsets = [0], sizes = [1], strides = [1]} : vector<16xi32> to vector<1xi32>
      %squeeze3A_572 = vector.extract %slice3A_571[0] : i32 from vector<1xi32>
      %ne3A_573 = arith.constant 0 : i32
      %ne3A_574 = arith.cmpi ne, %squeeze3A_572, %ne3A_573 : i32
      %convert_element_type3A_575 = arith.extui %ne3A_574 : i1 to i32
      %cond3A_576 = arith.constant 0 : i32
      %cond3A_577 = arith.cmpi ne, %convert_element_type3A_575, %cond3A_576 : i32
      scf.if %cond3A_577 {
        %add3A_718 = arith.constant 0 : i32
        %add3A_719 = arith.addi %min3A_566, %add3A_718 : i32
        %mul3A_720 = arith.constant 128 : i32
        %mul3A_721 = arith.muli %add3A_719, %mul3A_720 : i32
        %multiple_of3A_722 = tpu.assume_multiple %mul3A_721, 128 : i32
        %dma_start3A_723 = arith.constant 0 : i32
        %dma_start3A_724 = arith.constant 0 : i32
        %dma_start3A_725 = tpu.memref_slice %arg8[%dma_start3A_723, %dma_start3A_724] : memref<64x512xf32, #tpu.memory_space<vmem>> -> memref<64x128xf32, #tpu.memory_space<vmem>>
        %dma_start3A_726 = arith.constant 0 : i32
        %dma_start3A_727 = tpu.memref_slice %arg2[%dma_start3A_726, %multiple_of3A_722] : memref<64x1000000xf32, #tpu.memory_space<hbm>> -> memref<64x128xf32, #tpu.memory_space<hbm>>
        %dma_start3A_728 = arith.constant 0 : i32
        %dma_start3A_729 = arith.constant 0 : i32
        %dma_start3A_730 = tpu.memref_slice %arg8[%dma_start3A_728, %dma_start3A_729] : memref<64x512xf32, #tpu.memory_space<vmem>> -> memref<64x128xf32, #tpu.memory_space<vmem>>
        %dma_start3A_731 = arith.constant 0 : i32
        %dma_start3A_732 = tpu.memref_slice %arg2[%dma_start3A_731, %multiple_of3A_722] : memref<64x1000000xf32, #tpu.memory_space<hbm>> -> memref<64x128xf32, #tpu.memory_space<hbm>>
        tpu.enqueue_dma source(%dma_start3A_732 : memref<64x128xf32, #tpu.memory_space<hbm>>) target(%dma_start3A_730 : memref<64x128xf32, #tpu.memory_space<vmem>>) target_semaphore(%arg15 : memref<!tpu.dma_semaphore, #tpu.memory_space<semaphore_mem>>)
      } else {
      }
      %slice3A_578 = vector.extract_strided_slice %gather3A_570 {offsets = [1], sizes = [1], strides = [1]} : vector<16xi32> to vector<1xi32>
      %squeeze3A_579 = vector.extract %slice3A_578[0] : i32 from vector<1xi32>
      %ne3A_580 = arith.constant 0 : i32
      %ne3A_581 = arith.cmpi ne, %squeeze3A_579, %ne3A_580 : i32
      %convert_element_type3A_582 = arith.extui %ne3A_581 : i1 to i32
      %cond3A_583 = arith.constant 0 : i32
      %cond3A_584 = arith.cmpi ne, %convert_element_type3A_582, %cond3A_583 : i32
      scf.if %cond3A_584 {
        %add3A_718 = arith.constant 1 : i32
        %add3A_719 = arith.addi %min3A_566, %add3A_718 : i32
        %mul3A_720 = arith.constant 128 : i32
        %mul3A_721 = arith.muli %add3A_719, %mul3A_720 : i32
        %multiple_of3A_722 = tpu.assume_multiple %mul3A_721, 128 : i32
        %dma_start3A_723 = arith.constant 0 : i32
        %dma_start3A_724 = arith.constant 128 : i32
        %dma_start3A_725 = tpu.memref_slice %arg8[%dma_start3A_723, %dma_start3A_724] : memref<64x512xf32, #tpu.memory_space<vmem>> -> memref<64x128xf32, #tpu.memory_space<vmem>>
        %dma_start3A_726 = arith.constant 0 : i32
        %dma_start3A_727 = tpu.memref_slice %arg2[%dma_start3A_726, %multiple_of3A_722] : memref<64x1000000xf32, #tpu.memory_space<hbm>> -> memref<64x128xf32, #tpu.memory_space<hbm>>
        %dma_start3A_728 = arith.constant 0 : i32
        %dma_start3A_729 = arith.constant 128 : i32
        %dma_start3A_730 = tpu.memref_slice %arg8[%dma_start3A_728, %dma_start3A_729] : memref<64x512xf32, #tpu.memory_space<vmem>> -> memref<64x128xf32, #tpu.memory_space<vmem>>
        %dma_start3A_731 = arith.constant 0 : i32
        %dma_start3A_732 = tpu.memref_slice %arg2[%dma_start3A_731, %multiple_of3A_722] : memref<64x1000000xf32, #tpu.memory_space<hbm>> -> memref<64x128xf32, #tpu.memory_space<hbm>>
        tpu.enqueue_dma source(%dma_start3A_732 : memref<64x128xf32, #tpu.memory_space<hbm>>) target(%dma_start3A_730 : memref<64x128xf32, #tpu.memory_space<vmem>>) target_semaphore(%arg15 : memref<!tpu.dma_semaphore, #tpu.memory_space<semaphore_mem>>)
      } else {
      }
      %slice3A_585 = vector.extract_strided_slice %gather3A_570 {offsets = [2], sizes = [1], strides = [1]} : vector<16xi32> to vector<1xi32>
      %squeeze3A_586 = vector.extract %slice3A_585[0] : i32 from vector<1xi32>
      %ne3A_587 = arith.constant 0 : i32
      %ne3A_588 = arith.cmpi ne, %squeeze3A_586, %ne3A_587 : i32
      %convert_element_type3A_589 = arith.extui %ne3A_588 : i1 to i32
      %cond3A_590 = arith.constant 0 : i32
      %cond3A_591 = arith.cmpi ne, %convert_element_type3A_589, %cond3A_590 : i32
      scf.if %cond3A_591 {
        %add3A_718 = arith.constant 2 : i32
        %add3A_719 = arith.addi %min3A_566, %add3A_718 : i32
        %mul3A_720 = arith.constant 128 : i32
        %mul3A_721 = arith.muli %add3A_719, %mul3A_720 : i32
        %multiple_of3A_722 = tpu.assume_multiple %mul3A_721, 128 : i32
        %dma_start3A_723 = arith.constant 0 : i32
        %dma_start3A_724 = arith.constant 256 : i32
        %dma_start3A_725 = tpu.memref_slice %arg8[%dma_start3A_723, %dma_start3A_724] : memref<64x512xf32, #tpu.memory_space<vmem>> -> memref<64x128xf32, #tpu.memory_space<vmem>>
        %dma_start3A_726 = arith.constant 0 : i32
        %dma_start3A_727 = tpu.memref_slice %arg2[%dma_start3A_726, %multiple_of3A_722] : memref<64x1000000xf32, #tpu.memory_space<hbm>> -> memref<64x128xf32, #tpu.memory_space<hbm>>
        %dma_start3A_728 = arith.constant 0 : i32
        %dma_start3A_729 = arith.constant 256 : i32
        %dma_start3A_730 = tpu.memref_slice %arg8[%dma_start3A_728, %dma_start3A_729] : memref<64x512xf32, #tpu.memory_space<vmem>> -> memref<64x128xf32, #tpu.memory_space<vmem>>
        %dma_start3A_731 = arith.constant 0 : i32
        %dma_start3A_732 = tpu.memref_slice %arg2[%dma_start3A_731, %multiple_of3A_722] : memref<64x1000000xf32, #tpu.memory_space<hbm>> -> memref<64x128xf32, #tpu.memory_space<hbm>>
        tpu.enqueue_dma source(%dma_start3A_732 : memref<64x128xf32, #tpu.memory_space<hbm>>) target(%dma_start3A_730 : memref<64x128xf32, #tpu.memory_space<vmem>>) target_semaphore(%arg15 : memref<!tpu.dma_semaphore, #tpu.memory_space<semaphore_mem>>)
      } else {
      }
      %slice3A_592 = vector.extract_strided_slice %gather3A_570 {offsets = [3], sizes = [1], strides = [1]} : vector<16xi32> to vector<1xi32>
      %squeeze3A_593 = vector.extract %slice3A_592[0] : i32 from vector<1xi32>
      %ne3A_594 = arith.constant 0 : i32
      %ne3A_595 = arith.cmpi ne, %squeeze3A_593, %ne3A_594 : i32
      %convert_element_type3A_596 = arith.extui %ne3A_595 : i1 to i32
      %cond3A_597 = arith.constant 0 : i32
      %cond3A_598 = arith.cmpi ne, %convert_element_type3A_596, %cond3A_597 : i32
      scf.if %cond3A_598 {
        %add3A_718 = arith.constant 3 : i32
        %add3A_719 = arith.addi %min3A_566, %add3A_718 : i32
        %mul3A_720 = arith.constant 128 : i32
        %mul3A_721 = arith.muli %add3A_719, %mul3A_720 : i32
        %multiple_of3A_722 = tpu.assume_multiple %mul3A_721, 128 : i32
        %dma_start3A_723 = arith.constant 0 : i32
        %dma_start3A_724 = arith.constant 384 : i32
        %dma_start3A_725 = tpu.memref_slice %arg8[%dma_start3A_723, %dma_start3A_724] : memref<64x512xf32, #tpu.memory_space<vmem>> -> memref<64x128xf32, #tpu.memory_space<vmem>>
        %dma_start3A_726 = arith.constant 0 : i32
        %dma_start3A_727 = tpu.memref_slice %arg2[%dma_start3A_726, %multiple_of3A_722] : memref<64x1000000xf32, #tpu.memory_space<hbm>> -> memref<64x128xf32, #tpu.memory_space<hbm>>
        %dma_start3A_728 = arith.constant 0 : i32
        %dma_start3A_729 = arith.constant 384 : i32
        %dma_start3A_730 = tpu.memref_slice %arg8[%dma_start3A_728, %dma_start3A_729] : memref<64x512xf32, #tpu.memory_space<vmem>> -> memref<64x128xf32, #tpu.memory_space<vmem>>
        %dma_start3A_731 = arith.constant 0 : i32
        %dma_start3A_732 = tpu.memref_slice %arg2[%dma_start3A_731, %multiple_of3A_722] : memref<64x1000000xf32, #tpu.memory_space<hbm>> -> memref<64x128xf32, #tpu.memory_space<hbm>>
        tpu.enqueue_dma source(%dma_start3A_732 : memref<64x128xf32, #tpu.memory_space<hbm>>) target(%dma_start3A_730 : memref<64x128xf32, #tpu.memory_space<vmem>>) target_semaphore(%arg15 : memref<!tpu.dma_semaphore, #tpu.memory_space<semaphore_mem>>)
      } else {
      }
      %add3A_599 = arith.constant 1 : i32
      %add3A_600 = arith.addi %add3A_483, %add3A_599 : i32
      %mul3A_601 = arith.constant 4 : i32
      %mul3A_602 = arith.muli %add3A_600, %mul3A_601 : i32
      %add3A_603 = arith.addi %mul3A_2, %mul3A_602 : i32
      %min3A_604 = arith.constant 7809 : i32
      %min3A_605 = arith.minsi %add3A_603, %min3A_604 : i32
      %sub3A_606 = arith.subi %min3A_605, %mul3A_2 : i32
      %broadcast_in_dim3A_607 = vector.broadcast %sub3A_606 : i32 to vector<16xi32>
      %add3A_608 = arith.addi %broadcast_in_dim3A_607, %iota3A : vector<16xi32>
      %gather3A_609 = tpu.vector_load_idx %arg14[%add3A_608] : memref<264xi32, #tpu.memory_space<vmem>>[vector<16xi32>], vector<16xi32>,
      %slice3A_610 = vector.extract_strided_slice %gather3A_609 {offsets = [0], sizes = [1], strides = [1]} : vector<16xi32> to vector<1xi32>
      %squeeze3A_611 = vector.extract %slice3A_610[0] : i32 from vector<1xi32>
      %ne3A_612 = arith.constant 0 : i32
      %ne3A_613 = arith.cmpi ne, %squeeze3A_611, %ne3A_612 : i32
      %convert_element_type3A_614 = arith.extui %ne3A_613 : i1 to i32
      %cond3A_615 = arith.constant 0 : i32
      %cond3A_616 = arith.cmpi ne, %convert_element_type3A_614, %cond3A_615 : i32
      scf.if %cond3A_616 {
        %dma_wait3A_718 = arith.constant 0 : i32
        %dma_wait3A_719 = arith.constant 0 : i32
        %dma_wait3A_720 = tpu.memref_slice %arg8[%dma_wait3A_718, %dma_wait3A_719] : memref<64x512xf32, #tpu.memory_space<vmem>> -> memref<64x128xf32, #tpu.memory_space<vmem>>
        %dma_wait3A_721 = arith.constant 0 : i32
        %dma_wait3A_722 = arith.constant 0 : i32
        %dma_wait3A_723 = tpu.memref_slice %arg2[%dma_wait3A_721, %dma_wait3A_722] : memref<64x1000000xf32, #tpu.memory_space<hbm>> -> memref<64x128xf32, #tpu.memory_space<hbm>>
        %dma_wait3A_724 = arith.constant 0 : i32
        %dma_wait3A_725 = arith.constant 0 : i32
        %dma_wait3A_726 = tpu.memref_slice %arg8[%dma_wait3A_724, %dma_wait3A_725] : memref<64x512xf32, #tpu.memory_space<vmem>> -> memref<64x128xf32, #tpu.memory_space<vmem>>
        %dma_wait3A_727 = arith.constant 0 : i32
        %dma_wait3A_728 = arith.constant 0 : i32
        %dma_wait3A_729 = tpu.memref_slice %arg2[%dma_wait3A_727, %dma_wait3A_728] : memref<64x1000000xf32, #tpu.memory_space<hbm>> -> memref<64x128xf32, #tpu.memory_space<hbm>>
        tpu.wait_dma2 semaphore(%arg15 : memref<!tpu.dma_semaphore, #tpu.memory_space<semaphore_mem>>) src(%dma_wait3A_729 : memref<64x128xf32, #tpu.memory_space<hbm>>) dst(%dma_wait3A_726 : memref<64x128xf32, #tpu.memory_space<vmem>>)
      } else {
      }
      %slice3A_617 = vector.extract_strided_slice %gather3A_609 {offsets = [1], sizes = [1], strides = [1]} : vector<16xi32> to vector<1xi32>
      %squeeze3A_618 = vector.extract %slice3A_617[0] : i32 from vector<1xi32>
      %ne3A_619 = arith.constant 0 : i32
      %ne3A_620 = arith.cmpi ne, %squeeze3A_618, %ne3A_619 : i32
      %convert_element_type3A_621 = arith.extui %ne3A_620 : i1 to i32
      %cond3A_622 = arith.constant 0 : i32
      %cond3A_623 = arith.cmpi ne, %convert_element_type3A_621, %cond3A_622 : i32
      scf.if %cond3A_623 {
        %dma_wait3A_718 = arith.constant 0 : i32
        %dma_wait3A_719 = arith.constant 0 : i32
        %dma_wait3A_720 = tpu.memref_slice %arg8[%dma_wait3A_718, %dma_wait3A_719] : memref<64x512xf32, #tpu.memory_space<vmem>> -> memref<64x128xf32, #tpu.memory_space<vmem>>
        %dma_wait3A_721 = arith.constant 0 : i32
        %dma_wait3A_722 = arith.constant 0 : i32
        %dma_wait3A_723 = tpu.memref_slice %arg2[%dma_wait3A_721, %dma_wait3A_722] : memref<64x1000000xf32, #tpu.memory_space<hbm>> -> memref<64x128xf32, #tpu.memory_space<hbm>>
        %dma_wait3A_724 = arith.constant 0 : i32
        %dma_wait3A_725 = arith.constant 0 : i32
        %dma_wait3A_726 = tpu.memref_slice %arg8[%dma_wait3A_724, %dma_wait3A_725] : memref<64x512xf32, #tpu.memory_space<vmem>> -> memref<64x128xf32, #tpu.memory_space<vmem>>
        %dma_wait3A_727 = arith.constant 0 : i32
        %dma_wait3A_728 = arith.constant 0 : i32
        %dma_wait3A_729 = tpu.memref_slice %arg2[%dma_wait3A_727, %dma_wait3A_728] : memref<64x1000000xf32, #tpu.memory_space<hbm>> -> memref<64x128xf32, #tpu.memory_space<hbm>>
        tpu.wait_dma2 semaphore(%arg15 : memref<!tpu.dma_semaphore, #tpu.memory_space<semaphore_mem>>) src(%dma_wait3A_729 : memref<64x128xf32, #tpu.memory_space<hbm>>) dst(%dma_wait3A_726 : memref<64x128xf32, #tpu.memory_space<vmem>>)
      } else {
      }
      %slice3A_624 = vector.extract_strided_slice %gather3A_609 {offsets = [2], sizes = [1], strides = [1]} : vector<16xi32> to vector<1xi32>
      %squeeze3A_625 = vector.extract %slice3A_624[0] : i32 from vector<1xi32>
      %ne3A_626 = arith.constant 0 : i32
      %ne3A_627 = arith.cmpi ne, %squeeze3A_625, %ne3A_626 : i32
      %convert_element_type3A_628 = arith.extui %ne3A_627 : i1 to i32
      %cond3A_629 = arith.constant 0 : i32
      %cond3A_630 = arith.cmpi ne, %convert_element_type3A_628, %cond3A_629 : i32
      scf.if %cond3A_630 {
        %dma_wait3A_718 = arith.constant 0 : i32
        %dma_wait3A_719 = arith.constant 0 : i32
        %dma_wait3A_720 = tpu.memref_slice %arg8[%dma_wait3A_718, %dma_wait3A_719] : memref<64x512xf32, #tpu.memory_space<vmem>> -> memref<64x128xf32, #tpu.memory_space<vmem>>
        %dma_wait3A_721 = arith.constant 0 : i32
        %dma_wait3A_722 = arith.constant 0 : i32
        %dma_wait3A_723 = tpu.memref_slice %arg2[%dma_wait3A_721, %dma_wait3A_722] : memref<64x1000000xf32, #tpu.memory_space<hbm>> -> memref<64x128xf32, #tpu.memory_space<hbm>>
        %dma_wait3A_724 = arith.constant 0 : i32
        %dma_wait3A_725 = arith.constant 0 : i32
        %dma_wait3A_726 = tpu.memref_slice %arg8[%dma_wait3A_724, %dma_wait3A_725] : memref<64x512xf32, #tpu.memory_space<vmem>> -> memref<64x128xf32, #tpu.memory_space<vmem>>
        %dma_wait3A_727 = arith.constant 0 : i32
        %dma_wait3A_728 = arith.constant 0 : i32
        %dma_wait3A_729 = tpu.memref_slice %arg2[%dma_wait3A_727, %dma_wait3A_728] : memref<64x1000000xf32, #tpu.memory_space<hbm>> -> memref<64x128xf32, #tpu.memory_space<hbm>>
        tpu.wait_dma2 semaphore(%arg15 : memref<!tpu.dma_semaphore, #tpu.memory_space<semaphore_mem>>) src(%dma_wait3A_729 : memref<64x128xf32, #tpu.memory_space<hbm>>) dst(%dma_wait3A_726 : memref<64x128xf32, #tpu.memory_space<vmem>>)
      } else {
      }
      %slice3A_631 = vector.extract_strided_slice %gather3A_609 {offsets = [3], sizes = [1], strides = [1]} : vector<16xi32> to vector<1xi32>
      %squeeze3A_632 = vector.extract %slice3A_631[0] : i32 from vector<1xi32>
      %ne3A_633 = arith.constant 0 : i32
      %ne3A_634 = arith.cmpi ne, %squeeze3A_632, %ne3A_633 : i32
      %convert_element_type3A_635 = arith.extui %ne3A_634 : i1 to i32
      %cond3A_636 = arith.constant 0 : i32
      %cond3A_637 = arith.cmpi ne, %convert_element_type3A_635, %cond3A_636 : i32
      scf.if %cond3A_637 {
        %dma_wait3A_718 = arith.constant 0 : i32
        %dma_wait3A_719 = arith.constant 0 : i32
        %dma_wait3A_720 = tpu.memref_slice %arg8[%dma_wait3A_718, %dma_wait3A_719] : memref<64x512xf32, #tpu.memory_space<vmem>> -> memref<64x128xf32, #tpu.memory_space<vmem>>
        %dma_wait3A_721 = arith.constant 0 : i32
        %dma_wait3A_722 = arith.constant 0 : i32
        %dma_wait3A_723 = tpu.memref_slice %arg2[%dma_wait3A_721, %dma_wait3A_722] : memref<64x1000000xf32, #tpu.memory_space<hbm>> -> memref<64x128xf32, #tpu.memory_space<hbm>>
        %dma_wait3A_724 = arith.constant 0 : i32
        %dma_wait3A_725 = arith.constant 0 : i32
        %dma_wait3A_726 = tpu.memref_slice %arg8[%dma_wait3A_724, %dma_wait3A_725] : memref<64x512xf32, #tpu.memory_space<vmem>> -> memref<64x128xf32, #tpu.memory_space<vmem>>
        %dma_wait3A_727 = arith.constant 0 : i32
        %dma_wait3A_728 = arith.constant 0 : i32
        %dma_wait3A_729 = tpu.memref_slice %arg2[%dma_wait3A_727, %dma_wait3A_728] : memref<64x1000000xf32, #tpu.memory_space<hbm>> -> memref<64x128xf32, #tpu.memory_space<hbm>>
        tpu.wait_dma2 semaphore(%arg15 : memref<!tpu.dma_semaphore, #tpu.memory_space<semaphore_mem>>) src(%dma_wait3A_729 : memref<64x128xf32, #tpu.memory_space<hbm>>) dst(%dma_wait3A_726 : memref<64x128xf32, #tpu.memory_space<vmem>>)
      } else {
      }
      %add3A_638 = arith.constant 1 : i32
      %add3A_639 = arith.addi %add3A_483, %add3A_638 : i32
      %mul3A_640 = arith.constant 4 : i32
      %mul3A_641 = arith.muli %add3A_639, %mul3A_640 : i32
      %add3A_642 = arith.addi %mul3A_2, %mul3A_641 : i32
      %min3A_643 = arith.constant 7809 : i32
      %min3A_644 = arith.minsi %add3A_642, %min3A_643 : i32
      %while3A_645 = arith.constant 0 : i32
      %while3A_646 = arith.constant 0 : i32
      %while3A_647 = arith.subi %select_n3A, %while3A_645 : i32
      %while3A_648 = arith.addi %while3A_645, %while3A_647 : i32
      %while3A_649 = arith.constant 1 : i32
      %while3A_650 = arith.divsi %while3A_647, %while3A_649 : i32
      %while3A_651 = arith.muli %while3A_650, %while3A_649 : i32
      %while3A_652 = arith.addi %while3A_645, %while3A_651 : i32
      %while3A_653 = arith.constant 1 : i32
      %while3A_654 = scf.for %while3A_718 = %while3A_645 to %while3A_652 step %while3A_653 iter_args(%while3A_719 = %while3A_646) -> (i32)  : i32 {
        %mul3A_720 = arith.constant 16 : i32
        %mul3A_721 = arith.muli %while3A_718, %mul3A_720 : i32
        %get3A = arith.index_cast %mul3A_721 : i32 to index
        %get3A_722 = tpu.vector_load %arg6[%get3A] {strides = array<i32>} : memref<1024xi32, #tpu.memory_space<vmem>>, vector<16xi32>,
        %mul3A_723 = arith.constant 16 : i32
        %mul3A_724 = arith.muli %while3A_718, %mul3A_723 : i32
        %get3A_725 = arith.index_cast %mul3A_724 : i32 to index
        %get3A_726 = tpu.vector_load %arg7[%get3A_725] {strides = array<i32>} : memref<1024xi32, #tpu.memory_space<vmem>>, vector<16xi32>,
        %broadcast_in_dim3A_727 = arith.constant 7 : i32
        %broadcast_in_dim3A_728 = vector.broadcast %broadcast_in_dim3A_727 : i32 to vector<16xi32>
        %shift_right_logical3A = arith.shrui %get3A_722, %broadcast_in_dim3A_728 : vector<16xi32>
        %broadcast_in_dim3A_729 = vector.broadcast %min3A_644 : i32 to vector<16xi32>
        %ge3A_730 = arith.cmpi sge, %shift_right_logical3A, %broadcast_in_dim3A_729 : vector<16xi32>
        %add3A_731 = arith.constant 4 : i32
        %add3A_732 = arith.addi %min3A_644, %add3A_731 : i32
        %broadcast_in_dim3A_733 = vector.broadcast %add3A_732 : i32 to vector<16xi32>
        %lt3A = arith.cmpi slt, %shift_right_logical3A, %broadcast_in_dim3A_733 : vector<16xi32>
        %and3A_734 = arith.andi %ge3A_730, %lt3A : vector<16xi1>
        %broadcast_in_dim3A_735 = arith.constant 1 : i32
        %broadcast_in_dim3A_736 = vector.broadcast %broadcast_in_dim3A_735 : i32 to vector<16xi32>
        %broadcast_in_dim3A_737 = arith.constant 0 : i32
        %broadcast_in_dim3A_738 = vector.broadcast %broadcast_in_dim3A_737 : i32 to vector<16xi32>
        %select_n3A_739 = arith.select %and3A_734, %broadcast_in_dim3A_736, %broadcast_in_dim3A_738 : vector<16xi1>, vector<16xi32>
        %broadcast_in_dim3A_740 = arith.constant true
        %broadcast_in_dim3A_741 = vector.broadcast %broadcast_in_dim3A_740 : i1 to vector<16xi1>
        %masked_cumsum3A = tpu.scan <sum>, %select_n3A_739 masked %broadcast_in_dim3A_741 : vector<16xi32>, vector<16xi1> -> vector<16xi32>
        %broadcast_in_dim3A_742 = arith.constant 1 : i32
        %broadcast_in_dim3A_743 = vector.broadcast %broadcast_in_dim3A_742 : i32 to vector<16xi32>
        %sub3A_744 = arith.subi %masked_cumsum3A, %broadcast_in_dim3A_743 : vector<16xi32>
        %broadcast_in_dim3A_745 = vector.broadcast %while3A_719 : i32 to vector<16xi32>
        %add3A_746 = arith.addi %broadcast_in_dim3A_745, %sub3A_744 : vector<16xi32>
        %broadcast_in_dim3A_747 = arith.constant 64 : i32
        %broadcast_in_dim3A_748 = vector.broadcast %broadcast_in_dim3A_747 : i32 to vector<16xi32>
        %add3A_749 = arith.addi %broadcast_in_dim3A_748, %iota3A : vector<16xi32>
        %select_n3A_750 = arith.select %and3A_734, %add3A_746, %add3A_749 : vector<16xi1>, vector<16xi32>
        %broadcast_in_dim3A_751 = arith.constant 79 : i32
        %broadcast_in_dim3A_752 = vector.broadcast %broadcast_in_dim3A_751 : i32 to vector<16xi32>
        %min3A_753 = arith.minsi %select_n3A_750, %broadcast_in_dim3A_752 : vector<16xi32>
        tpu.vector_store_idx %arg12[%min3A_753], %get3A_722 : memref<80xi32, #tpu.memory_space<vmem>>[vector<16xi32>], vector<16xi32>,
        tpu.vector_store_idx %arg13[%min3A_753], %get3A_726 : memref<80xi32, #tpu.memory_space<vmem>>[vector<16xi32>], vector<16xi32>,
        %all_reduce_population_count3A = tpu.all_reduce %and3A_734 {dim = 0 : i64, kind = #tpu.reduction_kind<sum>} : vector<16xi1> -> vector<16xi32>
        %slice3A_754 = vector.extract_strided_slice %all_reduce_population_count3A {offsets = [0], sizes = [1], strides = [1]} : vector<16xi32> to vector<1xi32>
        %squeeze3A_755 = vector.extract %slice3A_754[0] : i32 from vector<1xi32>
        %add3A_756 = arith.addi %while3A_719, %squeeze3A_755 : i32
        scf.yield %add3A_756 : i32
      }
      %while3A_655 = arith.constant 1 : i32
      %while3A_656 = scf.for %while3A_718 = %while3A_652 to %while3A_648 step %while3A_655 iter_args(%while3A_719 = %while3A_654) -> (i32)  : i32 {
        %mul3A_720 = arith.constant 16 : i32
        %mul3A_721 = arith.muli %while3A_718, %mul3A_720 : i32
        %get3A = arith.index_cast %mul3A_721 : i32 to index
        %get3A_722 = tpu.vector_load %arg6[%get3A] {strides = array<i32>} : memref<1024xi32, #tpu.memory_space<vmem>>, vector<16xi32>,
        %mul3A_723 = arith.constant 16 : i32
        %mul3A_724 = arith.muli %while3A_718, %mul3A_723 : i32
        %get3A_725 = arith.index_cast %mul3A_724 : i32 to index
        %get3A_726 = tpu.vector_load %arg7[%get3A_725] {strides = array<i32>} : memref<1024xi32, #tpu.memory_space<vmem>>, vector<16xi32>,
        %broadcast_in_dim3A_727 = arith.constant 7 : i32
        %broadcast_in_dim3A_728 = vector.broadcast %broadcast_in_dim3A_727 : i32 to vector<16xi32>
        %shift_right_logical3A = arith.shrui %get3A_722, %broadcast_in_dim3A_728 : vector<16xi32>
        %broadcast_in_dim3A_729 = vector.broadcast %min3A_644 : i32 to vector<16xi32>
        %ge3A_730 = arith.cmpi sge, %shift_right_logical3A, %broadcast_in_dim3A_729 : vector<16xi32>
        %add3A_731 = arith.constant 4 : i32
        %add3A_732 = arith.addi %min3A_644, %add3A_731 : i32
        %broadcast_in_dim3A_733 = vector.broadcast %add3A_732 : i32 to vector<16xi32>
        %lt3A = arith.cmpi slt, %shift_right_logical3A, %broadcast_in_dim3A_733 : vector<16xi32>
        %and3A_734 = arith.andi %ge3A_730, %lt3A : vector<16xi1>
        %broadcast_in_dim3A_735 = arith.constant 1 : i32
        %broadcast_in_dim3A_736 = vector.broadcast %broadcast_in_dim3A_735 : i32 to vector<16xi32>
        %broadcast_in_dim3A_737 = arith.constant 0 : i32
        %broadcast_in_dim3A_738 = vector.broadcast %broadcast_in_dim3A_737 : i32 to vector<16xi32>
        %select_n3A_739 = arith.select %and3A_734, %broadcast_in_dim3A_736, %broadcast_in_dim3A_738 : vector<16xi1>, vector<16xi32>
        %broadcast_in_dim3A_740 = arith.constant true
        %broadcast_in_dim3A_741 = vector.broadcast %broadcast_in_dim3A_740 : i1 to vector<16xi1>
        %masked_cumsum3A = tpu.scan <sum>, %select_n3A_739 masked %broadcast_in_dim3A_741 : vector<16xi32>, vector<16xi1> -> vector<16xi32>
        %broadcast_in_dim3A_742 = arith.constant 1 : i32
        %broadcast_in_dim3A_743 = vector.broadcast %broadcast_in_dim3A_742 : i32 to vector<16xi32>
        %sub3A_744 = arith.subi %masked_cumsum3A, %broadcast_in_dim3A_743 : vector<16xi32>
        %broadcast_in_dim3A_745 = vector.broadcast %while3A_719 : i32 to vector<16xi32>
        %add3A_746 = arith.addi %broadcast_in_dim3A_745, %sub3A_744 : vector<16xi32>
        %broadcast_in_dim3A_747 = arith.constant 64 : i32
        %broadcast_in_dim3A_748 = vector.broadcast %broadcast_in_dim3A_747 : i32 to vector<16xi32>
        %add3A_749 = arith.addi %broadcast_in_dim3A_748, %iota3A : vector<16xi32>
        %select_n3A_750 = arith.select %and3A_734, %add3A_746, %add3A_749 : vector<16xi1>, vector<16xi32>
        %broadcast_in_dim3A_751 = arith.constant 79 : i32
        %broadcast_in_dim3A_752 = vector.broadcast %broadcast_in_dim3A_751 : i32 to vector<16xi32>
        %min3A_753 = arith.minsi %select_n3A_750, %broadcast_in_dim3A_752 : vector<16xi32>
        tpu.vector_store_idx %arg12[%min3A_753], %get3A_722 : memref<80xi32, #tpu.memory_space<vmem>>[vector<16xi32>], vector<16xi32>,
        tpu.vector_store_idx %arg13[%min3A_753], %get3A_726 : memref<80xi32, #tpu.memory_space<vmem>>[vector<16xi32>], vector<16xi32>,
        %all_reduce_population_count3A = tpu.all_reduce %and3A_734 {dim = 0 : i64, kind = #tpu.reduction_kind<sum>} : vector<16xi1> -> vector<16xi32>
        %slice3A_754 = vector.extract_strided_slice %all_reduce_population_count3A {offsets = [0], sizes = [1], strides = [1]} : vector<16xi32> to vector<1xi32>
        %squeeze3A_755 = vector.extract %slice3A_754[0] : i32 from vector<1xi32>
        %add3A_756 = arith.addi %while3A_719, %squeeze3A_755 : i32
        scf.yield %add3A_756 : i32
      }
      %min3A_657 = arith.constant 64 : i32
      %min3A_658 = arith.minsi %while3A_656, %min3A_657 : i32
      %while3A_659 = arith.constant 0 : i32
      %while3A_660 = arith.subi %min3A_658, %while3A_659 : i32
      %while3A_661 = arith.addi %while3A_659, %while3A_660 : i32
      %while3A_662 = arith.constant 1 : i32
      %while3A_663 = arith.divsi %while3A_660, %while3A_662 : i32
      %while3A_664 = arith.muli %while3A_663, %while3A_662 : i32
      %while3A_665 = arith.addi %while3A_659, %while3A_664 : i32
      %while3A_666 = arith.constant 1 : i32
      %while3A_667 = scf.for %while3A_718 = %while3A_659 to %while3A_665 step %while3A_666 iter_args(%while3A_719 = %select_n3A_559) -> (i32)  : i32 {
        %broadcast_in_dim3A_720 = vector.broadcast %while3A_718 : i32 to vector<16xi32>
        %gather3A_721 = tpu.vector_load_idx %arg12[%broadcast_in_dim3A_720] : memref<80xi32, #tpu.memory_space<vmem>>[vector<16xi32>], vector<16xi32>,
        %slice3A_722 = vector.extract_strided_slice %gather3A_721 {offsets = [0], sizes = [1], strides = [1]} : vector<16xi32> to vector<1xi32>
        %squeeze3A_723 = vector.extract %slice3A_722[0] : i32 from vector<1xi32>
        %gather3A_724 = tpu.vector_load_idx %arg13[%broadcast_in_dim3A_720] : memref<80xi32, #tpu.memory_space<vmem>>[vector<16xi32>], vector<16xi32>,
        %slice3A_725 = vector.extract_strided_slice %gather3A_724 {offsets = [0], sizes = [1], strides = [1]} : vector<16xi32> to vector<1xi32>
        %squeeze3A_726 = vector.extract %slice3A_725[0] : i32 from vector<1xi32>
        %mul3A_727 = arith.constant 128 : i32
        %mul3A_728 = arith.muli %min3A_644, %mul3A_727 : i32
        %sub3A_729 = arith.subi %squeeze3A_723, %mul3A_728 : i32
        %broadcast_in_dim3A_730 = vector.broadcast %while3A_719 : i32 to vector<16xi32>
        %broadcast_in_dim3A_731 = arith.constant 0 : i32
        %broadcast_in_dim3A_732 = vector.broadcast %broadcast_in_dim3A_731 : i32 to vector<16xi32>
        %add3A_733 = arith.addi %broadcast_in_dim3A_732, %iota3A : vector<16xi32>
        %broadcast_in_dim3A_734 = vector.broadcast %sub3A_729 : i32 to vector<16xi32>
        %gather3A_735 = tpu.vector_load_idx %arg9[%add3A_733, %broadcast_in_dim3A_734] : memref<64x512xf32, #tpu.memory_space<vmem>>[vector<16xi32>, vector<16xi32>], vector<16xf32>,
        tpu.vector_store_idx %arg10[%broadcast_in_dim3A_730, %add3A_733], %gather3A_735 : memref<128x128xf32, #tpu.memory_space<vmem>>[vector<16xi32>, vector<16xi32>], vector<16xf32>,
        %broadcast_in_dim3A_736 = arith.constant 16 : i32
        %broadcast_in_dim3A_737 = vector.broadcast %broadcast_in_dim3A_736 : i32 to vector<16xi32>
        %add3A_738 = arith.addi %broadcast_in_dim3A_737, %iota3A : vector<16xi32>
        %broadcast_in_dim3A_739 = vector.broadcast %sub3A_729 : i32 to vector<16xi32>
        %gather3A_740 = tpu.vector_load_idx %arg9[%add3A_738, %broadcast_in_dim3A_739] : memref<64x512xf32, #tpu.memory_space<vmem>>[vector<16xi32>, vector<16xi32>], vector<16xf32>,
        tpu.vector_store_idx %arg10[%broadcast_in_dim3A_730, %add3A_738], %gather3A_740 : memref<128x128xf32, #tpu.memory_space<vmem>>[vector<16xi32>, vector<16xi32>], vector<16xf32>,
        %broadcast_in_dim3A_741 = arith.constant 32 : i32
        %broadcast_in_dim3A_742 = vector.broadcast %broadcast_in_dim3A_741 : i32 to vector<16xi32>
        %add3A_743 = arith.addi %broadcast_in_dim3A_742, %iota3A : vector<16xi32>
        %broadcast_in_dim3A_744 = vector.broadcast %sub3A_729 : i32 to vector<16xi32>
        %gather3A_745 = tpu.vector_load_idx %arg9[%add3A_743, %broadcast_in_dim3A_744] : memref<64x512xf32, #tpu.memory_space<vmem>>[vector<16xi32>, vector<16xi32>], vector<16xf32>,
        tpu.vector_store_idx %arg10[%broadcast_in_dim3A_730, %add3A_743], %gather3A_745 : memref<128x128xf32, #tpu.memory_space<vmem>>[vector<16xi32>, vector<16xi32>], vector<16xf32>,
        %broadcast_in_dim3A_746 = arith.constant 48 : i32
        %broadcast_in_dim3A_747 = vector.broadcast %broadcast_in_dim3A_746 : i32 to vector<16xi32>
        %add3A_748 = arith.addi %broadcast_in_dim3A_747, %iota3A : vector<16xi32>
        %broadcast_in_dim3A_749 = vector.broadcast %sub3A_729 : i32 to vector<16xi32>
        %gather3A_750 = tpu.vector_load_idx %arg9[%add3A_748, %broadcast_in_dim3A_749] : memref<64x512xf32, #tpu.memory_space<vmem>>[vector<16xi32>, vector<16xi32>], vector<16xf32>,
        tpu.vector_store_idx %arg10[%broadcast_in_dim3A_730, %add3A_748], %gather3A_750 : memref<128x128xf32, #tpu.memory_space<vmem>>[vector<16xi32>, vector<16xi32>], vector<16xf32>,
        %broadcast_in_dim3A_751 = vector.broadcast %squeeze3A_726 : i32 to vector<16xi32>
        tpu.vector_store_idx %arg11[%broadcast_in_dim3A_730], %broadcast_in_dim3A_751 : memref<128xi32, #tpu.memory_space<vmem>>[vector<16xi32>], vector<16xi32>,
        %add3A_752 = arith.constant 1 : i32
        %add3A_753 = arith.addi %while3A_719, %add3A_752 : i32
        scf.yield %add3A_753 : i32
      }
      %while3A_668 = arith.constant 1 : i32
      %while3A_669 = scf.for %while3A_718 = %while3A_665 to %while3A_661 step %while3A_668 iter_args(%while3A_719 = %while3A_667) -> (i32)  : i32 {
        %broadcast_in_dim3A_720 = vector.broadcast %while3A_718 : i32 to vector<16xi32>
        %gather3A_721 = tpu.vector_load_idx %arg12[%broadcast_in_dim3A_720] : memref<80xi32, #tpu.memory_space<vmem>>[vector<16xi32>], vector<16xi32>,
        %slice3A_722 = vector.extract_strided_slice %gather3A_721 {offsets = [0], sizes = [1], strides = [1]} : vector<16xi32> to vector<1xi32>
        %squeeze3A_723 = vector.extract %slice3A_722[0] : i32 from vector<1xi32>
        %gather3A_724 = tpu.vector_load_idx %arg13[%broadcast_in_dim3A_720] : memref<80xi32, #tpu.memory_space<vmem>>[vector<16xi32>], vector<16xi32>,
        %slice3A_725 = vector.extract_strided_slice %gather3A_724 {offsets = [0], sizes = [1], strides = [1]} : vector<16xi32> to vector<1xi32>
        %squeeze3A_726 = vector.extract %slice3A_725[0] : i32 from vector<1xi32>
        %mul3A_727 = arith.constant 128 : i32
        %mul3A_728 = arith.muli %min3A_644, %mul3A_727 : i32
        %sub3A_729 = arith.subi %squeeze3A_723, %mul3A_728 : i32
        %broadcast_in_dim3A_730 = vector.broadcast %while3A_719 : i32 to vector<16xi32>
        %broadcast_in_dim3A_731 = arith.constant 0 : i32
        %broadcast_in_dim3A_732 = vector.broadcast %broadcast_in_dim3A_731 : i32 to vector<16xi32>
        %add3A_733 = arith.addi %broadcast_in_dim3A_732, %iota3A : vector<16xi32>
        %broadcast_in_dim3A_734 = vector.broadcast %sub3A_729 : i32 to vector<16xi32>
        %gather3A_735 = tpu.vector_load_idx %arg9[%add3A_733, %broadcast_in_dim3A_734] : memref<64x512xf32, #tpu.memory_space<vmem>>[vector<16xi32>, vector<16xi32>], vector<16xf32>,
        tpu.vector_store_idx %arg10[%broadcast_in_dim3A_730, %add3A_733], %gather3A_735 : memref<128x128xf32, #tpu.memory_space<vmem>>[vector<16xi32>, vector<16xi32>], vector<16xf32>,
        %broadcast_in_dim3A_736 = arith.constant 16 : i32
        %broadcast_in_dim3A_737 = vector.broadcast %broadcast_in_dim3A_736 : i32 to vector<16xi32>
        %add3A_738 = arith.addi %broadcast_in_dim3A_737, %iota3A : vector<16xi32>
        %broadcast_in_dim3A_739 = vector.broadcast %sub3A_729 : i32 to vector<16xi32>
        %gather3A_740 = tpu.vector_load_idx %arg9[%add3A_738, %broadcast_in_dim3A_739] : memref<64x512xf32, #tpu.memory_space<vmem>>[vector<16xi32>, vector<16xi32>], vector<16xf32>,
        tpu.vector_store_idx %arg10[%broadcast_in_dim3A_730, %add3A_738], %gather3A_740 : memref<128x128xf32, #tpu.memory_space<vmem>>[vector<16xi32>, vector<16xi32>], vector<16xf32>,
        %broadcast_in_dim3A_741 = arith.constant 32 : i32
        %broadcast_in_dim3A_742 = vector.broadcast %broadcast_in_dim3A_741 : i32 to vector<16xi32>
        %add3A_743 = arith.addi %broadcast_in_dim3A_742, %iota3A : vector<16xi32>
        %broadcast_in_dim3A_744 = vector.broadcast %sub3A_729 : i32 to vector<16xi32>
        %gather3A_745 = tpu.vector_load_idx %arg9[%add3A_743, %broadcast_in_dim3A_744] : memref<64x512xf32, #tpu.memory_space<vmem>>[vector<16xi32>, vector<16xi32>], vector<16xf32>,
        tpu.vector_store_idx %arg10[%broadcast_in_dim3A_730, %add3A_743], %gather3A_745 : memref<128x128xf32, #tpu.memory_space<vmem>>[vector<16xi32>, vector<16xi32>], vector<16xf32>,
        %broadcast_in_dim3A_746 = arith.constant 48 : i32
        %broadcast_in_dim3A_747 = vector.broadcast %broadcast_in_dim3A_746 : i32 to vector<16xi32>
        %add3A_748 = arith.addi %broadcast_in_dim3A_747, %iota3A : vector<16xi32>
        %broadcast_in_dim3A_749 = vector.broadcast %sub3A_729 : i32 to vector<16xi32>
        %gather3A_750 = tpu.vector_load_idx %arg9[%add3A_748, %broadcast_in_dim3A_749] : memref<64x512xf32, #tpu.memory_space<vmem>>[vector<16xi32>, vector<16xi32>], vector<16xf32>,
        tpu.vector_store_idx %arg10[%broadcast_in_dim3A_730, %add3A_748], %gather3A_750 : memref<128x128xf32, #tpu.memory_space<vmem>>[vector<16xi32>, vector<16xi32>], vector<16xf32>,
        %broadcast_in_dim3A_751 = vector.broadcast %squeeze3A_726 : i32 to vector<16xi32>
        tpu.vector_store_idx %arg11[%broadcast_in_dim3A_730], %broadcast_in_dim3A_751 : memref<128xi32, #tpu.memory_space<vmem>>[vector<16xi32>], vector<16xi32>,
        %add3A_752 = arith.constant 1 : i32
        %add3A_753 = arith.addi %while3A_719, %add3A_752 : i32
        scf.yield %add3A_753 : i32
      }
      %ge3A_670 = arith.constant 64 : i32
      %ge3A_671 = arith.cmpi sge, %while3A_669, %ge3A_670 : i32
      %convert_element_type3A_672 = arith.extui %ge3A_671 : i1 to i32
      %cond3A_673 = arith.constant 0 : i32
      %cond3A_674 = arith.cmpi ne, %convert_element_type3A_672, %cond3A_673 : i32
      scf.if %cond3A_674 {
        %dma_start3A_718 = arith.constant 0 : i32
        %dma_start3A_719 = arith.constant 0 : i32
        %dma_start3A_720 = tpu.memref_slice %arg4[%dma_start3A_718, %dma_start3A_719] : memref<16512x128xf32, #tpu.memory_space<hbm>> -> memref<16512x128xf32, #tpu.memory_space<hbm>>
        tpu.enqueue_indirect_dma source(%arg10 : memref<128x128xf32, #tpu.memory_space<vmem>>) target(%dma_start3A_720 : memref<16512x128xf32, #tpu.memory_space<hbm>>) offsets(%arg11 : memref<128xi32, #tpu.memory_space<vmem>>) semaphore(%arg16 : memref<!tpu.dma_semaphore, #tpu.memory_space<semaphore_mem>>)
        %dma_wait3A_721 = arith.constant 0 : i32
        %dma_wait3A_722 = arith.constant 0 : i32
        %dma_wait3A_723 = tpu.memref_slice %arg4[%dma_wait3A_721, %dma_wait3A_722] : memref<16512x128xf32, #tpu.memory_space<hbm>> -> memref<16512x128xf32, #tpu.memory_space<hbm>>
        tpu.wait_indirect_dma semaphore(%arg16 : memref<!tpu.dma_semaphore, #tpu.memory_space<semaphore_mem>>) src(%arg10 : memref<128x128xf32, #tpu.memory_space<vmem>>) dst(%dma_wait3A_723 : memref<16512x128xf32, #tpu.memory_space<hbm>>)
        %broadcast_in_dim3A_724 = vector.broadcast %add3A_6 : i32 to vector<16xi32>
        %broadcast_in_dim3A_725 = arith.constant 3 : i32
        %broadcast_in_dim3A_726 = vector.broadcast %broadcast_in_dim3A_725 : i32 to vector<16xi32>
        %and3A_727 = arith.andi %iota3A, %broadcast_in_dim3A_726 : vector<16xi32>
        %add3A_728 = arith.addi %broadcast_in_dim3A_724, %and3A_727 : vector<16xi32>
        %swap3A_729 = arith.constant 0 : index
        %swap3A_730 = tpu.vector_load %arg11[%swap3A_729] {strides = array<i32>} : memref<128xi32, #tpu.memory_space<vmem>>, vector<16xi32>,
        tpu.vector_store %arg11[%swap3A_729], %add3A_728 {strides = array<i32>} : memref<128xi32, #tpu.memory_space<vmem>>, vector<16xi32>,
        %swap3A_731 = arith.constant 16 : index
        %swap3A_732 = tpu.vector_load %arg11[%swap3A_731] {strides = array<i32>} : memref<128xi32, #tpu.memory_space<vmem>>, vector<16xi32>,
        tpu.vector_store %arg11[%swap3A_731], %add3A_728 {strides = array<i32>} : memref<128xi32, #tpu.memory_space<vmem>>, vector<16xi32>,
        %swap3A_733 = arith.constant 32 : index
        %swap3A_734 = tpu.vector_load %arg11[%swap3A_733] {strides = array<i32>} : memref<128xi32, #tpu.memory_space<vmem>>, vector<16xi32>,
        tpu.vector_store %arg11[%swap3A_733], %add3A_728 {strides = array<i32>} : memref<128xi32, #tpu.memory_space<vmem>>, vector<16xi32>,
        %swap3A_735 = arith.constant 48 : index
        %swap3A_736 = tpu.vector_load %arg11[%swap3A_735] {strides = array<i32>} : memref<128xi32, #tpu.memory_space<vmem>>, vector<16xi32>,
        tpu.vector_store %arg11[%swap3A_735], %add3A_728 {strides = array<i32>} : memref<128xi32, #tpu.memory_space<vmem>>, vector<16xi32>,
        %swap3A_737 = arith.constant 64 : index
        %swap3A_738 = tpu.vector_load %arg11[%swap3A_737] {strides = array<i32>} : memref<128xi32, #tpu.memory_space<vmem>>, vector<16xi32>,
        tpu.vector_store %arg11[%swap3A_737], %add3A_728 {strides = array<i32>} : memref<128xi32, #tpu.memory_space<vmem>>, vector<16xi32>,
        %swap3A_739 = arith.constant 80 : index
        %swap3A_740 = tpu.vector_load %arg11[%swap3A_739] {strides = array<i32>} : memref<128xi32, #tpu.memory_space<vmem>>, vector<16xi32>,
        tpu.vector_store %arg11[%swap3A_739], %add3A_728 {strides = array<i32>} : memref<128xi32, #tpu.memory_space<vmem>>, vector<16xi32>,
        %swap3A_741 = arith.constant 96 : index
        %swap3A_742 = tpu.vector_load %arg11[%swap3A_741] {strides = array<i32>} : memref<128xi32, #tpu.memory_space<vmem>>, vector<16xi32>,
        tpu.vector_store %arg11[%swap3A_741], %add3A_728 {strides = array<i32>} : memref<128xi32, #tpu.memory_space<vmem>>, vector<16xi32>,
        %swap3A_743 = arith.constant 112 : index
        %swap3A_744 = tpu.vector_load %arg11[%swap3A_743] {strides = array<i32>} : memref<128xi32, #tpu.memory_space<vmem>>, vector<16xi32>,
        tpu.vector_store %arg11[%swap3A_743], %add3A_728 {strides = array<i32>} : memref<128xi32, #tpu.memory_space<vmem>>, vector<16xi32>,
      } else {
      }
      %ge3A_675 = arith.constant 64 : i32
      %ge3A_676 = arith.cmpi sge, %while3A_669, %ge3A_675 : i32
      %jit3A_677 = arith.constant 0 : i32
      %select_n3A_678 = arith.select %ge3A_676, %jit3A_677, %while3A_669 : i32
      %add3A_679 = arith.constant 3 : i32
      %add3A_680 = arith.addi %add3A_483, %add3A_679 : i32
      %mul3A_681 = arith.constant 4 : i32
      %mul3A_682 = arith.muli %add3A_680, %mul3A_681 : i32
      %add3A_683 = arith.addi %mul3A_2, %mul3A_682 : i32
      %min3A_684 = arith.constant 7809 : i32
      %min3A_685 = arith.minsi %add3A_683, %min3A_684 : i32
      %sub3A_686 = arith.subi %min3A_685, %mul3A_2 : i32
      %broadcast_in_dim3A_687 = vector.broadcast %sub3A_686 : i32 to vector<16xi32>
      %add3A_688 = arith.addi %broadcast_in_dim3A_687, %iota3A : vector<16xi32>
      %gather3A_689 = tpu.vector_load_idx %arg14[%add3A_688] : memref<264xi32, #tpu.memory_space<vmem>>[vector<16xi32>], vector<16xi32>,
      %slice3A_690 = vector.extract_strided_slice %gather3A_689 {offsets = [0], sizes = [1], strides = [1]} : vector<16xi32> to vector<1xi32>
      %squeeze3A_691 = vector.extract %slice3A_690[0] : i32 from vector<1xi32>
      %ne3A_692 = arith.constant 0 : i32
      %ne3A_693 = arith.cmpi ne, %squeeze3A_691, %ne3A_692 : i32
      %convert_element_type3A_694 = arith.extui %ne3A_693 : i1 to i32
      %cond3A_695 = arith.constant 0 : i32
      %cond3A_696 = arith.cmpi ne, %convert_element_type3A_694, %cond3A_695 : i32
      scf.if %cond3A_696 {
        %add3A_718 = arith.constant 0 : i32
        %add3A_719 = arith.addi %min3A_685, %add3A_718 : i32
        %mul3A_720 = arith.constant 128 : i32
        %mul3A_721 = arith.muli %add3A_719, %mul3A_720 : i32
        %multiple_of3A_722 = tpu.assume_multiple %mul3A_721, 128 : i32
        %dma_start3A_723 = arith.constant 0 : i32
        %dma_start3A_724 = arith.constant 0 : i32
        %dma_start3A_725 = tpu.memref_slice %arg9[%dma_start3A_723, %dma_start3A_724] : memref<64x512xf32, #tpu.memory_space<vmem>> -> memref<64x128xf32, #tpu.memory_space<vmem>>
        %dma_start3A_726 = arith.constant 0 : i32
        %dma_start3A_727 = tpu.memref_slice %arg2[%dma_start3A_726, %multiple_of3A_722] : memref<64x1000000xf32, #tpu.memory_space<hbm>> -> memref<64x128xf32, #tpu.memory_space<hbm>>
        %dma_start3A_728 = arith.constant 0 : i32
        %dma_start3A_729 = arith.constant 0 : i32
        %dma_start3A_730 = tpu.memref_slice %arg9[%dma_start3A_728, %dma_start3A_729] : memref<64x512xf32, #tpu.memory_space<vmem>> -> memref<64x128xf32, #tpu.memory_space<vmem>>
        %dma_start3A_731 = arith.constant 0 : i32
        %dma_start3A_732 = tpu.memref_slice %arg2[%dma_start3A_731, %multiple_of3A_722] : memref<64x1000000xf32, #tpu.memory_space<hbm>> -> memref<64x128xf32, #tpu.memory_space<hbm>>
        tpu.enqueue_dma source(%dma_start3A_732 : memref<64x128xf32, #tpu.memory_space<hbm>>) target(%dma_start3A_730 : memref<64x128xf32, #tpu.memory_space<vmem>>) target_semaphore(%arg15 : memref<!tpu.dma_semaphore, #tpu.memory_space<semaphore_mem>>)
      } else {
      }
      %slice3A_697 = vector.extract_strided_slice %gather3A_689 {offsets = [1], sizes = [1], strides = [1]} : vector<16xi32> to vector<1xi32>
      %squeeze3A_698 = vector.extract %slice3A_697[0] : i32 from vector<1xi32>
      %ne3A_699 = arith.constant 0 : i32
      %ne3A_700 = arith.cmpi ne, %squeeze3A_698, %ne3A_699 : i32
      %convert_element_type3A_701 = arith.extui %ne3A_700 : i1 to i32
      %cond3A_702 = arith.constant 0 : i32
      %cond3A_703 = arith.cmpi ne, %convert_element_type3A_701, %cond3A_702 : i32
      scf.if %cond3A_703 {
        %add3A_718 = arith.constant 1 : i32
        %add3A_719 = arith.addi %min3A_685, %add3A_718 : i32
        %mul3A_720 = arith.constant 128 : i32
        %mul3A_721 = arith.muli %add3A_719, %mul3A_720 : i32
        %multiple_of3A_722 = tpu.assume_multiple %mul3A_721, 128 : i32
        %dma_start3A_723 = arith.constant 0 : i32
        %dma_start3A_724 = arith.constant 128 : i32
        %dma_start3A_725 = tpu.memref_slice %arg9[%dma_start3A_723, %dma_start3A_724] : memref<64x512xf32, #tpu.memory_space<vmem>> -> memref<64x128xf32, #tpu.memory_space<vmem>>
        %dma_start3A_726 = arith.constant 0 : i32
        %dma_start3A_727 = tpu.memref_slice %arg2[%dma_start3A_726, %multiple_of3A_722] : memref<64x1000000xf32, #tpu.memory_space<hbm>> -> memref<64x128xf32, #tpu.memory_space<hbm>>
        %dma_start3A_728 = arith.constant 0 : i32
        %dma_start3A_729 = arith.constant 128 : i32
        %dma_start3A_730 = tpu.memref_slice %arg9[%dma_start3A_728, %dma_start3A_729] : memref<64x512xf32, #tpu.memory_space<vmem>> -> memref<64x128xf32, #tpu.memory_space<vmem>>
        %dma_start3A_731 = arith.constant 0 : i32
        %dma_start3A_732 = tpu.memref_slice %arg2[%dma_start3A_731, %multiple_of3A_722] : memref<64x1000000xf32, #tpu.memory_space<hbm>> -> memref<64x128xf32, #tpu.memory_space<hbm>>
        tpu.enqueue_dma source(%dma_start3A_732 : memref<64x128xf32, #tpu.memory_space<hbm>>) target(%dma_start3A_730 : memref<64x128xf32, #tpu.memory_space<vmem>>) target_semaphore(%arg15 : memref<!tpu.dma_semaphore, #tpu.memory_space<semaphore_mem>>)
      } else {
      }
      %slice3A_704 = vector.extract_strided_slice %gather3A_689 {offsets = [2], sizes = [1], strides = [1]} : vector<16xi32> to vector<1xi32>
      %squeeze3A_705 = vector.extract %slice3A_704[0] : i32 from vector<1xi32>
      %ne3A_706 = arith.constant 0 : i32
      %ne3A_707 = arith.cmpi ne, %squeeze3A_705, %ne3A_706 : i32
      %convert_element_type3A_708 = arith.extui %ne3A_707 : i1 to i32
      %cond3A_709 = arith.constant 0 : i32
      %cond3A_710 = arith.cmpi ne, %convert_element_type3A_708, %cond3A_709 : i32
      scf.if %cond3A_710 {
        %add3A_718 = arith.constant 2 : i32
        %add3A_719 = arith.addi %min3A_685, %add3A_718 : i32
        %mul3A_720 = arith.constant 128 : i32
        %mul3A_721 = arith.muli %add3A_719, %mul3A_720 : i32
        %multiple_of3A_722 = tpu.assume_multiple %mul3A_721, 128 : i32
        %dma_start3A_723 = arith.constant 0 : i32
        %dma_start3A_724 = arith.constant 256 : i32
        %dma_start3A_725 = tpu.memref_slice %arg9[%dma_start3A_723, %dma_start3A_724] : memref<64x512xf32, #tpu.memory_space<vmem>> -> memref<64x128xf32, #tpu.memory_space<vmem>>
        %dma_start3A_726 = arith.constant 0 : i32
        %dma_start3A_727 = tpu.memref_slice %arg2[%dma_start3A_726, %multiple_of3A_722] : memref<64x1000000xf32, #tpu.memory_space<hbm>> -> memref<64x128xf32, #tpu.memory_space<hbm>>
        %dma_start3A_728 = arith.constant 0 : i32
        %dma_start3A_729 = arith.constant 256 : i32
        %dma_start3A_730 = tpu.memref_slice %arg9[%dma_start3A_728, %dma_start3A_729] : memref<64x512xf32, #tpu.memory_space<vmem>> -> memref<64x128xf32, #tpu.memory_space<vmem>>
        %dma_start3A_731 = arith.constant 0 : i32
        %dma_start3A_732 = tpu.memref_slice %arg2[%dma_start3A_731, %multiple_of3A_722] : memref<64x1000000xf32, #tpu.memory_space<hbm>> -> memref<64x128xf32, #tpu.memory_space<hbm>>
        tpu.enqueue_dma source(%dma_start3A_732 : memref<64x128xf32, #tpu.memory_space<hbm>>) target(%dma_start3A_730 : memref<64x128xf32, #tpu.memory_space<vmem>>) target_semaphore(%arg15 : memref<!tpu.dma_semaphore, #tpu.memory_space<semaphore_mem>>)
      } else {
      }
      %slice3A_711 = vector.extract_strided_slice %gather3A_689 {offsets = [3], sizes = [1], strides = [1]} : vector<16xi32> to vector<1xi32>
      %squeeze3A_712 = vector.extract %slice3A_711[0] : i32 from vector<1xi32>
      %ne3A_713 = arith.constant 0 : i32
      %ne3A_714 = arith.cmpi ne, %squeeze3A_712, %ne3A_713 : i32
      %convert_element_type3A_715 = arith.extui %ne3A_714 : i1 to i32
      %cond3A_716 = arith.constant 0 : i32
      %cond3A_717 = arith.cmpi ne, %convert_element_type3A_715, %cond3A_716 : i32
      scf.if %cond3A_717 {
        %add3A_718 = arith.constant 3 : i32
        %add3A_719 = arith.addi %min3A_685, %add3A_718 : i32
        %mul3A_720 = arith.constant 128 : i32
        %mul3A_721 = arith.muli %add3A_719, %mul3A_720 : i32
        %multiple_of3A_722 = tpu.assume_multiple %mul3A_721, 128 : i32
        %dma_start3A_723 = arith.constant 0 : i32
        %dma_start3A_724 = arith.constant 384 : i32
        %dma_start3A_725 = tpu.memref_slice %arg9[%dma_start3A_723, %dma_start3A_724] : memref<64x512xf32, #tpu.memory_space<vmem>> -> memref<64x128xf32, #tpu.memory_space<vmem>>
        %dma_start3A_726 = arith.constant 0 : i32
        %dma_start3A_727 = tpu.memref_slice %arg2[%dma_start3A_726, %multiple_of3A_722] : memref<64x1000000xf32, #tpu.memory_space<hbm>> -> memref<64x128xf32, #tpu.memory_space<hbm>>
        %dma_start3A_728 = arith.constant 0 : i32
        %dma_start3A_729 = arith.constant 384 : i32
        %dma_start3A_730 = tpu.memref_slice %arg9[%dma_start3A_728, %dma_start3A_729] : memref<64x512xf32, #tpu.memory_space<vmem>> -> memref<64x128xf32, #tpu.memory_space<vmem>>
        %dma_start3A_731 = arith.constant 0 : i32
        %dma_start3A_732 = tpu.memref_slice %arg2[%dma_start3A_731, %multiple_of3A_722] : memref<64x1000000xf32, #tpu.memory_space<hbm>> -> memref<64x128xf32, #tpu.memory_space<hbm>>
        tpu.enqueue_dma source(%dma_start3A_732 : memref<64x128xf32, #tpu.memory_space<hbm>>) target(%dma_start3A_730 : memref<64x128xf32, #tpu.memory_space<vmem>>) target_semaphore(%arg15 : memref<!tpu.dma_semaphore, #tpu.memory_space<semaphore_mem>>)
      } else {
      }
      scf.yield %select_n3A_678 : i32
    }
    %scan3A_302 = arith.constant 29 : i32
    %add3A_303 = arith.constant 240 : i32
    %add3A_304 = arith.addi %mul3A_2, %add3A_303 : i32
    %min3A_305 = arith.constant 7809 : i32
    %min3A_306 = arith.minsi %add3A_304, %min3A_305 : i32
    %sub3A_307 = arith.subi %min3A_306, %mul3A_2 : i32
    %broadcast_in_dim3A_308 = vector.broadcast %sub3A_307 : i32 to vector<16xi32>
    %add3A_309 = arith.addi %broadcast_in_dim3A_308, %iota3A : vector<16xi32>
    %gather3A_310 = tpu.vector_load_idx %arg14[%add3A_309] : memref<264xi32, #tpu.memory_space<vmem>>[vector<16xi32>], vector<16xi32>,
    %slice3A_311 = vector.extract_strided_slice %gather3A_310 {offsets = [0], sizes = [1], strides = [1]} : vector<16xi32> to vector<1xi32>
    %squeeze3A_312 = vector.extract %slice3A_311[0] : i32 from vector<1xi32>
    %ne3A_313 = arith.constant 0 : i32
    %ne3A_314 = arith.cmpi ne, %squeeze3A_312, %ne3A_313 : i32
    %convert_element_type3A_315 = arith.extui %ne3A_314 : i1 to i32
    %cond3A_316 = arith.constant 0 : i32
    %cond3A_317 = arith.cmpi ne, %convert_element_type3A_315, %cond3A_316 : i32
    scf.if %cond3A_317 {
      %dma_wait3A_478 = arith.constant 0 : i32
      %dma_wait3A_479 = arith.constant 0 : i32
      %dma_wait3A_480 = tpu.memref_slice %arg8[%dma_wait3A_478, %dma_wait3A_479] : memref<64x512xf32, #tpu.memory_space<vmem>> -> memref<64x128xf32, #tpu.memory_space<vmem>>
      %dma_wait3A_481 = arith.constant 0 : i32
      %dma_wait3A_482 = arith.constant 0 : i32
      %dma_wait3A_483 = tpu.memref_slice %arg2[%dma_wait3A_481, %dma_wait3A_482] : memref<64x1000000xf32, #tpu.memory_space<hbm>> -> memref<64x128xf32, #tpu.memory_space<hbm>>
      %dma_wait3A_484 = arith.constant 0 : i32
      %dma_wait3A_485 = arith.constant 0 : i32
      %dma_wait3A_486 = tpu.memref_slice %arg8[%dma_wait3A_484, %dma_wait3A_485] : memref<64x512xf32, #tpu.memory_space<vmem>> -> memref<64x128xf32, #tpu.memory_space<vmem>>
      %dma_wait3A_487 = arith.constant 0 : i32
      %dma_wait3A_488 = arith.constant 0 : i32
      %dma_wait3A_489 = tpu.memref_slice %arg2[%dma_wait3A_487, %dma_wait3A_488] : memref<64x1000000xf32, #tpu.memory_space<hbm>> -> memref<64x128xf32, #tpu.memory_space<hbm>>
      tpu.wait_dma2 semaphore(%arg15 : memref<!tpu.dma_semaphore, #tpu.memory_space<semaphore_mem>>) src(%dma_wait3A_489 : memref<64x128xf32, #tpu.memory_space<hbm>>) dst(%dma_wait3A_486 : memref<64x128xf32, #tpu.memory_space<vmem>>)
    } else {
    }
    %slice3A_318 = vector.extract_strided_slice %gather3A_310 {offsets = [1], sizes = [1], strides = [1]} : vector<16xi32> to vector<1xi32>
    %squeeze3A_319 = vector.extract %slice3A_318[0] : i32 from vector<1xi32>
    %ne3A_320 = arith.constant 0 : i32
    %ne3A_321 = arith.cmpi ne, %squeeze3A_319, %ne3A_320 : i32
    %convert_element_type3A_322 = arith.extui %ne3A_321 : i1 to i32
    %cond3A_323 = arith.constant 0 : i32
    %cond3A_324 = arith.cmpi ne, %convert_element_type3A_322, %cond3A_323 : i32
    scf.if %cond3A_324 {
      %dma_wait3A_478 = arith.constant 0 : i32
      %dma_wait3A_479 = arith.constant 0 : i32
      %dma_wait3A_480 = tpu.memref_slice %arg8[%dma_wait3A_478, %dma_wait3A_479] : memref<64x512xf32, #tpu.memory_space<vmem>> -> memref<64x128xf32, #tpu.memory_space<vmem>>
      %dma_wait3A_481 = arith.constant 0 : i32
      %dma_wait3A_482 = arith.constant 0 : i32
      %dma_wait3A_483 = tpu.memref_slice %arg2[%dma_wait3A_481, %dma_wait3A_482] : memref<64x1000000xf32, #tpu.memory_space<hbm>> -> memref<64x128xf32, #tpu.memory_space<hbm>>
      %dma_wait3A_484 = arith.constant 0 : i32
      %dma_wait3A_485 = arith.constant 0 : i32
      %dma_wait3A_486 = tpu.memref_slice %arg8[%dma_wait3A_484, %dma_wait3A_485] : memref<64x512xf32, #tpu.memory_space<vmem>> -> memref<64x128xf32, #tpu.memory_space<vmem>>
      %dma_wait3A_487 = arith.constant 0 : i32
      %dma_wait3A_488 = arith.constant 0 : i32
      %dma_wait3A_489 = tpu.memref_slice %arg2[%dma_wait3A_487, %dma_wait3A_488] : memref<64x1000000xf32, #tpu.memory_space<hbm>> -> memref<64x128xf32, #tpu.memory_space<hbm>>
      tpu.wait_dma2 semaphore(%arg15 : memref<!tpu.dma_semaphore, #tpu.memory_space<semaphore_mem>>) src(%dma_wait3A_489 : memref<64x128xf32, #tpu.memory_space<hbm>>) dst(%dma_wait3A_486 : memref<64x128xf32, #tpu.memory_space<vmem>>)
    } else {
    }
    %slice3A_325 = vector.extract_strided_slice %gather3A_310 {offsets = [2], sizes = [1], strides = [1]} : vector<16xi32> to vector<1xi32>
    %squeeze3A_326 = vector.extract %slice3A_325[0] : i32 from vector<1xi32>
    %ne3A_327 = arith.constant 0 : i32
    %ne3A_328 = arith.cmpi ne, %squeeze3A_326, %ne3A_327 : i32
    %convert_element_type3A_329 = arith.extui %ne3A_328 : i1 to i32
    %cond3A_330 = arith.constant 0 : i32
    %cond3A_331 = arith.cmpi ne, %convert_element_type3A_329, %cond3A_330 : i32
    scf.if %cond3A_331 {
      %dma_wait3A_478 = arith.constant 0 : i32
      %dma_wait3A_479 = arith.constant 0 : i32
      %dma_wait3A_480 = tpu.memref_slice %arg8[%dma_wait3A_478, %dma_wait3A_479] : memref<64x512xf32, #tpu.memory_space<vmem>> -> memref<64x128xf32, #tpu.memory_space<vmem>>
      %dma_wait3A_481 = arith.constant 0 : i32
      %dma_wait3A_482 = arith.constant 0 : i32
      %dma_wait3A_483 = tpu.memref_slice %arg2[%dma_wait3A_481, %dma_wait3A_482] : memref<64x1000000xf32, #tpu.memory_space<hbm>> -> memref<64x128xf32, #tpu.memory_space<hbm>>
      %dma_wait3A_484 = arith.constant 0 : i32
      %dma_wait3A_485 = arith.constant 0 : i32
      %dma_wait3A_486 = tpu.memref_slice %arg8[%dma_wait3A_484, %dma_wait3A_485] : memref<64x512xf32, #tpu.memory_space<vmem>> -> memref<64x128xf32, #tpu.memory_space<vmem>>
      %dma_wait3A_487 = arith.constant 0 : i32
      %dma_wait3A_488 = arith.constant 0 : i32
      %dma_wait3A_489 = tpu.memref_slice %arg2[%dma_wait3A_487, %dma_wait3A_488] : memref<64x1000000xf32, #tpu.memory_space<hbm>> -> memref<64x128xf32, #tpu.memory_space<hbm>>
      tpu.wait_dma2 semaphore(%arg15 : memref<!tpu.dma_semaphore, #tpu.memory_space<semaphore_mem>>) src(%dma_wait3A_489 : memref<64x128xf32, #tpu.memory_space<hbm>>) dst(%dma_wait3A_486 : memref<64x128xf32, #tpu.memory_space<vmem>>)
    } else {
    }
    %slice3A_332 = vector.extract_strided_slice %gather3A_310 {offsets = [3], sizes = [1], strides = [1]} : vector<16xi32> to vector<1xi32>
    %squeeze3A_333 = vector.extract %slice3A_332[0] : i32 from vector<1xi32>
    %ne3A_334 = arith.constant 0 : i32
    %ne3A_335 = arith.cmpi ne, %squeeze3A_333, %ne3A_334 : i32
    %convert_element_type3A_336 = arith.extui %ne3A_335 : i1 to i32
    %cond3A_337 = arith.constant 0 : i32
    %cond3A_338 = arith.cmpi ne, %convert_element_type3A_336, %cond3A_337 : i32
    scf.if %cond3A_338 {
      %dma_wait3A_478 = arith.constant 0 : i32
      %dma_wait3A_479 = arith.constant 0 : i32
      %dma_wait3A_480 = tpu.memref_slice %arg8[%dma_wait3A_478, %dma_wait3A_479] : memref<64x512xf32, #tpu.memory_space<vmem>> -> memref<64x128xf32, #tpu.memory_space<vmem>>
      %dma_wait3A_481 = arith.constant 0 : i32
      %dma_wait3A_482 = arith.constant 0 : i32
      %dma_wait3A_483 = tpu.memref_slice %arg2[%dma_wait3A_481, %dma_wait3A_482] : memref<64x1000000xf32, #tpu.memory_space<hbm>> -> memref<64x128xf32, #tpu.memory_space<hbm>>
      %dma_wait3A_484 = arith.constant 0 : i32
      %dma_wait3A_485 = arith.constant 0 : i32
      %dma_wait3A_486 = tpu.memref_slice %arg8[%dma_wait3A_484, %dma_wait3A_485] : memref<64x512xf32, #tpu.memory_space<vmem>> -> memref<64x128xf32, #tpu.memory_space<vmem>>
      %dma_wait3A_487 = arith.constant 0 : i32
      %dma_wait3A_488 = arith.constant 0 : i32
      %dma_wait3A_489 = tpu.memref_slice %arg2[%dma_wait3A_487, %dma_wait3A_488] : memref<64x1000000xf32, #tpu.memory_space<hbm>> -> memref<64x128xf32, #tpu.memory_space<hbm>>
      tpu.wait_dma2 semaphore(%arg15 : memref<!tpu.dma_semaphore, #tpu.memory_space<semaphore_mem>>) src(%dma_wait3A_489 : memref<64x128xf32, #tpu.memory_space<hbm>>) dst(%dma_wait3A_486 : memref<64x128xf32, #tpu.memory_space<vmem>>)
    } else {
    }
    %add3A_339 = arith.constant 240 : i32
    %add3A_340 = arith.addi %mul3A_2, %add3A_339 : i32
    %min3A_341 = arith.constant 7809 : i32
    %min3A_342 = arith.minsi %add3A_340, %min3A_341 : i32
    %while3A_343 = arith.constant 0 : i32
    %while3A_344 = arith.constant 0 : i32
    %while3A_345 = arith.subi %select_n3A, %while3A_343 : i32
    %while3A_346 = arith.addi %while3A_343, %while3A_345 : i32
    %while3A_347 = arith.constant 1 : i32
    %while3A_348 = arith.divsi %while3A_345, %while3A_347 : i32
    %while3A_349 = arith.muli %while3A_348, %while3A_347 : i32
    %while3A_350 = arith.addi %while3A_343, %while3A_349 : i32
    %while3A_351 = arith.constant 1 : i32
    %while3A_352 = scf.for %while3A_478 = %while3A_343 to %while3A_350 step %while3A_351 iter_args(%while3A_479 = %while3A_344) -> (i32)  : i32 {
      %mul3A_480 = arith.constant 16 : i32
      %mul3A_481 = arith.muli %while3A_478, %mul3A_480 : i32
      %get3A = arith.index_cast %mul3A_481 : i32 to index
      %get3A_482 = tpu.vector_load %arg6[%get3A] {strides = array<i32>} : memref<1024xi32, #tpu.memory_space<vmem>>, vector<16xi32>,
      %mul3A_483 = arith.constant 16 : i32
      %mul3A_484 = arith.muli %while3A_478, %mul3A_483 : i32
      %get3A_485 = arith.index_cast %mul3A_484 : i32 to index
      %get3A_486 = tpu.vector_load %arg7[%get3A_485] {strides = array<i32>} : memref<1024xi32, #tpu.memory_space<vmem>>, vector<16xi32>,
      %broadcast_in_dim3A_487 = arith.constant 7 : i32
      %broadcast_in_dim3A_488 = vector.broadcast %broadcast_in_dim3A_487 : i32 to vector<16xi32>
      %shift_right_logical3A = arith.shrui %get3A_482, %broadcast_in_dim3A_488 : vector<16xi32>
      %broadcast_in_dim3A_489 = vector.broadcast %min3A_342 : i32 to vector<16xi32>
      %ge3A_490 = arith.cmpi sge, %shift_right_logical3A, %broadcast_in_dim3A_489 : vector<16xi32>
      %add3A_491 = arith.constant 4 : i32
      %add3A_492 = arith.addi %min3A_342, %add3A_491 : i32
      %broadcast_in_dim3A_493 = vector.broadcast %add3A_492 : i32 to vector<16xi32>
      %lt3A = arith.cmpi slt, %shift_right_logical3A, %broadcast_in_dim3A_493 : vector<16xi32>
      %and3A_494 = arith.andi %ge3A_490, %lt3A : vector<16xi1>
      %broadcast_in_dim3A_495 = arith.constant 1 : i32
      %broadcast_in_dim3A_496 = vector.broadcast %broadcast_in_dim3A_495 : i32 to vector<16xi32>
      %broadcast_in_dim3A_497 = arith.constant 0 : i32
      %broadcast_in_dim3A_498 = vector.broadcast %broadcast_in_dim3A_497 : i32 to vector<16xi32>
      %select_n3A_499 = arith.select %and3A_494, %broadcast_in_dim3A_496, %broadcast_in_dim3A_498 : vector<16xi1>, vector<16xi32>
      %broadcast_in_dim3A_500 = arith.constant true
      %broadcast_in_dim3A_501 = vector.broadcast %broadcast_in_dim3A_500 : i1 to vector<16xi1>
      %masked_cumsum3A = tpu.scan <sum>, %select_n3A_499 masked %broadcast_in_dim3A_501 : vector<16xi32>, vector<16xi1> -> vector<16xi32>
      %broadcast_in_dim3A_502 = arith.constant 1 : i32
      %broadcast_in_dim3A_503 = vector.broadcast %broadcast_in_dim3A_502 : i32 to vector<16xi32>
      %sub3A_504 = arith.subi %masked_cumsum3A, %broadcast_in_dim3A_503 : vector<16xi32>
      %broadcast_in_dim3A_505 = vector.broadcast %while3A_479 : i32 to vector<16xi32>
      %add3A_506 = arith.addi %broadcast_in_dim3A_505, %sub3A_504 : vector<16xi32>
      %broadcast_in_dim3A_507 = arith.constant 64 : i32
      %broadcast_in_dim3A_508 = vector.broadcast %broadcast_in_dim3A_507 : i32 to vector<16xi32>
      %add3A_509 = arith.addi %broadcast_in_dim3A_508, %iota3A : vector<16xi32>
      %select_n3A_510 = arith.select %and3A_494, %add3A_506, %add3A_509 : vector<16xi1>, vector<16xi32>
      %broadcast_in_dim3A_511 = arith.constant 79 : i32
      %broadcast_in_dim3A_512 = vector.broadcast %broadcast_in_dim3A_511 : i32 to vector<16xi32>
      %min3A_513 = arith.minsi %select_n3A_510, %broadcast_in_dim3A_512 : vector<16xi32>
      tpu.vector_store_idx %arg12[%min3A_513], %get3A_482 : memref<80xi32, #tpu.memory_space<vmem>>[vector<16xi32>], vector<16xi32>,
      tpu.vector_store_idx %arg13[%min3A_513], %get3A_486 : memref<80xi32, #tpu.memory_space<vmem>>[vector<16xi32>], vector<16xi32>,
      %all_reduce_population_count3A = tpu.all_reduce %and3A_494 {dim = 0 : i64, kind = #tpu.reduction_kind<sum>} : vector<16xi1> -> vector<16xi32>
      %slice3A_514 = vector.extract_strided_slice %all_reduce_population_count3A {offsets = [0], sizes = [1], strides = [1]} : vector<16xi32> to vector<1xi32>
      %squeeze3A_515 = vector.extract %slice3A_514[0] : i32 from vector<1xi32>
      %add3A_516 = arith.addi %while3A_479, %squeeze3A_515 : i32
      scf.yield %add3A_516 : i32
    }
    %while3A_353 = arith.constant 1 : i32
    %while3A_354 = scf.for %while3A_478 = %while3A_350 to %while3A_346 step %while3A_353 iter_args(%while3A_479 = %while3A_352) -> (i32)  : i32 {
      %mul3A_480 = arith.constant 16 : i32
      %mul3A_481 = arith.muli %while3A_478, %mul3A_480 : i32
      %get3A = arith.index_cast %mul3A_481 : i32 to index
      %get3A_482 = tpu.vector_load %arg6[%get3A] {strides = array<i32>} : memref<1024xi32, #tpu.memory_space<vmem>>, vector<16xi32>,
      %mul3A_483 = arith.constant 16 : i32
      %mul3A_484 = arith.muli %while3A_478, %mul3A_483 : i32
      %get3A_485 = arith.index_cast %mul3A_484 : i32 to index
      %get3A_486 = tpu.vector_load %arg7[%get3A_485] {strides = array<i32>} : memref<1024xi32, #tpu.memory_space<vmem>>, vector<16xi32>,
      %broadcast_in_dim3A_487 = arith.constant 7 : i32
      %broadcast_in_dim3A_488 = vector.broadcast %broadcast_in_dim3A_487 : i32 to vector<16xi32>
      %shift_right_logical3A = arith.shrui %get3A_482, %broadcast_in_dim3A_488 : vector<16xi32>
      %broadcast_in_dim3A_489 = vector.broadcast %min3A_342 : i32 to vector<16xi32>
      %ge3A_490 = arith.cmpi sge, %shift_right_logical3A, %broadcast_in_dim3A_489 : vector<16xi32>
      %add3A_491 = arith.constant 4 : i32
      %add3A_492 = arith.addi %min3A_342, %add3A_491 : i32
      %broadcast_in_dim3A_493 = vector.broadcast %add3A_492 : i32 to vector<16xi32>
      %lt3A = arith.cmpi slt, %shift_right_logical3A, %broadcast_in_dim3A_493 : vector<16xi32>
      %and3A_494 = arith.andi %ge3A_490, %lt3A : vector<16xi1>
      %broadcast_in_dim3A_495 = arith.constant 1 : i32
      %broadcast_in_dim3A_496 = vector.broadcast %broadcast_in_dim3A_495 : i32 to vector<16xi32>
      %broadcast_in_dim3A_497 = arith.constant 0 : i32
      %broadcast_in_dim3A_498 = vector.broadcast %broadcast_in_dim3A_497 : i32 to vector<16xi32>
      %select_n3A_499 = arith.select %and3A_494, %broadcast_in_dim3A_496, %broadcast_in_dim3A_498 : vector<16xi1>, vector<16xi32>
      %broadcast_in_dim3A_500 = arith.constant true
      %broadcast_in_dim3A_501 = vector.broadcast %broadcast_in_dim3A_500 : i1 to vector<16xi1>
      %masked_cumsum3A = tpu.scan <sum>, %select_n3A_499 masked %broadcast_in_dim3A_501 : vector<16xi32>, vector<16xi1> -> vector<16xi32>
      %broadcast_in_dim3A_502 = arith.constant 1 : i32
      %broadcast_in_dim3A_503 = vector.broadcast %broadcast_in_dim3A_502 : i32 to vector<16xi32>
      %sub3A_504 = arith.subi %masked_cumsum3A, %broadcast_in_dim3A_503 : vector<16xi32>
      %broadcast_in_dim3A_505 = vector.broadcast %while3A_479 : i32 to vector<16xi32>
      %add3A_506 = arith.addi %broadcast_in_dim3A_505, %sub3A_504 : vector<16xi32>
      %broadcast_in_dim3A_507 = arith.constant 64 : i32
      %broadcast_in_dim3A_508 = vector.broadcast %broadcast_in_dim3A_507 : i32 to vector<16xi32>
      %add3A_509 = arith.addi %broadcast_in_dim3A_508, %iota3A : vector<16xi32>
      %select_n3A_510 = arith.select %and3A_494, %add3A_506, %add3A_509 : vector<16xi1>, vector<16xi32>
      %broadcast_in_dim3A_511 = arith.constant 79 : i32
      %broadcast_in_dim3A_512 = vector.broadcast %broadcast_in_dim3A_511 : i32 to vector<16xi32>
      %min3A_513 = arith.minsi %select_n3A_510, %broadcast_in_dim3A_512 : vector<16xi32>
      tpu.vector_store_idx %arg12[%min3A_513], %get3A_482 : memref<80xi32, #tpu.memory_space<vmem>>[vector<16xi32>], vector<16xi32>,
      tpu.vector_store_idx %arg13[%min3A_513], %get3A_486 : memref<80xi32, #tpu.memory_space<vmem>>[vector<16xi32>], vector<16xi32>,
      %all_reduce_population_count3A = tpu.all_reduce %and3A_494 {dim = 0 : i64, kind = #tpu.reduction_kind<sum>} : vector<16xi1> -> vector<16xi32>
      %slice3A_514 = vector.extract_strided_slice %all_reduce_population_count3A {offsets = [0], sizes = [1], strides = [1]} : vector<16xi32> to vector<1xi32>
      %squeeze3A_515 = vector.extract %slice3A_514[0] : i32 from vector<1xi32>
      %add3A_516 = arith.addi %while3A_479, %squeeze3A_515 : i32
      scf.yield %add3A_516 : i32
    }
    %min3A_355 = arith.constant 64 : i32
    %min3A_356 = arith.minsi %while3A_354, %min3A_355 : i32
    %while3A_357 = arith.constant 0 : i32
    %while3A_358 = arith.subi %min3A_356, %while3A_357 : i32
    %while3A_359 = arith.addi %while3A_357, %while3A_358 : i32
    %while3A_360 = arith.constant 1 : i32
    %while3A_361 = arith.divsi %while3A_358, %while3A_360 : i32
    %while3A_362 = arith.muli %while3A_361, %while3A_360 : i32
    %while3A_363 = arith.addi %while3A_357, %while3A_362 : i32
    %while3A_364 = arith.constant 1 : i32
    %while3A_365 = scf.for %while3A_478 = %while3A_357 to %while3A_363 step %while3A_364 iter_args(%while3A_479 = %scan3A_301) -> (i32)  : i32 {
      %broadcast_in_dim3A_480 = vector.broadcast %while3A_478 : i32 to vector<16xi32>
      %gather3A_481 = tpu.vector_load_idx %arg12[%broadcast_in_dim3A_480] : memref<80xi32, #tpu.memory_space<vmem>>[vector<16xi32>], vector<16xi32>,
      %slice3A_482 = vector.extract_strided_slice %gather3A_481 {offsets = [0], sizes = [1], strides = [1]} : vector<16xi32> to vector<1xi32>
      %squeeze3A_483 = vector.extract %slice3A_482[0] : i32 from vector<1xi32>
      %gather3A_484 = tpu.vector_load_idx %arg13[%broadcast_in_dim3A_480] : memref<80xi32, #tpu.memory_space<vmem>>[vector<16xi32>], vector<16xi32>,
      %slice3A_485 = vector.extract_strided_slice %gather3A_484 {offsets = [0], sizes = [1], strides = [1]} : vector<16xi32> to vector<1xi32>
      %squeeze3A_486 = vector.extract %slice3A_485[0] : i32 from vector<1xi32>
      %mul3A_487 = arith.constant 128 : i32
      %mul3A_488 = arith.muli %min3A_342, %mul3A_487 : i32
      %sub3A_489 = arith.subi %squeeze3A_483, %mul3A_488 : i32
      %broadcast_in_dim3A_490 = vector.broadcast %while3A_479 : i32 to vector<16xi32>
      %broadcast_in_dim3A_491 = arith.constant 0 : i32
      %broadcast_in_dim3A_492 = vector.broadcast %broadcast_in_dim3A_491 : i32 to vector<16xi32>
      %add3A_493 = arith.addi %broadcast_in_dim3A_492, %iota3A : vector<16xi32>
      %broadcast_in_dim3A_494 = vector.broadcast %sub3A_489 : i32 to vector<16xi32>
      %gather3A_495 = tpu.vector_load_idx %arg8[%add3A_493, %broadcast_in_dim3A_494] : memref<64x512xf32, #tpu.memory_space<vmem>>[vector<16xi32>, vector<16xi32>], vector<16xf32>,
      tpu.vector_store_idx %arg10[%broadcast_in_dim3A_490, %add3A_493], %gather3A_495 : memref<128x128xf32, #tpu.memory_space<vmem>>[vector<16xi32>, vector<16xi32>], vector<16xf32>,
      %broadcast_in_dim3A_496 = arith.constant 16 : i32
      %broadcast_in_dim3A_497 = vector.broadcast %broadcast_in_dim3A_496 : i32 to vector<16xi32>
      %add3A_498 = arith.addi %broadcast_in_dim3A_497, %iota3A : vector<16xi32>
      %broadcast_in_dim3A_499 = vector.broadcast %sub3A_489 : i32 to vector<16xi32>
      %gather3A_500 = tpu.vector_load_idx %arg8[%add3A_498, %broadcast_in_dim3A_499] : memref<64x512xf32, #tpu.memory_space<vmem>>[vector<16xi32>, vector<16xi32>], vector<16xf32>,
      tpu.vector_store_idx %arg10[%broadcast_in_dim3A_490, %add3A_498], %gather3A_500 : memref<128x128xf32, #tpu.memory_space<vmem>>[vector<16xi32>, vector<16xi32>], vector<16xf32>,
      %broadcast_in_dim3A_501 = arith.constant 32 : i32
      %broadcast_in_dim3A_502 = vector.broadcast %broadcast_in_dim3A_501 : i32 to vector<16xi32>
      %add3A_503 = arith.addi %broadcast_in_dim3A_502, %iota3A : vector<16xi32>
      %broadcast_in_dim3A_504 = vector.broadcast %sub3A_489 : i32 to vector<16xi32>
      %gather3A_505 = tpu.vector_load_idx %arg8[%add3A_503, %broadcast_in_dim3A_504] : memref<64x512xf32, #tpu.memory_space<vmem>>[vector<16xi32>, vector<16xi32>], vector<16xf32>,
      tpu.vector_store_idx %arg10[%broadcast_in_dim3A_490, %add3A_503], %gather3A_505 : memref<128x128xf32, #tpu.memory_space<vmem>>[vector<16xi32>, vector<16xi32>], vector<16xf32>,
      %broadcast_in_dim3A_506 = arith.constant 48 : i32
      %broadcast_in_dim3A_507 = vector.broadcast %broadcast_in_dim3A_506 : i32 to vector<16xi32>
      %add3A_508 = arith.addi %broadcast_in_dim3A_507, %iota3A : vector<16xi32>
      %broadcast_in_dim3A_509 = vector.broadcast %sub3A_489 : i32 to vector<16xi32>
      %gather3A_510 = tpu.vector_load_idx %arg8[%add3A_508, %broadcast_in_dim3A_509] : memref<64x512xf32, #tpu.memory_space<vmem>>[vector<16xi32>, vector<16xi32>], vector<16xf32>,
      tpu.vector_store_idx %arg10[%broadcast_in_dim3A_490, %add3A_508], %gather3A_510 : memref<128x128xf32, #tpu.memory_space<vmem>>[vector<16xi32>, vector<16xi32>], vector<16xf32>,
      %broadcast_in_dim3A_511 = vector.broadcast %squeeze3A_486 : i32 to vector<16xi32>
      tpu.vector_store_idx %arg11[%broadcast_in_dim3A_490], %broadcast_in_dim3A_511 : memref<128xi32, #tpu.memory_space<vmem>>[vector<16xi32>], vector<16xi32>,
      %add3A_512 = arith.constant 1 : i32
      %add3A_513 = arith.addi %while3A_479, %add3A_512 : i32
      scf.yield %add3A_513 : i32
    }
    %while3A_366 = arith.constant 1 : i32
    %while3A_367 = scf.for %while3A_478 = %while3A_363 to %while3A_359 step %while3A_366 iter_args(%while3A_479 = %while3A_365) -> (i32)  : i32 {
      %broadcast_in_dim3A_480 = vector.broadcast %while3A_478 : i32 to vector<16xi32>
      %gather3A_481 = tpu.vector_load_idx %arg12[%broadcast_in_dim3A_480] : memref<80xi32, #tpu.memory_space<vmem>>[vector<16xi32>], vector<16xi32>,
      %slice3A_482 = vector.extract_strided_slice %gather3A_481 {offsets = [0], sizes = [1], strides = [1]} : vector<16xi32> to vector<1xi32>
      %squeeze3A_483 = vector.extract %slice3A_482[0] : i32 from vector<1xi32>
      %gather3A_484 = tpu.vector_load_idx %arg13[%broadcast_in_dim3A_480] : memref<80xi32, #tpu.memory_space<vmem>>[vector<16xi32>], vector<16xi32>,
      %slice3A_485 = vector.extract_strided_slice %gather3A_484 {offsets = [0], sizes = [1], strides = [1]} : vector<16xi32> to vector<1xi32>
      %squeeze3A_486 = vector.extract %slice3A_485[0] : i32 from vector<1xi32>
      %mul3A_487 = arith.constant 128 : i32
      %mul3A_488 = arith.muli %min3A_342, %mul3A_487 : i32
      %sub3A_489 = arith.subi %squeeze3A_483, %mul3A_488 : i32
      %broadcast_in_dim3A_490 = vector.broadcast %while3A_479 : i32 to vector<16xi32>
      %broadcast_in_dim3A_491 = arith.constant 0 : i32
      %broadcast_in_dim3A_492 = vector.broadcast %broadcast_in_dim3A_491 : i32 to vector<16xi32>
      %add3A_493 = arith.addi %broadcast_in_dim3A_492, %iota3A : vector<16xi32>
      %broadcast_in_dim3A_494 = vector.broadcast %sub3A_489 : i32 to vector<16xi32>
      %gather3A_495 = tpu.vector_load_idx %arg8[%add3A_493, %broadcast_in_dim3A_494] : memref<64x512xf32, #tpu.memory_space<vmem>>[vector<16xi32>, vector<16xi32>], vector<16xf32>,
      tpu.vector_store_idx %arg10[%broadcast_in_dim3A_490, %add3A_493], %gather3A_495 : memref<128x128xf32, #tpu.memory_space<vmem>>[vector<16xi32>, vector<16xi32>], vector<16xf32>,
      %broadcast_in_dim3A_496 = arith.constant 16 : i32
      %broadcast_in_dim3A_497 = vector.broadcast %broadcast_in_dim3A_496 : i32 to vector<16xi32>
      %add3A_498 = arith.addi %broadcast_in_dim3A_497, %iota3A : vector<16xi32>
      %broadcast_in_dim3A_499 = vector.broadcast %sub3A_489 : i32 to vector<16xi32>
      %gather3A_500 = tpu.vector_load_idx %arg8[%add3A_498, %broadcast_in_dim3A_499] : memref<64x512xf32, #tpu.memory_space<vmem>>[vector<16xi32>, vector<16xi32>], vector<16xf32>,
      tpu.vector_store_idx %arg10[%broadcast_in_dim3A_490, %add3A_498], %gather3A_500 : memref<128x128xf32, #tpu.memory_space<vmem>>[vector<16xi32>, vector<16xi32>], vector<16xf32>,
      %broadcast_in_dim3A_501 = arith.constant 32 : i32
      %broadcast_in_dim3A_502 = vector.broadcast %broadcast_in_dim3A_501 : i32 to vector<16xi32>
      %add3A_503 = arith.addi %broadcast_in_dim3A_502, %iota3A : vector<16xi32>
      %broadcast_in_dim3A_504 = vector.broadcast %sub3A_489 : i32 to vector<16xi32>
      %gather3A_505 = tpu.vector_load_idx %arg8[%add3A_503, %broadcast_in_dim3A_504] : memref<64x512xf32, #tpu.memory_space<vmem>>[vector<16xi32>, vector<16xi32>], vector<16xf32>,
      tpu.vector_store_idx %arg10[%broadcast_in_dim3A_490, %add3A_503], %gather3A_505 : memref<128x128xf32, #tpu.memory_space<vmem>>[vector<16xi32>, vector<16xi32>], vector<16xf32>,
      %broadcast_in_dim3A_506 = arith.constant 48 : i32
      %broadcast_in_dim3A_507 = vector.broadcast %broadcast_in_dim3A_506 : i32 to vector<16xi32>
      %add3A_508 = arith.addi %broadcast_in_dim3A_507, %iota3A : vector<16xi32>
      %broadcast_in_dim3A_509 = vector.broadcast %sub3A_489 : i32 to vector<16xi32>
      %gather3A_510 = tpu.vector_load_idx %arg8[%add3A_508, %broadcast_in_dim3A_509] : memref<64x512xf32, #tpu.memory_space<vmem>>[vector<16xi32>, vector<16xi32>], vector<16xf32>,
      tpu.vector_store_idx %arg10[%broadcast_in_dim3A_490, %add3A_508], %gather3A_510 : memref<128x128xf32, #tpu.memory_space<vmem>>[vector<16xi32>, vector<16xi32>], vector<16xf32>,
      %broadcast_in_dim3A_511 = vector.broadcast %squeeze3A_486 : i32 to vector<16xi32>
      tpu.vector_store_idx %arg11[%broadcast_in_dim3A_490], %broadcast_in_dim3A_511 : memref<128xi32, #tpu.memory_space<vmem>>[vector<16xi32>], vector<16xi32>,
      %add3A_512 = arith.constant 1 : i32
      %add3A_513 = arith.addi %while3A_479, %add3A_512 : i32
      scf.yield %add3A_513 : i32
    }
    %ge3A_368 = arith.constant 64 : i32
    %ge3A_369 = arith.cmpi sge, %while3A_367, %ge3A_368 : i32
    %convert_element_type3A_370 = arith.extui %ge3A_369 : i1 to i32
    %cond3A_371 = arith.constant 0 : i32
    %cond3A_372 = arith.cmpi ne, %convert_element_type3A_370, %cond3A_371 : i32
    scf.if %cond3A_372 {
      %dma_start3A_478 = arith.constant 0 : i32
      %dma_start3A_479 = arith.constant 0 : i32
      %dma_start3A_480 = tpu.memref_slice %arg4[%dma_start3A_478, %dma_start3A_479] : memref<16512x128xf32, #tpu.memory_space<hbm>> -> memref<16512x128xf32, #tpu.memory_space<hbm>>
      tpu.enqueue_indirect_dma source(%arg10 : memref<128x128xf32, #tpu.memory_space<vmem>>) target(%dma_start3A_480 : memref<16512x128xf32, #tpu.memory_space<hbm>>) offsets(%arg11 : memref<128xi32, #tpu.memory_space<vmem>>) semaphore(%arg16 : memref<!tpu.dma_semaphore, #tpu.memory_space<semaphore_mem>>)
      %dma_wait3A_481 = arith.constant 0 : i32
      %dma_wait3A_482 = arith.constant 0 : i32
      %dma_wait3A_483 = tpu.memref_slice %arg4[%dma_wait3A_481, %dma_wait3A_482] : memref<16512x128xf32, #tpu.memory_space<hbm>> -> memref<16512x128xf32, #tpu.memory_space<hbm>>
      tpu.wait_indirect_dma semaphore(%arg16 : memref<!tpu.dma_semaphore, #tpu.memory_space<semaphore_mem>>) src(%arg10 : memref<128x128xf32, #tpu.memory_space<vmem>>) dst(%dma_wait3A_483 : memref<16512x128xf32, #tpu.memory_space<hbm>>)
      %broadcast_in_dim3A_484 = vector.broadcast %add3A_6 : i32 to vector<16xi32>
      %broadcast_in_dim3A_485 = arith.constant 3 : i32
      %broadcast_in_dim3A_486 = vector.broadcast %broadcast_in_dim3A_485 : i32 to vector<16xi32>
      %and3A_487 = arith.andi %iota3A, %broadcast_in_dim3A_486 : vector<16xi32>
      %add3A_488 = arith.addi %broadcast_in_dim3A_484, %and3A_487 : vector<16xi32>
      %swap3A_489 = arith.constant 0 : index
      %swap3A_490 = tpu.vector_load %arg11[%swap3A_489] {strides = array<i32>} : memref<128xi32, #tpu.memory_space<vmem>>, vector<16xi32>,
      tpu.vector_store %arg11[%swap3A_489], %add3A_488 {strides = array<i32>} : memref<128xi32, #tpu.memory_space<vmem>>, vector<16xi32>,
      %swap3A_491 = arith.constant 16 : index
      %swap3A_492 = tpu.vector_load %arg11[%swap3A_491] {strides = array<i32>} : memref<128xi32, #tpu.memory_space<vmem>>, vector<16xi32>,
      tpu.vector_store %arg11[%swap3A_491], %add3A_488 {strides = array<i32>} : memref<128xi32, #tpu.memory_space<vmem>>, vector<16xi32>,
      %swap3A_493 = arith.constant 32 : index
      %swap3A_494 = tpu.vector_load %arg11[%swap3A_493] {strides = array<i32>} : memref<128xi32, #tpu.memory_space<vmem>>, vector<16xi32>,
      tpu.vector_store %arg11[%swap3A_493], %add3A_488 {strides = array<i32>} : memref<128xi32, #tpu.memory_space<vmem>>, vector<16xi32>,
      %swap3A_495 = arith.constant 48 : index
      %swap3A_496 = tpu.vector_load %arg11[%swap3A_495] {strides = array<i32>} : memref<128xi32, #tpu.memory_space<vmem>>, vector<16xi32>,
      tpu.vector_store %arg11[%swap3A_495], %add3A_488 {strides = array<i32>} : memref<128xi32, #tpu.memory_space<vmem>>, vector<16xi32>,
      %swap3A_497 = arith.constant 64 : index
      %swap3A_498 = tpu.vector_load %arg11[%swap3A_497] {strides = array<i32>} : memref<128xi32, #tpu.memory_space<vmem>>, vector<16xi32>,
      tpu.vector_store %arg11[%swap3A_497], %add3A_488 {strides = array<i32>} : memref<128xi32, #tpu.memory_space<vmem>>, vector<16xi32>,
      %swap3A_499 = arith.constant 80 : index
      %swap3A_500 = tpu.vector_load %arg11[%swap3A_499] {strides = array<i32>} : memref<128xi32, #tpu.memory_space<vmem>>, vector<16xi32>,
      tpu.vector_store %arg11[%swap3A_499], %add3A_488 {strides = array<i32>} : memref<128xi32, #tpu.memory_space<vmem>>, vector<16xi32>,
      %swap3A_501 = arith.constant 96 : index
      %swap3A_502 = tpu.vector_load %arg11[%swap3A_501] {strides = array<i32>} : memref<128xi32, #tpu.memory_space<vmem>>, vector<16xi32>,
      tpu.vector_store %arg11[%swap3A_501], %add3A_488 {strides = array<i32>} : memref<128xi32, #tpu.memory_space<vmem>>, vector<16xi32>,
      %swap3A_503 = arith.constant 112 : index
      %swap3A_504 = tpu.vector_load %arg11[%swap3A_503] {strides = array<i32>} : memref<128xi32, #tpu.memory_space<vmem>>, vector<16xi32>,
      tpu.vector_store %arg11[%swap3A_503], %add3A_488 {strides = array<i32>} : memref<128xi32, #tpu.memory_space<vmem>>, vector<16xi32>,
    } else {
    }
    %ge3A_373 = arith.constant 64 : i32
    %ge3A_374 = arith.cmpi sge, %while3A_367, %ge3A_373 : i32
    %jit3A_375 = arith.constant 0 : i32
    %select_n3A_376 = arith.select %ge3A_374, %jit3A_375, %while3A_367 : i32
    %add3A_377 = arith.constant 244 : i32
    %add3A_378 = arith.addi %mul3A_2, %add3A_377 : i32
    %min3A_379 = arith.constant 7809 : i32
    %min3A_380 = arith.minsi %add3A_378, %min3A_379 : i32
    %sub3A_381 = arith.subi %min3A_380, %mul3A_2 : i32
    %broadcast_in_dim3A_382 = vector.broadcast %sub3A_381 : i32 to vector<16xi32>
    %add3A_383 = arith.addi %broadcast_in_dim3A_382, %iota3A : vector<16xi32>
    %gather3A_384 = tpu.vector_load_idx %arg14[%add3A_383] : memref<264xi32, #tpu.memory_space<vmem>>[vector<16xi32>], vector<16xi32>,
    %slice3A_385 = vector.extract_strided_slice %gather3A_384 {offsets = [0], sizes = [1], strides = [1]} : vector<16xi32> to vector<1xi32>
    %squeeze3A_386 = vector.extract %slice3A_385[0] : i32 from vector<1xi32>
    %ne3A_387 = arith.constant 0 : i32
    %ne3A_388 = arith.cmpi ne, %squeeze3A_386, %ne3A_387 : i32
    %convert_element_type3A_389 = arith.extui %ne3A_388 : i1 to i32
    %cond3A_390 = arith.constant 0 : i32
    %cond3A_391 = arith.cmpi ne, %convert_element_type3A_389, %cond3A_390 : i32
    scf.if %cond3A_391 {
      %dma_wait3A_478 = arith.constant 0 : i32
      %dma_wait3A_479 = arith.constant 0 : i32
      %dma_wait3A_480 = tpu.memref_slice %arg8[%dma_wait3A_478, %dma_wait3A_479] : memref<64x512xf32, #tpu.memory_space<vmem>> -> memref<64x128xf32, #tpu.memory_space<vmem>>
      %dma_wait3A_481 = arith.constant 0 : i32
      %dma_wait3A_482 = arith.constant 0 : i32
      %dma_wait3A_483 = tpu.memref_slice %arg2[%dma_wait3A_481, %dma_wait3A_482] : memref<64x1000000xf32, #tpu.memory_space<hbm>> -> memref<64x128xf32, #tpu.memory_space<hbm>>
      %dma_wait3A_484 = arith.constant 0 : i32
      %dma_wait3A_485 = arith.constant 0 : i32
      %dma_wait3A_486 = tpu.memref_slice %arg8[%dma_wait3A_484, %dma_wait3A_485] : memref<64x512xf32, #tpu.memory_space<vmem>> -> memref<64x128xf32, #tpu.memory_space<vmem>>
      %dma_wait3A_487 = arith.constant 0 : i32
      %dma_wait3A_488 = arith.constant 0 : i32
      %dma_wait3A_489 = tpu.memref_slice %arg2[%dma_wait3A_487, %dma_wait3A_488] : memref<64x1000000xf32, #tpu.memory_space<hbm>> -> memref<64x128xf32, #tpu.memory_space<hbm>>
      tpu.wait_dma2 semaphore(%arg15 : memref<!tpu.dma_semaphore, #tpu.memory_space<semaphore_mem>>) src(%dma_wait3A_489 : memref<64x128xf32, #tpu.memory_space<hbm>>) dst(%dma_wait3A_486 : memref<64x128xf32, #tpu.memory_space<vmem>>)
    } else {
    }
    %slice3A_392 = vector.extract_strided_slice %gather3A_384 {offsets = [1], sizes = [1], strides = [1]} : vector<16xi32> to vector<1xi32>
    %squeeze3A_393 = vector.extract %slice3A_392[0] : i32 from vector<1xi32>
    %ne3A_394 = arith.constant 0 : i32
    %ne3A_395 = arith.cmpi ne, %squeeze3A_393, %ne3A_394 : i32
    %convert_element_type3A_396 = arith.extui %ne3A_395 : i1 to i32
    %cond3A_397 = arith.constant 0 : i32
    %cond3A_398 = arith.cmpi ne, %convert_element_type3A_396, %cond3A_397 : i32
    scf.if %cond3A_398 {
      %dma_wait3A_478 = arith.constant 0 : i32
      %dma_wait3A_479 = arith.constant 0 : i32
      %dma_wait3A_480 = tpu.memref_slice %arg8[%dma_wait3A_478, %dma_wait3A_479] : memref<64x512xf32, #tpu.memory_space<vmem>> -> memref<64x128xf32, #tpu.memory_space<vmem>>
      %dma_wait3A_481 = arith.constant 0 : i32
      %dma_wait3A_482 = arith.constant 0 : i32
      %dma_wait3A_483 = tpu.memref_slice %arg2[%dma_wait3A_481, %dma_wait3A_482] : memref<64x1000000xf32, #tpu.memory_space<hbm>> -> memref<64x128xf32, #tpu.memory_space<hbm>>
      %dma_wait3A_484 = arith.constant 0 : i32
      %dma_wait3A_485 = arith.constant 0 : i32
      %dma_wait3A_486 = tpu.memref_slice %arg8[%dma_wait3A_484, %dma_wait3A_485] : memref<64x512xf32, #tpu.memory_space<vmem>> -> memref<64x128xf32, #tpu.memory_space<vmem>>
      %dma_wait3A_487 = arith.constant 0 : i32
      %dma_wait3A_488 = arith.constant 0 : i32
      %dma_wait3A_489 = tpu.memref_slice %arg2[%dma_wait3A_487, %dma_wait3A_488] : memref<64x1000000xf32, #tpu.memory_space<hbm>> -> memref<64x128xf32, #tpu.memory_space<hbm>>
      tpu.wait_dma2 semaphore(%arg15 : memref<!tpu.dma_semaphore, #tpu.memory_space<semaphore_mem>>) src(%dma_wait3A_489 : memref<64x128xf32, #tpu.memory_space<hbm>>) dst(%dma_wait3A_486 : memref<64x128xf32, #tpu.memory_space<vmem>>)
    } else {
    }
    %slice3A_399 = vector.extract_strided_slice %gather3A_384 {offsets = [2], sizes = [1], strides = [1]} : vector<16xi32> to vector<1xi32>
    %squeeze3A_400 = vector.extract %slice3A_399[0] : i32 from vector<1xi32>
    %ne3A_401 = arith.constant 0 : i32
    %ne3A_402 = arith.cmpi ne, %squeeze3A_400, %ne3A_401 : i32
    %convert_element_type3A_403 = arith.extui %ne3A_402 : i1 to i32
    %cond3A_404 = arith.constant 0 : i32
    %cond3A_405 = arith.cmpi ne, %convert_element_type3A_403, %cond3A_404 : i32
    scf.if %cond3A_405 {
      %dma_wait3A_478 = arith.constant 0 : i32
      %dma_wait3A_479 = arith.constant 0 : i32
      %dma_wait3A_480 = tpu.memref_slice %arg8[%dma_wait3A_478, %dma_wait3A_479] : memref<64x512xf32, #tpu.memory_space<vmem>> -> memref<64x128xf32, #tpu.memory_space<vmem>>
      %dma_wait3A_481 = arith.constant 0 : i32
      %dma_wait3A_482 = arith.constant 0 : i32
      %dma_wait3A_483 = tpu.memref_slice %arg2[%dma_wait3A_481, %dma_wait3A_482] : memref<64x1000000xf32, #tpu.memory_space<hbm>> -> memref<64x128xf32, #tpu.memory_space<hbm>>
      %dma_wait3A_484 = arith.constant 0 : i32
      %dma_wait3A_485 = arith.constant 0 : i32
      %dma_wait3A_486 = tpu.memref_slice %arg8[%dma_wait3A_484, %dma_wait3A_485] : memref<64x512xf32, #tpu.memory_space<vmem>> -> memref<64x128xf32, #tpu.memory_space<vmem>>
      %dma_wait3A_487 = arith.constant 0 : i32
      %dma_wait3A_488 = arith.constant 0 : i32
      %dma_wait3A_489 = tpu.memref_slice %arg2[%dma_wait3A_487, %dma_wait3A_488] : memref<64x1000000xf32, #tpu.memory_space<hbm>> -> memref<64x128xf32, #tpu.memory_space<hbm>>
      tpu.wait_dma2 semaphore(%arg15 : memref<!tpu.dma_semaphore, #tpu.memory_space<semaphore_mem>>) src(%dma_wait3A_489 : memref<64x128xf32, #tpu.memory_space<hbm>>) dst(%dma_wait3A_486 : memref<64x128xf32, #tpu.memory_space<vmem>>)
    } else {
    }
    %slice3A_406 = vector.extract_strided_slice %gather3A_384 {offsets = [3], sizes = [1], strides = [1]} : vector<16xi32> to vector<1xi32>
    %squeeze3A_407 = vector.extract %slice3A_406[0] : i32 from vector<1xi32>
    %ne3A_408 = arith.constant 0 : i32
    %ne3A_409 = arith.cmpi ne, %squeeze3A_407, %ne3A_408 : i32
    %convert_element_type3A_410 = arith.extui %ne3A_409 : i1 to i32
    %cond3A_411 = arith.constant 0 : i32
    %cond3A_412 = arith.cmpi ne, %convert_element_type3A_410, %cond3A_411 : i32
    scf.if %cond3A_412 {
      %dma_wait3A_478 = arith.constant 0 : i32
      %dma_wait3A_479 = arith.constant 0 : i32
      %dma_wait3A_480 = tpu.memref_slice %arg8[%dma_wait3A_478, %dma_wait3A_479] : memref<64x512xf32, #tpu.memory_space<vmem>> -> memref<64x128xf32, #tpu.memory_space<vmem>>
      %dma_wait3A_481 = arith.constant 0 : i32
      %dma_wait3A_482 = arith.constant 0 : i32
      %dma_wait3A_483 = tpu.memref_slice %arg2[%dma_wait3A_481, %dma_wait3A_482] : memref<64x1000000xf32, #tpu.memory_space<hbm>> -> memref<64x128xf32, #tpu.memory_space<hbm>>
      %dma_wait3A_484 = arith.constant 0 : i32
      %dma_wait3A_485 = arith.constant 0 : i32
      %dma_wait3A_486 = tpu.memref_slice %arg8[%dma_wait3A_484, %dma_wait3A_485] : memref<64x512xf32, #tpu.memory_space<vmem>> -> memref<64x128xf32, #tpu.memory_space<vmem>>
      %dma_wait3A_487 = arith.constant 0 : i32
      %dma_wait3A_488 = arith.constant 0 : i32
      %dma_wait3A_489 = tpu.memref_slice %arg2[%dma_wait3A_487, %dma_wait3A_488] : memref<64x1000000xf32, #tpu.memory_space<hbm>> -> memref<64x128xf32, #tpu.memory_space<hbm>>
      tpu.wait_dma2 semaphore(%arg15 : memref<!tpu.dma_semaphore, #tpu.memory_space<semaphore_mem>>) src(%dma_wait3A_489 : memref<64x128xf32, #tpu.memory_space<hbm>>) dst(%dma_wait3A_486 : memref<64x128xf32, #tpu.memory_space<vmem>>)
    } else {
    }
    %add3A_413 = arith.constant 244 : i32
    %add3A_414 = arith.addi %mul3A_2, %add3A_413 : i32
    %min3A_415 = arith.constant 7809 : i32
    %min3A_416 = arith.minsi %add3A_414, %min3A_415 : i32
    %while3A_417 = arith.constant 0 : i32
    %while3A_418 = arith.constant 0 : i32
    %while3A_419 = arith.subi %select_n3A, %while3A_417 : i32
    %while3A_420 = arith.addi %while3A_417, %while3A_419 : i32
    %while3A_421 = arith.constant 1 : i32
    %while3A_422 = arith.divsi %while3A_419, %while3A_421 : i32
    %while3A_423 = arith.muli %while3A_422, %while3A_421 : i32
    %while3A_424 = arith.addi %while3A_417, %while3A_423 : i32
    %while3A_425 = arith.constant 1 : i32
    %while3A_426 = scf.for %while3A_478 = %while3A_417 to %while3A_424 step %while3A_425 iter_args(%while3A_479 = %while3A_418) -> (i32)  : i32 {
      %mul3A_480 = arith.constant 16 : i32
      %mul3A_481 = arith.muli %while3A_478, %mul3A_480 : i32
      %get3A = arith.index_cast %mul3A_481 : i32 to index
      %get3A_482 = tpu.vector_load %arg6[%get3A] {strides = array<i32>} : memref<1024xi32, #tpu.memory_space<vmem>>, vector<16xi32>,
      %mul3A_483 = arith.constant 16 : i32
      %mul3A_484 = arith.muli %while3A_478, %mul3A_483 : i32
      %get3A_485 = arith.index_cast %mul3A_484 : i32 to index
      %get3A_486 = tpu.vector_load %arg7[%get3A_485] {strides = array<i32>} : memref<1024xi32, #tpu.memory_space<vmem>>, vector<16xi32>,
      %broadcast_in_dim3A_487 = arith.constant 7 : i32
      %broadcast_in_dim3A_488 = vector.broadcast %broadcast_in_dim3A_487 : i32 to vector<16xi32>
      %shift_right_logical3A = arith.shrui %get3A_482, %broadcast_in_dim3A_488 : vector<16xi32>
      %broadcast_in_dim3A_489 = vector.broadcast %min3A_416 : i32 to vector<16xi32>
      %ge3A_490 = arith.cmpi sge, %shift_right_logical3A, %broadcast_in_dim3A_489 : vector<16xi32>
      %add3A_491 = arith.constant 4 : i32
      %add3A_492 = arith.addi %min3A_416, %add3A_491 : i32
      %broadcast_in_dim3A_493 = vector.broadcast %add3A_492 : i32 to vector<16xi32>
      %lt3A = arith.cmpi slt, %shift_right_logical3A, %broadcast_in_dim3A_493 : vector<16xi32>
      %and3A_494 = arith.andi %ge3A_490, %lt3A : vector<16xi1>
      %broadcast_in_dim3A_495 = arith.constant 1 : i32
      %broadcast_in_dim3A_496 = vector.broadcast %broadcast_in_dim3A_495 : i32 to vector<16xi32>
      %broadcast_in_dim3A_497 = arith.constant 0 : i32
      %broadcast_in_dim3A_498 = vector.broadcast %broadcast_in_dim3A_497 : i32 to vector<16xi32>
      %select_n3A_499 = arith.select %and3A_494, %broadcast_in_dim3A_496, %broadcast_in_dim3A_498 : vector<16xi1>, vector<16xi32>
      %broadcast_in_dim3A_500 = arith.constant true
      %broadcast_in_dim3A_501 = vector.broadcast %broadcast_in_dim3A_500 : i1 to vector<16xi1>
      %masked_cumsum3A = tpu.scan <sum>, %select_n3A_499 masked %broadcast_in_dim3A_501 : vector<16xi32>, vector<16xi1> -> vector<16xi32>
      %broadcast_in_dim3A_502 = arith.constant 1 : i32
      %broadcast_in_dim3A_503 = vector.broadcast %broadcast_in_dim3A_502 : i32 to vector<16xi32>
      %sub3A_504 = arith.subi %masked_cumsum3A, %broadcast_in_dim3A_503 : vector<16xi32>
      %broadcast_in_dim3A_505 = vector.broadcast %while3A_479 : i32 to vector<16xi32>
      %add3A_506 = arith.addi %broadcast_in_dim3A_505, %sub3A_504 : vector<16xi32>
      %broadcast_in_dim3A_507 = arith.constant 64 : i32
      %broadcast_in_dim3A_508 = vector.broadcast %broadcast_in_dim3A_507 : i32 to vector<16xi32>
      %add3A_509 = arith.addi %broadcast_in_dim3A_508, %iota3A : vector<16xi32>
      %select_n3A_510 = arith.select %and3A_494, %add3A_506, %add3A_509 : vector<16xi1>, vector<16xi32>
      %broadcast_in_dim3A_511 = arith.constant 79 : i32
      %broadcast_in_dim3A_512 = vector.broadcast %broadcast_in_dim3A_511 : i32 to vector<16xi32>
      %min3A_513 = arith.minsi %select_n3A_510, %broadcast_in_dim3A_512 : vector<16xi32>
      tpu.vector_store_idx %arg12[%min3A_513], %get3A_482 : memref<80xi32, #tpu.memory_space<vmem>>[vector<16xi32>], vector<16xi32>,
      tpu.vector_store_idx %arg13[%min3A_513], %get3A_486 : memref<80xi32, #tpu.memory_space<vmem>>[vector<16xi32>], vector<16xi32>,
      %all_reduce_population_count3A = tpu.all_reduce %and3A_494 {dim = 0 : i64, kind = #tpu.reduction_kind<sum>} : vector<16xi1> -> vector<16xi32>
      %slice3A_514 = vector.extract_strided_slice %all_reduce_population_count3A {offsets = [0], sizes = [1], strides = [1]} : vector<16xi32> to vector<1xi32>
      %squeeze3A_515 = vector.extract %slice3A_514[0] : i32 from vector<1xi32>
      %add3A_516 = arith.addi %while3A_479, %squeeze3A_515 : i32
      scf.yield %add3A_516 : i32
    }
    %while3A_427 = arith.constant 1 : i32
    %while3A_428 = scf.for %while3A_478 = %while3A_424 to %while3A_420 step %while3A_427 iter_args(%while3A_479 = %while3A_426) -> (i32)  : i32 {
      %mul3A_480 = arith.constant 16 : i32
      %mul3A_481 = arith.muli %while3A_478, %mul3A_480 : i32
      %get3A = arith.index_cast %mul3A_481 : i32 to index
      %get3A_482 = tpu.vector_load %arg6[%get3A] {strides = array<i32>} : memref<1024xi32, #tpu.memory_space<vmem>>, vector<16xi32>,
      %mul3A_483 = arith.constant 16 : i32
      %mul3A_484 = arith.muli %while3A_478, %mul3A_483 : i32
      %get3A_485 = arith.index_cast %mul3A_484 : i32 to index
      %get3A_486 = tpu.vector_load %arg7[%get3A_485] {strides = array<i32>} : memref<1024xi32, #tpu.memory_space<vmem>>, vector<16xi32>,
      %broadcast_in_dim3A_487 = arith.constant 7 : i32
      %broadcast_in_dim3A_488 = vector.broadcast %broadcast_in_dim3A_487 : i32 to vector<16xi32>
      %shift_right_logical3A = arith.shrui %get3A_482, %broadcast_in_dim3A_488 : vector<16xi32>
      %broadcast_in_dim3A_489 = vector.broadcast %min3A_416 : i32 to vector<16xi32>
      %ge3A_490 = arith.cmpi sge, %shift_right_logical3A, %broadcast_in_dim3A_489 : vector<16xi32>
      %add3A_491 = arith.constant 4 : i32
      %add3A_492 = arith.addi %min3A_416, %add3A_491 : i32
      %broadcast_in_dim3A_493 = vector.broadcast %add3A_492 : i32 to vector<16xi32>
      %lt3A = arith.cmpi slt, %shift_right_logical3A, %broadcast_in_dim3A_493 : vector<16xi32>
      %and3A_494 = arith.andi %ge3A_490, %lt3A : vector<16xi1>
      %broadcast_in_dim3A_495 = arith.constant 1 : i32
      %broadcast_in_dim3A_496 = vector.broadcast %broadcast_in_dim3A_495 : i32 to vector<16xi32>
      %broadcast_in_dim3A_497 = arith.constant 0 : i32
      %broadcast_in_dim3A_498 = vector.broadcast %broadcast_in_dim3A_497 : i32 to vector<16xi32>
      %select_n3A_499 = arith.select %and3A_494, %broadcast_in_dim3A_496, %broadcast_in_dim3A_498 : vector<16xi1>, vector<16xi32>
      %broadcast_in_dim3A_500 = arith.constant true
      %broadcast_in_dim3A_501 = vector.broadcast %broadcast_in_dim3A_500 : i1 to vector<16xi1>
      %masked_cumsum3A = tpu.scan <sum>, %select_n3A_499 masked %broadcast_in_dim3A_501 : vector<16xi32>, vector<16xi1> -> vector<16xi32>
      %broadcast_in_dim3A_502 = arith.constant 1 : i32
      %broadcast_in_dim3A_503 = vector.broadcast %broadcast_in_dim3A_502 : i32 to vector<16xi32>
      %sub3A_504 = arith.subi %masked_cumsum3A, %broadcast_in_dim3A_503 : vector<16xi32>
      %broadcast_in_dim3A_505 = vector.broadcast %while3A_479 : i32 to vector<16xi32>
      %add3A_506 = arith.addi %broadcast_in_dim3A_505, %sub3A_504 : vector<16xi32>
      %broadcast_in_dim3A_507 = arith.constant 64 : i32
      %broadcast_in_dim3A_508 = vector.broadcast %broadcast_in_dim3A_507 : i32 to vector<16xi32>
      %add3A_509 = arith.addi %broadcast_in_dim3A_508, %iota3A : vector<16xi32>
      %select_n3A_510 = arith.select %and3A_494, %add3A_506, %add3A_509 : vector<16xi1>, vector<16xi32>
      %broadcast_in_dim3A_511 = arith.constant 79 : i32
      %broadcast_in_dim3A_512 = vector.broadcast %broadcast_in_dim3A_511 : i32 to vector<16xi32>
      %min3A_513 = arith.minsi %select_n3A_510, %broadcast_in_dim3A_512 : vector<16xi32>
      tpu.vector_store_idx %arg12[%min3A_513], %get3A_482 : memref<80xi32, #tpu.memory_space<vmem>>[vector<16xi32>], vector<16xi32>,
      tpu.vector_store_idx %arg13[%min3A_513], %get3A_486 : memref<80xi32, #tpu.memory_space<vmem>>[vector<16xi32>], vector<16xi32>,
      %all_reduce_population_count3A = tpu.all_reduce %and3A_494 {dim = 0 : i64, kind = #tpu.reduction_kind<sum>} : vector<16xi1> -> vector<16xi32>
      %slice3A_514 = vector.extract_strided_slice %all_reduce_population_count3A {offsets = [0], sizes = [1], strides = [1]} : vector<16xi32> to vector<1xi32>
      %squeeze3A_515 = vector.extract %slice3A_514[0] : i32 from vector<1xi32>
      %add3A_516 = arith.addi %while3A_479, %squeeze3A_515 : i32
      scf.yield %add3A_516 : i32
    }
    %min3A_429 = arith.constant 64 : i32
    %min3A_430 = arith.minsi %while3A_428, %min3A_429 : i32
    %while3A_431 = arith.constant 0 : i32
    %while3A_432 = arith.subi %min3A_430, %while3A_431 : i32
    %while3A_433 = arith.addi %while3A_431, %while3A_432 : i32
    %while3A_434 = arith.constant 1 : i32
    %while3A_435 = arith.divsi %while3A_432, %while3A_434 : i32
    %while3A_436 = arith.muli %while3A_435, %while3A_434 : i32
    %while3A_437 = arith.addi %while3A_431, %while3A_436 : i32
    %while3A_438 = arith.constant 1 : i32
    %while3A_439 = scf.for %while3A_478 = %while3A_431 to %while3A_437 step %while3A_438 iter_args(%while3A_479 = %select_n3A_376) -> (i32)  : i32 {
      %broadcast_in_dim3A_480 = vector.broadcast %while3A_478 : i32 to vector<16xi32>
      %gather3A_481 = tpu.vector_load_idx %arg12[%broadcast_in_dim3A_480] : memref<80xi32, #tpu.memory_space<vmem>>[vector<16xi32>], vector<16xi32>,
      %slice3A_482 = vector.extract_strided_slice %gather3A_481 {offsets = [0], sizes = [1], strides = [1]} : vector<16xi32> to vector<1xi32>
      %squeeze3A_483 = vector.extract %slice3A_482[0] : i32 from vector<1xi32>
      %gather3A_484 = tpu.vector_load_idx %arg13[%broadcast_in_dim3A_480] : memref<80xi32, #tpu.memory_space<vmem>>[vector<16xi32>], vector<16xi32>,
      %slice3A_485 = vector.extract_strided_slice %gather3A_484 {offsets = [0], sizes = [1], strides = [1]} : vector<16xi32> to vector<1xi32>
      %squeeze3A_486 = vector.extract %slice3A_485[0] : i32 from vector<1xi32>
      %mul3A_487 = arith.constant 128 : i32
      %mul3A_488 = arith.muli %min3A_416, %mul3A_487 : i32
      %sub3A_489 = arith.subi %squeeze3A_483, %mul3A_488 : i32
      %broadcast_in_dim3A_490 = vector.broadcast %while3A_479 : i32 to vector<16xi32>
      %broadcast_in_dim3A_491 = arith.constant 0 : i32
      %broadcast_in_dim3A_492 = vector.broadcast %broadcast_in_dim3A_491 : i32 to vector<16xi32>
      %add3A_493 = arith.addi %broadcast_in_dim3A_492, %iota3A : vector<16xi32>
      %broadcast_in_dim3A_494 = vector.broadcast %sub3A_489 : i32 to vector<16xi32>
      %gather3A_495 = tpu.vector_load_idx %arg9[%add3A_493, %broadcast_in_dim3A_494] : memref<64x512xf32, #tpu.memory_space<vmem>>[vector<16xi32>, vector<16xi32>], vector<16xf32>,
      tpu.vector_store_idx %arg10[%broadcast_in_dim3A_490, %add3A_493], %gather3A_495 : memref<128x128xf32, #tpu.memory_space<vmem>>[vector<16xi32>, vector<16xi32>], vector<16xf32>,
      %broadcast_in_dim3A_496 = arith.constant 16 : i32
      %broadcast_in_dim3A_497 = vector.broadcast %broadcast_in_dim3A_496 : i32 to vector<16xi32>
      %add3A_498 = arith.addi %broadcast_in_dim3A_497, %iota3A : vector<16xi32>
      %broadcast_in_dim3A_499 = vector.broadcast %sub3A_489 : i32 to vector<16xi32>
      %gather3A_500 = tpu.vector_load_idx %arg9[%add3A_498, %broadcast_in_dim3A_499] : memref<64x512xf32, #tpu.memory_space<vmem>>[vector<16xi32>, vector<16xi32>], vector<16xf32>,
      tpu.vector_store_idx %arg10[%broadcast_in_dim3A_490, %add3A_498], %gather3A_500 : memref<128x128xf32, #tpu.memory_space<vmem>>[vector<16xi32>, vector<16xi32>], vector<16xf32>,
      %broadcast_in_dim3A_501 = arith.constant 32 : i32
      %broadcast_in_dim3A_502 = vector.broadcast %broadcast_in_dim3A_501 : i32 to vector<16xi32>
      %add3A_503 = arith.addi %broadcast_in_dim3A_502, %iota3A : vector<16xi32>
      %broadcast_in_dim3A_504 = vector.broadcast %sub3A_489 : i32 to vector<16xi32>
      %gather3A_505 = tpu.vector_load_idx %arg9[%add3A_503, %broadcast_in_dim3A_504] : memref<64x512xf32, #tpu.memory_space<vmem>>[vector<16xi32>, vector<16xi32>], vector<16xf32>,
      tpu.vector_store_idx %arg10[%broadcast_in_dim3A_490, %add3A_503], %gather3A_505 : memref<128x128xf32, #tpu.memory_space<vmem>>[vector<16xi32>, vector<16xi32>], vector<16xf32>,
      %broadcast_in_dim3A_506 = arith.constant 48 : i32
      %broadcast_in_dim3A_507 = vector.broadcast %broadcast_in_dim3A_506 : i32 to vector<16xi32>
      %add3A_508 = arith.addi %broadcast_in_dim3A_507, %iota3A : vector<16xi32>
      %broadcast_in_dim3A_509 = vector.broadcast %sub3A_489 : i32 to vector<16xi32>
      %gather3A_510 = tpu.vector_load_idx %arg9[%add3A_508, %broadcast_in_dim3A_509] : memref<64x512xf32, #tpu.memory_space<vmem>>[vector<16xi32>, vector<16xi32>], vector<16xf32>,
      tpu.vector_store_idx %arg10[%broadcast_in_dim3A_490, %add3A_508], %gather3A_510 : memref<128x128xf32, #tpu.memory_space<vmem>>[vector<16xi32>, vector<16xi32>], vector<16xf32>,
      %broadcast_in_dim3A_511 = vector.broadcast %squeeze3A_486 : i32 to vector<16xi32>
      tpu.vector_store_idx %arg11[%broadcast_in_dim3A_490], %broadcast_in_dim3A_511 : memref<128xi32, #tpu.memory_space<vmem>>[vector<16xi32>], vector<16xi32>,
      %add3A_512 = arith.constant 1 : i32
      %add3A_513 = arith.addi %while3A_479, %add3A_512 : i32
      scf.yield %add3A_513 : i32
    }
    %while3A_440 = arith.constant 1 : i32
    %while3A_441 = scf.for %while3A_478 = %while3A_437 to %while3A_433 step %while3A_440 iter_args(%while3A_479 = %while3A_439) -> (i32)  : i32 {
      %broadcast_in_dim3A_480 = vector.broadcast %while3A_478 : i32 to vector<16xi32>
      %gather3A_481 = tpu.vector_load_idx %arg12[%broadcast_in_dim3A_480] : memref<80xi32, #tpu.memory_space<vmem>>[vector<16xi32>], vector<16xi32>,
      %slice3A_482 = vector.extract_strided_slice %gather3A_481 {offsets = [0], sizes = [1], strides = [1]} : vector<16xi32> to vector<1xi32>
      %squeeze3A_483 = vector.extract %slice3A_482[0] : i32 from vector<1xi32>
      %gather3A_484 = tpu.vector_load_idx %arg13[%broadcast_in_dim3A_480] : memref<80xi32, #tpu.memory_space<vmem>>[vector<16xi32>], vector<16xi32>,
      %slice3A_485 = vector.extract_strided_slice %gather3A_484 {offsets = [0], sizes = [1], strides = [1]} : vector<16xi32> to vector<1xi32>
      %squeeze3A_486 = vector.extract %slice3A_485[0] : i32 from vector<1xi32>
      %mul3A_487 = arith.constant 128 : i32
      %mul3A_488 = arith.muli %min3A_416, %mul3A_487 : i32
      %sub3A_489 = arith.subi %squeeze3A_483, %mul3A_488 : i32
      %broadcast_in_dim3A_490 = vector.broadcast %while3A_479 : i32 to vector<16xi32>
      %broadcast_in_dim3A_491 = arith.constant 0 : i32
      %broadcast_in_dim3A_492 = vector.broadcast %broadcast_in_dim3A_491 : i32 to vector<16xi32>
      %add3A_493 = arith.addi %broadcast_in_dim3A_492, %iota3A : vector<16xi32>
      %broadcast_in_dim3A_494 = vector.broadcast %sub3A_489 : i32 to vector<16xi32>
      %gather3A_495 = tpu.vector_load_idx %arg9[%add3A_493, %broadcast_in_dim3A_494] : memref<64x512xf32, #tpu.memory_space<vmem>>[vector<16xi32>, vector<16xi32>], vector<16xf32>,
      tpu.vector_store_idx %arg10[%broadcast_in_dim3A_490, %add3A_493], %gather3A_495 : memref<128x128xf32, #tpu.memory_space<vmem>>[vector<16xi32>, vector<16xi32>], vector<16xf32>,
      %broadcast_in_dim3A_496 = arith.constant 16 : i32
      %broadcast_in_dim3A_497 = vector.broadcast %broadcast_in_dim3A_496 : i32 to vector<16xi32>
      %add3A_498 = arith.addi %broadcast_in_dim3A_497, %iota3A : vector<16xi32>
      %broadcast_in_dim3A_499 = vector.broadcast %sub3A_489 : i32 to vector<16xi32>
      %gather3A_500 = tpu.vector_load_idx %arg9[%add3A_498, %broadcast_in_dim3A_499] : memref<64x512xf32, #tpu.memory_space<vmem>>[vector<16xi32>, vector<16xi32>], vector<16xf32>,
      tpu.vector_store_idx %arg10[%broadcast_in_dim3A_490, %add3A_498], %gather3A_500 : memref<128x128xf32, #tpu.memory_space<vmem>>[vector<16xi32>, vector<16xi32>], vector<16xf32>,
      %broadcast_in_dim3A_501 = arith.constant 32 : i32
      %broadcast_in_dim3A_502 = vector.broadcast %broadcast_in_dim3A_501 : i32 to vector<16xi32>
      %add3A_503 = arith.addi %broadcast_in_dim3A_502, %iota3A : vector<16xi32>
      %broadcast_in_dim3A_504 = vector.broadcast %sub3A_489 : i32 to vector<16xi32>
      %gather3A_505 = tpu.vector_load_idx %arg9[%add3A_503, %broadcast_in_dim3A_504] : memref<64x512xf32, #tpu.memory_space<vmem>>[vector<16xi32>, vector<16xi32>], vector<16xf32>,
      tpu.vector_store_idx %arg10[%broadcast_in_dim3A_490, %add3A_503], %gather3A_505 : memref<128x128xf32, #tpu.memory_space<vmem>>[vector<16xi32>, vector<16xi32>], vector<16xf32>,
      %broadcast_in_dim3A_506 = arith.constant 48 : i32
      %broadcast_in_dim3A_507 = vector.broadcast %broadcast_in_dim3A_506 : i32 to vector<16xi32>
      %add3A_508 = arith.addi %broadcast_in_dim3A_507, %iota3A : vector<16xi32>
      %broadcast_in_dim3A_509 = vector.broadcast %sub3A_489 : i32 to vector<16xi32>
      %gather3A_510 = tpu.vector_load_idx %arg9[%add3A_508, %broadcast_in_dim3A_509] : memref<64x512xf32, #tpu.memory_space<vmem>>[vector<16xi32>, vector<16xi32>], vector<16xf32>,
      tpu.vector_store_idx %arg10[%broadcast_in_dim3A_490, %add3A_508], %gather3A_510 : memref<128x128xf32, #tpu.memory_space<vmem>>[vector<16xi32>, vector<16xi32>], vector<16xf32>,
      %broadcast_in_dim3A_511 = vector.broadcast %squeeze3A_486 : i32 to vector<16xi32>
      tpu.vector_store_idx %arg11[%broadcast_in_dim3A_490], %broadcast_in_dim3A_511 : memref<128xi32, #tpu.memory_space<vmem>>[vector<16xi32>], vector<16xi32>,
      %add3A_512 = arith.constant 1 : i32
      %add3A_513 = arith.addi %while3A_479, %add3A_512 : i32
      scf.yield %add3A_513 : i32
    }
    %ge3A_442 = arith.constant 64 : i32
    %ge3A_443 = arith.cmpi sge, %while3A_441, %ge3A_442 : i32
    %convert_element_type3A_444 = arith.extui %ge3A_443 : i1 to i32
    %cond3A_445 = arith.constant 0 : i32
    %cond3A_446 = arith.cmpi ne, %convert_element_type3A_444, %cond3A_445 : i32
    scf.if %cond3A_446 {
      %dma_start3A_478 = arith.constant 0 : i32
      %dma_start3A_479 = arith.constant 0 : i32
      %dma_start3A_480 = tpu.memref_slice %arg4[%dma_start3A_478, %dma_start3A_479] : memref<16512x128xf32, #tpu.memory_space<hbm>> -> memref<16512x128xf32, #tpu.memory_space<hbm>>
      tpu.enqueue_indirect_dma source(%arg10 : memref<128x128xf32, #tpu.memory_space<vmem>>) target(%dma_start3A_480 : memref<16512x128xf32, #tpu.memory_space<hbm>>) offsets(%arg11 : memref<128xi32, #tpu.memory_space<vmem>>) semaphore(%arg16 : memref<!tpu.dma_semaphore, #tpu.memory_space<semaphore_mem>>)
      %dma_wait3A_481 = arith.constant 0 : i32
      %dma_wait3A_482 = arith.constant 0 : i32
      %dma_wait3A_483 = tpu.memref_slice %arg4[%dma_wait3A_481, %dma_wait3A_482] : memref<16512x128xf32, #tpu.memory_space<hbm>> -> memref<16512x128xf32, #tpu.memory_space<hbm>>
      tpu.wait_indirect_dma semaphore(%arg16 : memref<!tpu.dma_semaphore, #tpu.memory_space<semaphore_mem>>) src(%arg10 : memref<128x128xf32, #tpu.memory_space<vmem>>) dst(%dma_wait3A_483 : memref<16512x128xf32, #tpu.memory_space<hbm>>)
      %broadcast_in_dim3A_484 = vector.broadcast %add3A_6 : i32 to vector<16xi32>
      %broadcast_in_dim3A_485 = arith.constant 3 : i32
      %broadcast_in_dim3A_486 = vector.broadcast %broadcast_in_dim3A_485 : i32 to vector<16xi32>
      %and3A_487 = arith.andi %iota3A, %broadcast_in_dim3A_486 : vector<16xi32>
      %add3A_488 = arith.addi %broadcast_in_dim3A_484, %and3A_487 : vector<16xi32>
      %swap3A_489 = arith.constant 0 : index
      %swap3A_490 = tpu.vector_load %arg11[%swap3A_489] {strides = array<i32>} : memref<128xi32, #tpu.memory_space<vmem>>, vector<16xi32>,
      tpu.vector_store %arg11[%swap3A_489], %add3A_488 {strides = array<i32>} : memref<128xi32, #tpu.memory_space<vmem>>, vector<16xi32>,
      %swap3A_491 = arith.constant 16 : index
      %swap3A_492 = tpu.vector_load %arg11[%swap3A_491] {strides = array<i32>} : memref<128xi32, #tpu.memory_space<vmem>>, vector<16xi32>,
      tpu.vector_store %arg11[%swap3A_491], %add3A_488 {strides = array<i32>} : memref<128xi32, #tpu.memory_space<vmem>>, vector<16xi32>,
      %swap3A_493 = arith.constant 32 : index
      %swap3A_494 = tpu.vector_load %arg11[%swap3A_493] {strides = array<i32>} : memref<128xi32, #tpu.memory_space<vmem>>, vector<16xi32>,
      tpu.vector_store %arg11[%swap3A_493], %add3A_488 {strides = array<i32>} : memref<128xi32, #tpu.memory_space<vmem>>, vector<16xi32>,
      %swap3A_495 = arith.constant 48 : index
      %swap3A_496 = tpu.vector_load %arg11[%swap3A_495] {strides = array<i32>} : memref<128xi32, #tpu.memory_space<vmem>>, vector<16xi32>,
      tpu.vector_store %arg11[%swap3A_495], %add3A_488 {strides = array<i32>} : memref<128xi32, #tpu.memory_space<vmem>>, vector<16xi32>,
      %swap3A_497 = arith.constant 64 : index
      %swap3A_498 = tpu.vector_load %arg11[%swap3A_497] {strides = array<i32>} : memref<128xi32, #tpu.memory_space<vmem>>, vector<16xi32>,
      tpu.vector_store %arg11[%swap3A_497], %add3A_488 {strides = array<i32>} : memref<128xi32, #tpu.memory_space<vmem>>, vector<16xi32>,
      %swap3A_499 = arith.constant 80 : index
      %swap3A_500 = tpu.vector_load %arg11[%swap3A_499] {strides = array<i32>} : memref<128xi32, #tpu.memory_space<vmem>>, vector<16xi32>,
      tpu.vector_store %arg11[%swap3A_499], %add3A_488 {strides = array<i32>} : memref<128xi32, #tpu.memory_space<vmem>>, vector<16xi32>,
      %swap3A_501 = arith.constant 96 : index
      %swap3A_502 = tpu.vector_load %arg11[%swap3A_501] {strides = array<i32>} : memref<128xi32, #tpu.memory_space<vmem>>, vector<16xi32>,
      tpu.vector_store %arg11[%swap3A_501], %add3A_488 {strides = array<i32>} : memref<128xi32, #tpu.memory_space<vmem>>, vector<16xi32>,
      %swap3A_503 = arith.constant 112 : index
      %swap3A_504 = tpu.vector_load %arg11[%swap3A_503] {strides = array<i32>} : memref<128xi32, #tpu.memory_space<vmem>>, vector<16xi32>,
      tpu.vector_store %arg11[%swap3A_503], %add3A_488 {strides = array<i32>} : memref<128xi32, #tpu.memory_space<vmem>>, vector<16xi32>,
    } else {
    }
    %ge3A_447 = arith.constant 64 : i32
    %ge3A_448 = arith.cmpi sge, %while3A_441, %ge3A_447 : i32
    %jit3A_449 = arith.constant 0 : i32
    %select_n3A_450 = arith.select %ge3A_448, %jit3A_449, %while3A_441 : i32
    %dma_start3A_451 = arith.constant 0 : i32
    %dma_start3A_452 = arith.constant 0 : i32
    %dma_start3A_453 = tpu.memref_slice %arg4[%dma_start3A_451, %dma_start3A_452] : memref<16512x128xf32, #tpu.memory_space<hbm>> -> memref<16512x128xf32, #tpu.memory_space<hbm>>
    tpu.enqueue_indirect_dma source(%arg10 : memref<128x128xf32, #tpu.memory_space<vmem>>) target(%dma_start3A_453 : memref<16512x128xf32, #tpu.memory_space<hbm>>) offsets(%arg11 : memref<128xi32, #tpu.memory_space<vmem>>) semaphore(%arg16 : memref<!tpu.dma_semaphore, #tpu.memory_space<semaphore_mem>>)
    %dma_wait3A_454 = arith.constant 0 : i32
    %dma_wait3A_455 = arith.constant 0 : i32
    %dma_wait3A_456 = tpu.memref_slice %arg4[%dma_wait3A_454, %dma_wait3A_455] : memref<16512x128xf32, #tpu.memory_space<hbm>> -> memref<16512x128xf32, #tpu.memory_space<hbm>>
    tpu.wait_indirect_dma semaphore(%arg16 : memref<!tpu.dma_semaphore, #tpu.memory_space<semaphore_mem>>) src(%arg10 : memref<128x128xf32, #tpu.memory_space<vmem>>) dst(%dma_wait3A_456 : memref<16512x128xf32, #tpu.memory_space<hbm>>)
    %broadcast_in_dim3A_457 = vector.broadcast %add3A_6 : i32 to vector<16xi32>
    %broadcast_in_dim3A_458 = arith.constant 3 : i32
    %broadcast_in_dim3A_459 = vector.broadcast %broadcast_in_dim3A_458 : i32 to vector<16xi32>
    %and3A_460 = arith.andi %iota3A, %broadcast_in_dim3A_459 : vector<16xi32>
    %add3A_461 = arith.addi %broadcast_in_dim3A_457, %and3A_460 : vector<16xi32>
    %swap3A_462 = arith.constant 0 : index
    %swap3A_463 = tpu.vector_load %arg11[%swap3A_462] {strides = array<i32>} : memref<128xi32, #tpu.memory_space<vmem>>, vector<16xi32>,
    tpu.vector_store %arg11[%swap3A_462], %add3A_461 {strides = array<i32>} : memref<128xi32, #tpu.memory_space<vmem>>, vector<16xi32>,
    %swap3A_464 = arith.constant 16 : index
    %swap3A_465 = tpu.vector_load %arg11[%swap3A_464] {strides = array<i32>} : memref<128xi32, #tpu.memory_space<vmem>>, vector<16xi32>,
    tpu.vector_store %arg11[%swap3A_464], %add3A_461 {strides = array<i32>} : memref<128xi32, #tpu.memory_space<vmem>>, vector<16xi32>,
    %swap3A_466 = arith.constant 32 : index
    %swap3A_467 = tpu.vector_load %arg11[%swap3A_466] {strides = array<i32>} : memref<128xi32, #tpu.memory_space<vmem>>, vector<16xi32>,
    tpu.vector_store %arg11[%swap3A_466], %add3A_461 {strides = array<i32>} : memref<128xi32, #tpu.memory_space<vmem>>, vector<16xi32>,
    %swap3A_468 = arith.constant 48 : index
    %swap3A_469 = tpu.vector_load %arg11[%swap3A_468] {strides = array<i32>} : memref<128xi32, #tpu.memory_space<vmem>>, vector<16xi32>,
    tpu.vector_store %arg11[%swap3A_468], %add3A_461 {strides = array<i32>} : memref<128xi32, #tpu.memory_space<vmem>>, vector<16xi32>,
    %swap3A_470 = arith.constant 64 : index
    %swap3A_471 = tpu.vector_load %arg11[%swap3A_470] {strides = array<i32>} : memref<128xi32, #tpu.memory_space<vmem>>, vector<16xi32>,
    tpu.vector_store %arg11[%swap3A_470], %add3A_461 {strides = array<i32>} : memref<128xi32, #tpu.memory_space<vmem>>, vector<16xi32>,
    %swap3A_472 = arith.constant 80 : index
    %swap3A_473 = tpu.vector_load %arg11[%swap3A_472] {strides = array<i32>} : memref<128xi32, #tpu.memory_space<vmem>>, vector<16xi32>,
    tpu.vector_store %arg11[%swap3A_472], %add3A_461 {strides = array<i32>} : memref<128xi32, #tpu.memory_space<vmem>>, vector<16xi32>,
    %swap3A_474 = arith.constant 96 : index
    %swap3A_475 = tpu.vector_load %arg11[%swap3A_474] {strides = array<i32>} : memref<128xi32, #tpu.memory_space<vmem>>, vector<16xi32>,
    tpu.vector_store %arg11[%swap3A_474], %add3A_461 {strides = array<i32>} : memref<128xi32, #tpu.memory_space<vmem>>, vector<16xi32>,
    %swap3A_476 = arith.constant 112 : index
    %swap3A_477 = tpu.vector_load %arg11[%swap3A_476] {strides = array<i32>} : memref<128xi32, #tpu.memory_space<vmem>>, vector<16xi32>,
    tpu.vector_store %arg11[%swap3A_476], %add3A_461 {strides = array<i32>} : memref<128xi32, #tpu.memory_space<vmem>>, vector<16xi32>,
    return
  }
}

</mosaic_0001>

<sc_bundles>
// kernel: kernel.3.cloned.1.call-start
scs
__scs_entry_jumppad:
0x0: {  	(pc) =	sbr.rel $0x88, $3  }
0x1: {  	(tag) =	ssettag $0x0;
	lr =	simm.s32 $0x1  }
0x2: {  	[smem:$0x3F9F] =	sst lr;
	_ =	strace $0xD0000000  }
0x3: {  	_ = 	snop  }
0x4: {  	_ = 	snop  }
0x5: {  	_ = 	snop  }
0x6: {  	_ = 	snop  }
0x7: {  	_ = 	snop  }
__scs_overlays_trampoline_lowered:
0x8: {  	[smem:$0x3FAE] =	sst s0  }
0x9: {  	[smem:$0x3FAF] =	sst s1  }
0xa: {  	[smem:$0x3FB0] =	sst s2  }
0xb: {  	[smem:$0x3FB1] =	sst s3  }
0xc: {  	[smem:$0x3FB2] =	sst s4  }
0xd: {  	[smem:$0x3FB3] =	sst s5  }
0xe: {  	[smem:$0x3FB4] =	sst s6  }
0xf: {  	[smem:$0x3FB5] =	sst s7  }
0x10: {  	[smem:$0x3FB6] =	sst s8  }
0x11: {  	[smem:$0x3FB7] =	sst s9;
	s0 =	simm.s32 @!p0 $0x0  }
0x12: {  	s1 =	sld [smem:$0x3F9D];
	s0 =	simm.s32 @p0 $0x1  }
0x13: {  	[smem:$0x3FB8] =	sst s0;
	s0 =	simm.s32 @!p1 $0x0  }
0x14: {  	s2 =	sld [smem:$0x3F9C];
	s0 =	simm.s32 @p1 $0x1  }
0x15: {  	[smem:$0x3FB9] =	sst s0;
	s0 =	simm.s32 @!p2 $0x0  }
0x16: {  	s3 =	sld [smem:$0x3FDB];
	s0 =	simm.s32 @p2 $0x1  }
0x17: {  	s4 =	simm.s32 $0x1BF5;
	[smem:$0x3FBB] =	sst s0  }
0x18: {  	s0 =	sld [smem:$0x3F9E];
	_ =	swait.ge [sflag:s4], $0x0  }
0x19: {  	s7 =	sld [smem:$0x3F9F]  }
0x1a: {  	s8 =	sadd.s32 $0xFFFFE003, lr  }
0x1b: {  	s9 =	sadd.s32 $0xFFFFFEF7, lr;
	s5 =	simm.s32 $0xFFFFFFFF;
	p2 =	slt.u32 s8, $0xFFFFF086  }
0x1c: {  	p1 =	slt.u32 s9, $0xF7A;
	s5 =	simm.s32 @!p2 $0x0  }
0x1d: {  	s5 =	simm.s32 @p1 $0x1;
	p0 =	seq.s32 s7, s2  }
0x1e: {  	s7 =	smul.u32 @!p0 $0xF7A, s2;
	p2 =	seq.s32 @!p0 s5, $0x0  }
0x1f: {  	s9 =	smul.u32 $0xF7A, s1;
	s8 =	simm.s32 @!p0 $0x1BF5;
	p2 =	por !p2, p0  }
0x20: {  	[sflag:s8] =	ssyncset.s32 @!p0 $0xFFFFF086;
	s6 =	sadd.s32 @!p0 s3, s7;
	s7 =	simm.s32 @!p0 $0x108  }
0x21: {  	s3 =	sadd.s32 s3, s9;
	s6 =	sadd.s32 @!p0 $0x88, s6;
	s7 =	simm.s32 @p2 $0x1082  }
0x22: {  	[simem:s7], [sflag:s8] =	dma.local @!p0 [hbm:s6], $0xF7A  }
0x23: {  	s9 =	sor.u32 $0xD0000000, s2;
	s6 =	simm.s32 $0x108;
	_ =	swait.ge @!p0 [sflag:s8], $0x0  }
0x24: {  	s3 =	sadd.s32 $0x88, s3;
	s6 =	simm.s32 @!p1 $0x1082;
	[sflag:s4] =	ssyncset.s32 $0xFFFFF086  }
0x25: {  	[simem:s6], [sflag:s4] =	dma.local [hbm:s3], $0xF7A  }
0x26: {  	[smem:$0x3F9F] =	sst s1;
	(tag) =	ssettag s2;
	_ =	strace s9  }
0x27: {  	s1 =	sld [smem:$0x3FAF]  }
0x28: {  	s2 =	sld [smem:$0x3FB0]  }
0x29: {  	s4 =	sld [smem:$0x3FB2]  }
0x2a: {  	p0 =	seq.s32 s5, $0x0;
	s5 =	sld [smem:$0x3FB3]  }
0x2b: {  	s6 =	sld [smem:$0x3FB4]  }
0x2c: {  	s7 =	sld [smem:$0x3FB5]  }
0x2d: {  	s3 =	simm.s32 $0x108;
	s8 =	sld [smem:$0x3FB6]  }
0x2e: {  	s3 =	simm.s32 @!p0 $0x1082;
	s9 =	sld [smem:$0x3FB7]  }
0x2f: {  	lr =	sadd.s32 s0, s3;
	s0 =	sld [smem:$0x3FAE]  }
0x30: {  	s3 =	sld [smem:$0x3FB1]  }
0x31: {  	[smem:$0x3FBA] =	sst s10  }
0x32: {  	s10 =	sld [smem:$0x3FB8];
	_ =	sdelay $0x3  }
0x33: {  	p0 =	seq.s32 s10, $0x1;
	s10 =	sld [smem:$0x3FBA];
	_ =	sdelay $0x3  }
0x34: {  	[smem:$0x3FBA] =	sst s10  }
0x35: {  	s10 =	sld [smem:$0x3FB9];
	_ =	sdelay $0x3  }
0x36: {  	p1 =	seq.s32 s10, $0x1;
	s10 =	sld [smem:$0x3FBA];
	_ =	sdelay $0x3  }
0x37: {  	[smem:$0x3FBA] =	sst s10  }
0x38: {  	s10 =	sld [smem:$0x3FBB]  }
0x39: {  	_ = 	snop;
	(pc) =	sbr.ind lr, $3  }
0x3a: {  	_ = 	snop  }
0x3b: {  	_ = 	snop  }
0x3c: {  	p2 =	seq.s32 s10, $0x1;
	s10 =	sld [smem:$0x3FBA]  }
0x3d: {  	_ =	shalt  }
0x3e: {  	_ =	shalt  }
0x3f: {  	_ =	shalt  }
0x40: {  	_ =	shalt  }
0x41: {  	_ =	shalt  }
0x42: {  	_ =	shalt  }
0x43: {  	_ =	shalt  }
0x44: {  	_ =	shalt  }
0x45: {  	_ =	shalt  }
0x46: {  	_ =	shalt  }
0x47: {  	_ =	shalt  }
0x48: {  	_ =	shalt  }
0x49: {  	_ =	shalt  }
0x4a: {  	_ =	shalt  }
0x4b: {  	_ =	shalt  }
0x4c: {  	_ =	shalt  }
0x4d: {  	_ =	shalt  }
0x4e: {  	_ =	shalt  }
0x4f: {  	_ =	shalt  }
0x50: {  	_ =	shalt  }
0x51: {  	_ =	shalt  }
0x52: {  	_ =	shalt  }
0x53: {  	_ =	shalt  }
0x54: {  	_ =	shalt  }
0x55: {  	_ =	shalt  }
0x56: {  	_ =	shalt  }
0x57: {  	_ =	shalt  }
0x58: {  	_ =	shalt  }
0x59: {  	_ =	shalt  }
0x5a: {  	_ =	shalt  }
0x5b: {  	_ =	shalt  }
0x5c: {  	_ =	shalt  }
0x5d: {  	_ =	shalt  }
0x5e: {  	_ =	shalt  }
0x5f: {  	_ =	shalt  }
0x60: {  	_ =	shalt  }
0x61: {  	_ =	shalt  }
0x62: {  	_ =	shalt  }
0x63: {  	_ =	shalt  }
0x64: {  	_ =	shalt  }
0x65: {  	_ =	shalt  }
0x66: {  	_ =	shalt  }
0x67: {  	_ =	shalt  }
0x68: {  	_ =	shalt  }
0x69: {  	_ =	shalt  }
0x6a: {  	_ =	shalt  }
0x6b: {  	_ =	shalt  }
0x6c: {  	_ =	shalt  }
0x6d: {  	_ =	shalt  }
0x6e: {  	_ =	shalt  }
0x6f: {  	_ =	shalt  }
0x70: {  	_ =	shalt  }
0x71: {  	_ =	shalt  }
0x72: {  	_ =	shalt  }
0x73: {  	_ =	shalt  }
0x74: {  	_ =	shalt  }
0x75: {  	_ =	shalt  }
0x76: {  	_ =	shalt  }
0x77: {  	_ =	shalt  }
0x78: {  	_ =	shalt  }
0x79: {  	_ =	shalt  }
0x7a: {  	_ =	shalt  }
0x7b: {  	_ =	shalt  }
0x7c: {  	_ =	shalt  }
0x7d: {  	_ =	shalt  }
0x7e: {  	_ =	shalt  }
0x7f: {  	_ =	shalt  }
0x80: {  	_ =	shalt  }
0x81: {  	_ =	shalt  }
0x82: {  	_ =	shalt  }
0x83: {  	_ =	shalt  }
0x84: {  	_ =	shalt  }
0x85: {  	_ =	shalt  }
0x86: {  	_ =	shalt  }
0x87: {  	_ =	shalt  }
.Lfunc_end0:
.L_simem_size_0:
called_computation_lowered:
.L_overlay_start_0:
0x88: {  	s2 =	sld [smem:$0x3FD9]  }
0x89: {  	s3 =	sld [smem:$0x3FFE];
	_ =	sdelay $0x1  }
0x8a: {  	s1 =	srdreg.scid  }
0x8b: {  	s0 =	sand.u32 $0x1, s1  }
0x8c: {  	s17 =	sshll.u32 s0, $0xA;
	s2 =	sadd.s32 s3, s2  }
0x8d: {  	s2 =	sadd.s32 s2, s17  }
0x8e: {  	[smem:$0x3FC6] =	sst s2  }
0x8f: {  	_ = 	snop  }
0x90: {  	s2 =	sld [smem:$0x3FC9]  }
0x91: {  	s18 =	sld [smem:$0x3FC8];
	(tm) =	ssettm $0x1  }
0x92: {  	s4 =	sld [smem:$0x3FFB];
	_ =	sdelay $0x3  }
0x93: {  	_ =	strace s4  }
0x94: {  	s4 =	sld [smem:$0x3FFC];
	_ =	sdelay $0x3  }
0x95: {  	_ =	strace s4  }
0x96: {  	s4 =	sld [smem:$0x3FFD];
	_ =	sdelay $0x3  }
0x97: {  	_ =	strace s4  }
0x98: {  	_ =	strace $0x8FFFFFFF  }
0x99: {  	s19 =	sld [smem:$0x3FDB];
	_ =	sdelay $0x1  }
0x9a: {  	s5 =	simm.s32 $_scs_section_size  }
0x9b: {  	s6 =	simm.s32 $_size__tile_overlayer_lowered;
	s7 =	simm.s32 $_tile_overlayer_lowered  }
0x9c: {  	s22 =	simm.s32 $0x1BFF;
	s21 =	sshll.u32 s7, $0x1;
	s4 =	sadd.s32 s5, s19  }
0x9d: {  	s8 =	simm.s32 $0x0;
	s20 =	sshll.u32 s6, $0x1;
	s6 =	sadd.s32 s21, s4  }
0x9e: {  	[timem:s8], [sflag:s22] =	dma.local [hbm:s6], s20  }
0x9f: {  	_ =	swait.ge [sflag:s22], s20  }
0xa0: {  	s5 =	ssub.s32 $0x0, s20;
	[sflag:s22] =	ssyncset.done $0x0  }
0xa1: {  	[sflag:s22] =	ssyncadd.s32 s5;
	_ =	sdelay $0x1  }
0xa2: {  	s23 =	simm.s32 $0x1B8B  }
0xa3: {  	_ =	swait.ge [sflag:s23], $0x1  }
0xa4: {  	[sflag:s23] =	ssyncset.done $0x0  }
0xa5: {  	s25 =	simm.s32 $0x1B8E;
	s24 =	sld [smem:$0x3FFE];
	[sflag:s23] =	ssyncadd.s32 $0xFFFFFFFF  }
0xa6: {  	s26 =	simm.s32 $execute0_lowered;
	[smem:$0x3FD2] =	sst s25  }
0xa7: {  	s6 =	sshll.u32 s26, $0x1;
	_ =	strace $0x80000046;
	[dreg:$0x1] =	wrdreg $0xFFFFFFFF  }
0xa8: {  	s28 =	simm.s32 $_size_execute0_lowered;
	s4 =	sadd.s32 s4, s6;
	[dreg:$0x0] =	wrdreg $0x0  }
0xa9: {  	s6 =	sshll.u32 s28, $0x1;
	[dreg:$0x2] =	wrdreg s4  }
0xaa: {  	[dreg:$0x3] =	wrdreg s6  }
0xab: {  	[dreg:$0x4] =	wrdreg $0xC0  }
0xac: {  	_ =	task [dreg:s8], $0x5FFFF  }
0xad: {  	[dreg:$0x1] =	wrdreg $0xFFFFFFFF  }
0xae: {  	[dreg:$0x0] =	wrdreg $0x60  }
0xaf: {  	[dreg:$0x2] =	wrdreg s18  }
0xb0: {  	[dreg:$0x3] =	wrdreg s2  }
0xb1: {  	[dreg:$0x4] =	wrdreg s24  }
0xb2: {  	[dreg:$0x5] =	wrdreg $0x9  }
0xb3: {  	_ =	task.clear_ibuf [dreg:s8], $0x6FFFF;
	_ =	strace $0x90000046  }
0xb4: {  	s29 =	simm.s32 $0x9;
	_ =	strace $0x80000048  }
0xb5: {  	_ =	swait.ge [sflag:s29], $0x1  }
0xb6: {  	[sflag:s29] =	ssyncadd.s32 $0xFFFFFFFF  }
0xb7: {  	_ =	strace $0x90000048  }
0xb8: {  	_ =	sfence  }
0xb9: {  	s30 =	sld [smem:$0x0];
	_ =	sdelay $0x2  }
0xba: {  	s31 =	sshll.u32 s1, $0xD;
	s1 =	sshrl.u32 s1, $0x2  }
0xbb: {  	s3 =	sand.u32 $0x4000, s31;
	s1 =	sadd.s32 s1, s30  }
0xbc: {  	s0 =	sor.u32 s3, s0;
	s1 =	sshll.u32 s1, $0x11  }
0xbd: {  	s0 =	sor.u32 s1, s0  }
0xbe: {  	s0 =	sadd.s32 $0x8F2B, s0  }
0xbf: {  	[sflag:s0] =	ssyncadd.remote.s32 $0x1  }
0xc0: {  	_ =	sfence.sel $0xFFFF  }
0xc1: {  	[dreg:$0x0] =	wrdreg $0xFFFFFFFF;
	(pc) =	sbr.abs _section_cstart, $3  }
0xc2: {  	[dreg:$0x1] =	wrdreg $0xFFFFFFFF  }
0xc3: {  	_ =	task.clear_ibuf [dreg:s8], $0x2FFFF;
	_ =	strace $0x9FFFFFFF  }
0xc4: {  	(tm) =	ssettm $0x7FFFFFFF  }
0xc5: {  	_ =	shalt  }
tec
execute0_lowered:
.L_overlay_start_1:
0x0: {  	(tag) =	ssettag $0x1  }
0x1: {  	v1 =	vlaneseq.u32;
	v6 =	vimm.s32 $0x1380  }
0x2: {  	vm14 =	vcmask $0x300;
	vm13 =	vcmask $0x704;
	vm12 =	vcmask $0xB08  }
0x3: {  	vm11 =	vcmask $0xF0C;
	vm10 =	vcmask $0x1310;
	vm9 =	vcmask $0x1714  }
0x4: {  	vm8 =	vcmask $0x1B18;
	vm7 =	vcmask $0x1F1C;
	vm6 =	vcmask $0x2320  }
0x5: {  	vm5 =	vcmask $0x2724;
	vm4 =	vcmask $0x2B28;
	vm3 =	vcmask $0x2F2C  }
0x6: {  	vm2 =	vcmask $0x3330;
	vm1 =	vcmask $0x3734;
	v7 =	vsel vm14, $0x0, v6  }
0x7: {  	v18 =	vimm.s32 $0x3380;
	vm0 =	vcmask $0x3B38;
	v8 =	vsel vm13, $0x80, v7  }
0x8: {  	s0 =	srdreg.scid;
	s1 =	stileid.u32;
	v21 =	vimm.s32 $0x7380;
	v4 =	vand.u32 $0x3, v1;
	v9 =	vsel vm12, $0x100, v8  }
0x9: {  	s6 =	sand.u32 $0x1, s0;
	s16 =	sshll.u32 s1, $0x1;
	v20 =	vsel vm14, $0x2000, v18;
	v21 =	vsel vm14, $0x6000, v21;
	v10 =	vsel vm11, $0x180, v9  }
0xa: {  	v25 =	vor.u32 $0x30, v1;
	s7 =	sor.u32 s6, s16;
	v21 =	vsel vm13, $0x6080, v21;
	v11 =	vsel vm10, $0x200, v10  }
0xb: {  	v26 =	vadd.s32 $0x8, v1;
	s1 =	smul.u32 $0xF8, s7;
	s0 =	sshll.u32 s7, $0x2;
	v21 =	vsel vm12, $0x6100, v21;
	v12 =	vsel vm9, $0x280, v11  }
0xc: {  	s8 =	rddreg [dreg:$0x0];
	v27 =	vadd.s32 $0xC, v1;
	s0 =	sor.u32 $0x4000, s0;
	v21 =	vsel vm11, $0x6180, v21;
	v13 =	vsel vm8, $0x300, v12  }
0xd: {  	s22 =	rddreg [dreg:$0x2];
	s23 =	simm.s32 $0x0;
	s30 =	simm.s32 $0x18980;
	v0 =	vmov s1;
	v3 =	vmov s0;
	v14 =	vsel vm7, $0x380, v13  }
0xe: {  	s31 =	simm.s32 $0x18800;
	s2 =	sadd.s32 $0xF8, s1;
	s5 =	sor.u32 $0x4, s1;
	v4 =	vor.u32 s0, v4;
	v21 =	vsel vm10, $0x6200, v21;
	v15 =	vsel vm6, $0x1000, v14  }
0xf: {  	[smem:$0x7FF] =	sst s23;
	s17 =	smin.u32 s1, $0x1D91;
	s3 =	sadd.s32 $0x8, s1;
	v2 =	vmov s2;
	v5 =	vmov s5;
	v16 =	vsel vm5, $0x1080, v15  }
0x10: {  	s19 =	smin.u32 s1, $0x1D8D;
	s0 =	sadd.s32 $0xF0, s17;
	v6 =	vmov s3;
	s2 =	sadd.s32 $0xF4, s17;
	v21 =	vsel vm9, $0x6280, v21;
	v17 =	vsel vm4, $0x1100, v16  }
0x11: {  	s12 =	sadd.s32 $0x80, s8;
	s4 =	sadd.s32 $0xF4, s19;
	s21 =	sadd.s32 $0xF8, s19;
	v8 =	vmov s0;
	v9 =	vmov s2;
	v17 =	vsel vm3, $0x1180, v17  }
0x12: {  	s24 =	ssub.s32 $0x2, s6;
	s7 =	smul.u32 $0x7C00, s7;
	s18 =	ssub.s32 s0, s1;
	v11 =	vmov s4;
	v12 =	vmov s21;
	v17 =	vsel vm2, $0x1200, v17  }
0x13: {  	s15 =	sadd.s32 $0x100, s8;
	s28 =	smov.u32 s8;
	s25 =	sshrl.u32 s24, $0x1;
	v21 =	vsel vm8, $0x6300, v21;
	v7 =	vadd.s32 s18, v1;
	v19 =	vsel vm1, $0x1280, v17  }
0x14: {  	s26 =	sadd.s32 s8, s7;
	s9 =	sadd.s32 $0x400, s7;
	s20 =	ssub.s32 s4, s1;
	v18 =	vsel vm0, $0x1300, v19;
	v19 =	vsel vm13, $0x2080, v20;
	v20 =	vimm.s32 $0x5380  }
0x15: {  	s16 =	sadd.s32 $0x600, s7;
	s29 =	sadd.s32 $0x14, s1;
	[dreg:$0x4] =	wrdreg s3;
	v10 =	vadd.s32 s20, v1;
	v19 =	vsel vm12, $0x2100, v19;
	v20 =	vsel vm14, $0x4000, v20  }
0x16: {  	s11 =	sadd.s32 s8, s9;
	_ =	strace $0x80000047;
	[dreg:$0x6] =	wrdreg s26;
	v13 =	vimm.s32 $0x0;
	v19 =	vsel vm11, $0x2180, v19;
	v20 =	vsel vm13, $0x4080, v20  }
0x17: {  	s10 =	sshll.u32 s5, $0x7;
	s13 =	sadd.s32 s9, s12;
	[dreg:$0x8] =	wrdreg s11;
	v21 =	vsel vm7, $0x6380, v21;
	v19 =	vsel vm10, $0x2200, v19;
	v20 =	vsel vm12, $0x4100, v20  }
0x18: {  	s14 =	sadd.s32 s9, s15;
	s17 =	sadd.s32 $0x180, s8;
	[dreg:$0x9] =	wrdreg s13;
	v14 =	vor.u32 $0x3F0, v1;
	v19 =	vsel vm9, $0x2280, v19;
	v20 =	vsel vm11, $0x4180, v20  }
0x19: {  	s19 =	sadd.s32 s16, s12;
	s5 =	simm.s32 $0x4800;
	[dreg:$0xa] =	wrdreg s14;
	v21 =	vsel vm6, $0x7000, v21;
	v19 =	vsel vm8, $0x2300, v19;
	v20 =	vsel vm10, $0x4200, v20  }
0x1a: {  	s2 =	sadd.s32 $0x400, s22;
	s6 =	sadd.s32 s8, s10;
	[dreg:$0xd] =	wrdreg s19;
	v15 =	vadd.s32 $0xF8, v1;
	v19 =	vsel vm7, $0x2380, v19;
	v20 =	vsel vm9, $0x4280, v20  }
0x1b: {  	s3 =	sadd.s32 s9, s17;
	s21 =	sadd.s32 s16, s17;
	[dreg:$0x5] =	wrdreg s2;
	v21 =	vsel vm5, $0x7080, v21;
	v19 =	vsel vm6, $0x3000, v19;
	v20 =	vsel vm8, $0x4300, v20  }
0x1c: {  	s23 =	sshll.u32 s0, $0x7;
	s26 =	sadd.s32 $0xC, s1;
	[dreg:$0x7] =	wrdreg s6;
	v16 =	vimm.s32 $0x1;
	v19 =	vsel vm5, $0x3080, v19;
	v20 =	vsel vm7, $0x4380, v20  }
0x1d: {  	s0 =	simm.s32 $0xC800;
	s9 =	simm.s32 $0x4000;
	[dreg:$0xb] =	wrdreg s3;
	v21 =	vsel vm4, $0x7100, v21;
	v19 =	vsel vm4, $0x3100, v19;
	v20 =	vsel vm6, $0x5000, v20  }
0x1e: {  	s11 =	simm.s32 $0x4400;
	s2 =	ssub.s32 s24, s25;
	[dreg:$0xf] =	wrdreg s21;
	v21 =	vsel vm3, $0x7180, v21;
	v19 =	vsel vm3, $0x3180, v19;
	v20 =	vsel vm5, $0x5080, v20  }
.Ltmp0:
0x1f: {  	s18 =	sadd.s32 s8, s16;
	[dreg:$0x12] =	wrdreg s26;
	v17 =	vor.u32 $0x40, v1;
	v19 =	vsel vm2, $0x3200, v19;
	v20 =	vsel vm4, $0x5100, v20;
	(pc) =	sbr.rel .LBB2_1-.Ltmp0, $4  }
0x20: {  	s20 =	sadd.s32 s16, s15;
	s24 =	sshll.u32 s4, $0x7;
	[dreg:$0xc] =	wrdreg s18;
	v22 =	vsel vm1, $0x3280, v19;
	v19 =	vimm.s32 $0xFFFFFFFF;
	v23 =	vsel vm3, $0x5180, v20  }
0x21: {  	s25 =	sadd.s32 $0x10, s1;
	s4 =	simm.s32 $0x18900;
	[dreg:$0xe] =	wrdreg s20;
	v20 =	vsel vm0, $0x3300, v22;
	v22 =	vsel vm2, $0x5200, v23;
	v23 =	vsel vm2, $0x7200, v21  }
0x22: {  	s6 =	simm.s32 $0x14800;
	s22 =	smax.u32 s2, $0x1;
	[dreg:$0x11] =	wrdreg s25;
	v21 =	vor.u32 $0x10, v1;
	v22 =	vsel vm1, $0x5280, v22;
	v24 =	vsel vm1, $0x7280, v23  }
0x23: {  	s8 =	simm.s32 $0x0;
	s25 =	simm.s32 $0x18880;
	[dreg:$0x10] =	wrdreg s22;
	v23 =	vor.u32 $0x20, v1;
	v22 =	vsel vm0, $0x5300, v22;
	v24 =	vsel vm0, $0x7300, v24  }
.LBB2_64:
0x24: {  	_ =	sdelay $0x2  }
0x25: {  	v28 =	vbroadcast v28, $0x0;
	s2 =	sadd.s32 s16, s14  }
0x26: {  	[tilespmem:v31+s6+$0x0] =	vst.idx.msk $0xffff, v30;
	s13 =	rddreg [dreg:$0x5];
	p0 =	slt.s32 s2, $0x40  }
0x27: {  	[tilespmem:v29+s31+$0x0] =	vst.idx.msk $0xffff, v28;
	s2 =	simm.s32 @!p0 $0x80;
	s3 =	simm.s32 @!p0 $0x18800;
	s8 =	simm.s32 @!p0 $0x14800  }
0x28: {  	[hbm4b:s13+s2] =	stream.indirect.scatter @!p0 [tilespmem:s8], [sflag:$0x2], $0x80, s3, s2, $0xb8;
	[tilespmem:$0x18B00] =	vst v63  }
0x29: {  	s2 =	simm.s32 @!p0 $0x2  }
0x2a: {  	_ =	swait.ge @!p0 [sflag:s2], $0x4000  }
0x2b: {  	[sflag:s2] =	ssyncset.done @!p0 $0x0  }
0x2c: {  	[sflag:s2] =	ssyncadd.s32 @!p0 $0xFFFFC000  }
0x2d: {  	[tilespmem:$0x18800] =	vst @!p0 v4  }
0x2e: {  	[tilespmem:$0x18810] =	vst @!p0 v4  }
0x2f: {  	[tilespmem:$0x18820] =	vst @!p0 v4  }
0x30: {  	[tilespmem:$0x18830] =	vst @!p0 v4  }
0x31: {  	[tilespmem:$0x18840] =	vst @!p0 v4  }
0x32: {  	[tilespmem:$0x18850] =	vst @!p0 v4  }
0x33: {  	[tilespmem:$0x18860] =	vst @!p0 v4  }
0x34: {  	s8 =	rddreg [dreg:$0x13];
	[tilespmem:$0x18870] =	vst @!p0 v4  }
.LBB2_65:
0x35: {  	s2 =	rddreg [dreg:$0x5];
	s3 =	simm.s32 $0x80;
	s22 =	simm.s32 $0x2  }
0x36: {  	[hbm4b:s2+s3] =	stream.indirect.scatter [tilespmem:s6], [sflag:$0x2], $0x80, s31, s3, $0xb8;
	[tilespmem:$0x18B00] =	vst v63  }
0x37: {  	_ =	swait.ge [sflag:s22], $0x4000  }
0x38: {  	[sflag:s22] =	ssyncset.done $0x0  }
0x39: {  	[sflag:s22] =	ssyncadd.s32 $0xFFFFC000  }
0x3a: {  	[tilespmem:$0x18800] =	vst v4  }
0x3b: {  	s8 =	sadd.s32 $0x1, s8;
	s26 =	rddreg [dreg:$0x10];
	[tilespmem:$0x18810] =	vst v4  }
0x3c: {  	p0 =	sne.s32 s8, s26;
	[tilespmem:$0x18820] =	vst v4  }
.Ltmp1:
0x3d: {  	[tilespmem:$0x18830] =	vst v4;
	(pc) =	sbr.rel @!p0 .LBB2_66-.Ltmp1, $4  }
0x3e: {  	[tilespmem:$0x18840] =	vst v4  }
0x3f: {  	[tilespmem:$0x18850] =	vst v4  }
0x40: {  	[tilespmem:$0x18860] =	vst v4  }
0x41: {  	[tilespmem:$0x18870] =	vst v4  }
.LBB2_1:
0x42: {  	[dreg:$0x13] =	wrdreg s8  }
0x43: {  	s2 =	rddreg [dreg:$0x6];
	s3 =	simm.s32 $0x1000;
	s19 =	simm.s32 $0x7A1400  }
0x44: {  	[tilespmem:s5], [sflag:$0x1] =	stream.strided.gather [hbm4b:s2+s3], $0x8000, s19, s3, $0x38;
	[tilespmem:$0x18B00] =	vst v63  }
0x45: {  	s20 =	rddreg [dreg:$0x7]  }
0x46: {  	[tilespmem:s0], [sflag:$0x1] =	stream.strided.gather [hbm4b:s20+s3], $0x8000, s19, s3, $0x38;
	[tilespmem:$0x18B00] =	vst v63  }
0x47: {  	s21 =	rddreg [dreg:$0x1];
	s22 =	simm.s32 $0x0;
	s26 =	simm.s32 $0x3  }
0x48: {  	[tilespmem:s22], [sflag:$0x3] =	stream.linear.gather [hbm4b:s21+s22], $0x4000, $0x38;
	[tilespmem:$0x18B00] =	vst v63  }
0x49: {  	_ =	swait.ge [sflag:s26], $0x4000  }
0x4a: {  	[sflag:s26] =	ssyncset.done $0x0  }
0x4b: {  	[sflag:s26] =	ssyncadd.s32 $0xFFFFC000  }
0x4c: {  	[tilespmem:$0x18980] =	vst v13  }
0x4d: {  	[tilespmem:$0x18990] =	vst v13  }
0x4e: {  	[tilespmem:$0x189A0] =	vst v13  }
0x4f: {  	[tilespmem:$0x189B0] =	vst v13  }
0x50: {  	[tilespmem:$0x189C0] =	vst v13  }
0x51: {  	[tilespmem:$0x189D0] =	vst v13  }
0x52: {  	[tilespmem:$0x189E0] =	vst v13  }
0x53: {  	[tilespmem:$0x189F0] =	vst v13  }
0x54: {  	[tilespmem:$0x18A00] =	vst v13  }
0x55: {  	[tilespmem:$0x18A10] =	vst v13  }
0x56: {  	[tilespmem:$0x18A20] =	vst v13  }
0x57: {  	[tilespmem:$0x18A30] =	vst v13  }
0x58: {  	[tilespmem:$0x18A40] =	vst v13  }
0x59: {  	[tilespmem:$0x18A50] =	vst v13  }
0x5a: {  	[tilespmem:$0x18A60] =	vst v13  }
0x5b: {  	[tilespmem:$0x18A70] =	vst v13  }
0x5c: {  	[tilespmem:$0x18A78] =	vst v13  }
0x5d: {  	v28 =	vld [tilespmem:s22+$0x0];
	_ =	sdelay $0x4  }
0x5e: {  	vm0 =	vgt.s32 v28, $0x0  }
0x5f: {  	v28 =	vnsel vm0, $0x0, v28  }
0x60: {  	v28 =	vmin.u32 v28, $0xF423F  }
0x61: {  	v29 =	vshrl.u32 v28, $0x7  }
0x62: {  	vm15 =	vge.u32 v29, v0;
	vm1 =	vlt.u32 v29, v2  }
0x63: {  	vm0 =	vmand vm15, vm1  }
0x64: {  	v30 =	vsel vm0, $0x1, v13;
	v31 =	vmpcnt.ones.xlane vm0  }
0x65: {  	(xrf0) =	vadd.scan.msk.s32 $0xffff, v30  }
0x66: {  	(v2sf) =	vpush v31, $0x0;
	_ =	sdelay $0x1  }
0x67: {  	v30 =	vmov s22  }
0x68: {  	v30 =	vadd.s32 $0xFFFFFFFF, v30  }
0x69: {  	v30 =	vbroadcast v30, $0x0  }
0x6a: {  	v31, _, _ =	vpop (xrf0)  }
0x6b: {  	v30 =	vadd.s32 v30, v31  }
0x6c: {  	v30 =	vsel vm0, v30, v14  }
0x6d: {  	v29 =	vsub.s32 v29, v0  }
0x6e: {  	v29 =	vsel vm0, v29, v15;
	_ =	sdelay $0x1  }
0x6f: {  	v28 =	vnsel vm0, $0xFFFFFFFF, v28  }
0x70: {  	[tilespmem:v30+s9+$0x0] =	vst.idx.msk $0xffff, v28;
	v28 =	vor.u32 s22, v1  }
0x71: {  	[tilespmem:v30+s11+$0x0] =	vst.idx.msk $0xffff, v28  }
0x72: {  	s13 =	simm.s32 $0x10;
	s8 =	simm.s32 $0x0;
	[tilespmem:v29+s30+$0x0] =	vst.idx.msk $0xffff, v16  }
0x73: {  	s14 =	simm.s32 $0x10;
	s2 =	simm.s32 $0x20;
	v28 =	vld [tilespmem:s13+$0x0];
	s3 =	spop (v2sf)  }
.LBB2_2:
0x74: {  	p0 =	sne.s32 s2, $0x3FF0  }
0x75: {  	s8 =	sadd.s32 s8, s3;
	s3 =	smov.u32 s2;
	s2 =	sadd.s32 $0x10, s2  }
0x76: {  	v29 =	vmov s8  }
0x77: {  	v29 =	vadd.s32 $0xFFFFFFFF, v29;
	_ =	sdelay $0x1  }
0x78: {  	vm0 =	vgt.s32 v28, $0x0  }
0x79: {  	v28 =	vnsel vm0, $0x0, v28  }
0x7a: {  	v28 =	vmin.u32 v28, $0xF423F  }
0x7b: {  	v30 =	vshrl.u32 v28, $0x7  }
0x7c: {  	vm0 =	vge.u32 v30, v0;
	vm1 =	vlt.u32 v30, v2  }
0x7d: {  	vm0 =	vmand vm0, vm1  }
0x7e: {  	v31 =	vsel vm0, $0x1, v13;
	v28 =	vnsel vm0, $0xFFFFFFFF, v28;
	v32 =	vmpcnt.ones.xlane vm0  }
0x7f: {  	(xrf0) =	vadd.scan.msk.s32 $0xffff, v31  }
0x80: {  	(v2sf) =	vpush v32, $0x0;
	_ =	sdelay $0x3  }
0x81: {  	v29 =	vbroadcast v29, $0x0  }
0x82: {  	v31, _, _ =	vpop (xrf0)  }
0x83: {  	v29 =	vadd.s32 v29, v31  }
0x84: {  	v29 =	vsel vm0, v29, v14  }
0x85: {  	v30 =	vsub.s32 v30, v0  }
0x86: {  	v30 =	vsel vm0, v30, v15;
	_ =	sdelay $0x1  }
.Ltmp2:
0x87: {  	(pc) =	sbr.rel @p0 .LBB2_2-.Ltmp2, $4  }
0x88: {  	[tilespmem:v29+s9+$0x0] =	vst.idx.msk $0xffff, v28;
	v28 =	vor.u32 s13, v1;
	s13 =	smov.u32 s3  }
0x89: {  	[tilespmem:v29+s11+$0x0] =	vst.idx.msk $0xffff, v28  }
0x8a: {  	s14 =	sadd.s32 $0x10, s14;
	[tilespmem:v30+s30+$0x0] =	vst.idx.msk $0xffff, v16  }
0x8b: {  	v28 =	vld [tilespmem:s14+$0x0];
	s3 =	spop (v2sf)  }
0x8c: {  	_ =	sdelay $0x3  }
0x8d: {  	vm0 =	vgt.s32 v28, $0x0  }
0x8e: {  	v28 =	vnsel vm0, $0x0, v28  }
0x8f: {  	v28 =	vmin.u32 v28, $0xF423F  }
0x90: {  	v29 =	vshrl.u32 v28, $0x7  }
0x91: {  	vm15 =	vge.u32 v29, v0;
	vm1 =	vlt.u32 v29, v2  }
0x92: {  	vm0 =	vmand vm15, vm1  }
0x93: {  	v30 =	vmpcnt.ones.xlane vm0;
	_ =	sdelay $0x1  }
0x94: {  	(v2sf) =	vpush v30, $0x0;
	_ =	sdelay $0x4  }
0x95: {  	v61 =	vsel vm0, $0x1, v13  }
0x96: {  	(xrf0) =	vadd.scan.msk.s32 $0xffff, v61;
	_ =	sdelay $0x1  }
0x97: {  	s2 =	sadd.s32 s8, s3  }
0x98: {  	v62 =	vmov s2  }
0x99: {  	v30 =	vadd.s32 $0xFFFFFFFF, v62  }
0x9a: {  	v30 =	vbroadcast v30, $0x0  }
0x9b: {  	v31, _, _ =	vpop (xrf0)  }
0x9c: {  	v30 =	vadd.s32 v30, v31  }
0x9d: {  	v30 =	vsel vm0, v30, v14  }
0x9e: {  	v29 =	vsub.s32 v29, v0;
	s19 =	spop (v2sf)  }
0x9f: {  	v29 =	vsel vm0, v29, v15;
	s2 =	sadd.s32 s2, s19  }
0xa0: {  	v63 =	vadd.s32 s2, v1  }
0xa1: {  	v28 =	vnsel vm0, $0xFFFFFFFF, v28  }
0xa2: {  	[tilespmem:v30+s9+$0x0] =	vst.idx.msk $0xffff, v28;
	v28 =	vor.u32 s13, v1  }
0xa3: {  	[tilespmem:v30+s11+$0x0] =	vst.idx.msk $0xffff, v28  }
0xa4: {  	[tilespmem:v29+s30+$0x0] =	vst.idx.msk $0xffff, v16;
	s19 =	simm.s32 $0x4000  }
0xa5: {  	s18 =	simm.s32 $0x4400;
	s2 =	sadd.s32 $0xF, s2;
	[tilespmem:v63+s19+$0x0] =	vst.idx.msk $0xffff, v19  }
0xa6: {  	s20 =	sand.u32 $0xF, s2;
	[tilespmem:v63+s18+$0x0] =	vst.idx.msk $0xffff, v3  }
0xa7: {  	s21 =	sshra.s32 s2, $0x1F;
	p0 =	slt.s32 s2, $0x1;
	p1 =	sne.s32 s20, $0x0;
	[tilespmem:$0x18800] =	vst v4  }
0xa8: {  	s22 =	sshrl.u32 s21, $0x1C;
	p0 =	por !p0, !p1;
	[tilespmem:$0x18810] =	vst v4  }
0xa9: {  	s3 =	simm.s32 $0x1;
	s2 =	sadd.s32 s22, s2;
	p0 =	por !p0, !p0;
	[tilespmem:$0x18820] =	vst v4  }
0xaa: {  	s2 =	sshra.s32 s2, $0x4;
	s3 =	simm.s32 @!p0 $0x0;
	[tilespmem:$0x18830] =	vst v4  }
0xab: {  	s13 =	ssub.s32 s2, s3;
	[tilespmem:$0x18840] =	vst v4  }
0xac: {  	[tilespmem:$0x18850] =	vst v4;
	p0 =	slt.s32 s13, $0x1  }
.Ltmp3:
0xad: {  	[tilespmem:$0x18860] =	vst v4;
	(pc) =	sbr.rel @p0 .LBB2_13-.Ltmp3, $4  }
0xae: {  	s26 =	simm.s32 $0x1;
	[tilespmem:$0x18870] =	vst v4  }
0xaf: {  	_ =	swait.ge [sflag:s26], $0x8000  }
0xb0: {  	[sflag:s26] =	ssyncset.done $0x0  }
0xb1: {  	s16 =	simm.s32 $0x0;
	s14 =	simm.s32 $0x0;
	[sflag:s26] =	ssyncadd.s32 $0xFFFF8000  }
0xb2: {  	p2 =	sne.s32 s13, $0x1  }
.Ltmp4:
0xb3: {  	_ = 	snop;
	(pc) =	sbr.rel @!p2 .LBB2_5-.Ltmp4, $2  }
0xb4: {  	_ =	sdelay $0x2  }
0xb5: {  	s2 =	sadd.s32 $0xFFFFFFFF, s13;
	p1 =	por $0x0, $0x0  }
0xb6: {  	v28 =	vld [tilespmem:s19+$0x0];
	_ =	sdelay $0x4  }
0xb7: {  	v29 =	vshrl.u32 v28, $0x7  }
0xb8: {  	vm0 =	vge.u32 v29, v0;
	vm1 =	vlt.u32 v29, v5  }
0xb9: {  	vm0 =	vmand vm0, vm1  }
0xba: {  	v29 =	vmpcnt.ones.xlane vm0;
	v30 =	vsel vm0, $0x1, v13  }
0xbb: {  	(xrf0) =	vadd.scan.msk.s32 $0xffff, v30  }
0xbc: {  	(v2sf) =	vpush v29, $0x0;
	_ =	sdelay $0x1  }
0xbd: {  	v29 =	vmov s16  }
0xbe: {  	v29 =	vadd.s32 $0xFFFFFFFF, v29  }
0xbf: {  	v29 =	vbroadcast v29, $0x0  }
0xc0: {  	v30, _, _ =	vpop (xrf0)  }
0xc1: {  	v29 =	vadd.s32 v29, v30  }
0xc2: {  	vm15 =	vlt.s32 v29, $0x4F  }
0xc3: {  	v29 =	vnsel vm15, $0x4F, v29  }
0xc4: {  	v29 =	vsel vm0, v29, v17  }
0xc5: {  	v63 =	vld [tilespmem:s18+$0x0];
	p2 =	sne.s32 s2, $0x1  }
.Ltmp5:
0xc6: {  	_ = 	snop;
	(pc) =	sbr.rel @!p2 .LBB2_7-.Ltmp5, $3  }
0xc7: {  	_ =	sdelay $0x1  }
0xc8: {  	s2 =	sadd.s32 $0xFFFFFFFF, s2;
	s19 =	sadd.s32 $0x10, s19;
	p1 =	por $0x1, $0x1;
	[tilespmem:v29+s25+$0x0] =	vst.idx.msk $0xffff, v28  }
0xc9: {  	s8 =	simm.s32 $0x0;
	s14 =	simm.s32 $0x4400;
	s3 =	spop (v2sf);
	[tilespmem:v29+s4+$0x0] =	vst.idx.msk $0xffff, v63  }
.LBB2_8:
0xca: {  	p2 =	sne.s32 s2, $0x1;
	v28 =	vld [tilespmem:s19+$0x0];
	s8 =	sadd.s32 s8, s3;
	s14 =	sadd.s32 $0x10, s14  }
0xcb: {  	s2 =	sadd.s32 $0xFFFFFFFF, s2;
	v29 =	vmov s8  }
0xcc: {  	v29 =	vadd.s32 $0xFFFFFFFF, v29;
	_ =	sdelay $0x2  }
0xcd: {  	v30 =	vshrl.u32 v28, $0x7  }
0xce: {  	vm0 =	vge.u32 v30, v0;
	vm1 =	vlt.u32 v30, v5  }
0xcf: {  	vm0 =	vmand vm0, vm1  }
0xd0: {  	v30 =	vsel vm0, $0x1, v13;
	v31 =	vmpcnt.ones.xlane vm0  }
0xd1: {  	(xrf0) =	vadd.scan.msk.s32 $0xffff, v30  }
0xd2: {  	(v2sf) =	vpush v31, $0x0;
	_ =	sdelay $0x3  }
0xd3: {  	v29 =	vbroadcast v29, $0x0  }
0xd4: {  	v30, _, _ =	vpop (xrf0)  }
0xd5: {  	v29 =	vadd.s32 v29, v30  }
0xd6: {  	vm1 =	vlt.s32 v29, $0x4F  }
0xd7: {  	v29 =	vnsel vm1, $0x4F, v29  }
0xd8: {  	v29 =	vsel vm0, v29, v17  }
0xd9: {  	v30 =	vld [tilespmem:s14+$0x0]  }
.Ltmp6:
0xda: {  	(pc) =	sbr.rel @p2 .LBB2_8-.Ltmp6, $3  }
0xdb: {  	_ =	sdelay $0x1  }
0xdc: {  	[tilespmem:v29+s25+$0x0] =	vst.idx.msk $0xffff, v28  }
0xdd: {  	s19 =	sadd.s32 $0x10, s19;
	[tilespmem:v29+s4+$0x0] =	vst.idx.msk $0xffff, v30;
	s3 =	spop (v2sf)  }
.LBB2_9:
0xde: {  	v28 =	vld [tilespmem:s19+$0x0];
	_ =	sdelay $0x4  }
0xdf: {  	v29 =	vshrl.u32 v28, $0x7  }
0xe0: {  	vm0 =	vge.u32 v29, v0;
	vm1 =	vlt.u32 v29, v5  }
0xe1: {  	vm0 =	vmand vm0, vm1  }
0xe2: {  	v29 =	vmpcnt.ones.xlane vm0;
	_ =	sdelay $0x1  }
0xe3: {  	(v2sf) =	vpush v29, $0x0;
	_ =	sdelay $0x4  }
0xe4: {  	v29 =	vsel vm0, $0x1, v13  }
0xe5: {  	(xrf0) =	vadd.scan.msk.s32 $0xffff, v29  }
0xe6: {  	s2 =	sadd.s32 @p1 s8, s3;
	s3 =	simm.s32 $0x0  }
0xe7: {  	s3 =	smov.u32 @p1 s2  }
0xe8: {  	v29 =	vmov s3  }
0xe9: {  	v29 =	vadd.s32 $0xFFFFFFFF, v29  }
0xea: {  	v29 =	vbroadcast v29, $0x0  }
0xeb: {  	v30, _, _ =	vpop (xrf0)  }
0xec: {  	v29 =	vadd.s32 v29, v30  }
0xed: {  	s2 =	sadd.s32 @p1 $0x10, s14;
	vm15 =	vlt.s32 v29, $0x4F  }
0xee: {  	s18 =	smov.u32 @p1 s2;
	v29 =	vnsel vm15, $0x4F, v29;
	s26 =	spop (v2sf)  }
0xef: {  	v63 =	vld [tilespmem:s18+$0x0];
	v29 =	vsel vm0, v29, v17;
	s18 =	sadd.s32 s3, s26  }
0xf0: {  	p1 =	slt.s32 s18, $0x1  }
.Ltmp7:
0xf1: {  	_ = 	snop;
	(pc) =	sbr.rel @p1 .LBB2_13-.Ltmp7, $3  }
0xf2: {  	_ =	sdelay $0x1  }
0xf3: {  	[tilespmem:v29+s25+$0x0] =	vst.idx.msk $0xffff, v28  }
0xf4: {  	s14 =	simm.s32 $0x0;
	[tilespmem:v29+s4+$0x0] =	vst.idx.msk $0xffff, v63  }
0xf5: {  	v28 =	vmov s14;
	_ =	sdelay $0x4  }
0xf6: {  	v29 =	vld.idx.msk [tilespmem:v28+s25+$0x0], $0xffff;
	_ =	sdelay $0x4  }
0xf7: {  	(v2sf) =	vpush v29, $0x0;
	_ =	sdelay $0xe  }
0xf8: {  	s2 =	spop (v2sf)  }
0xf9: {  	s2 =	ssub.s32 s2, s7  }
0xfa: {  	v29 =	vmov s2  }
0xfb: {  	v30 =	vshll.u32 v29, $0x3  }
0xfc: {  	v29 =	vand.u32 $0x7F, v29;
	v30 =	vand.u32 $0xFFFFFC00, v30  }
0xfd: {  	v30 =	vor.u32 v29, v30  }
0xfe: {  	v29 =	vadd.s32 v18, v30;
	_ =	sdelay $0x3  }
0xff: {  	v31 =	vshll.u32 v28, $0x7  }
0x100: {  	v33 =	vor.u32 v1, v31;
	v32 =	vld.idx.msk [tilespmem:v29+s5+$0x0], $0xffff  }
0x101: {  	v34 =	vadd.s32 v20, v30;
	_ =	sdelay $0x3  }
0x102: {  	v29 =	vld.idx.msk [tilespmem:v28+s4+$0x0], $0xffff;
	[tilespmem:v33+s6+$0x0] =	vst.idx.msk $0xffff, v32  }
0x103: {  	v61 =	vor.u32 v21, v31;
	v32 =	vld.idx.msk [tilespmem:v34+s5+$0x0], $0xffff  }
0x104: {  	v62 =	vadd.s32 v22, v30;
	_ =	sdelay $0x3  }
0x105: {  	p1 =	slt.s32 s18, $0x40;
	[tilespmem:v61+s6+$0x0] =	vst.idx.msk $0xffff, v32  }
0x106: {  	s18 =	simm.s32 @!p1 $0x40;
	v63 =	vor.u32 v23, v31;
	v32 =	vld.idx.msk [tilespmem:v62+s5+$0x0], $0xffff  }
0x107: {  	p2 =	sne.s32 s18, $0x1;
	v30 =	vadd.s32 v24, v30  }
.Ltmp8:
0x108: {  	_ = 	snop;
	(pc) =	sbr.rel @!p2 .LBB2_12-.Ltmp8, $3  }
0x109: {  	_ =	sdelay $0x1  }
0x10a: {  	[tilespmem:v63+s6+$0x0] =	vst.idx.msk $0xffff, v32  }
0x10b: {  	s14 =	simm.s32 $0x1;
	v31 =	vor.u32 v25, v31;
	v30 =	vld.idx.msk [tilespmem:v30+s5+$0x0], $0xffff  }
.LBB2_11:
0x10c: {  	_ = 	snop  }
0x10d: {  	v32 =	vmov s14  }
0x10e: {  	s14 =	sadd.s32 $0x1, s14  }
0x10f: {  	v29 =	vbroadcast v29, $0x0;
	p2 =	sne.s32 s18, s14  }
0x110: {  	[tilespmem:v31+s6+$0x0] =	vst.idx.msk $0xffff, v30  }
0x111: {  	[tilespmem:v28+s31+$0x0] =	vst.idx.msk $0xffff, v29;
	v28 =	vmov v32  }
0x112: {  	v30 =	vld.idx.msk [tilespmem:v32+s25+$0x0], $0xffff  }
0x113: {  	v29 =	vld.idx.msk [tilespmem:v32+s4+$0x0], $0xffff;
	_ =	sdelay $0x4  }
0x114: {  	(v2sf) =	vpush v30, $0x0;
	_ =	sdelay $0xe  }
0x115: {  	s2 =	spop (v2sf)  }
0x116: {  	s2 =	ssub.s32 s2, s7  }
0x117: {  	v30 =	vmov s2  }
0x118: {  	v31 =	vshll.u32 v30, $0x3  }
0x119: {  	v30 =	vand.u32 $0x7F, v30;
	v31 =	vand.u32 $0xFFFFFC00, v31  }
0x11a: {  	v30 =	vor.u32 v30, v31  }
0x11b: {  	v31 =	vadd.s32 v18, v30;
	_ =	sdelay $0x4  }
0x11c: {  	v32 =	vshll.u32 v28, $0x7;
	v31 =	vld.idx.msk [tilespmem:v31+s5+$0x0], $0xffff  }
0x11d: {  	v33 =	vor.u32 v1, v32  }
0x11e: {  	v34 =	vadd.s32 v20, v30;
	_ =	sdelay $0x3  }
0x11f: {  	[tilespmem:v33+s6+$0x0] =	vst.idx.msk $0xffff, v31  }
0x120: {  	v31 =	vld.idx.msk [tilespmem:v34+s5+$0x0], $0xffff  }
0x121: {  	v33 =	vor.u32 v21, v32  }
0x122: {  	v34 =	vadd.s32 v22, v30;
	_ =	sdelay $0x3  }
0x123: {  	[tilespmem:v33+s6+$0x0] =	vst.idx.msk $0xffff, v31  }
0x124: {  	v31 =	vld.idx.msk [tilespmem:v34+s5+$0x0], $0xffff  }
0x125: {  	v33 =	vor.u32 v23, v32  }
0x126: {  	v30 =	vadd.s32 v24, v30;
	_ =	sdelay $0x1  }
.Ltmp9:
0x127: {  	(pc) =	sbr.rel @p2 .LBB2_11-.Ltmp9, $4  }
0x128: {  	_ = 	snop  }
0x129: {  	[tilespmem:v33+s6+$0x0] =	vst.idx.msk $0xffff, v31  }
0x12a: {  	v30 =	vld.idx.msk [tilespmem:v30+s5+$0x0], $0xffff  }
0x12b: {  	v31 =	vor.u32 v25, v32  }
.LBB2_12:
0x12c: {  	_ =	sdelay $0x2  }
0x12d: {  	v29 =	vbroadcast v29, $0x0  }
0x12e: {  	s2 =	simm.s32 @!p1 $0x80;
	[tilespmem:v31+s6+$0x0] =	vst.idx.msk $0xffff, v30  }
0x12f: {  	s3 =	simm.s32 @!p1 $0x18800;
	s8 =	simm.s32 @!p1 $0x14800;
	s14 =	rddreg [dreg:$0x5];
	[tilespmem:v28+s31+$0x0] =	vst.idx.msk $0xffff, v29  }
0x130: {  	[hbm4b:s14+s2] =	stream.indirect.scatter @!p1 [tilespmem:s8], [sflag:$0x2], $0x80, s3, s2, $0xb8;
	[tilespmem:$0x18B00] =	vst v63  }
0x131: {  	s2 =	simm.s32 @!p1 $0x2  }
0x132: {  	_ =	swait.ge @!p1 [sflag:s2], $0x4000  }
0x133: {  	[sflag:s2] =	ssyncset.done @!p1 $0x0  }
0x134: {  	[sflag:s2] =	ssyncadd.s32 @!p1 $0xFFFFC000  }
0x135: {  	[tilespmem:$0x18800] =	vst @!p1 v4  }
0x136: {  	[tilespmem:$0x18810] =	vst @!p1 v4  }
0x137: {  	[tilespmem:$0x18820] =	vst @!p1 v4  }
0x138: {  	[tilespmem:$0x18830] =	vst @!p1 v4  }
0x139: {  	[tilespmem:$0x18840] =	vst @!p1 v4  }
0x13a: {  	[tilespmem:$0x18850] =	vst @!p1 v4  }
0x13b: {  	s18 =	simm.s32 @!p1 $0x0;
	[tilespmem:$0x18860] =	vst @!p1 v4  }
0x13c: {  	s14 =	smov.u32 s18;
	[tilespmem:$0x18870] =	vst @!p1 v4  }
.LBB2_13:
0x13d: {  	_ =	sdelay $0x3  }
0x13e: {  	v28 =	vld.idx.msk [tilespmem:v26+s30+$0x0], $0xffff;
	_ =	sdelay $0x4  }
0x13f: {  	(v2sf) =	vpush v28, $0x0;
	_ =	sdelay $0xe  }
0x140: {  	s2 =	spop (v2sf)  }
0x141: {  	(v2sf) =	vpush v28, $0x1;
	p1 =	seq.s32 s2, $0x0  }
0x142: {  	s18 =	rddreg [dreg:$0x8];
	s2 =	simm.s32 @!p1 $0x0;
	s3 =	simm.s32 @!p1 $0x4800  }
0x143: {  	[tilespmem:s3], [sflag:$0x1] =	stream.linear.gather @!p1 [hbm4b:s18+s2], $0x400, $0x38;
	[tilespmem:$0x18B00] =	vst v63  }
0x144: {  	s8 =	simm.s32 @!p1 $0x5800;
	s3 =	sadd.s32 @!p1 $0xF4280, s18  }
0x145: {  	[tilespmem:s8], [sflag:$0x1] =	stream.linear.gather @!p1 [hbm4b:s3+s2], $0x400, $0x38;
	[tilespmem:$0x18B00] =	vst v63  }
0x146: {  	s3 =	sadd.s32 @!p1 $0x1E8500, s18;
	s8 =	simm.s32 @!p1 $0x6800  }
0x147: {  	[tilespmem:s8], [sflag:$0x1] =	stream.linear.gather @!p1 [hbm4b:s3+s2], $0x400, $0x38;
	[tilespmem:$0x18B00] =	vst v63  }
0x148: {  	s3 =	sadd.s32 @!p1 $0x2DC780, s18;
	s8 =	simm.s32 @!p1 $0x7800  }
0x149: {  	[tilespmem:s8], [sflag:$0x1] =	stream.linear.gather @!p1 [hbm4b:s3+s2], $0x400, $0x38;
	[tilespmem:$0x18B00] =	vst v63  }
0x14a: {  	s3 =	sadd.s32 @!p1 $0x3D0A00, s18;
	s8 =	simm.s32 @!p1 $0x8800  }
0x14b: {  	[tilespmem:s8], [sflag:$0x1] =	stream.linear.gather @!p1 [hbm4b:s3+s2], $0x400, $0x38;
	[tilespmem:$0x18B00] =	vst v63  }
0x14c: {  	s3 =	sadd.s32 @!p1 $0x4C4C80, s18;
	s8 =	simm.s32 @!p1 $0x9800  }
0x14d: {  	[tilespmem:s8], [sflag:$0x1] =	stream.linear.gather @!p1 [hbm4b:s3+s2], $0x400, $0x38;
	[tilespmem:$0x18B00] =	vst v63  }
0x14e: {  	s3 =	sadd.s32 @!p1 $0x5B8F00, s18;
	s8 =	simm.s32 @!p1 $0xA800  }
0x14f: {  	[tilespmem:s8], [sflag:$0x1] =	stream.linear.gather @!p1 [hbm4b:s3+s2], $0x400, $0x38;
	[tilespmem:$0x18B00] =	vst v63  }
0x150: {  	s3 =	sadd.s32 @!p1 $0x6AD180, s18;
	s8 =	simm.s32 @!p1 $0xB800;
	s20 =	spop (v2sf)  }
0x151: {  	[tilespmem:s8], [sflag:$0x1] =	stream.linear.gather @!p1 [hbm4b:s3+s2], $0x400, $0x38;
	[tilespmem:$0x18B00] =	vst v63  }
0x152: {  	(v2sf) =	vpush v28, $0x2;
	p1 =	seq.s32 s20, $0x0  }
0x153: {  	s18 =	rddreg [dreg:$0x9];
	s2 =	simm.s32 @!p1 $0x0;
	s3 =	simm.s32 @!p1 $0x4C00  }
0x154: {  	[tilespmem:s3], [sflag:$0x1] =	stream.linear.gather @!p1 [hbm4b:s18+s2], $0x400, $0x38;
	[tilespmem:$0x18B00] =	vst v63  }
0x155: {  	s8 =	simm.s32 @!p1 $0x5C00;
	s3 =	sadd.s32 @!p1 $0xF4280, s18  }
0x156: {  	[tilespmem:s8], [sflag:$0x1] =	stream.linear.gather @!p1 [hbm4b:s3+s2], $0x400, $0x38;
	[tilespmem:$0x18B00] =	vst v63  }
0x157: {  	s3 =	sadd.s32 @!p1 $0x1E8500, s18;
	s8 =	simm.s32 @!p1 $0x6C00  }
0x158: {  	[tilespmem:s8], [sflag:$0x1] =	stream.linear.gather @!p1 [hbm4b:s3+s2], $0x400, $0x38;
	[tilespmem:$0x18B00] =	vst v63  }
0x159: {  	s3 =	sadd.s32 @!p1 $0x2DC780, s18;
	s8 =	simm.s32 @!p1 $0x7C00  }
0x15a: {  	[tilespmem:s8], [sflag:$0x1] =	stream.linear.gather @!p1 [hbm4b:s3+s2], $0x400, $0x38;
	[tilespmem:$0x18B00] =	vst v63  }
0x15b: {  	s3 =	sadd.s32 @!p1 $0x3D0A00, s18;
	s8 =	simm.s32 @!p1 $0x8C00  }
0x15c: {  	[tilespmem:s8], [sflag:$0x1] =	stream.linear.gather @!p1 [hbm4b:s3+s2], $0x400, $0x38;
	[tilespmem:$0x18B00] =	vst v63  }
0x15d: {  	s3 =	sadd.s32 @!p1 $0x4C4C80, s18;
	s8 =	simm.s32 @!p1 $0x9C00  }
0x15e: {  	[tilespmem:s8], [sflag:$0x1] =	stream.linear.gather @!p1 [hbm4b:s3+s2], $0x400, $0x38;
	[tilespmem:$0x18B00] =	vst v63  }
0x15f: {  	s3 =	sadd.s32 @!p1 $0x5B8F00, s18;
	s8 =	simm.s32 @!p1 $0xAC00  }
0x160: {  	[tilespmem:s8], [sflag:$0x1] =	stream.linear.gather @!p1 [hbm4b:s3+s2], $0x400, $0x38;
	[tilespmem:$0x18B00] =	vst v63  }
0x161: {  	s21 =	spop (v2sf);
	s3 =	sadd.s32 @!p1 $0x6AD180, s18;
	s8 =	simm.s32 @!p1 $0xBC00  }
0x162: {  	[tilespmem:s8], [sflag:$0x1] =	stream.linear.gather @!p1 [hbm4b:s3+s2], $0x400, $0x38;
	[tilespmem:$0x18B00] =	vst v63  }
0x163: {  	(v2sf) =	vpush v28, $0x3;
	p1 =	seq.s32 s21, $0x0  }
0x164: {  	s18 =	rddreg [dreg:$0xa];
	s2 =	simm.s32 @!p1 $0x0;
	s3 =	simm.s32 @!p1 $0x5000  }
0x165: {  	[tilespmem:s3], [sflag:$0x1] =	stream.linear.gather @!p1 [hbm4b:s18+s2], $0x400, $0x38;
	[tilespmem:$0x18B00] =	vst v63  }
0x166: {  	s8 =	simm.s32 @!p1 $0x6000;
	s3 =	sadd.s32 @!p1 $0xF4280, s18  }
0x167: {  	[tilespmem:s8], [sflag:$0x1] =	stream.linear.gather @!p1 [hbm4b:s3+s2], $0x400, $0x38;
	[tilespmem:$0x18B00] =	vst v63  }
0x168: {  	s3 =	sadd.s32 @!p1 $0x1E8500, s18;
	s8 =	simm.s32 @!p1 $0x7000  }
0x169: {  	[tilespmem:s8], [sflag:$0x1] =	stream.linear.gather @!p1 [hbm4b:s3+s2], $0x400, $0x38;
	[tilespmem:$0x18B00] =	vst v63  }
0x16a: {  	s3 =	sadd.s32 @!p1 $0x2DC780, s18;
	s8 =	simm.s32 @!p1 $0x8000  }
0x16b: {  	[tilespmem:s8], [sflag:$0x1] =	stream.linear.gather @!p1 [hbm4b:s3+s2], $0x400, $0x38;
	[tilespmem:$0x18B00] =	vst v63  }
0x16c: {  	s3 =	sadd.s32 @!p1 $0x3D0A00, s18;
	s8 =	simm.s32 @!p1 $0x9000  }
0x16d: {  	[tilespmem:s8], [sflag:$0x1] =	stream.linear.gather @!p1 [hbm4b:s3+s2], $0x400, $0x38;
	[tilespmem:$0x18B00] =	vst v63  }
0x16e: {  	s3 =	sadd.s32 @!p1 $0x4C4C80, s18;
	s8 =	simm.s32 @!p1 $0xA000  }
0x16f: {  	[tilespmem:s8], [sflag:$0x1] =	stream.linear.gather @!p1 [hbm4b:s3+s2], $0x400, $0x38;
	[tilespmem:$0x18B00] =	vst v63  }
0x170: {  	s3 =	sadd.s32 @!p1 $0x5B8F00, s18;
	s8 =	simm.s32 @!p1 $0xB000  }
0x171: {  	[tilespmem:s8], [sflag:$0x1] =	stream.linear.gather @!p1 [hbm4b:s3+s2], $0x400, $0x38;
	[tilespmem:$0x18B00] =	vst v63  }
0x172: {  	s22 =	spop (v2sf);
	s3 =	sadd.s32 @!p1 $0x6AD180, s18;
	s8 =	simm.s32 @!p1 $0xC000  }
0x173: {  	[tilespmem:s8], [sflag:$0x1] =	stream.linear.gather @!p1 [hbm4b:s3+s2], $0x400, $0x38;
	[tilespmem:$0x18B00] =	vst v63  }
0x174: {  	p1 =	seq.s32 s22, $0x0  }
0x175: {  	s18 =	rddreg [dreg:$0xb];
	s2 =	simm.s32 @!p1 $0x0;
	s3 =	simm.s32 @!p1 $0x5400  }
0x176: {  	[tilespmem:s3], [sflag:$0x1] =	stream.linear.gather @!p1 [hbm4b:s18+s2], $0x400, $0x38;
	[tilespmem:$0x18B00] =	vst v63  }
0x177: {  	s8 =	simm.s32 @!p1 $0x6400;
	s3 =	sadd.s32 @!p1 $0xF4280, s18  }
0x178: {  	[tilespmem:s8], [sflag:$0x1] =	stream.linear.gather @!p1 [hbm4b:s3+s2], $0x400, $0x38;
	[tilespmem:$0x18B00] =	vst v63  }
0x179: {  	s3 =	sadd.s32 @!p1 $0x1E8500, s18;
	s8 =	simm.s32 @!p1 $0x7400  }
0x17a: {  	[tilespmem:s8], [sflag:$0x1] =	stream.linear.gather @!p1 [hbm4b:s3+s2], $0x400, $0x38;
	[tilespmem:$0x18B00] =	vst v63  }
0x17b: {  	s3 =	sadd.s32 @!p1 $0x2DC780, s18;
	s8 =	simm.s32 @!p1 $0x8400  }
0x17c: {  	[tilespmem:s8], [sflag:$0x1] =	stream.linear.gather @!p1 [hbm4b:s3+s2], $0x400, $0x38;
	[tilespmem:$0x18B00] =	vst v63  }
0x17d: {  	s3 =	sadd.s32 @!p1 $0x3D0A00, s18;
	s8 =	simm.s32 @!p1 $0x9400  }
0x17e: {  	[tilespmem:s8], [sflag:$0x1] =	stream.linear.gather @!p1 [hbm4b:s3+s2], $0x400, $0x38;
	[tilespmem:$0x18B00] =	vst v63  }
0x17f: {  	s3 =	sadd.s32 @!p1 $0x4C4C80, s18;
	s8 =	simm.s32 @!p1 $0xA400  }
0x180: {  	[tilespmem:s8], [sflag:$0x1] =	stream.linear.gather @!p1 [hbm4b:s3+s2], $0x400, $0x38;
	[tilespmem:$0x18B00] =	vst v63  }
0x181: {  	s26 =	simm.s32 $0x1;
	s3 =	sadd.s32 @!p1 $0x5B8F00, s18;
	s8 =	simm.s32 @!p1 $0xB400  }
0x182: {  	[tilespmem:s8], [sflag:$0x1] =	stream.linear.gather @!p1 [hbm4b:s3+s2], $0x400, $0x38;
	[tilespmem:$0x18B00] =	vst v63  }
.Ltmp10:
0x183: {  	s3 =	sadd.s32 @!p1 $0x6AD180, s18;
	s8 =	simm.s32 @!p1 $0xC400;
	(pc) =	sbr.rel @p0 .LBB2_23-.Ltmp10, $4  }
0x184: {  	[tilespmem:s8], [sflag:$0x1] =	stream.linear.gather @!p1 [hbm4b:s3+s2], $0x400, $0x38;
	[tilespmem:$0x18B00] =	vst v63  }
0x185: {  	_ =	swait.ge [sflag:s26], $0x8000  }
0x186: {  	[sflag:s26] =	ssyncset.done $0x0  }
0x187: {  	[sflag:s26] =	ssyncadd.s32 $0xFFFF8000  }
0x188: {  	p2 =	sne.s32 s13, $0x1  }
.Ltmp11:
0x189: {  	_ = 	snop;
	(pc) =	sbr.rel @!p2 .LBB2_15-.Ltmp11, $3  }
0x18a: {  	_ =	sdelay $0x1  }
0x18b: {  	s19 =	simm.s32 $0x4000  }
0x18c: {  	s18 =	simm.s32 $0x4400;
	s2 =	sadd.s32 $0xFFFFFFFF, s13;
	p1 =	por $0x0, $0x0  }
0x18d: {  	v28 =	vld [tilespmem:s19+$0x0];
	_ =	sdelay $0x4  }
0x18e: {  	v29 =	vshrl.u32 v28, $0x7  }
0x18f: {  	vm0 =	vge.u32 v29, v5;
	vm1 =	vlt.u32 v29, v6  }
0x190: {  	vm0 =	vmand vm0, vm1  }
0x191: {  	v29 =	vmpcnt.ones.xlane vm0;
	v30 =	vsel vm0, $0x1, v13  }
0x192: {  	(xrf0) =	vadd.scan.msk.s32 $0xffff, v30  }
0x193: {  	(v2sf) =	vpush v29, $0x0;
	_ =	sdelay $0x1  }
0x194: {  	v29 =	vmov s16  }
0x195: {  	v29 =	vadd.s32 $0xFFFFFFFF, v29  }
0x196: {  	v29 =	vbroadcast v29, $0x0  }
0x197: {  	v30, _, _ =	vpop (xrf0)  }
0x198: {  	v29 =	vadd.s32 v29, v30  }
0x199: {  	vm15 =	vlt.s32 v29, $0x4F  }
0x19a: {  	v29 =	vnsel vm15, $0x4F, v29  }
0x19b: {  	v29 =	vsel vm0, v29, v17  }
0x19c: {  	v63 =	vld [tilespmem:s18+$0x0];
	p2 =	sne.s32 s2, $0x1  }
.Ltmp12:
0x19d: {  	_ = 	snop;
	(pc) =	sbr.rel @!p2 .LBB2_17-.Ltmp12, $3  }
0x19e: {  	_ =	sdelay $0x1  }
0x19f: {  	s2 =	sadd.s32 $0xFFFFFFFF, s2;
	s19 =	simm.s32 $0x4010;
	p1 =	por $0x1, $0x1;
	[tilespmem:v29+s25+$0x0] =	vst.idx.msk $0xffff, v28  }
0x1a0: {  	s8 =	simm.s32 $0x0;
	s20 =	simm.s32 $0x4400;
	s3 =	spop (v2sf);
	[tilespmem:v29+s4+$0x0] =	vst.idx.msk $0xffff, v63  }
.LBB2_18:
0x1a1: {  	p2 =	sne.s32 s2, $0x1;
	v28 =	vld [tilespmem:s19+$0x0];
	s8 =	sadd.s32 s8, s3;
	s20 =	sadd.s32 $0x10, s20  }
0x1a2: {  	s2 =	sadd.s32 $0xFFFFFFFF, s2;
	v29 =	vmov s8  }
0x1a3: {  	v29 =	vadd.s32 $0xFFFFFFFF, v29;
	_ =	sdelay $0x2  }
0x1a4: {  	v30 =	vshrl.u32 v28, $0x7  }
0x1a5: {  	vm0 =	vge.u32 v30, v5;
	vm1 =	vlt.u32 v30, v6  }
0x1a6: {  	vm0 =	vmand vm0, vm1  }
0x1a7: {  	v30 =	vsel vm0, $0x1, v13;
	v31 =	vmpcnt.ones.xlane vm0  }
0x1a8: {  	(xrf0) =	vadd.scan.msk.s32 $0xffff, v30  }
0x1a9: {  	(v2sf) =	vpush v31, $0x0;
	_ =	sdelay $0x3  }
0x1aa: {  	v29 =	vbroadcast v29, $0x0  }
0x1ab: {  	v30, _, _ =	vpop (xrf0)  }
0x1ac: {  	v29 =	vadd.s32 v29, v30  }
0x1ad: {  	vm1 =	vlt.s32 v29, $0x4F  }
0x1ae: {  	v29 =	vnsel vm1, $0x4F, v29  }
0x1af: {  	v29 =	vsel vm0, v29, v17  }
0x1b0: {  	v30 =	vld [tilespmem:s20+$0x0]  }
.Ltmp13:
0x1b1: {  	(pc) =	sbr.rel @p2 .LBB2_18-.Ltmp13, $3  }
0x1b2: {  	_ =	sdelay $0x1  }
0x1b3: {  	[tilespmem:v29+s25+$0x0] =	vst.idx.msk $0xffff, v28  }
0x1b4: {  	s19 =	sadd.s32 $0x10, s19;
	[tilespmem:v29+s4+$0x0] =	vst.idx.msk $0xffff, v30;
	s3 =	spop (v2sf)  }
.LBB2_19:
0x1b5: {  	v28 =	vld [tilespmem:s19+$0x0];
	_ =	sdelay $0x4  }
0x1b6: {  	v29 =	vshrl.u32 v28, $0x7  }
0x1b7: {  	vm0 =	vge.u32 v29, v5;
	vm1 =	vlt.u32 v29, v6  }
0x1b8: {  	vm0 =	vmand vm0, vm1  }
0x1b9: {  	v29 =	vmpcnt.ones.xlane vm0;
	_ =	sdelay $0x1  }
0x1ba: {  	(v2sf) =	vpush v29, $0x0;
	_ =	sdelay $0x4  }
0x1bb: {  	v29 =	vsel vm0, $0x1, v13  }
0x1bc: {  	(xrf0) =	vadd.scan.msk.s32 $0xffff, v29  }
0x1bd: {  	s2 =	sadd.s32 @p1 s8, s3  }
0x1be: {  	s16 =	smov.u32 @p1 s2  }
0x1bf: {  	v29 =	vmov s16  }
0x1c0: {  	v29 =	vadd.s32 $0xFFFFFFFF, v29  }
0x1c1: {  	v29 =	vbroadcast v29, $0x0  }
0x1c2: {  	v30, _, _ =	vpop (xrf0)  }
0x1c3: {  	v29 =	vadd.s32 v29, v30  }
0x1c4: {  	vm15 =	vlt.s32 v29, $0x4F  }
0x1c5: {  	s2 =	sadd.s32 @p1 $0x10, s20;
	v29 =	vnsel vm15, $0x4F, v29;
	s26 =	spop (v2sf)  }
0x1c6: {  	s18 =	smov.u32 @p1 s2;
	v29 =	vsel vm0, v29, v17;
	s16 =	sadd.s32 s16, s26  }
0x1c7: {  	v63 =	vld [tilespmem:s18+$0x0];
	p1 =	slt.s32 s16, $0x1  }
.Ltmp14:
0x1c8: {  	_ = 	snop;
	(pc) =	sbr.rel @p1 .LBB2_23-.Ltmp14, $3  }
0x1c9: {  	_ =	sdelay $0x1  }
0x1ca: {  	[tilespmem:v29+s25+$0x0] =	vst.idx.msk $0xffff, v28  }
0x1cb: {  	[tilespmem:v29+s4+$0x0] =	vst.idx.msk $0xffff, v63  }
0x1cc: {  	s2 =	simm.s32 $0x0  }
0x1cd: {  	v28 =	vmov s2;
	_ =	sdelay $0x4  }
0x1ce: {  	v29 =	vld.idx.msk [tilespmem:v28+s25+$0x0], $0xffff;
	_ =	sdelay $0x4  }
0x1cf: {  	(v2sf) =	vpush v29, $0x0;
	_ =	sdelay $0xe  }
0x1d0: {  	s22 =	spop (v2sf)  }
0x1d1: {  	s2 =	ssub.s32 s22, s10  }
0x1d2: {  	v29 =	vmov s2  }
0x1d3: {  	v30 =	vshll.u32 v29, $0x3  }
0x1d4: {  	v29 =	vand.u32 $0x7F, v29;
	v30 =	vand.u32 $0xFFFFFC00, v30  }
0x1d5: {  	v30 =	vor.u32 v29, v30  }
0x1d6: {  	v31 =	vadd.s32 v18, v30;
	_ =	sdelay $0x1  }
0x1d7: {  	s26 =	sadd.s32 $0x0, s14  }
0x1d8: {  	v29 =	vmov s26  }
0x1d9: {  	v32 =	vshll.u32 v29, $0x7  }
0x1da: {  	v33 =	vor.u32 v1, v32;
	v31 =	vld.idx.msk [tilespmem:v31+s0+$0x0], $0xffff  }
0x1db: {  	v34 =	vadd.s32 v20, v30;
	_ =	sdelay $0x3  }
0x1dc: {  	v28 =	vld.idx.msk [tilespmem:v28+s4+$0x0], $0xffff;
	[tilespmem:v33+s6+$0x0] =	vst.idx.msk $0xffff, v31  }
0x1dd: {  	v61 =	vor.u32 v21, v32;
	v31 =	vld.idx.msk [tilespmem:v34+s0+$0x0], $0xffff  }
0x1de: {  	v62 =	vadd.s32 v22, v30;
	_ =	sdelay $0x3  }
0x1df: {  	p1 =	slt.s32 s16, $0x40;
	[tilespmem:v61+s6+$0x0] =	vst.idx.msk $0xffff, v31  }
0x1e0: {  	s16 =	simm.s32 @!p1 $0x40;
	v63 =	vor.u32 v23, v32;
	v31 =	vld.idx.msk [tilespmem:v62+s0+$0x0], $0xffff  }
0x1e1: {  	p1 =	sne.s32 s16, $0x1;
	v30 =	vadd.s32 v24, v30  }
.Ltmp15:
0x1e2: {  	_ = 	snop;
	(pc) =	sbr.rel @!p1 .LBB2_22-.Ltmp15, $3  }
0x1e3: {  	_ =	sdelay $0x1  }
0x1e4: {  	[tilespmem:v63+s6+$0x0] =	vst.idx.msk $0xffff, v31  }
0x1e5: {  	s18 =	simm.s32 $0x1;
	v31 =	vor.u32 v25, v32;
	v30 =	vld.idx.msk [tilespmem:v30+s0+$0x0], $0xffff  }
.LBB2_21:
0x1e6: {  	_ = 	snop  }
0x1e7: {  	v32 =	vmov s18;
	s2 =	smov.u32 s18  }
0x1e8: {  	s18 =	sadd.s32 $0x1, s18  }
0x1e9: {  	v28 =	vbroadcast v28, $0x0;
	p1 =	sne.s32 s16, s18  }
0x1ea: {  	[tilespmem:v31+s6+$0x0] =	vst.idx.msk $0xffff, v30  }
0x1eb: {  	[tilespmem:v29+s31+$0x0] =	vst.idx.msk $0xffff, v28  }
0x1ec: {  	v29 =	vld.idx.msk [tilespmem:v32+s25+$0x0], $0xffff  }
0x1ed: {  	v28 =	vld.idx.msk [tilespmem:v32+s4+$0x0], $0xffff;
	_ =	sdelay $0x4  }
0x1ee: {  	(v2sf) =	vpush v29, $0x0;
	_ =	sdelay $0xe  }
0x1ef: {  	s3 =	spop (v2sf)  }
0x1f0: {  	s3 =	ssub.s32 s3, s10  }
0x1f1: {  	v29 =	vmov s3  }
0x1f2: {  	v30 =	vshll.u32 v29, $0x3  }
0x1f3: {  	v29 =	vand.u32 $0x7F, v29;
	v30 =	vand.u32 $0xFFFFFC00, v30  }
0x1f4: {  	v30 =	vor.u32 v29, v30  }
0x1f5: {  	v31 =	vadd.s32 v18, v30;
	_ =	sdelay $0x2  }
0x1f6: {  	s2 =	sadd.s32 s2, s14  }
0x1f7: {  	v29 =	vmov s2  }
0x1f8: {  	v32 =	vshll.u32 v29, $0x7;
	v31 =	vld.idx.msk [tilespmem:v31+s0+$0x0], $0xffff  }
0x1f9: {  	v33 =	vor.u32 v1, v32  }
0x1fa: {  	v34 =	vadd.s32 v20, v30;
	_ =	sdelay $0x3  }
0x1fb: {  	[tilespmem:v33+s6+$0x0] =	vst.idx.msk $0xffff, v31  }
0x1fc: {  	v31 =	vld.idx.msk [tilespmem:v34+s0+$0x0], $0xffff  }
0x1fd: {  	v33 =	vor.u32 v21, v32  }
0x1fe: {  	v34 =	vadd.s32 v22, v30;
	_ =	sdelay $0x3  }
0x1ff: {  	[tilespmem:v33+s6+$0x0] =	vst.idx.msk $0xffff, v31  }
0x200: {  	v31 =	vld.idx.msk [tilespmem:v34+s0+$0x0], $0xffff  }
0x201: {  	v33 =	vor.u32 v23, v32  }
0x202: {  	v30 =	vadd.s32 v24, v30;
	_ =	sdelay $0x1  }
.Ltmp16:
0x203: {  	(pc) =	sbr.rel @p1 .LBB2_21-.Ltmp16, $4  }
0x204: {  	_ = 	snop  }
0x205: {  	[tilespmem:v33+s6+$0x0] =	vst.idx.msk $0xffff, v31  }
0x206: {  	v30 =	vld.idx.msk [tilespmem:v30+s0+$0x0], $0xffff  }
0x207: {  	v31 =	vor.u32 v25, v32  }
.LBB2_22:
0x208: {  	_ =	sdelay $0x1  }
0x209: {  	s14 =	sadd.s32 s18, s14  }
0x20a: {  	v28 =	vbroadcast v28, $0x0;
	s2 =	sadd.s32 $0xFFFFFFFF, s14  }
0x20b: {  	s16 =	rddreg [dreg:$0x5];
	p1 =	slt.s32 s2, $0x3F;
	[tilespmem:v31+s6+$0x0] =	vst.idx.msk $0xffff, v30  }
0x20c: {  	s2 =	simm.s32 @!p1 $0x80;
	s3 =	simm.s32 @!p1 $0x18800;
	s8 =	simm.s32 @!p1 $0x14800;
	[tilespmem:v29+s31+$0x0] =	vst.idx.msk $0xffff, v28  }
0x20d: {  	[hbm4b:s16+s2] =	stream.indirect.scatter @!p1 [tilespmem:s8], [sflag:$0x2], $0x80, s3, s2, $0xb8;
	[tilespmem:$0x18B00] =	vst v63  }
0x20e: {  	s2 =	simm.s32 @!p1 $0x2  }
0x20f: {  	_ =	swait.ge @!p1 [sflag:s2], $0x4000  }
0x210: {  	[sflag:s2] =	ssyncset.done @!p1 $0x0  }
0x211: {  	[sflag:s2] =	ssyncadd.s32 @!p1 $0xFFFFC000  }
0x212: {  	[tilespmem:$0x18800] =	vst @!p1 v4  }
0x213: {  	[tilespmem:$0x18810] =	vst @!p1 v4  }
0x214: {  	[tilespmem:$0x18820] =	vst @!p1 v4  }
0x215: {  	[tilespmem:$0x18830] =	vst @!p1 v4  }
0x216: {  	[tilespmem:$0x18840] =	vst @!p1 v4  }
0x217: {  	[tilespmem:$0x18850] =	vst @!p1 v4  }
0x218: {  	[tilespmem:$0x18860] =	vst @!p1 v4  }
0x219: {  	s14 =	simm.s32 @!p1 $0x0;
	[tilespmem:$0x18870] =	vst @!p1 v4  }
.LBB2_23:
0x21a: {  	_ =	sdelay $0x3  }
0x21b: {  	v28 =	vld.idx.msk [tilespmem:v27+s30+$0x0], $0xffff;
	_ =	sdelay $0x4  }
0x21c: {  	(v2sf) =	vpush v28, $0x0;
	_ =	sdelay $0xe  }
0x21d: {  	s2 =	spop (v2sf)  }
0x21e: {  	(v2sf) =	vpush v28, $0x1;
	p1 =	seq.s32 s2, $0x0  }
0x21f: {  	s16 =	rddreg [dreg:$0xc];
	s2 =	simm.s32 @!p1 $0x0;
	s3 =	simm.s32 @!p1 $0xC800  }
0x220: {  	[tilespmem:s3], [sflag:$0x1] =	stream.linear.gather @!p1 [hbm4b:s16+s2], $0x400, $0x38;
	[tilespmem:$0x18B00] =	vst v63  }
0x221: {  	s8 =	simm.s32 @!p1 $0xD800;
	s3 =	sadd.s32 @!p1 $0xF4280, s16  }
0x222: {  	[tilespmem:s8], [sflag:$0x1] =	stream.linear.gather @!p1 [hbm4b:s3+s2], $0x400, $0x38;
	[tilespmem:$0x18B00] =	vst v63  }
0x223: {  	s3 =	sadd.s32 @!p1 $0x1E8500, s16;
	s8 =	simm.s32 @!p1 $0xE800  }
0x224: {  	[tilespmem:s8], [sflag:$0x1] =	stream.linear.gather @!p1 [hbm4b:s3+s2], $0x400, $0x38;
	[tilespmem:$0x18B00] =	vst v63  }
0x225: {  	s3 =	sadd.s32 @!p1 $0x2DC780, s16;
	s8 =	simm.s32 @!p1 $0xF800  }
0x226: {  	[tilespmem:s8], [sflag:$0x1] =	stream.linear.gather @!p1 [hbm4b:s3+s2], $0x400, $0x38;
	[tilespmem:$0x18B00] =	vst v63  }
0x227: {  	s3 =	sadd.s32 @!p1 $0x3D0A00, s16;
	s8 =	simm.s32 @!p1 $0x10800  }
0x228: {  	[tilespmem:s8], [sflag:$0x1] =	stream.linear.gather @!p1 [hbm4b:s3+s2], $0x400, $0x38;
	[tilespmem:$0x18B00] =	vst v63  }
0x229: {  	s3 =	sadd.s32 @!p1 $0x4C4C80, s16;
	s8 =	simm.s32 @!p1 $0x11800  }
0x22a: {  	[tilespmem:s8], [sflag:$0x1] =	stream.linear.gather @!p1 [hbm4b:s3+s2], $0x400, $0x38;
	[tilespmem:$0x18B00] =	vst v63  }
0x22b: {  	s3 =	sadd.s32 @!p1 $0x5B8F00, s16;
	s8 =	simm.s32 @!p1 $0x12800  }
0x22c: {  	[tilespmem:s8], [sflag:$0x1] =	stream.linear.gather @!p1 [hbm4b:s3+s2], $0x400, $0x38;
	[tilespmem:$0x18B00] =	vst v63  }
0x22d: {  	s3 =	sadd.s32 @!p1 $0x6AD180, s16;
	s8 =	simm.s32 @!p1 $0x13800;
	s21 =	spop (v2sf)  }
0x22e: {  	[tilespmem:s8], [sflag:$0x1] =	stream.linear.gather @!p1 [hbm4b:s3+s2], $0x400, $0x38;
	[tilespmem:$0x18B00] =	vst v63  }
0x22f: {  	(v2sf) =	vpush v28, $0x2;
	p1 =	seq.s32 s21, $0x0  }
0x230: {  	s16 =	rddreg [dreg:$0xd];
	s2 =	simm.s32 @!p1 $0x0;
	s3 =	simm.s32 @!p1 $0xCC00  }
0x231: {  	[tilespmem:s3], [sflag:$0x1] =	stream.linear.gather @!p1 [hbm4b:s16+s2], $0x400, $0x38;
	[tilespmem:$0x18B00] =	vst v63  }
0x232: {  	s8 =	simm.s32 @!p1 $0xDC00;
	s3 =	sadd.s32 @!p1 $0xF4280, s16  }
0x233: {  	[tilespmem:s8], [sflag:$0x1] =	stream.linear.gather @!p1 [hbm4b:s3+s2], $0x400, $0x38;
	[tilespmem:$0x18B00] =	vst v63  }
0x234: {  	s3 =	sadd.s32 @!p1 $0x1E8500, s16;
	s8 =	simm.s32 @!p1 $0xEC00  }
0x235: {  	[tilespmem:s8], [sflag:$0x1] =	stream.linear.gather @!p1 [hbm4b:s3+s2], $0x400, $0x38;
	[tilespmem:$0x18B00] =	vst v63  }
0x236: {  	s3 =	sadd.s32 @!p1 $0x2DC780, s16;
	s8 =	simm.s32 @!p1 $0xFC00  }
0x237: {  	[tilespmem:s8], [sflag:$0x1] =	stream.linear.gather @!p1 [hbm4b:s3+s2], $0x400, $0x38;
	[tilespmem:$0x18B00] =	vst v63  }
0x238: {  	s3 =	sadd.s32 @!p1 $0x3D0A00, s16;
	s8 =	simm.s32 @!p1 $0x10C00  }
0x239: {  	[tilespmem:s8], [sflag:$0x1] =	stream.linear.gather @!p1 [hbm4b:s3+s2], $0x400, $0x38;
	[tilespmem:$0x18B00] =	vst v63  }
0x23a: {  	s3 =	sadd.s32 @!p1 $0x4C4C80, s16;
	s8 =	simm.s32 @!p1 $0x11C00  }
0x23b: {  	[tilespmem:s8], [sflag:$0x1] =	stream.linear.gather @!p1 [hbm4b:s3+s2], $0x400, $0x38;
	[tilespmem:$0x18B00] =	vst v63  }
0x23c: {  	s3 =	sadd.s32 @!p1 $0x5B8F00, s16;
	s8 =	simm.s32 @!p1 $0x12C00  }
0x23d: {  	[tilespmem:s8], [sflag:$0x1] =	stream.linear.gather @!p1 [hbm4b:s3+s2], $0x400, $0x38;
	[tilespmem:$0x18B00] =	vst v63  }
0x23e: {  	s22 =	spop (v2sf);
	s3 =	sadd.s32 @!p1 $0x6AD180, s16;
	s8 =	simm.s32 @!p1 $0x13C00  }
0x23f: {  	[tilespmem:s8], [sflag:$0x1] =	stream.linear.gather @!p1 [hbm4b:s3+s2], $0x400, $0x38;
	[tilespmem:$0x18B00] =	vst v63  }
0x240: {  	(v2sf) =	vpush v28, $0x3;
	p1 =	seq.s32 s22, $0x0  }
0x241: {  	s16 =	rddreg [dreg:$0xe];
	s2 =	simm.s32 @!p1 $0x0;
	s3 =	simm.s32 @!p1 $0xD000  }
0x242: {  	[tilespmem:s3], [sflag:$0x1] =	stream.linear.gather @!p1 [hbm4b:s16+s2], $0x400, $0x38;
	[tilespmem:$0x18B00] =	vst v63  }
0x243: {  	s8 =	simm.s32 @!p1 $0xE000;
	s3 =	sadd.s32 @!p1 $0xF4280, s16  }
0x244: {  	[tilespmem:s8], [sflag:$0x1] =	stream.linear.gather @!p1 [hbm4b:s3+s2], $0x400, $0x38;
	[tilespmem:$0x18B00] =	vst v63  }
0x245: {  	s3 =	sadd.s32 @!p1 $0x1E8500, s16;
	s8 =	simm.s32 @!p1 $0xF000  }
0x246: {  	[tilespmem:s8], [sflag:$0x1] =	stream.linear.gather @!p1 [hbm4b:s3+s2], $0x400, $0x38;
	[tilespmem:$0x18B00] =	vst v63  }
0x247: {  	s3 =	sadd.s32 @!p1 $0x2DC780, s16;
	s8 =	simm.s32 @!p1 $0x10000  }
0x248: {  	[tilespmem:s8], [sflag:$0x1] =	stream.linear.gather @!p1 [hbm4b:s3+s2], $0x400, $0x38;
	[tilespmem:$0x18B00] =	vst v63  }
0x249: {  	s3 =	sadd.s32 @!p1 $0x3D0A00, s16;
	s8 =	simm.s32 @!p1 $0x11000  }
0x24a: {  	[tilespmem:s8], [sflag:$0x1] =	stream.linear.gather @!p1 [hbm4b:s3+s2], $0x400, $0x38;
	[tilespmem:$0x18B00] =	vst v63  }
0x24b: {  	s3 =	sadd.s32 @!p1 $0x4C4C80, s16;
	s8 =	simm.s32 @!p1 $0x12000  }
0x24c: {  	[tilespmem:s8], [sflag:$0x1] =	stream.linear.gather @!p1 [hbm4b:s3+s2], $0x400, $0x38;
	[tilespmem:$0x18B00] =	vst v63  }
0x24d: {  	s3 =	sadd.s32 @!p1 $0x5B8F00, s16;
	s8 =	simm.s32 @!p1 $0x13000  }
0x24e: {  	[tilespmem:s8], [sflag:$0x1] =	stream.linear.gather @!p1 [hbm4b:s3+s2], $0x400, $0x38;
	[tilespmem:$0x18B00] =	vst v63  }
0x24f: {  	s26 =	spop (v2sf);
	s3 =	sadd.s32 @!p1 $0x6AD180, s16;
	s8 =	simm.s32 @!p1 $0x14000  }
0x250: {  	[tilespmem:s8], [sflag:$0x1] =	stream.linear.gather @!p1 [hbm4b:s3+s2], $0x400, $0x38;
	[tilespmem:$0x18B00] =	vst v63  }
0x251: {  	p1 =	seq.s32 s26, $0x0  }
0x252: {  	s16 =	rddreg [dreg:$0xf];
	s2 =	simm.s32 @!p1 $0x0;
	s3 =	simm.s32 @!p1 $0xD400  }
0x253: {  	[tilespmem:s3], [sflag:$0x1] =	stream.linear.gather @!p1 [hbm4b:s16+s2], $0x400, $0x38;
	[tilespmem:$0x18B00] =	vst v63  }
0x254: {  	s8 =	simm.s32 @!p1 $0xE400;
	s3 =	sadd.s32 @!p1 $0xF4280, s16  }
0x255: {  	[tilespmem:s8], [sflag:$0x1] =	stream.linear.gather @!p1 [hbm4b:s3+s2], $0x400, $0x38;
	[tilespmem:$0x18B00] =	vst v63  }
0x256: {  	s3 =	sadd.s32 @!p1 $0x1E8500, s16;
	s8 =	simm.s32 @!p1 $0xF400  }
0x257: {  	[tilespmem:s8], [sflag:$0x1] =	stream.linear.gather @!p1 [hbm4b:s3+s2], $0x400, $0x38;
	[tilespmem:$0x18B00] =	vst v63  }
0x258: {  	s3 =	sadd.s32 @!p1 $0x2DC780, s16;
	s8 =	simm.s32 @!p1 $0x10400  }
0x259: {  	[tilespmem:s8], [sflag:$0x1] =	stream.linear.gather @!p1 [hbm4b:s3+s2], $0x400, $0x38;
	[tilespmem:$0x18B00] =	vst v63  }
0x25a: {  	s3 =	sadd.s32 @!p1 $0x3D0A00, s16;
	s8 =	simm.s32 @!p1 $0x11400  }
0x25b: {  	[tilespmem:s8], [sflag:$0x1] =	stream.linear.gather @!p1 [hbm4b:s3+s2], $0x400, $0x38;
	[tilespmem:$0x18B00] =	vst v63  }
0x25c: {  	s3 =	sadd.s32 @!p1 $0x4C4C80, s16;
	s8 =	simm.s32 @!p1 $0x12400  }
0x25d: {  	[tilespmem:s8], [sflag:$0x1] =	stream.linear.gather @!p1 [hbm4b:s3+s2], $0x400, $0x38;
	[tilespmem:$0x18B00] =	vst v63  }
.Ltmp17:
0x25e: {  	_ = 	snop;
	(pc) =	sbr.rel .LBB2_24-.Ltmp17, $4  }
0x25f: {  	s3 =	sadd.s32 @!p1 $0x5B8F00, s16;
	s8 =	simm.s32 @!p1 $0x13400  }
0x260: {  	[tilespmem:s8], [sflag:$0x1] =	stream.linear.gather @!p1 [hbm4b:s3+s2], $0x400, $0x38;
	[tilespmem:$0x18B00] =	vst v63  }
0x261: {  	s3 =	sadd.s32 @!p1 $0x6AD180, s16;
	s8 =	simm.s32 @!p1 $0x14400;
	s16 =	simm.s32 $0x0  }
0x262: {  	[tilespmem:s8], [sflag:$0x1] =	stream.linear.gather @!p1 [hbm4b:s3+s2], $0x400, $0x38;
	[tilespmem:$0x18B00] =	vst v63  }
.LBB2_43:
0x263: {  	_ =	sdelay $0x2  }
0x264: {  	v28 =	vbroadcast v28, $0x0;
	s14 =	sadd.s32 s21, s14  }
0x265: {  	[tilespmem:v31+s6+$0x0] =	vst.idx.msk $0xffff, v30;
	s19 =	rddreg [dreg:$0x5];
	p1 =	slt.s32 s14, $0x40  }
0x266: {  	[tilespmem:v29+s31+$0x0] =	vst.idx.msk $0xffff, v28;
	s2 =	simm.s32 @!p1 $0x80;
	s3 =	simm.s32 @!p1 $0x18800;
	s8 =	simm.s32 @!p1 $0x14800  }
0x267: {  	[hbm4b:s19+s2] =	stream.indirect.scatter @!p1 [tilespmem:s8], [sflag:$0x2], $0x80, s3, s2, $0xb8;
	[tilespmem:$0x18B00] =	vst v63  }
0x268: {  	s2 =	simm.s32 @!p1 $0x2  }
0x269: {  	_ =	swait.ge @!p1 [sflag:s2], $0x4000  }
0x26a: {  	[sflag:s2] =	ssyncset.done @!p1 $0x0  }
0x26b: {  	[sflag:s2] =	ssyncadd.s32 @!p1 $0xFFFFC000  }
0x26c: {  	[tilespmem:$0x18800] =	vst @!p1 v4  }
0x26d: {  	[tilespmem:$0x18810] =	vst @!p1 v4  }
0x26e: {  	[tilespmem:$0x18820] =	vst @!p1 v4  }
0x26f: {  	[tilespmem:$0x18830] =	vst @!p1 v4  }
0x270: {  	[tilespmem:$0x18840] =	vst @!p1 v4  }
0x271: {  	[tilespmem:$0x18850] =	vst @!p1 v4  }
0x272: {  	[tilespmem:$0x18860] =	vst @!p1 v4  }
0x273: {  	s14 =	simm.s32 @!p1 $0x0;
	[tilespmem:$0x18870] =	vst @!p1 v4  }
.LBB2_44:
0x274: {  	s2 =	sadd.s32 s18, s29  }
0x275: {  	s18 =	smin.u32 s2, $0x1E81  }
0x276: {  	s2 =	ssub.s32 s18, s1  }
0x277: {  	v28 =	vadd.s32 s2, v1;
	_ =	sdelay $0x4  }
0x278: {  	v28 =	vld.idx.msk [tilespmem:v28+s30+$0x0], $0xffff;
	_ =	sdelay $0x4  }
0x279: {  	(v2sf) =	vpush v28, $0x0;
	_ =	sdelay $0xe  }
0x27a: {  	s20 =	spop (v2sf)  }
0x27b: {  	p1 =	seq.s32 s20, $0x0  }
0x27c: {  	(v2sf) =	vpush v28, $0x1;
	s2 =	sshll.u32 @!p1 s18, $0x7  }
0x27d: {  	s3 =	simm.s32 @!p1 $0x0;
	s8 =	simm.s32 @!p1 $0xC800;
	s2 =	sadd.s32 @!p1 s28, s2  }
0x27e: {  	[tilespmem:s8], [sflag:$0x1] =	stream.linear.gather @!p1 [hbm4b:s2+s3], $0x400, $0x38;
	[tilespmem:$0x18B00] =	vst v63  }
0x27f: {  	s19 =	simm.s32 @!p1 $0xD800;
	s8 =	sadd.s32 @!p1 $0xF4280, s2  }
0x280: {  	[tilespmem:s19], [sflag:$0x1] =	stream.linear.gather @!p1 [hbm4b:s8+s3], $0x400, $0x38;
	[tilespmem:$0x18B00] =	vst v63  }
0x281: {  	s8 =	sadd.s32 @!p1 $0x1E8500, s2;
	s19 =	simm.s32 @!p1 $0xE800  }
0x282: {  	[tilespmem:s19], [sflag:$0x1] =	stream.linear.gather @!p1 [hbm4b:s8+s3], $0x400, $0x38;
	[tilespmem:$0x18B00] =	vst v63  }
0x283: {  	s8 =	sadd.s32 @!p1 $0x2DC780, s2;
	s19 =	simm.s32 @!p1 $0xF800  }
0x284: {  	[tilespmem:s19], [sflag:$0x1] =	stream.linear.gather @!p1 [hbm4b:s8+s3], $0x400, $0x38;
	[tilespmem:$0x18B00] =	vst v63  }
0x285: {  	s8 =	sadd.s32 @!p1 $0x3D0A00, s2;
	s19 =	simm.s32 @!p1 $0x10800  }
0x286: {  	[tilespmem:s19], [sflag:$0x1] =	stream.linear.gather @!p1 [hbm4b:s8+s3], $0x400, $0x38;
	[tilespmem:$0x18B00] =	vst v63  }
0x287: {  	s8 =	sadd.s32 @!p1 $0x4C4C80, s2;
	s19 =	simm.s32 @!p1 $0x11800  }
0x288: {  	[tilespmem:s19], [sflag:$0x1] =	stream.linear.gather @!p1 [hbm4b:s8+s3], $0x400, $0x38;
	[tilespmem:$0x18B00] =	vst v63  }
0x289: {  	s8 =	sadd.s32 @!p1 $0x5B8F00, s2;
	s19 =	simm.s32 @!p1 $0x12800  }
0x28a: {  	[tilespmem:s19], [sflag:$0x1] =	stream.linear.gather @!p1 [hbm4b:s8+s3], $0x400, $0x38;
	[tilespmem:$0x18B00] =	vst v63  }
0x28b: {  	s2 =	sadd.s32 @!p1 $0x6AD180, s2;
	s21 =	spop (v2sf);
	s8 =	simm.s32 @!p1 $0x13800  }
0x28c: {  	[tilespmem:s8], [sflag:$0x1] =	stream.linear.gather @!p1 [hbm4b:s2+s3], $0x400, $0x38;
	[tilespmem:$0x18B00] =	vst v63  }
0x28d: {  	p1 =	seq.s32 s21, $0x0  }
0x28e: {  	(v2sf) =	vpush v28, $0x2;
	s2 =	sshll.u32 @!p1 s18, $0x7  }
0x28f: {  	s3 =	simm.s32 @!p1 $0x0;
	s8 =	simm.s32 @!p1 $0xCC00;
	s2 =	sadd.s32 @!p1 s2, s12  }
0x290: {  	[tilespmem:s8], [sflag:$0x1] =	stream.linear.gather @!p1 [hbm4b:s2+s3], $0x400, $0x38;
	[tilespmem:$0x18B00] =	vst v63  }
0x291: {  	s19 =	simm.s32 @!p1 $0xDC00;
	s8 =	sadd.s32 @!p1 $0xF4280, s2  }
0x292: {  	[tilespmem:s19], [sflag:$0x1] =	stream.linear.gather @!p1 [hbm4b:s8+s3], $0x400, $0x38;
	[tilespmem:$0x18B00] =	vst v63  }
0x293: {  	s8 =	sadd.s32 @!p1 $0x1E8500, s2;
	s19 =	simm.s32 @!p1 $0xEC00  }
0x294: {  	[tilespmem:s19], [sflag:$0x1] =	stream.linear.gather @!p1 [hbm4b:s8+s3], $0x400, $0x38;
	[tilespmem:$0x18B00] =	vst v63  }
0x295: {  	s8 =	sadd.s32 @!p1 $0x2DC780, s2;
	s19 =	simm.s32 @!p1 $0xFC00  }
0x296: {  	[tilespmem:s19], [sflag:$0x1] =	stream.linear.gather @!p1 [hbm4b:s8+s3], $0x400, $0x38;
	[tilespmem:$0x18B00] =	vst v63  }
0x297: {  	s8 =	sadd.s32 @!p1 $0x3D0A00, s2;
	s19 =	simm.s32 @!p1 $0x10C00  }
0x298: {  	[tilespmem:s19], [sflag:$0x1] =	stream.linear.gather @!p1 [hbm4b:s8+s3], $0x400, $0x38;
	[tilespmem:$0x18B00] =	vst v63  }
0x299: {  	s8 =	sadd.s32 @!p1 $0x4C4C80, s2;
	s19 =	simm.s32 @!p1 $0x11C00  }
0x29a: {  	[tilespmem:s19], [sflag:$0x1] =	stream.linear.gather @!p1 [hbm4b:s8+s3], $0x400, $0x38;
	[tilespmem:$0x18B00] =	vst v63  }
0x29b: {  	s8 =	sadd.s32 @!p1 $0x5B8F00, s2;
	s19 =	simm.s32 @!p1 $0x12C00  }
0x29c: {  	[tilespmem:s19], [sflag:$0x1] =	stream.linear.gather @!p1 [hbm4b:s8+s3], $0x400, $0x38;
	[tilespmem:$0x18B00] =	vst v63  }
0x29d: {  	s22 =	spop (v2sf);
	s2 =	sadd.s32 @!p1 $0x6AD180, s2;
	s8 =	simm.s32 @!p1 $0x13C00  }
0x29e: {  	[tilespmem:s8], [sflag:$0x1] =	stream.linear.gather @!p1 [hbm4b:s2+s3], $0x400, $0x38;
	[tilespmem:$0x18B00] =	vst v63  }
0x29f: {  	p1 =	seq.s32 s22, $0x0  }
0x2a0: {  	(v2sf) =	vpush v28, $0x3;
	s2 =	sshll.u32 @!p1 s18, $0x7  }
0x2a1: {  	s3 =	simm.s32 @!p1 $0x0;
	s8 =	simm.s32 @!p1 $0xD000;
	s2 =	sadd.s32 @!p1 s2, s15  }
0x2a2: {  	[tilespmem:s8], [sflag:$0x1] =	stream.linear.gather @!p1 [hbm4b:s2+s3], $0x400, $0x38;
	[tilespmem:$0x18B00] =	vst v63  }
0x2a3: {  	s19 =	simm.s32 @!p1 $0xE000;
	s8 =	sadd.s32 @!p1 $0xF4280, s2  }
0x2a4: {  	[tilespmem:s19], [sflag:$0x1] =	stream.linear.gather @!p1 [hbm4b:s8+s3], $0x400, $0x38;
	[tilespmem:$0x18B00] =	vst v63  }
0x2a5: {  	s8 =	sadd.s32 @!p1 $0x1E8500, s2;
	s19 =	simm.s32 @!p1 $0xF000  }
0x2a6: {  	[tilespmem:s19], [sflag:$0x1] =	stream.linear.gather @!p1 [hbm4b:s8+s3], $0x400, $0x38;
	[tilespmem:$0x18B00] =	vst v63  }
0x2a7: {  	s8 =	sadd.s32 @!p1 $0x2DC780, s2;
	s19 =	simm.s32 @!p1 $0x10000  }
0x2a8: {  	[tilespmem:s19], [sflag:$0x1] =	stream.linear.gather @!p1 [hbm4b:s8+s3], $0x400, $0x38;
	[tilespmem:$0x18B00] =	vst v63  }
0x2a9: {  	s8 =	sadd.s32 @!p1 $0x3D0A00, s2;
	s19 =	simm.s32 @!p1 $0x11000  }
0x2aa: {  	[tilespmem:s19], [sflag:$0x1] =	stream.linear.gather @!p1 [hbm4b:s8+s3], $0x400, $0x38;
	[tilespmem:$0x18B00] =	vst v63  }
0x2ab: {  	s8 =	sadd.s32 @!p1 $0x4C4C80, s2;
	s19 =	simm.s32 @!p1 $0x12000  }
0x2ac: {  	[tilespmem:s19], [sflag:$0x1] =	stream.linear.gather @!p1 [hbm4b:s8+s3], $0x400, $0x38;
	[tilespmem:$0x18B00] =	vst v63  }
0x2ad: {  	s8 =	sadd.s32 @!p1 $0x5B8F00, s2;
	s19 =	simm.s32 @!p1 $0x13000  }
0x2ae: {  	[tilespmem:s19], [sflag:$0x1] =	stream.linear.gather @!p1 [hbm4b:s8+s3], $0x400, $0x38;
	[tilespmem:$0x18B00] =	vst v63  }
0x2af: {  	s26 =	spop (v2sf);
	s2 =	sadd.s32 @!p1 $0x6AD180, s2;
	s8 =	simm.s32 @!p1 $0x14000  }
0x2b0: {  	[tilespmem:s8], [sflag:$0x1] =	stream.linear.gather @!p1 [hbm4b:s2+s3], $0x400, $0x38;
	[tilespmem:$0x18B00] =	vst v63  }
0x2b1: {  	p1 =	seq.s32 s26, $0x0  }
0x2b2: {  	s2 =	sshll.u32 @!p1 s18, $0x7  }
0x2b3: {  	s3 =	simm.s32 @!p1 $0x0;
	s8 =	simm.s32 @!p1 $0xD400;
	s2 =	sadd.s32 @!p1 s2, s17  }
0x2b4: {  	[tilespmem:s8], [sflag:$0x1] =	stream.linear.gather @!p1 [hbm4b:s2+s3], $0x400, $0x38;
	[tilespmem:$0x18B00] =	vst v63  }
0x2b5: {  	s18 =	simm.s32 @!p1 $0xE400;
	s8 =	sadd.s32 @!p1 $0xF4280, s2  }
0x2b6: {  	[tilespmem:s18], [sflag:$0x1] =	stream.linear.gather @!p1 [hbm4b:s8+s3], $0x400, $0x38;
	[tilespmem:$0x18B00] =	vst v63  }
0x2b7: {  	s8 =	sadd.s32 @!p1 $0x1E8500, s2;
	s18 =	simm.s32 @!p1 $0xF400  }
0x2b8: {  	[tilespmem:s18], [sflag:$0x1] =	stream.linear.gather @!p1 [hbm4b:s8+s3], $0x400, $0x38;
	[tilespmem:$0x18B00] =	vst v63  }
0x2b9: {  	s8 =	sadd.s32 @!p1 $0x2DC780, s2;
	s18 =	simm.s32 @!p1 $0x10400  }
0x2ba: {  	[tilespmem:s18], [sflag:$0x1] =	stream.linear.gather @!p1 [hbm4b:s8+s3], $0x400, $0x38;
	[tilespmem:$0x18B00] =	vst v63  }
0x2bb: {  	s8 =	sadd.s32 @!p1 $0x3D0A00, s2;
	s18 =	simm.s32 @!p1 $0x11400  }
0x2bc: {  	[tilespmem:s18], [sflag:$0x1] =	stream.linear.gather @!p1 [hbm4b:s8+s3], $0x400, $0x38;
	[tilespmem:$0x18B00] =	vst v63  }
0x2bd: {  	s8 =	sadd.s32 @!p1 $0x4C4C80, s2;
	s18 =	simm.s32 @!p1 $0x12400  }
0x2be: {  	[tilespmem:s18], [sflag:$0x1] =	stream.linear.gather @!p1 [hbm4b:s8+s3], $0x400, $0x38;
	[tilespmem:$0x18B00] =	vst v63  }
0x2bf: {  	s8 =	sadd.s32 @!p1 $0x5B8F00, s2;
	s18 =	simm.s32 @!p1 $0x13400  }
0x2c0: {  	[tilespmem:s18], [sflag:$0x1] =	stream.linear.gather @!p1 [hbm4b:s8+s3], $0x400, $0x38;
	[tilespmem:$0x18B00] =	vst v63  }
0x2c1: {  	s16 =	sadd.s32 $0x1, s16;
	s2 =	sadd.s32 @!p1 $0x6AD180, s2;
	s8 =	simm.s32 @!p1 $0x14400  }
0x2c2: {  	[tilespmem:s8], [sflag:$0x1] =	stream.linear.gather @!p1 [hbm4b:s2+s3], $0x400, $0x38;
	[tilespmem:$0x18B00] =	vst v63  }
0x2c3: {  	p1 =	sne.s32 s16, $0x1D  }
.Ltmp18:
0x2c4: {  	_ = 	snop;
	(pc) =	sbr.rel @!p1 .LBB2_45-.Ltmp18, $1  }
0x2c5: {  	_ =	sdelay $0x3  }
.LBB2_24:
0x2c6: {  	s18 =	sshll.u32 s16, $0x3;
	s2 =	rddreg [dreg:$0x4]  }
0x2c7: {  	s2 =	sadd.s32 s18, s2  }
0x2c8: {  	s19 =	smin.u32 s2, $0x1E81  }
0x2c9: {  	s2 =	ssub.s32 s19, s1  }
0x2ca: {  	v28 =	vadd.s32 s2, v1;
	_ =	sdelay $0x4  }
0x2cb: {  	v28 =	vld.idx.msk [tilespmem:v28+s30+$0x0], $0xffff;
	_ =	sdelay $0x4  }
0x2cc: {  	(v2sf) =	vpush v28, $0x0;
	_ =	sdelay $0xe  }
0x2cd: {  	s21 =	spop (v2sf)  }
0x2ce: {  	p1 =	seq.s32 s21, $0x0  }
0x2cf: {  	s2 =	simm.s32 @!p1 $0x1  }
0x2d0: {  	_ =	swait.ge @!p1 [sflag:s2], $0x2000  }
0x2d1: {  	(v2sf) =	vpush v28, $0x1;
	_ =	sdelay $0xe  }
0x2d2: {  	s3 =	spop (v2sf)  }
0x2d3: {  	[sflag:s2] =	ssyncset.done @!p1 $0x0;
	p2 =	seq.s32 s3, $0x0  }
0x2d4: {  	[sflag:s2] =	ssyncadd.s32 @!p1 $0xFFFFE000;
	s2 =	simm.s32 @!p2 $0x1  }
0x2d5: {  	_ =	swait.ge @!p2 [sflag:s2], $0x2000  }
0x2d6: {  	(v2sf) =	vpush v28, $0x2;
	_ =	sdelay $0xe  }
0x2d7: {  	s22 =	spop (v2sf)  }
0x2d8: {  	[sflag:s2] =	ssyncset.done @!p2 $0x0;
	p1 =	seq.s32 s22, $0x0  }
0x2d9: {  	[sflag:s2] =	ssyncadd.s32 @!p2 $0xFFFFE000;
	s2 =	simm.s32 @!p1 $0x1  }
0x2da: {  	_ =	swait.ge @!p1 [sflag:s2], $0x2000  }
0x2db: {  	(v2sf) =	vpush v28, $0x3;
	_ =	sdelay $0xe  }
0x2dc: {  	s26 =	spop (v2sf)  }
.Ltmp19:
0x2dd: {  	[sflag:s2] =	ssyncset.done @!p1 $0x0;
	p2 =	seq.s32 s26, $0x0;
	(pc) =	sbr.rel @p0 .LBB2_34-.Ltmp19, $4  }
0x2de: {  	[sflag:s2] =	ssyncadd.s32 @!p1 $0xFFFFE000;
	s2 =	simm.s32 @!p2 $0x1  }
0x2df: {  	_ =	swait.ge @!p2 [sflag:s2], $0x2000  }
0x2e0: {  	[sflag:s2] =	ssyncset.done @!p2 $0x0  }
0x2e1: {  	[sflag:s2] =	ssyncadd.s32 @!p2 $0xFFFFE000  }
0x2e2: {  	p2 =	sne.s32 s13, $0x1  }
.Ltmp20:
0x2e3: {  	_ = 	snop;
	(pc) =	sbr.rel @!p2 .LBB2_26-.Ltmp20, $3  }
0x2e4: {  	_ =	sdelay $0x1  }
0x2e5: {  	s2 =	sor.u32 $0x4, s19;
	s20 =	simm.s32 $0x0;
	s22 =	simm.s32 $0x4000  }
0x2e6: {  	v28 =	vmov s19;
	s21 =	simm.s32 $0x4400;
	p1 =	por $0x0, $0x0;
	v29 =	vmov s2;
	s2 =	sadd.s32 $0xFFFFFFFF, s13  }
0x2e7: {  	v30 =	vld [tilespmem:s22+$0x0];
	_ =	sdelay $0x4  }
0x2e8: {  	v31 =	vshrl.u32 v30, $0x7  }
0x2e9: {  	vm0 =	vge.u32 v31, v28;
	vm1 =	vlt.u32 v31, v29  }
0x2ea: {  	vm0 =	vmand vm0, vm1  }
0x2eb: {  	v31 =	vmpcnt.ones.xlane vm0;
	v32 =	vsel vm0, $0x1, v13  }
0x2ec: {  	(xrf0) =	vadd.scan.msk.s32 $0xffff, v32  }
0x2ed: {  	(v2sf) =	vpush v31, $0x0;
	_ =	sdelay $0x1  }
0x2ee: {  	v31 =	vmov s20  }
0x2ef: {  	v31 =	vadd.s32 $0xFFFFFFFF, v31  }
0x2f0: {  	v31 =	vbroadcast v31, $0x0  }
0x2f1: {  	v32, _, _ =	vpop (xrf0)  }
0x2f2: {  	v31 =	vadd.s32 v31, v32  }
0x2f3: {  	vm15 =	vlt.s32 v31, $0x4F  }
0x2f4: {  	v31 =	vnsel vm15, $0x4F, v31  }
0x2f5: {  	v31 =	vsel vm0, v31, v17  }
0x2f6: {  	v63 =	vld [tilespmem:s21+$0x0];
	p2 =	sne.s32 s2, $0x1  }
.Ltmp21:
0x2f7: {  	_ = 	snop;
	(pc) =	sbr.rel @!p2 .LBB2_28-.Ltmp21, $3  }
0x2f8: {  	_ =	sdelay $0x1  }
0x2f9: {  	s3 =	sadd.s32 $0xFFFFFFFF, s2;
	s22 =	simm.s32 $0x4010;
	p1 =	por $0x1, $0x1;
	[tilespmem:v31+s25+$0x0] =	vst.idx.msk $0xffff, v30  }
0x2fa: {  	s2 =	simm.s32 $0x0;
	s8 =	simm.s32 $0x4400;
	s26 =	spop (v2sf);
	[tilespmem:v31+s4+$0x0] =	vst.idx.msk $0xffff, v63  }
.LBB2_29:
0x2fb: {  	p2 =	sne.s32 s3, $0x1;
	v30 =	vld [tilespmem:s22+$0x0];
	s2 =	sadd.s32 s2, s26;
	s8 =	sadd.s32 $0x10, s8  }
0x2fc: {  	s3 =	sadd.s32 $0xFFFFFFFF, s3;
	v31 =	vmov s2  }
0x2fd: {  	v31 =	vadd.s32 $0xFFFFFFFF, v31;
	_ =	sdelay $0x2  }
0x2fe: {  	v32 =	vshrl.u32 v30, $0x7  }
0x2ff: {  	vm0 =	vge.u32 v32, v28;
	vm1 =	vlt.u32 v32, v29  }
0x300: {  	vm0 =	vmand vm0, vm1  }
0x301: {  	v32 =	vsel vm0, $0x1, v13;
	v33 =	vmpcnt.ones.xlane vm0  }
0x302: {  	(xrf0) =	vadd.scan.msk.s32 $0xffff, v32  }
0x303: {  	(v2sf) =	vpush v33, $0x0;
	_ =	sdelay $0x3  }
0x304: {  	v31 =	vbroadcast v31, $0x0  }
0x305: {  	v32, _, _ =	vpop (xrf0)  }
0x306: {  	v31 =	vadd.s32 v31, v32  }
0x307: {  	vm1 =	vlt.s32 v31, $0x4F  }
0x308: {  	v31 =	vnsel vm1, $0x4F, v31  }
0x309: {  	v31 =	vsel vm0, v31, v17  }
0x30a: {  	v32 =	vld [tilespmem:s8+$0x0]  }
.Ltmp22:
0x30b: {  	(pc) =	sbr.rel @p2 .LBB2_29-.Ltmp22, $3  }
0x30c: {  	_ =	sdelay $0x1  }
0x30d: {  	[tilespmem:v31+s25+$0x0] =	vst.idx.msk $0xffff, v30  }
0x30e: {  	s22 =	sadd.s32 $0x10, s22;
	[tilespmem:v31+s4+$0x0] =	vst.idx.msk $0xffff, v32;
	s26 =	spop (v2sf)  }
.LBB2_30:
0x30f: {  	v30 =	vld [tilespmem:s22+$0x0];
	_ =	sdelay $0x4  }
0x310: {  	v31 =	vshrl.u32 v30, $0x7  }
0x311: {  	vm0 =	vge.u32 v31, v28;
	vm1 =	vlt.u32 v31, v29  }
0x312: {  	vm0 =	vmand vm0, vm1  }
0x313: {  	v28 =	vmpcnt.ones.xlane vm0;
	_ =	sdelay $0x1  }
0x314: {  	(v2sf) =	vpush v28, $0x0;
	_ =	sdelay $0x4  }
0x315: {  	v28 =	vsel vm0, $0x1, v13  }
0x316: {  	(xrf0) =	vadd.scan.msk.s32 $0xffff, v28  }
0x317: {  	s2 =	sadd.s32 @p1 s2, s26  }
0x318: {  	s20 =	smov.u32 @p1 s2  }
0x319: {  	v28 =	vmov s20  }
0x31a: {  	v28 =	vadd.s32 $0xFFFFFFFF, v28  }
0x31b: {  	v28 =	vbroadcast v28, $0x0  }
0x31c: {  	v29, _, _ =	vpop (xrf0)  }
0x31d: {  	v28 =	vadd.s32 v28, v29  }
0x31e: {  	vm15 =	vlt.s32 v28, $0x4F  }
0x31f: {  	s2 =	sadd.s32 @p1 $0x10, s8;
	v28 =	vnsel vm15, $0x4F, v28;
	s26 =	spop (v2sf)  }
0x320: {  	s21 =	smov.u32 @p1 s2;
	v28 =	vsel vm0, v28, v17;
	s20 =	sadd.s32 s20, s26  }
0x321: {  	v29 =	vld [tilespmem:s21+$0x0];
	p1 =	slt.s32 s20, $0x1  }
.Ltmp23:
0x322: {  	_ = 	snop;
	(pc) =	sbr.rel @p1 .LBB2_34-.Ltmp23, $3  }
0x323: {  	_ =	sdelay $0x1  }
0x324: {  	[tilespmem:v28+s25+$0x0] =	vst.idx.msk $0xffff, v30  }
0x325: {  	[tilespmem:v28+s4+$0x0] =	vst.idx.msk $0xffff, v29  }
0x326: {  	s2 =	simm.s32 $0x0  }
0x327: {  	v28 =	vmov s2;
	_ =	sdelay $0x4  }
0x328: {  	v29 =	vld.idx.msk [tilespmem:v28+s25+$0x0], $0xffff;
	_ =	sdelay $0x4  }
0x329: {  	(v2sf) =	vpush v29, $0x0;
	_ =	sdelay $0xe  }
0x32a: {  	s19 =	sshll.u32 s19, $0x7;
	s22 =	spop (v2sf)  }
0x32b: {  	s2 =	ssub.s32 s22, s19  }
0x32c: {  	v29 =	vmov s2  }
0x32d: {  	v30 =	vshll.u32 v29, $0x3  }
0x32e: {  	v29 =	vand.u32 $0x7F, v29;
	v30 =	vand.u32 $0xFFFFFC00, v30  }
0x32f: {  	v30 =	vor.u32 v29, v30  }
0x330: {  	v31 =	vadd.s32 v18, v30;
	_ =	sdelay $0x1  }
0x331: {  	s26 =	sadd.s32 $0x0, s14  }
0x332: {  	v29 =	vmov s26  }
0x333: {  	v32 =	vshll.u32 v29, $0x7  }
0x334: {  	v33 =	vor.u32 v1, v32;
	v31 =	vld.idx.msk [tilespmem:v31+s5+$0x0], $0xffff  }
0x335: {  	v34 =	vadd.s32 v20, v30;
	_ =	sdelay $0x3  }
0x336: {  	v28 =	vld.idx.msk [tilespmem:v28+s4+$0x0], $0xffff;
	[tilespmem:v33+s6+$0x0] =	vst.idx.msk $0xffff, v31  }
0x337: {  	v61 =	vor.u32 v21, v32;
	v31 =	vld.idx.msk [tilespmem:v34+s5+$0x0], $0xffff  }
0x338: {  	v62 =	vadd.s32 v22, v30;
	_ =	sdelay $0x3  }
0x339: {  	p1 =	slt.s32 s20, $0x40;
	[tilespmem:v61+s6+$0x0] =	vst.idx.msk $0xffff, v31  }
0x33a: {  	s20 =	simm.s32 @!p1 $0x40;
	v63 =	vor.u32 v23, v32;
	v31 =	vld.idx.msk [tilespmem:v62+s5+$0x0], $0xffff  }
0x33b: {  	p1 =	sne.s32 s20, $0x1;
	v30 =	vadd.s32 v24, v30  }
.Ltmp24:
0x33c: {  	_ = 	snop;
	(pc) =	sbr.rel @!p1 .LBB2_33-.Ltmp24, $3  }
0x33d: {  	_ =	sdelay $0x1  }
0x33e: {  	[tilespmem:v63+s6+$0x0] =	vst.idx.msk $0xffff, v31  }
0x33f: {  	s21 =	simm.s32 $0x1;
	v31 =	vor.u32 v25, v32;
	v30 =	vld.idx.msk [tilespmem:v30+s5+$0x0], $0xffff  }
.LBB2_32:
0x340: {  	_ = 	snop  }
0x341: {  	v32 =	vmov s21;
	s2 =	smov.u32 s21  }
0x342: {  	s21 =	sadd.s32 $0x1, s21  }
0x343: {  	v28 =	vbroadcast v28, $0x0;
	p1 =	sne.s32 s20, s21  }
0x344: {  	[tilespmem:v31+s6+$0x0] =	vst.idx.msk $0xffff, v30  }
0x345: {  	[tilespmem:v29+s31+$0x0] =	vst.idx.msk $0xffff, v28  }
0x346: {  	v29 =	vld.idx.msk [tilespmem:v32+s25+$0x0], $0xffff  }
0x347: {  	v28 =	vld.idx.msk [tilespmem:v32+s4+$0x0], $0xffff;
	_ =	sdelay $0x4  }
0x348: {  	(v2sf) =	vpush v29, $0x0;
	_ =	sdelay $0xe  }
0x349: {  	s3 =	spop (v2sf)  }
0x34a: {  	s3 =	ssub.s32 s3, s19  }
0x34b: {  	v29 =	vmov s3  }
0x34c: {  	v30 =	vshll.u32 v29, $0x3  }
0x34d: {  	v29 =	vand.u32 $0x7F, v29;
	v30 =	vand.u32 $0xFFFFFC00, v30  }
0x34e: {  	v30 =	vor.u32 v29, v30  }
0x34f: {  	v31 =	vadd.s32 v18, v30;
	_ =	sdelay $0x2  }
0x350: {  	s2 =	sadd.s32 s2, s14  }
0x351: {  	v29 =	vmov s2  }
0x352: {  	v32 =	vshll.u32 v29, $0x7;
	v31 =	vld.idx.msk [tilespmem:v31+s5+$0x0], $0xffff  }
0x353: {  	v33 =	vor.u32 v1, v32  }
0x354: {  	v34 =	vadd.s32 v20, v30;
	_ =	sdelay $0x3  }
0x355: {  	[tilespmem:v33+s6+$0x0] =	vst.idx.msk $0xffff, v31  }
0x356: {  	v31 =	vld.idx.msk [tilespmem:v34+s5+$0x0], $0xffff  }
0x357: {  	v33 =	vor.u32 v21, v32  }
0x358: {  	v34 =	vadd.s32 v22, v30;
	_ =	sdelay $0x3  }
0x359: {  	[tilespmem:v33+s6+$0x0] =	vst.idx.msk $0xffff, v31  }
0x35a: {  	v31 =	vld.idx.msk [tilespmem:v34+s5+$0x0], $0xffff  }
0x35b: {  	v33 =	vor.u32 v23, v32  }
0x35c: {  	v30 =	vadd.s32 v24, v30;
	_ =	sdelay $0x1  }
.Ltmp25:
0x35d: {  	(pc) =	sbr.rel @p1 .LBB2_32-.Ltmp25, $4  }
0x35e: {  	_ = 	snop  }
0x35f: {  	[tilespmem:v33+s6+$0x0] =	vst.idx.msk $0xffff, v31  }
0x360: {  	v30 =	vld.idx.msk [tilespmem:v30+s5+$0x0], $0xffff  }
0x361: {  	v31 =	vor.u32 v25, v32  }
.LBB2_33:
0x362: {  	_ =	sdelay $0x2  }
0x363: {  	v28 =	vbroadcast v28, $0x0;
	s14 =	sadd.s32 s21, s14  }
0x364: {  	s19 =	rddreg [dreg:$0x5];
	p1 =	slt.s32 s14, $0x40;
	[tilespmem:v31+s6+$0x0] =	vst.idx.msk $0xffff, v30  }
0x365: {  	s2 =	simm.s32 @!p1 $0x80;
	s3 =	simm.s32 @!p1 $0x18800;
	s8 =	simm.s32 @!p1 $0x14800;
	[tilespmem:v29+s31+$0x0] =	vst.idx.msk $0xffff, v28  }
0x366: {  	[hbm4b:s19+s2] =	stream.indirect.scatter @!p1 [tilespmem:s8], [sflag:$0x2], $0x80, s3, s2, $0xb8;
	[tilespmem:$0x18B00] =	vst v63  }
0x367: {  	s2 =	simm.s32 @!p1 $0x2  }
0x368: {  	_ =	swait.ge @!p1 [sflag:s2], $0x4000  }
0x369: {  	[sflag:s2] =	ssyncset.done @!p1 $0x0  }
0x36a: {  	[sflag:s2] =	ssyncadd.s32 @!p1 $0xFFFFC000  }
0x36b: {  	[tilespmem:$0x18800] =	vst @!p1 v4  }
0x36c: {  	[tilespmem:$0x18810] =	vst @!p1 v4  }
0x36d: {  	[tilespmem:$0x18820] =	vst @!p1 v4  }
0x36e: {  	[tilespmem:$0x18830] =	vst @!p1 v4  }
0x36f: {  	[tilespmem:$0x18840] =	vst @!p1 v4  }
0x370: {  	[tilespmem:$0x18850] =	vst @!p1 v4  }
0x371: {  	[tilespmem:$0x18860] =	vst @!p1 v4  }
0x372: {  	s14 =	simm.s32 @!p1 $0x0;
	[tilespmem:$0x18870] =	vst @!p1 v4  }
.LBB2_34:
0x373: {  	s2 =	rddreg [dreg:$0x11]  }
0x374: {  	s2 =	sadd.s32 s18, s2  }
0x375: {  	s19 =	smin.u32 s2, $0x1E81  }
0x376: {  	s2 =	ssub.s32 s19, s1  }
0x377: {  	v28 =	vadd.s32 s2, v1;
	_ =	sdelay $0x4  }
0x378: {  	v28 =	vld.idx.msk [tilespmem:v28+s30+$0x0], $0xffff;
	_ =	sdelay $0x4  }
0x379: {  	(v2sf) =	vpush v28, $0x0;
	_ =	sdelay $0xe  }
0x37a: {  	s22 =	spop (v2sf)  }
0x37b: {  	p1 =	seq.s32 s22, $0x0  }
0x37c: {  	(v2sf) =	vpush v28, $0x1;
	s2 =	sshll.u32 @!p1 s19, $0x7  }
0x37d: {  	s3 =	simm.s32 @!p1 $0x0;
	s8 =	simm.s32 @!p1 $0x4800;
	s2 =	sadd.s32 @!p1 s28, s2  }
0x37e: {  	[tilespmem:s8], [sflag:$0x1] =	stream.linear.gather @!p1 [hbm4b:s2+s3], $0x400, $0x38;
	[tilespmem:$0x18B00] =	vst v63  }
0x37f: {  	s20 =	simm.s32 @!p1 $0x5800;
	s8 =	sadd.s32 @!p1 $0xF4280, s2  }
0x380: {  	[tilespmem:s20], [sflag:$0x1] =	stream.linear.gather @!p1 [hbm4b:s8+s3], $0x400, $0x38;
	[tilespmem:$0x18B00] =	vst v63  }
0x381: {  	s8 =	sadd.s32 @!p1 $0x1E8500, s2;
	s20 =	simm.s32 @!p1 $0x6800  }
0x382: {  	[tilespmem:s20], [sflag:$0x1] =	stream.linear.gather @!p1 [hbm4b:s8+s3], $0x400, $0x38;
	[tilespmem:$0x18B00] =	vst v63  }
0x383: {  	s8 =	sadd.s32 @!p1 $0x2DC780, s2;
	s20 =	simm.s32 @!p1 $0x7800  }
0x384: {  	[tilespmem:s20], [sflag:$0x1] =	stream.linear.gather @!p1 [hbm4b:s8+s3], $0x400, $0x38;
	[tilespmem:$0x18B00] =	vst v63  }
0x385: {  	s8 =	sadd.s32 @!p1 $0x3D0A00, s2;
	s20 =	simm.s32 @!p1 $0x8800  }
0x386: {  	[tilespmem:s20], [sflag:$0x1] =	stream.linear.gather @!p1 [hbm4b:s8+s3], $0x400, $0x38;
	[tilespmem:$0x18B00] =	vst v63  }
0x387: {  	s8 =	sadd.s32 @!p1 $0x4C4C80, s2;
	s20 =	simm.s32 @!p1 $0x9800  }
0x388: {  	[tilespmem:s20], [sflag:$0x1] =	stream.linear.gather @!p1 [hbm4b:s8+s3], $0x400, $0x38;
	[tilespmem:$0x18B00] =	vst v63  }
0x389: {  	s8 =	sadd.s32 @!p1 $0x5B8F00, s2;
	s20 =	simm.s32 @!p1 $0xA800  }
0x38a: {  	[tilespmem:s20], [sflag:$0x1] =	stream.linear.gather @!p1 [hbm4b:s8+s3], $0x400, $0x38;
	[tilespmem:$0x18B00] =	vst v63  }
0x38b: {  	s2 =	sadd.s32 @!p1 $0x6AD180, s2;
	s26 =	spop (v2sf);
	s8 =	simm.s32 @!p1 $0xB800  }
0x38c: {  	[tilespmem:s8], [sflag:$0x1] =	stream.linear.gather @!p1 [hbm4b:s2+s3], $0x400, $0x38;
	[tilespmem:$0x18B00] =	vst v63  }
0x38d: {  	p1 =	seq.s32 s26, $0x0  }
0x38e: {  	s2 =	sshll.u32 @!p1 s19, $0x7  }
0x38f: {  	s3 =	simm.s32 @!p1 $0x0;
	s8 =	simm.s32 @!p1 $0x4C00;
	s2 =	sadd.s32 @!p1 s2, s12  }
0x390: {  	(v2sf) =	vpush v28, $0x2;
	[tilespmem:s8], [sflag:$0x1] =	stream.linear.gather @!p1 [hbm4b:s2+s3], $0x400, $0x38;
	[tilespmem:$0x18B00] =	vst v63  }
0x391: {  	s20 =	simm.s32 @!p1 $0x5C00;
	s8 =	sadd.s32 @!p1 $0xF4280, s2  }
0x392: {  	[tilespmem:s20], [sflag:$0x1] =	stream.linear.gather @!p1 [hbm4b:s8+s3], $0x400, $0x38;
	[tilespmem:$0x18B00] =	vst v63  }
0x393: {  	s8 =	sadd.s32 @!p1 $0x1E8500, s2;
	s20 =	simm.s32 @!p1 $0x6C00  }
0x394: {  	[tilespmem:s20], [sflag:$0x1] =	stream.linear.gather @!p1 [hbm4b:s8+s3], $0x400, $0x38;
	[tilespmem:$0x18B00] =	vst v63  }
0x395: {  	s8 =	sadd.s32 @!p1 $0x2DC780, s2;
	s20 =	simm.s32 @!p1 $0x7C00  }
0x396: {  	[tilespmem:s20], [sflag:$0x1] =	stream.linear.gather @!p1 [hbm4b:s8+s3], $0x400, $0x38;
	[tilespmem:$0x18B00] =	vst v63  }
0x397: {  	s8 =	sadd.s32 @!p1 $0x3D0A00, s2;
	s20 =	simm.s32 @!p1 $0x8C00  }
0x398: {  	[tilespmem:s20], [sflag:$0x1] =	stream.linear.gather @!p1 [hbm4b:s8+s3], $0x400, $0x38;
	[tilespmem:$0x18B00] =	vst v63  }
0x399: {  	s8 =	sadd.s32 @!p1 $0x4C4C80, s2;
	s20 =	simm.s32 @!p1 $0x9C00  }
0x39a: {  	[tilespmem:s20], [sflag:$0x1] =	stream.linear.gather @!p1 [hbm4b:s8+s3], $0x400, $0x38;
	[tilespmem:$0x18B00] =	vst v63  }
0x39b: {  	s8 =	sadd.s32 @!p1 $0x5B8F00, s2;
	s20 =	simm.s32 @!p1 $0xAC00  }
0x39c: {  	[tilespmem:s20], [sflag:$0x1] =	stream.linear.gather @!p1 [hbm4b:s8+s3], $0x400, $0x38;
	[tilespmem:$0x18B00] =	vst v63  }
0x39d: {  	s2 =	sadd.s32 @!p1 $0x6AD180, s2;
	s8 =	simm.s32 @!p1 $0xBC00  }
0x39e: {  	[tilespmem:s8], [sflag:$0x1] =	stream.linear.gather @!p1 [hbm4b:s2+s3], $0x400, $0x38;
	[tilespmem:$0x18B00] =	vst v63  }
0x39f: {  	s3 =	spop (v2sf)  }
0x3a0: {  	p1 =	seq.s32 s3, $0x0  }
0x3a1: {  	s2 =	sshll.u32 @!p1 s19, $0x7  }
0x3a2: {  	s3 =	simm.s32 @!p1 $0x0;
	s8 =	simm.s32 @!p1 $0x5000;
	s2 =	sadd.s32 @!p1 s2, s15  }
0x3a3: {  	(v2sf) =	vpush v28, $0x3;
	[tilespmem:s8], [sflag:$0x1] =	stream.linear.gather @!p1 [hbm4b:s2+s3], $0x400, $0x38;
	[tilespmem:$0x18B00] =	vst v63  }
0x3a4: {  	s20 =	simm.s32 @!p1 $0x6000;
	s8 =	sadd.s32 @!p1 $0xF4280, s2  }
0x3a5: {  	[tilespmem:s20], [sflag:$0x1] =	stream.linear.gather @!p1 [hbm4b:s8+s3], $0x400, $0x38;
	[tilespmem:$0x18B00] =	vst v63  }
0x3a6: {  	s8 =	sadd.s32 @!p1 $0x1E8500, s2;
	s20 =	simm.s32 @!p1 $0x7000  }
0x3a7: {  	[tilespmem:s20], [sflag:$0x1] =	stream.linear.gather @!p1 [hbm4b:s8+s3], $0x400, $0x38;
	[tilespmem:$0x18B00] =	vst v63  }
0x3a8: {  	s8 =	sadd.s32 @!p1 $0x2DC780, s2;
	s20 =	simm.s32 @!p1 $0x8000  }
0x3a9: {  	[tilespmem:s20], [sflag:$0x1] =	stream.linear.gather @!p1 [hbm4b:s8+s3], $0x400, $0x38;
	[tilespmem:$0x18B00] =	vst v63  }
0x3aa: {  	s8 =	sadd.s32 @!p1 $0x3D0A00, s2;
	s20 =	simm.s32 @!p1 $0x9000  }
0x3ab: {  	[tilespmem:s20], [sflag:$0x1] =	stream.linear.gather @!p1 [hbm4b:s8+s3], $0x400, $0x38;
	[tilespmem:$0x18B00] =	vst v63  }
0x3ac: {  	s8 =	sadd.s32 @!p1 $0x4C4C80, s2;
	s20 =	simm.s32 @!p1 $0xA000  }
0x3ad: {  	[tilespmem:s20], [sflag:$0x1] =	stream.linear.gather @!p1 [hbm4b:s8+s3], $0x400, $0x38;
	[tilespmem:$0x18B00] =	vst v63  }
0x3ae: {  	s8 =	sadd.s32 @!p1 $0x5B8F00, s2;
	s20 =	simm.s32 @!p1 $0xB000  }
0x3af: {  	[tilespmem:s20], [sflag:$0x1] =	stream.linear.gather @!p1 [hbm4b:s8+s3], $0x400, $0x38;
	[tilespmem:$0x18B00] =	vst v63  }
0x3b0: {  	s2 =	sadd.s32 @!p1 $0x6AD180, s2;
	s8 =	simm.s32 @!p1 $0xC000  }
0x3b1: {  	[tilespmem:s8], [sflag:$0x1] =	stream.linear.gather @!p1 [hbm4b:s2+s3], $0x400, $0x38;
	[tilespmem:$0x18B00] =	vst v63  }
0x3b2: {  	s8 =	spop (v2sf)  }
0x3b3: {  	p1 =	seq.s32 s8, $0x0  }
0x3b4: {  	s2 =	sshll.u32 @!p1 s19, $0x7  }
0x3b5: {  	s3 =	simm.s32 @!p1 $0x0;
	s8 =	simm.s32 @!p1 $0x5400;
	s2 =	sadd.s32 @!p1 s2, s17  }
0x3b6: {  	[tilespmem:s8], [sflag:$0x1] =	stream.linear.gather @!p1 [hbm4b:s2+s3], $0x400, $0x38;
	[tilespmem:$0x18B00] =	vst v63  }
0x3b7: {  	s19 =	simm.s32 @!p1 $0x6400;
	s8 =	sadd.s32 @!p1 $0xF4280, s2  }
0x3b8: {  	[tilespmem:s19], [sflag:$0x1] =	stream.linear.gather @!p1 [hbm4b:s8+s3], $0x400, $0x38;
	[tilespmem:$0x18B00] =	vst v63  }
0x3b9: {  	s8 =	sadd.s32 @!p1 $0x1E8500, s2;
	s19 =	simm.s32 @!p1 $0x7400  }
0x3ba: {  	[tilespmem:s19], [sflag:$0x1] =	stream.linear.gather @!p1 [hbm4b:s8+s3], $0x400, $0x38;
	[tilespmem:$0x18B00] =	vst v63  }
0x3bb: {  	s8 =	sadd.s32 @!p1 $0x2DC780, s2;
	s19 =	simm.s32 @!p1 $0x8400  }
0x3bc: {  	[tilespmem:s19], [sflag:$0x1] =	stream.linear.gather @!p1 [hbm4b:s8+s3], $0x400, $0x38;
	[tilespmem:$0x18B00] =	vst v63  }
0x3bd: {  	s8 =	sadd.s32 @!p1 $0x3D0A00, s2;
	s19 =	simm.s32 @!p1 $0x9400  }
0x3be: {  	[tilespmem:s19], [sflag:$0x1] =	stream.linear.gather @!p1 [hbm4b:s8+s3], $0x400, $0x38;
	[tilespmem:$0x18B00] =	vst v63  }
0x3bf: {  	s19 =	rddreg [dreg:$0x12]  }
0x3c0: {  	s8 =	sadd.s32 s18, s19  }
0x3c1: {  	s19 =	smin.u32 s8, $0x1E81  }
0x3c2: {  	s20 =	simm.s32 @!p1 $0xA400;
	s8 =	sadd.s32 @!p1 $0x4C4C80, s2;
	s21 =	ssub.s32 s19, s1  }
0x3c3: {  	[tilespmem:s20], [sflag:$0x1] =	stream.linear.gather @!p1 [hbm4b:s8+s3], $0x400, $0x38;
	v28 =	vadd.s32 s21, v1;
	[tilespmem:$0x18B00] =	vst v63  }
0x3c4: {  	s8 =	sadd.s32 @!p1 $0x5B8F00, s2;
	s20 =	simm.s32 @!p1 $0xB400  }
0x3c5: {  	[tilespmem:s20], [sflag:$0x1] =	stream.linear.gather @!p1 [hbm4b:s8+s3], $0x400, $0x38;
	[tilespmem:$0x18B00] =	vst v63  }
0x3c6: {  	s2 =	sadd.s32 @!p1 $0x6AD180, s2;
	s8 =	simm.s32 @!p1 $0xC400  }
0x3c7: {  	[tilespmem:s8], [sflag:$0x1] =	stream.linear.gather @!p1 [hbm4b:s2+s3], $0x400, $0x38;
	[tilespmem:$0x18B00] =	vst v63  }
0x3c8: {  	v28 =	vld.idx.msk [tilespmem:v28+s30+$0x0], $0xffff;
	_ =	sdelay $0x4  }
0x3c9: {  	(v2sf) =	vpush v28, $0x0;
	_ =	sdelay $0xe  }
0x3ca: {  	s20 =	spop (v2sf)  }
0x3cb: {  	p1 =	seq.s32 s20, $0x0  }
0x3cc: {  	s2 =	simm.s32 @!p1 $0x1  }
0x3cd: {  	_ =	swait.ge @!p1 [sflag:s2], $0x2000  }
0x3ce: {  	(v2sf) =	vpush v28, $0x1;
	_ =	sdelay $0xe  }
0x3cf: {  	s21 =	spop (v2sf)  }
0x3d0: {  	[sflag:s2] =	ssyncset.done @!p1 $0x0;
	p2 =	seq.s32 s21, $0x0  }
0x3d1: {  	[sflag:s2] =	ssyncadd.s32 @!p1 $0xFFFFE000;
	s2 =	simm.s32 @!p2 $0x1  }
0x3d2: {  	_ =	swait.ge @!p2 [sflag:s2], $0x2000  }
0x3d3: {  	(v2sf) =	vpush v28, $0x2;
	_ =	sdelay $0xe  }
0x3d4: {  	s22 =	spop (v2sf)  }
0x3d5: {  	[sflag:s2] =	ssyncset.done @!p2 $0x0;
	p1 =	seq.s32 s22, $0x0  }
0x3d6: {  	[sflag:s2] =	ssyncadd.s32 @!p2 $0xFFFFE000;
	s2 =	simm.s32 @!p1 $0x1  }
0x3d7: {  	_ =	swait.ge @!p1 [sflag:s2], $0x2000  }
0x3d8: {  	(v2sf) =	vpush v28, $0x3;
	_ =	sdelay $0xe  }
0x3d9: {  	s26 =	spop (v2sf)  }
.Ltmp26:
0x3da: {  	[sflag:s2] =	ssyncset.done @!p1 $0x0;
	p2 =	seq.s32 s26, $0x0;
	(pc) =	sbr.rel @p0 .LBB2_44-.Ltmp26, $4  }
0x3db: {  	[sflag:s2] =	ssyncadd.s32 @!p1 $0xFFFFE000;
	s2 =	simm.s32 @!p2 $0x1  }
0x3dc: {  	_ =	swait.ge @!p2 [sflag:s2], $0x2000  }
0x3dd: {  	[sflag:s2] =	ssyncset.done @!p2 $0x0  }
0x3de: {  	[sflag:s2] =	ssyncadd.s32 @!p2 $0xFFFFE000  }
0x3df: {  	p2 =	sne.s32 s13, $0x1  }
.Ltmp27:
0x3e0: {  	_ = 	snop;
	(pc) =	sbr.rel @!p2 .LBB2_36-.Ltmp27, $3  }
0x3e1: {  	_ =	sdelay $0x1  }
0x3e2: {  	s2 =	sadd.s32 $0x4, s19;
	s20 =	simm.s32 $0x0;
	s22 =	simm.s32 $0x4000  }
0x3e3: {  	v28 =	vmov s19;
	s21 =	simm.s32 $0x4400;
	p1 =	por $0x0, $0x0;
	v29 =	vmov s2;
	s2 =	sadd.s32 $0xFFFFFFFF, s13  }
0x3e4: {  	v30 =	vld [tilespmem:s22+$0x0];
	_ =	sdelay $0x4  }
0x3e5: {  	v31 =	vshrl.u32 v30, $0x7  }
0x3e6: {  	vm0 =	vge.u32 v31, v28;
	vm1 =	vlt.u32 v31, v29  }
0x3e7: {  	vm0 =	vmand vm0, vm1  }
0x3e8: {  	v31 =	vmpcnt.ones.xlane vm0;
	v32 =	vsel vm0, $0x1, v13  }
0x3e9: {  	(xrf0) =	vadd.scan.msk.s32 $0xffff, v32  }
0x3ea: {  	(v2sf) =	vpush v31, $0x0;
	_ =	sdelay $0x1  }
0x3eb: {  	v31 =	vmov s20  }
0x3ec: {  	v31 =	vadd.s32 $0xFFFFFFFF, v31  }
0x3ed: {  	v31 =	vbroadcast v31, $0x0  }
0x3ee: {  	v32, _, _ =	vpop (xrf0)  }
0x3ef: {  	v31 =	vadd.s32 v31, v32  }
0x3f0: {  	vm15 =	vlt.s32 v31, $0x4F  }
0x3f1: {  	v31 =	vnsel vm15, $0x4F, v31  }
0x3f2: {  	v31 =	vsel vm0, v31, v17  }
0x3f3: {  	v63 =	vld [tilespmem:s21+$0x0];
	p2 =	sne.s32 s2, $0x1  }
.Ltmp28:
0x3f4: {  	_ = 	snop;
	(pc) =	sbr.rel @!p2 .LBB2_38-.Ltmp28, $3  }
0x3f5: {  	_ =	sdelay $0x1  }
0x3f6: {  	s3 =	sadd.s32 $0xFFFFFFFF, s2;
	s22 =	simm.s32 $0x4010;
	p1 =	por $0x1, $0x1;
	[tilespmem:v31+s25+$0x0] =	vst.idx.msk $0xffff, v30  }
0x3f7: {  	s2 =	simm.s32 $0x0;
	s8 =	simm.s32 $0x4400;
	s26 =	spop (v2sf);
	[tilespmem:v31+s4+$0x0] =	vst.idx.msk $0xffff, v63  }
.LBB2_39:
0x3f8: {  	p2 =	sne.s32 s3, $0x1;
	v30 =	vld [tilespmem:s22+$0x0];
	s2 =	sadd.s32 s2, s26;
	s8 =	sadd.s32 $0x10, s8  }
0x3f9: {  	s3 =	sadd.s32 $0xFFFFFFFF, s3;
	v31 =	vmov s2  }
0x3fa: {  	v31 =	vadd.s32 $0xFFFFFFFF, v31;
	_ =	sdelay $0x2  }
0x3fb: {  	v32 =	vshrl.u32 v30, $0x7  }
0x3fc: {  	vm0 =	vge.u32 v32, v28;
	vm1 =	vlt.u32 v32, v29  }
0x3fd: {  	vm0 =	vmand vm0, vm1  }
0x3fe: {  	v32 =	vsel vm0, $0x1, v13;
	v33 =	vmpcnt.ones.xlane vm0  }
0x3ff: {  	(xrf0) =	vadd.scan.msk.s32 $0xffff, v32  }
0x400: {  	(v2sf) =	vpush v33, $0x0;
	_ =	sdelay $0x3  }
0x401: {  	v31 =	vbroadcast v31, $0x0  }
0x402: {  	v32, _, _ =	vpop (xrf0)  }
0x403: {  	v31 =	vadd.s32 v31, v32  }
0x404: {  	vm1 =	vlt.s32 v31, $0x4F  }
0x405: {  	v31 =	vnsel vm1, $0x4F, v31  }
0x406: {  	v31 =	vsel vm0, v31, v17  }
0x407: {  	v32 =	vld [tilespmem:s8+$0x0]  }
.Ltmp29:
0x408: {  	(pc) =	sbr.rel @p2 .LBB2_39-.Ltmp29, $3  }
0x409: {  	_ =	sdelay $0x1  }
0x40a: {  	[tilespmem:v31+s25+$0x0] =	vst.idx.msk $0xffff, v30  }
0x40b: {  	s22 =	sadd.s32 $0x10, s22;
	[tilespmem:v31+s4+$0x0] =	vst.idx.msk $0xffff, v32;
	s26 =	spop (v2sf)  }
.LBB2_40:
0x40c: {  	v30 =	vld [tilespmem:s22+$0x0];
	_ =	sdelay $0x4  }
0x40d: {  	v31 =	vshrl.u32 v30, $0x7  }
0x40e: {  	vm0 =	vge.u32 v31, v28;
	vm1 =	vlt.u32 v31, v29  }
0x40f: {  	vm0 =	vmand vm0, vm1  }
0x410: {  	v28 =	vmpcnt.ones.xlane vm0;
	_ =	sdelay $0x1  }
0x411: {  	(v2sf) =	vpush v28, $0x0;
	_ =	sdelay $0x4  }
0x412: {  	v28 =	vsel vm0, $0x1, v13  }
0x413: {  	(xrf0) =	vadd.scan.msk.s32 $0xffff, v28  }
0x414: {  	s2 =	sadd.s32 @p1 s2, s26  }
0x415: {  	s20 =	smov.u32 @p1 s2  }
0x416: {  	v28 =	vmov s20  }
0x417: {  	v28 =	vadd.s32 $0xFFFFFFFF, v28  }
0x418: {  	v28 =	vbroadcast v28, $0x0  }
0x419: {  	v29, _, _ =	vpop (xrf0)  }
0x41a: {  	v28 =	vadd.s32 v28, v29  }
0x41b: {  	vm15 =	vlt.s32 v28, $0x4F  }
0x41c: {  	s2 =	sadd.s32 @p1 $0x10, s8;
	v28 =	vnsel vm15, $0x4F, v28;
	s26 =	spop (v2sf)  }
0x41d: {  	s21 =	smov.u32 @p1 s2;
	v28 =	vsel vm0, v28, v17;
	s20 =	sadd.s32 s20, s26  }
0x41e: {  	v29 =	vld [tilespmem:s21+$0x0];
	p1 =	slt.s32 s20, $0x1  }
.Ltmp30:
0x41f: {  	_ = 	snop;
	(pc) =	sbr.rel @p1 .LBB2_44-.Ltmp30, $3  }
0x420: {  	_ =	sdelay $0x1  }
0x421: {  	[tilespmem:v28+s25+$0x0] =	vst.idx.msk $0xffff, v30  }
0x422: {  	[tilespmem:v28+s4+$0x0] =	vst.idx.msk $0xffff, v29  }
0x423: {  	s2 =	simm.s32 $0x0  }
0x424: {  	v28 =	vmov s2;
	_ =	sdelay $0x4  }
0x425: {  	v29 =	vld.idx.msk [tilespmem:v28+s25+$0x0], $0xffff;
	_ =	sdelay $0x4  }
0x426: {  	(v2sf) =	vpush v29, $0x0;
	_ =	sdelay $0xe  }
0x427: {  	s19 =	sshll.u32 s19, $0x7;
	s22 =	spop (v2sf)  }
0x428: {  	s2 =	ssub.s32 s22, s19  }
0x429: {  	v29 =	vmov s2  }
0x42a: {  	v30 =	vshll.u32 v29, $0x3  }
0x42b: {  	v29 =	vand.u32 $0x7F, v29;
	v30 =	vand.u32 $0xFFFFFC00, v30  }
0x42c: {  	v30 =	vor.u32 v29, v30  }
0x42d: {  	v31 =	vadd.s32 v18, v30;
	_ =	sdelay $0x1  }
0x42e: {  	s26 =	sadd.s32 $0x0, s14  }
0x42f: {  	v29 =	vmov s26  }
0x430: {  	v32 =	vshll.u32 v29, $0x7  }
0x431: {  	v33 =	vor.u32 v1, v32;
	v31 =	vld.idx.msk [tilespmem:v31+s0+$0x0], $0xffff  }
0x432: {  	v34 =	vadd.s32 v20, v30;
	_ =	sdelay $0x3  }
0x433: {  	v28 =	vld.idx.msk [tilespmem:v28+s4+$0x0], $0xffff;
	[tilespmem:v33+s6+$0x0] =	vst.idx.msk $0xffff, v31  }
0x434: {  	v61 =	vor.u32 v21, v32;
	v31 =	vld.idx.msk [tilespmem:v34+s0+$0x0], $0xffff  }
0x435: {  	v62 =	vadd.s32 v22, v30;
	_ =	sdelay $0x3  }
0x436: {  	[tilespmem:v61+s6+$0x0] =	vst.idx.msk $0xffff, v31  }
0x437: {  	p1 =	slt.s32 s20, $0x40;
	v63 =	vor.u32 v23, v32;
	v31 =	vld.idx.msk [tilespmem:v62+s0+$0x0], $0xffff  }
0x438: {  	s20 =	simm.s32 @!p1 $0x40;
	v30 =	vadd.s32 v24, v30  }
0x439: {  	p1 =	sne.s32 s20, $0x1  }
.Ltmp31:
0x43a: {  	_ = 	snop;
	(pc) =	sbr.rel @!p1 .LBB2_43-.Ltmp31, $4  }
0x43b: {  	_ = 	snop  }
0x43c: {  	[tilespmem:v63+s6+$0x0] =	vst.idx.msk $0xffff, v31  }
0x43d: {  	v31 =	vor.u32 v25, v32;
	v30 =	vld.idx.msk [tilespmem:v30+s0+$0x0], $0xffff  }
0x43e: {  	s21 =	simm.s32 $0x1  }
.LBB2_42:
0x43f: {  	v32 =	vmov s21;
	s2 =	smov.u32 s21  }
0x440: {  	s21 =	sadd.s32 $0x1, s21  }
0x441: {  	v28 =	vbroadcast v28, $0x0;
	p1 =	sne.s32 s20, s21  }
0x442: {  	[tilespmem:v31+s6+$0x0] =	vst.idx.msk $0xffff, v30  }
0x443: {  	[tilespmem:v29+s31+$0x0] =	vst.idx.msk $0xffff, v28  }
0x444: {  	v29 =	vld.idx.msk [tilespmem:v32+s25+$0x0], $0xffff  }
0x445: {  	v28 =	vld.idx.msk [tilespmem:v32+s4+$0x0], $0xffff;
	_ =	sdelay $0x4  }
0x446: {  	(v2sf) =	vpush v29, $0x0;
	_ =	sdelay $0xe  }
0x447: {  	s3 =	spop (v2sf)  }
0x448: {  	s3 =	ssub.s32 s3, s19  }
0x449: {  	v29 =	vmov s3  }
0x44a: {  	v30 =	vshll.u32 v29, $0x3  }
0x44b: {  	v29 =	vand.u32 $0x7F, v29;
	v30 =	vand.u32 $0xFFFFFC00, v30  }
0x44c: {  	v30 =	vor.u32 v29, v30  }
0x44d: {  	v31 =	vadd.s32 v18, v30;
	_ =	sdelay $0x2  }
0x44e: {  	s2 =	sadd.s32 s2, s14  }
0x44f: {  	v29 =	vmov s2  }
0x450: {  	v32 =	vshll.u32 v29, $0x7;
	v31 =	vld.idx.msk [tilespmem:v31+s0+$0x0], $0xffff  }
0x451: {  	v33 =	vor.u32 v1, v32  }
0x452: {  	v34 =	vadd.s32 v20, v30;
	_ =	sdelay $0x3  }
0x453: {  	[tilespmem:v33+s6+$0x0] =	vst.idx.msk $0xffff, v31  }
0x454: {  	v31 =	vld.idx.msk [tilespmem:v34+s0+$0x0], $0xffff  }
0x455: {  	v33 =	vor.u32 v21, v32  }
0x456: {  	v34 =	vadd.s32 v22, v30;
	_ =	sdelay $0x3  }
0x457: {  	[tilespmem:v33+s6+$0x0] =	vst.idx.msk $0xffff, v31  }
0x458: {  	v31 =	vld.idx.msk [tilespmem:v34+s0+$0x0], $0xffff  }
0x459: {  	v33 =	vor.u32 v23, v32  }
0x45a: {  	v30 =	vadd.s32 v24, v30;
	_ =	sdelay $0x1  }
.Ltmp32:
0x45b: {  	(pc) =	sbr.rel @p1 .LBB2_42-.Ltmp32, $4  }
0x45c: {  	_ = 	snop  }
0x45d: {  	[tilespmem:v33+s6+$0x0] =	vst.idx.msk $0xffff, v31  }
0x45e: {  	v30 =	vld.idx.msk [tilespmem:v30+s0+$0x0], $0xffff  }
0x45f: {  	v31 =	vor.u32 v25, v32  }
.Ltmp33:
0x460: {  	_ = 	snop;
	(pc) =	sbr.rel .LBB2_43-.Ltmp33, $1  }
0x461: {  	_ =	sdelay $0x3  }
.LBB2_26:
.Ltmp34:
0x462: {  	(pc) =	sbr.rel .LBB2_30-.Ltmp34, $2  }
0x463: {  	_ =	sdelay $0x2  }
0x464: {  	s2 =	simm.s32 $0x0;
	s8 =	simm.s32 $0x4400  }
.LBB2_36:
.Ltmp35:
0x465: {  	(pc) =	sbr.rel .LBB2_40-.Ltmp35, $2  }
0x466: {  	_ =	sdelay $0x2  }
0x467: {  	s2 =	simm.s32 $0x0;
	s8 =	simm.s32 $0x4400  }
.LBB2_28:
.Ltmp36:
0x468: {  	(pc) =	sbr.rel .LBB2_30-.Ltmp36, $2  }
0x469: {  	_ =	sdelay $0x2  }
0x46a: {  	s2 =	simm.s32 $0x0;
	s8 =	simm.s32 $0x4400  }
.LBB2_38:
.Ltmp37:
0x46b: {  	(pc) =	sbr.rel .LBB2_40-.Ltmp37, $2  }
0x46c: {  	_ =	sdelay $0x2  }
0x46d: {  	s2 =	simm.s32 $0x0;
	s8 =	simm.s32 $0x4400  }
.LBB2_45:
0x46e: {  	_ =	sdelay $0x3  }
0x46f: {  	v28 =	vld.idx.msk [tilespmem:v7+s30+$0x0], $0xffff;
	_ =	sdelay $0x4  }
0x470: {  	(v2sf) =	vpush v28, $0x0;
	_ =	sdelay $0xe  }
0x471: {  	s2 =	spop (v2sf)  }
0x472: {  	p1 =	seq.s32 s2, $0x0  }
0x473: {  	s2 =	simm.s32 @!p1 $0x1  }
0x474: {  	_ =	swait.ge @!p1 [sflag:s2], $0x2000  }
0x475: {  	(v2sf) =	vpush v28, $0x1;
	_ =	sdelay $0xe  }
0x476: {  	s3 =	spop (v2sf)  }
0x477: {  	[sflag:s2] =	ssyncset.done @!p1 $0x0;
	p2 =	seq.s32 s3, $0x0  }
0x478: {  	[sflag:s2] =	ssyncadd.s32 @!p1 $0xFFFFE000;
	s2 =	simm.s32 @!p2 $0x1  }
0x479: {  	_ =	swait.ge @!p2 [sflag:s2], $0x2000  }
0x47a: {  	(v2sf) =	vpush v28, $0x2;
	_ =	sdelay $0xe  }
0x47b: {  	s22 =	spop (v2sf)  }
0x47c: {  	[sflag:s2] =	ssyncset.done @!p2 $0x0;
	p1 =	seq.s32 s22, $0x0  }
0x47d: {  	[sflag:s2] =	ssyncadd.s32 @!p2 $0xFFFFE000;
	s2 =	simm.s32 @!p1 $0x1  }
0x47e: {  	_ =	swait.ge @!p1 [sflag:s2], $0x2000  }
0x47f: {  	(v2sf) =	vpush v28, $0x3;
	_ =	sdelay $0xe  }
0x480: {  	s26 =	spop (v2sf)  }
.Ltmp38:
0x481: {  	[sflag:s2] =	ssyncset.done @!p1 $0x0;
	p2 =	seq.s32 s26, $0x0;
	(pc) =	sbr.rel @p0 .LBB2_55-.Ltmp38, $4  }
0x482: {  	[sflag:s2] =	ssyncadd.s32 @!p1 $0xFFFFE000;
	s2 =	simm.s32 @!p2 $0x1  }
0x483: {  	_ =	swait.ge @!p2 [sflag:s2], $0x2000  }
0x484: {  	[sflag:s2] =	ssyncset.done @!p2 $0x0  }
0x485: {  	[sflag:s2] =	ssyncadd.s32 @!p2 $0xFFFFE000  }
0x486: {  	p2 =	sne.s32 s13, $0x1  }
.Ltmp39:
0x487: {  	_ = 	snop;
	(pc) =	sbr.rel @!p2 .LBB2_47-.Ltmp39, $3  }
0x488: {  	_ =	sdelay $0x1  }
0x489: {  	s16 =	simm.s32 $0x0;
	s19 =	simm.s32 $0x4000  }
0x48a: {  	s18 =	simm.s32 $0x4400;
	s2 =	sadd.s32 $0xFFFFFFFF, s13;
	p1 =	por $0x0, $0x0  }
0x48b: {  	v28 =	vld [tilespmem:s19+$0x0];
	_ =	sdelay $0x4  }
0x48c: {  	v29 =	vshrl.u32 v28, $0x7  }
0x48d: {  	vm0 =	vge.u32 v29, v8;
	vm1 =	vlt.u32 v29, v9  }
0x48e: {  	vm0 =	vmand vm0, vm1  }
0x48f: {  	v29 =	vmpcnt.ones.xlane vm0;
	v30 =	vsel vm0, $0x1, v13  }
0x490: {  	(xrf0) =	vadd.scan.msk.s32 $0xffff, v30  }
0x491: {  	(v2sf) =	vpush v29, $0x0;
	_ =	sdelay $0x1  }
0x492: {  	v29 =	vmov s16  }
0x493: {  	v29 =	vadd.s32 $0xFFFFFFFF, v29  }
0x494: {  	v29 =	vbroadcast v29, $0x0  }
0x495: {  	v30, _, _ =	vpop (xrf0)  }
0x496: {  	v29 =	vadd.s32 v29, v30  }
0x497: {  	vm15 =	vlt.s32 v29, $0x4F  }
0x498: {  	v29 =	vnsel vm15, $0x4F, v29  }
0x499: {  	v29 =	vsel vm0, v29, v17  }
0x49a: {  	v63 =	vld [tilespmem:s18+$0x0];
	p2 =	sne.s32 s2, $0x1  }
.Ltmp40:
0x49b: {  	_ = 	snop;
	(pc) =	sbr.rel @!p2 .LBB2_49-.Ltmp40, $3  }
0x49c: {  	_ =	sdelay $0x1  }
0x49d: {  	s3 =	sadd.s32 $0xFFFFFFFF, s2;
	s19 =	simm.s32 $0x4010;
	p1 =	por $0x1, $0x1;
	[tilespmem:v29+s25+$0x0] =	vst.idx.msk $0xffff, v28  }
0x49e: {  	s2 =	simm.s32 $0x0;
	s8 =	simm.s32 $0x4400;
	s20 =	spop (v2sf);
	[tilespmem:v29+s4+$0x0] =	vst.idx.msk $0xffff, v63  }
.LBB2_50:
0x49f: {  	p2 =	sne.s32 s3, $0x1;
	v28 =	vld [tilespmem:s19+$0x0];
	s2 =	sadd.s32 s2, s20;
	s8 =	sadd.s32 $0x10, s8  }
0x4a0: {  	s3 =	sadd.s32 $0xFFFFFFFF, s3;
	v29 =	vmov s2  }
0x4a1: {  	v29 =	vadd.s32 $0xFFFFFFFF, v29;
	_ =	sdelay $0x2  }
0x4a2: {  	v30 =	vshrl.u32 v28, $0x7  }
0x4a3: {  	vm0 =	vge.u32 v30, v8;
	vm1 =	vlt.u32 v30, v9  }
0x4a4: {  	vm0 =	vmand vm0, vm1  }
0x4a5: {  	v30 =	vsel vm0, $0x1, v13;
	v31 =	vmpcnt.ones.xlane vm0  }
0x4a6: {  	(xrf0) =	vadd.scan.msk.s32 $0xffff, v30  }
0x4a7: {  	(v2sf) =	vpush v31, $0x0;
	_ =	sdelay $0x3  }
0x4a8: {  	v29 =	vbroadcast v29, $0x0  }
0x4a9: {  	v30, _, _ =	vpop (xrf0)  }
0x4aa: {  	v29 =	vadd.s32 v29, v30  }
0x4ab: {  	vm1 =	vlt.s32 v29, $0x4F  }
0x4ac: {  	v29 =	vnsel vm1, $0x4F, v29  }
0x4ad: {  	v29 =	vsel vm0, v29, v17  }
0x4ae: {  	v30 =	vld [tilespmem:s8+$0x0]  }
.Ltmp41:
0x4af: {  	(pc) =	sbr.rel @p2 .LBB2_50-.Ltmp41, $3  }
0x4b0: {  	_ =	sdelay $0x1  }
0x4b1: {  	[tilespmem:v29+s25+$0x0] =	vst.idx.msk $0xffff, v28  }
0x4b2: {  	s19 =	sadd.s32 $0x10, s19;
	[tilespmem:v29+s4+$0x0] =	vst.idx.msk $0xffff, v30;
	s20 =	spop (v2sf)  }
.LBB2_51:
0x4b3: {  	v28 =	vld [tilespmem:s19+$0x0];
	_ =	sdelay $0x4  }
0x4b4: {  	v29 =	vshrl.u32 v28, $0x7  }
0x4b5: {  	vm0 =	vge.u32 v29, v8;
	vm1 =	vlt.u32 v29, v9  }
0x4b6: {  	vm0 =	vmand vm0, vm1  }
0x4b7: {  	v29 =	vmpcnt.ones.xlane vm0;
	_ =	sdelay $0x1  }
0x4b8: {  	(v2sf) =	vpush v29, $0x0;
	_ =	sdelay $0x4  }
0x4b9: {  	v29 =	vsel vm0, $0x1, v13  }
0x4ba: {  	(xrf0) =	vadd.scan.msk.s32 $0xffff, v29  }
0x4bb: {  	s2 =	sadd.s32 @p1 s2, s20  }
0x4bc: {  	s16 =	smov.u32 @p1 s2  }
0x4bd: {  	v29 =	vmov s16  }
0x4be: {  	v29 =	vadd.s32 $0xFFFFFFFF, v29  }
0x4bf: {  	v29 =	vbroadcast v29, $0x0  }
0x4c0: {  	v30, _, _ =	vpop (xrf0)  }
0x4c1: {  	v29 =	vadd.s32 v29, v30  }
0x4c2: {  	vm15 =	vlt.s32 v29, $0x4F  }
0x4c3: {  	s2 =	sadd.s32 @p1 $0x10, s8;
	v29 =	vnsel vm15, $0x4F, v29;
	s26 =	spop (v2sf)  }
0x4c4: {  	s18 =	smov.u32 @p1 s2;
	v29 =	vsel vm0, v29, v17;
	s16 =	sadd.s32 s16, s26  }
0x4c5: {  	v63 =	vld [tilespmem:s18+$0x0];
	p1 =	slt.s32 s16, $0x1  }
.Ltmp42:
0x4c6: {  	_ = 	snop;
	(pc) =	sbr.rel @p1 .LBB2_55-.Ltmp42, $3  }
0x4c7: {  	_ =	sdelay $0x1  }
0x4c8: {  	[tilespmem:v29+s25+$0x0] =	vst.idx.msk $0xffff, v28  }
0x4c9: {  	[tilespmem:v29+s4+$0x0] =	vst.idx.msk $0xffff, v63  }
0x4ca: {  	s2 =	simm.s32 $0x0  }
0x4cb: {  	v28 =	vmov s2;
	_ =	sdelay $0x4  }
0x4cc: {  	v29 =	vld.idx.msk [tilespmem:v28+s25+$0x0], $0xffff;
	_ =	sdelay $0x4  }
0x4cd: {  	(v2sf) =	vpush v29, $0x0;
	_ =	sdelay $0xe  }
0x4ce: {  	s22 =	spop (v2sf)  }
0x4cf: {  	s2 =	ssub.s32 s22, s23  }
0x4d0: {  	v29 =	vmov s2  }
0x4d1: {  	v30 =	vshll.u32 v29, $0x3  }
0x4d2: {  	v29 =	vand.u32 $0x7F, v29;
	v30 =	vand.u32 $0xFFFFFC00, v30  }
0x4d3: {  	v30 =	vor.u32 v29, v30  }
0x4d4: {  	v31 =	vadd.s32 v18, v30;
	_ =	sdelay $0x1  }
0x4d5: {  	s26 =	sadd.s32 $0x0, s14  }
0x4d6: {  	v29 =	vmov s26  }
0x4d7: {  	v32 =	vshll.u32 v29, $0x7  }
0x4d8: {  	v33 =	vor.u32 v1, v32;
	v31 =	vld.idx.msk [tilespmem:v31+s5+$0x0], $0xffff  }
0x4d9: {  	v34 =	vadd.s32 v20, v30;
	_ =	sdelay $0x3  }
0x4da: {  	v28 =	vld.idx.msk [tilespmem:v28+s4+$0x0], $0xffff;
	[tilespmem:v33+s6+$0x0] =	vst.idx.msk $0xffff, v31  }
0x4db: {  	v61 =	vor.u32 v21, v32;
	v31 =	vld.idx.msk [tilespmem:v34+s5+$0x0], $0xffff  }
0x4dc: {  	v62 =	vadd.s32 v22, v30;
	_ =	sdelay $0x3  }
0x4dd: {  	p1 =	slt.s32 s16, $0x40;
	[tilespmem:v61+s6+$0x0] =	vst.idx.msk $0xffff, v31  }
0x4de: {  	s16 =	simm.s32 @!p1 $0x40;
	v63 =	vor.u32 v23, v32;
	v31 =	vld.idx.msk [tilespmem:v62+s5+$0x0], $0xffff  }
0x4df: {  	p1 =	sne.s32 s16, $0x1;
	v30 =	vadd.s32 v24, v30  }
.Ltmp43:
0x4e0: {  	_ = 	snop;
	(pc) =	sbr.rel @!p1 .LBB2_54-.Ltmp43, $3  }
0x4e1: {  	_ =	sdelay $0x1  }
0x4e2: {  	[tilespmem:v63+s6+$0x0] =	vst.idx.msk $0xffff, v31  }
0x4e3: {  	s18 =	simm.s32 $0x1;
	v31 =	vor.u32 v25, v32;
	v30 =	vld.idx.msk [tilespmem:v30+s5+$0x0], $0xffff  }
.LBB2_53:
0x4e4: {  	_ = 	snop  }
0x4e5: {  	v32 =	vmov s18;
	s2 =	smov.u32 s18  }
0x4e6: {  	s18 =	sadd.s32 $0x1, s18  }
0x4e7: {  	v28 =	vbroadcast v28, $0x0;
	p1 =	sne.s32 s16, s18  }
0x4e8: {  	[tilespmem:v31+s6+$0x0] =	vst.idx.msk $0xffff, v30  }
0x4e9: {  	[tilespmem:v29+s31+$0x0] =	vst.idx.msk $0xffff, v28  }
0x4ea: {  	v29 =	vld.idx.msk [tilespmem:v32+s25+$0x0], $0xffff  }
0x4eb: {  	v28 =	vld.idx.msk [tilespmem:v32+s4+$0x0], $0xffff;
	_ =	sdelay $0x4  }
0x4ec: {  	(v2sf) =	vpush v29, $0x0;
	_ =	sdelay $0xe  }
0x4ed: {  	s3 =	spop (v2sf)  }
0x4ee: {  	s3 =	ssub.s32 s3, s23  }
0x4ef: {  	v29 =	vmov s3  }
0x4f0: {  	v30 =	vshll.u32 v29, $0x3  }
0x4f1: {  	v29 =	vand.u32 $0x7F, v29;
	v30 =	vand.u32 $0xFFFFFC00, v30  }
0x4f2: {  	v30 =	vor.u32 v29, v30  }
0x4f3: {  	v31 =	vadd.s32 v18, v30;
	_ =	sdelay $0x2  }
0x4f4: {  	s2 =	sadd.s32 s2, s14  }
0x4f5: {  	v29 =	vmov s2  }
0x4f6: {  	v32 =	vshll.u32 v29, $0x7;
	v31 =	vld.idx.msk [tilespmem:v31+s5+$0x0], $0xffff  }
0x4f7: {  	v33 =	vor.u32 v1, v32  }
0x4f8: {  	v34 =	vadd.s32 v20, v30;
	_ =	sdelay $0x3  }
0x4f9: {  	[tilespmem:v33+s6+$0x0] =	vst.idx.msk $0xffff, v31  }
0x4fa: {  	v31 =	vld.idx.msk [tilespmem:v34+s5+$0x0], $0xffff  }
0x4fb: {  	v33 =	vor.u32 v21, v32  }
0x4fc: {  	v34 =	vadd.s32 v22, v30;
	_ =	sdelay $0x3  }
0x4fd: {  	[tilespmem:v33+s6+$0x0] =	vst.idx.msk $0xffff, v31  }
0x4fe: {  	v31 =	vld.idx.msk [tilespmem:v34+s5+$0x0], $0xffff  }
0x4ff: {  	v33 =	vor.u32 v23, v32  }
0x500: {  	v30 =	vadd.s32 v24, v30;
	_ =	sdelay $0x1  }
.Ltmp44:
0x501: {  	(pc) =	sbr.rel @p1 .LBB2_53-.Ltmp44, $4  }
0x502: {  	_ = 	snop  }
0x503: {  	[tilespmem:v33+s6+$0x0] =	vst.idx.msk $0xffff, v31  }
0x504: {  	v30 =	vld.idx.msk [tilespmem:v30+s5+$0x0], $0xffff  }
0x505: {  	v31 =	vor.u32 v25, v32  }
.LBB2_54:
0x506: {  	_ =	sdelay $0x2  }
0x507: {  	v28 =	vbroadcast v28, $0x0;
	s14 =	sadd.s32 s18, s14  }
0x508: {  	s16 =	rddreg [dreg:$0x5];
	p1 =	slt.s32 s14, $0x40;
	[tilespmem:v31+s6+$0x0] =	vst.idx.msk $0xffff, v30  }
0x509: {  	s2 =	simm.s32 @!p1 $0x80;
	s3 =	simm.s32 @!p1 $0x18800;
	s8 =	simm.s32 @!p1 $0x14800;
	[tilespmem:v29+s31+$0x0] =	vst.idx.msk $0xffff, v28  }
0x50a: {  	[hbm4b:s16+s2] =	stream.indirect.scatter @!p1 [tilespmem:s8], [sflag:$0x2], $0x80, s3, s2, $0xb8;
	[tilespmem:$0x18B00] =	vst v63  }
0x50b: {  	s2 =	simm.s32 @!p1 $0x2  }
0x50c: {  	_ =	swait.ge @!p1 [sflag:s2], $0x4000  }
0x50d: {  	[sflag:s2] =	ssyncset.done @!p1 $0x0  }
0x50e: {  	[sflag:s2] =	ssyncadd.s32 @!p1 $0xFFFFC000  }
0x50f: {  	[tilespmem:$0x18800] =	vst @!p1 v4  }
0x510: {  	[tilespmem:$0x18810] =	vst @!p1 v4  }
0x511: {  	[tilespmem:$0x18820] =	vst @!p1 v4  }
0x512: {  	[tilespmem:$0x18830] =	vst @!p1 v4  }
0x513: {  	[tilespmem:$0x18840] =	vst @!p1 v4  }
0x514: {  	[tilespmem:$0x18850] =	vst @!p1 v4  }
0x515: {  	[tilespmem:$0x18860] =	vst @!p1 v4  }
0x516: {  	s14 =	simm.s32 @!p1 $0x0;
	[tilespmem:$0x18870] =	vst @!p1 v4  }
.LBB2_55:
0x517: {  	_ =	sdelay $0x3  }
0x518: {  	v28 =	vld.idx.msk [tilespmem:v10+s30+$0x0], $0xffff;
	_ =	sdelay $0x4  }
0x519: {  	(v2sf) =	vpush v28, $0x0;
	_ =	sdelay $0xe  }
0x51a: {  	s2 =	spop (v2sf)  }
0x51b: {  	p1 =	seq.s32 s2, $0x0  }
0x51c: {  	s2 =	simm.s32 @!p1 $0x1  }
0x51d: {  	_ =	swait.ge @!p1 [sflag:s2], $0x2000  }
0x51e: {  	(v2sf) =	vpush v28, $0x1;
	_ =	sdelay $0xe  }
0x51f: {  	s3 =	spop (v2sf)  }
0x520: {  	[sflag:s2] =	ssyncset.done @!p1 $0x0;
	p2 =	seq.s32 s3, $0x0  }
0x521: {  	[sflag:s2] =	ssyncadd.s32 @!p1 $0xFFFFE000;
	s2 =	simm.s32 @!p2 $0x1  }
0x522: {  	_ =	swait.ge @!p2 [sflag:s2], $0x2000  }
0x523: {  	(v2sf) =	vpush v28, $0x2;
	_ =	sdelay $0xe  }
0x524: {  	s22 =	spop (v2sf)  }
0x525: {  	[sflag:s2] =	ssyncset.done @!p2 $0x0;
	p1 =	seq.s32 s22, $0x0  }
0x526: {  	[sflag:s2] =	ssyncadd.s32 @!p2 $0xFFFFE000;
	s2 =	simm.s32 @!p1 $0x1  }
0x527: {  	_ =	swait.ge @!p1 [sflag:s2], $0x2000  }
0x528: {  	(v2sf) =	vpush v28, $0x3;
	_ =	sdelay $0xe  }
0x529: {  	s26 =	spop (v2sf)  }
.Ltmp45:
0x52a: {  	[sflag:s2] =	ssyncset.done @!p1 $0x0;
	p2 =	seq.s32 s26, $0x0;
	(pc) =	sbr.rel @p0 .LBB2_65-.Ltmp45, $4  }
0x52b: {  	[sflag:s2] =	ssyncadd.s32 @!p1 $0xFFFFE000;
	s2 =	simm.s32 @!p2 $0x1  }
0x52c: {  	_ =	swait.ge @!p2 [sflag:s2], $0x2000  }
0x52d: {  	[sflag:s2] =	ssyncset.done @!p2 $0x0  }
0x52e: {  	s8 =	rddreg [dreg:$0x13];
	[sflag:s2] =	ssyncadd.s32 @!p2 $0xFFFFE000  }
0x52f: {  	p1 =	sne.s32 s13, $0x1  }
.Ltmp46:
0x530: {  	_ = 	snop;
	(pc) =	sbr.rel @!p1 .LBB2_57-.Ltmp46, $3  }
0x531: {  	_ =	sdelay $0x1  }
0x532: {  	s16 =	simm.s32 $0x0;
	s19 =	simm.s32 $0x4000  }
0x533: {  	s18 =	simm.s32 $0x4400;
	s2 =	sadd.s32 $0xFFFFFFFF, s13;
	p0 =	por $0x0, $0x0  }
0x534: {  	v28 =	vld [tilespmem:s19+$0x0];
	_ =	sdelay $0x4  }
0x535: {  	v29 =	vshrl.u32 v28, $0x7  }
0x536: {  	vm0 =	vge.u32 v29, v11;
	vm1 =	vlt.u32 v29, v12  }
0x537: {  	vm0 =	vmand vm0, vm1  }
0x538: {  	v29 =	vmpcnt.ones.xlane vm0;
	v30 =	vsel vm0, $0x1, v13  }
0x539: {  	(xrf0) =	vadd.scan.msk.s32 $0xffff, v30  }
0x53a: {  	(v2sf) =	vpush v29, $0x0;
	_ =	sdelay $0x1  }
0x53b: {  	v29 =	vmov s16  }
0x53c: {  	v29 =	vadd.s32 $0xFFFFFFFF, v29  }
0x53d: {  	v29 =	vbroadcast v29, $0x0  }
0x53e: {  	v30, _, _ =	vpop (xrf0)  }
0x53f: {  	v29 =	vadd.s32 v29, v30  }
0x540: {  	vm15 =	vlt.s32 v29, $0x4F  }
0x541: {  	v29 =	vnsel vm15, $0x4F, v29  }
0x542: {  	v29 =	vsel vm0, v29, v17  }
0x543: {  	v63 =	vld [tilespmem:s18+$0x0];
	p1 =	sne.s32 s2, $0x1  }
.Ltmp47:
0x544: {  	_ = 	snop;
	(pc) =	sbr.rel @!p1 .LBB2_59-.Ltmp47, $3  }
0x545: {  	_ =	sdelay $0x1  }
0x546: {  	s3 =	sadd.s32 $0xFFFFFFFF, s2;
	s19 =	simm.s32 $0x4010;
	p0 =	por $0x1, $0x1;
	[tilespmem:v29+s25+$0x0] =	vst.idx.msk $0xffff, v28  }
0x547: {  	s2 =	simm.s32 $0x0;
	s8 =	simm.s32 $0x4400;
	s13 =	spop (v2sf);
	[tilespmem:v29+s4+$0x0] =	vst.idx.msk $0xffff, v63  }
.LBB2_60:
0x548: {  	p1 =	sne.s32 s3, $0x1;
	v28 =	vld [tilespmem:s19+$0x0];
	s2 =	sadd.s32 s2, s13;
	s8 =	sadd.s32 $0x10, s8  }
0x549: {  	s3 =	sadd.s32 $0xFFFFFFFF, s3;
	v29 =	vmov s2  }
0x54a: {  	v29 =	vadd.s32 $0xFFFFFFFF, v29;
	_ =	sdelay $0x2  }
0x54b: {  	v30 =	vshrl.u32 v28, $0x7  }
0x54c: {  	vm0 =	vge.u32 v30, v11;
	vm1 =	vlt.u32 v30, v12  }
0x54d: {  	vm0 =	vmand vm0, vm1  }
0x54e: {  	v30 =	vsel vm0, $0x1, v13;
	v31 =	vmpcnt.ones.xlane vm0  }
0x54f: {  	(xrf0) =	vadd.scan.msk.s32 $0xffff, v30  }
0x550: {  	(v2sf) =	vpush v31, $0x0;
	_ =	sdelay $0x3  }
0x551: {  	v29 =	vbroadcast v29, $0x0  }
0x552: {  	v30, _, _ =	vpop (xrf0)  }
0x553: {  	v29 =	vadd.s32 v29, v30  }
0x554: {  	vm1 =	vlt.s32 v29, $0x4F  }
0x555: {  	v29 =	vnsel vm1, $0x4F, v29  }
0x556: {  	v29 =	vsel vm0, v29, v17  }
0x557: {  	v30 =	vld [tilespmem:s8+$0x0]  }
.Ltmp48:
0x558: {  	(pc) =	sbr.rel @p1 .LBB2_60-.Ltmp48, $3  }
0x559: {  	_ =	sdelay $0x1  }
0x55a: {  	[tilespmem:v29+s25+$0x0] =	vst.idx.msk $0xffff, v28  }
0x55b: {  	s19 =	sadd.s32 $0x10, s19;
	[tilespmem:v29+s4+$0x0] =	vst.idx.msk $0xffff, v30;
	s13 =	spop (v2sf)  }
.LBB2_61:
0x55c: {  	v28 =	vld [tilespmem:s19+$0x0];
	_ =	sdelay $0x4  }
0x55d: {  	v29 =	vshrl.u32 v28, $0x7  }
0x55e: {  	vm0 =	vge.u32 v29, v11;
	vm1 =	vlt.u32 v29, v12  }
0x55f: {  	vm0 =	vmand vm0, vm1  }
0x560: {  	v29 =	vmpcnt.ones.xlane vm0;
	_ =	sdelay $0x1  }
0x561: {  	(v2sf) =	vpush v29, $0x0;
	_ =	sdelay $0x4  }
0x562: {  	v29 =	vsel vm0, $0x1, v13  }
0x563: {  	(xrf0) =	vadd.scan.msk.s32 $0xffff, v29  }
0x564: {  	s2 =	sadd.s32 @p0 s2, s13  }
0x565: {  	s16 =	smov.u32 @p0 s2  }
0x566: {  	v29 =	vmov s16  }
0x567: {  	v29 =	vadd.s32 $0xFFFFFFFF, v29  }
0x568: {  	v29 =	vbroadcast v29, $0x0  }
0x569: {  	v30, _, _ =	vpop (xrf0)  }
0x56a: {  	v29 =	vadd.s32 v29, v30  }
0x56b: {  	vm15 =	vlt.s32 v29, $0x4F  }
0x56c: {  	s2 =	sadd.s32 @p0 $0x10, s8;
	v29 =	vnsel vm15, $0x4F, v29;
	s26 =	spop (v2sf)  }
0x56d: {  	s18 =	smov.u32 @p0 s2;
	v29 =	vsel vm0, v29, v17;
	s13 =	sadd.s32 s16, s26  }
0x56e: {  	v63 =	vld [tilespmem:s18+$0x0];
	p0 =	slt.s32 s13, $0x1  }
.Ltmp49:
0x56f: {  	_ = 	snop;
	(pc) =	sbr.rel @p0 .LBB2_65-.Ltmp49, $3  }
0x570: {  	_ =	sdelay $0x1  }
0x571: {  	[tilespmem:v29+s25+$0x0] =	vst.idx.msk $0xffff, v28  }
0x572: {  	s8 =	rddreg [dreg:$0x13];
	[tilespmem:v29+s4+$0x0] =	vst.idx.msk $0xffff, v63  }
0x573: {  	s2 =	simm.s32 $0x0  }
0x574: {  	v28 =	vmov s2;
	_ =	sdelay $0x4  }
0x575: {  	v29 =	vld.idx.msk [tilespmem:v28+s25+$0x0], $0xffff;
	_ =	sdelay $0x4  }
0x576: {  	(v2sf) =	vpush v29, $0x0;
	_ =	sdelay $0xe  }
0x577: {  	s22 =	spop (v2sf)  }
0x578: {  	s2 =	ssub.s32 s22, s24  }
0x579: {  	v29 =	vmov s2  }
0x57a: {  	v30 =	vshll.u32 v29, $0x3  }
0x57b: {  	v29 =	vand.u32 $0x7F, v29;
	v30 =	vand.u32 $0xFFFFFC00, v30  }
0x57c: {  	v30 =	vor.u32 v29, v30  }
0x57d: {  	v31 =	vadd.s32 v18, v30;
	_ =	sdelay $0x1  }
0x57e: {  	s26 =	sadd.s32 $0x0, s14  }
0x57f: {  	v29 =	vmov s26  }
0x580: {  	v32 =	vshll.u32 v29, $0x7  }
0x581: {  	v33 =	vor.u32 v1, v32;
	v31 =	vld.idx.msk [tilespmem:v31+s0+$0x0], $0xffff  }
0x582: {  	v34 =	vadd.s32 v20, v30;
	_ =	sdelay $0x3  }
0x583: {  	v28 =	vld.idx.msk [tilespmem:v28+s4+$0x0], $0xffff;
	[tilespmem:v33+s6+$0x0] =	vst.idx.msk $0xffff, v31  }
0x584: {  	v61 =	vor.u32 v21, v32;
	v31 =	vld.idx.msk [tilespmem:v34+s0+$0x0], $0xffff  }
0x585: {  	v62 =	vadd.s32 v22, v30;
	_ =	sdelay $0x3  }
0x586: {  	[tilespmem:v61+s6+$0x0] =	vst.idx.msk $0xffff, v31  }
0x587: {  	p0 =	slt.s32 s13, $0x40;
	v63 =	vor.u32 v23, v32;
	v31 =	vld.idx.msk [tilespmem:v62+s0+$0x0], $0xffff  }
0x588: {  	s13 =	simm.s32 @!p0 $0x40;
	v30 =	vadd.s32 v24, v30  }
0x589: {  	p0 =	sne.s32 s13, $0x1  }
.Ltmp50:
0x58a: {  	_ = 	snop;
	(pc) =	sbr.rel @!p0 .LBB2_64-.Ltmp50, $4  }
0x58b: {  	_ = 	snop  }
0x58c: {  	[tilespmem:v63+s6+$0x0] =	vst.idx.msk $0xffff, v31  }
0x58d: {  	v31 =	vor.u32 v25, v32;
	v30 =	vld.idx.msk [tilespmem:v30+s0+$0x0], $0xffff  }
0x58e: {  	s16 =	simm.s32 $0x1  }
.LBB2_63:
0x58f: {  	v32 =	vmov s16;
	s2 =	smov.u32 s16  }
0x590: {  	s16 =	sadd.s32 $0x1, s16  }
0x591: {  	v28 =	vbroadcast v28, $0x0;
	p0 =	sne.s32 s13, s16  }
0x592: {  	[tilespmem:v31+s6+$0x0] =	vst.idx.msk $0xffff, v30  }
0x593: {  	[tilespmem:v29+s31+$0x0] =	vst.idx.msk $0xffff, v28  }
0x594: {  	v29 =	vld.idx.msk [tilespmem:v32+s25+$0x0], $0xffff  }
0x595: {  	v28 =	vld.idx.msk [tilespmem:v32+s4+$0x0], $0xffff;
	_ =	sdelay $0x4  }
0x596: {  	(v2sf) =	vpush v29, $0x0;
	_ =	sdelay $0xe  }
0x597: {  	s3 =	spop (v2sf)  }
0x598: {  	s3 =	ssub.s32 s3, s24  }
0x599: {  	v29 =	vmov s3  }
0x59a: {  	v30 =	vshll.u32 v29, $0x3  }
0x59b: {  	v29 =	vand.u32 $0x7F, v29;
	v30 =	vand.u32 $0xFFFFFC00, v30  }
0x59c: {  	v30 =	vor.u32 v29, v30  }
0x59d: {  	v31 =	vadd.s32 v18, v30;
	_ =	sdelay $0x2  }
0x59e: {  	s2 =	sadd.s32 s2, s14  }
0x59f: {  	v29 =	vmov s2  }
0x5a0: {  	v32 =	vshll.u32 v29, $0x7;
	v31 =	vld.idx.msk [tilespmem:v31+s0+$0x0], $0xffff  }
0x5a1: {  	v33 =	vor.u32 v1, v32  }
0x5a2: {  	v34 =	vadd.s32 v20, v30;
	_ =	sdelay $0x3  }
0x5a3: {  	[tilespmem:v33+s6+$0x0] =	vst.idx.msk $0xffff, v31  }
0x5a4: {  	v31 =	vld.idx.msk [tilespmem:v34+s0+$0x0], $0xffff  }
0x5a5: {  	v33 =	vor.u32 v21, v32  }
0x5a6: {  	v34 =	vadd.s32 v22, v30;
	_ =	sdelay $0x3  }
0x5a7: {  	[tilespmem:v33+s6+$0x0] =	vst.idx.msk $0xffff, v31  }
0x5a8: {  	v31 =	vld.idx.msk [tilespmem:v34+s0+$0x0], $0xffff  }
0x5a9: {  	v33 =	vor.u32 v23, v32  }
0x5aa: {  	v30 =	vadd.s32 v24, v30;
	_ =	sdelay $0x1  }
.Ltmp51:
0x5ab: {  	(pc) =	sbr.rel @p0 .LBB2_63-.Ltmp51, $4  }
0x5ac: {  	_ = 	snop  }
0x5ad: {  	[tilespmem:v33+s6+$0x0] =	vst.idx.msk $0xffff, v31  }
0x5ae: {  	v30 =	vld.idx.msk [tilespmem:v30+s0+$0x0], $0xffff  }
0x5af: {  	v31 =	vor.u32 v25, v32  }
.Ltmp52:
0x5b0: {  	_ = 	snop;
	(pc) =	sbr.rel .LBB2_64-.Ltmp52, $1  }
0x5b1: {  	_ =	sdelay $0x3  }
.LBB2_5:
.Ltmp53:
0x5b2: {  	(pc) =	sbr.rel .LBB2_9-.Ltmp53, $2  }
0x5b3: {  	_ =	sdelay $0x2  }
0x5b4: {  	s8 =	simm.s32 $0x0;
	s14 =	simm.s32 $0x4400  }
.LBB2_15:
.Ltmp54:
0x5b5: {  	(pc) =	sbr.rel .LBB2_19-.Ltmp54, $2  }
0x5b6: {  	_ =	sdelay $0x2  }
0x5b7: {  	s8 =	simm.s32 $0x0;
	s20 =	simm.s32 $0x4400  }
.LBB2_47:
.Ltmp55:
0x5b8: {  	(pc) =	sbr.rel .LBB2_51-.Ltmp55, $2  }
0x5b9: {  	_ =	sdelay $0x2  }
0x5ba: {  	s2 =	simm.s32 $0x0;
	s8 =	simm.s32 $0x4400  }
.LBB2_57:
.Ltmp56:
0x5bb: {  	(pc) =	sbr.rel .LBB2_61-.Ltmp56, $2  }
0x5bc: {  	_ =	sdelay $0x2  }
0x5bd: {  	s2 =	simm.s32 $0x0;
	s8 =	simm.s32 $0x4400  }
.LBB2_7:
.Ltmp57:
0x5be: {  	(pc) =	sbr.rel .LBB2_9-.Ltmp57, $2  }
0x5bf: {  	_ =	sdelay $0x2  }
0x5c0: {  	s8 =	simm.s32 $0x0;
	s14 =	simm.s32 $0x4400  }
.LBB2_17:
.Ltmp58:
0x5c1: {  	(pc) =	sbr.rel .LBB2_19-.Ltmp58, $2  }
0x5c2: {  	_ =	sdelay $0x2  }
0x5c3: {  	s8 =	simm.s32 $0x0;
	s20 =	simm.s32 $0x4400  }
.LBB2_49:
.Ltmp59:
0x5c4: {  	(pc) =	sbr.rel .LBB2_51-.Ltmp59, $2  }
0x5c5: {  	_ =	sdelay $0x2  }
0x5c6: {  	s2 =	simm.s32 $0x0;
	s8 =	simm.s32 $0x4400  }
.LBB2_59:
.Ltmp60:
0x5c7: {  	(pc) =	sbr.rel .LBB2_61-.Ltmp60, $2  }
0x5c8: {  	_ =	sdelay $0x2  }
0x5c9: {  	s2 =	simm.s32 $0x0;
	s8 =	simm.s32 $0x4400  }
.LBB2_66:
0x5ca: {  	_ =	sfence.sel $0x180000  }
0x5cb: {  	[bflag:$0x0] =	sbarrier.arrive $0xFFFF  }
0x5cc: {  	_ =	strace $0x90000047  }
0x5cd: {  	s0 =	stileid.u32;
	[bflag:$0x2] =	sbarrier.arrive $0xFFFF  }
0x5ce: {  	p0 =	sne.s32 s0, $0x0;
	s0 =	rddreg [dreg:$0x3]  }
0x5cf: {  	s0 =	sadd.s32 @!p0 $0x100000, s0  }
0x5d0: {  	[sflag:s0] =	ssyncadd.tile.s32 @!p0 $0x1;
	_ =	shalt  }
.Lfunc_end2:
_tile_overlayer_lowered:
.L_overlay_start_2:
0x5d1: {  	(tag) =	ssettag $0x2  }
0x5d2: {  	s0 =	rddreg [dreg:$0x0];
	s2 =	stileid.u32  }
0x5d3: {  	s1 =	rddreg [dreg:$0x1];
	p0 =	sne.s32 s2, $0x0  }
0x5d4: {  	s3 =	rddreg [dreg:$0x2];
	[bflag:$0x3] =	sbarrier.arrive $0xFFFF;
	s2 =	simm.s32 @!p0 $0x1C03  }
0x5d5: {  	[timem:s3], [sflag:s2] =	dma.local @!p0 [hbm:s0], s1  }
0x5d6: {  	s0 =	simm.s32 @!p0 $0x3  }
0x5d7: {  	_ =	swait.ge @!p0 [sflag:s0], s1  }
0x5d8: {  	s1 =	ssub.s32 @!p0 $0x0, s1;
	[sflag:s0] =	ssyncset.done @!p0 $0x0  }
0x5d9: {  	[sflag:s0] =	ssyncadd.s32 @!p0 s1  }
0x5da: {  	[bflag:$0x3] =	sbarrier.arrive $0xFFFF  }
0x5db: {  	_ =	shalt  }

</sc_bundles>
